<compile_context>
chip_gen: v7x
topology: tpu7x:2x2x1
jax: 0.10.2.dev20260603
libtpu: 0.0.44.dev20260713+nightly
codegen_flags: <defaults>
</compile_context>

<pallas_src>
import jax
import jax.numpy as jnp
from jax import lax
from jax.experimental import pallas as pl
from jax.experimental.pallas import tpu as pltpu
from jax.experimental.pallas import tpu_sc as plsc

N = 10000
NUM_GRAPHS = 128
NP = 10240
NTILES = 32
NBLK = 42
BE = 128
STRIPE = NP // 16
ZR = 64
TOT_E = NTILES * NBLK * BE
TR = 2000
G = N // TR
F32 = jnp.float32

_MESH = plsc.VectorSubcoreMesh(core_axis_name="c", subcore_axis_name="s",
                               num_cores=2, num_subcores=16)


def _zero_fill(buf, rows, width=128):
  @pl.loop(0, rows)
  def _(r):
    @pl.loop(0, width, step=16)
    def _(f):
      buf[r, pl.ds(f, 16)] = jnp.zeros((16,), F32)


def _deg_body(dst_hbm, out_hbm, dstv, ones_v, zv, acc, sem):
  del sem
  c = lax.axis_index("c")
  s = lax.axis_index("s")
  wid = s * 2 + c
  pltpu.sync_copy(dst_hbm.at[wid], dstv)

  @pl.loop(0, BE)
  def _(r):
    @pl.loop(0, 128, step=16)
    def _(f):
      ones_v[r, pl.ds(f, 16)] = jnp.full((16,), 1.0, F32)

  _zero_fill(zv, ZR)
  base = s * STRIPE
  @pl.loop(0, STRIPE // ZR)
  def _(j):
    pltpu.sync_copy(zv, acc.at[pl.ds(base + j * ZR, ZR)])
  plsc.subcore_barrier()

  @pl.loop(0, NBLK)
  def _(blk):
    pltpu.sync_copy(ones_v, acc.at[dstv.at[blk]], add=True)
  plsc.subcore_barrier()
  pltpu.sync_copy(acc.at[pl.ds(base, STRIPE)], out_hbm.at[c, pl.ds(base, STRIPE)])


def _compute_deg(dst_idx):
  k = pl.kernel(
      _deg_body,
      out_type=jax.ShapeDtypeStruct((2, NP, 128), F32),
      mesh=_MESH,
      scratch_types=[
          pltpu.VMEM((NBLK, BE), jnp.int32),
          pltpu.VMEM((BE, 128), F32),
          pltpu.VMEM((ZR, 128), F32),
          pltpu.VMEM_SHARED((NP, 128), F32),
          pltpu.SemaphoreType.DMA,
      ],
  )
  return k(dst_idx)


def _make_prop_body(nchunks):
  def body(src_hbm, dst_hbm, *rest):
    tabs = rest[:nchunks]
    out_hbm = rest[nchunks]
    srcv, dstv, g0, g1, sem0, sem1, acc = rest[nchunks + 1:]
    c = lax.axis_index("c")
    s = lax.axis_index("s")
    wid = s * 2 + c
    pltpu.sync_copy(src_hbm.at[wid], srcv)
    pltpu.sync_copy(dst_hbm.at[wid], dstv)
    base = s * STRIPE

    for kk in range(nchunks):
      tab = tabs[kk]

      _zero_fill(g0, BE)

      @pl.loop(0, STRIPE // BE)
      def _(j):
        pltpu.sync_copy(g0, acc.at[pl.ds(base + j * BE, BE)])
      plsc.subcore_barrier()

      pltpu.async_copy(tab.at[srcv.at[0]], g0, sem0)
      pltpu.async_copy(tab.at[srcv.at[1]], g1, sem1)

      @pl.loop(0, NBLK, step=2)
      def _(blk):
        pltpu.make_async_copy(tab.at[srcv.at[blk]], g0, sem0).wait()
        pltpu.sync_copy(g0, acc.at[dstv.at[blk]], add=True)

        @pl.when(blk + 2 < NBLK)
        def _():
          pltpu.async_copy(tab.at[srcv.at[blk + 2]], g0, sem0)

        pltpu.make_async_copy(tab.at[srcv.at[blk + 1]], g1, sem1).wait()
        pltpu.sync_copy(g1, acc.at[dstv.at[blk + 1]], add=True)

        @pl.when(blk + 3 < NBLK)
        def _():
          pltpu.async_copy(tab.at[srcv.at[blk + 3]], g1, sem1)

      plsc.subcore_barrier()
      pltpu.sync_copy(acc.at[pl.ds(base, STRIPE)],
                      out_hbm.at[c, kk, pl.ds(base, STRIPE)])
  return body


def _prop(src_idx, dst_idx, tabs):
  nchunks = len(tabs)
  k = pl.kernel(
      _make_prop_body(nchunks),
      out_type=jax.ShapeDtypeStruct((2, nchunks, NP, 128), F32),
      mesh=_MESH,
      scratch_types=[
          pltpu.VMEM((NBLK, BE), jnp.int32),
          pltpu.VMEM((NBLK, BE), jnp.int32),
          pltpu.VMEM((BE, 128), F32),
          pltpu.VMEM((BE, 128), F32),
          pltpu.SemaphoreType.DMA,
          pltpu.SemaphoreType.DMA,
          pltpu.VMEM_SHARED((NP, 128), F32),
      ],
  )
  return k(src_idx, dst_idx, *tabs)


def _dinv_of(deg_blk):
  d = deg_blk[0, :, 0:1] + deg_blk[1, :, 0:1]
  return lax.rsqrt(d)


def _mpre_body(x_ref, deg_ref, o_ref):
  o_ref[...] = x_ref[...] * _dinv_of(deg_ref[...])


def _m12_body(p0_ref, deg_ref, w1_ref, b1_ref, w2_ref, *outs):
  dinv = _dinv_of(deg_ref[...])
  p0 = p0_ref[...]
  p = (p0[0, 0] + p0[1, 0]) * dinv
  h = jnp.maximum(
      jnp.dot(p, w1_ref[...], preferred_element_type=F32) + b1_ref[...], 0.0)
  t = jnp.dot(h, w2_ref[...], preferred_element_type=F32) * dinv
  for kk in range(6):
    outs[kk][...] = t[:, 128 * kk:128 * (kk + 1)]


def _m3_body(p1_ref, deg_ref, b2_ref, w3_ref, oa_ref, ob_ref):
  dinv = _dinv_of(deg_ref[...])
  p1 = p1_ref[...]
  pc = jnp.concatenate([p1[0, kk] + p1[1, kk] for kk in range(6)], axis=1)
  h = jnp.maximum(pc * dinv + b2_ref[...], 0.0)
  t = jnp.dot(h, w3_ref[...], preferred_element_type=F32) * dinv
  oa_ref[...] = t[:, 0:128]
  ob_ref[...] = t[:, 128:256]


def _m4_body(p2_ref, deg_ref, b3_ref, batch_ref, wl_ref, bl_ref, out_ref,
             sums, cnts):
  i = pl.program_id(0)

  @pl.when(i == 0)
  def _():
    sums[...] = jnp.zeros_like(sums)
    cnts[...] = jnp.zeros_like(cnts)

  dinv = _dinv_of(deg_ref[...])
  p2 = p2_ref[...]
  pc = jnp.concatenate([p2[0, 0] + p2[1, 0], p2[0, 1] + p2[1, 1]], axis=1)
  h3 = jnp.maximum(pc * dinv + b3_ref[...], 0.0)
  gf = (batch_ref[...] == lax.broadcasted_iota(
      jnp.int32, (TR, NUM_GRAPHS), 1).astype(F32)).astype(F32)
  dn = (((0,), (0,)), ((), ()))
  sums[...] += lax.dot_general(gf, h3, dn, preferred_element_type=F32)
  cnts[...] += lax.dot_general(gf, jnp.ones((TR, 8), F32), dn,
                               preferred_element_type=F32)

  @pl.when(i == G - 1)
  def _():
    pooled = sums[...] / jnp.maximum(cnts[...][:, 0:1], 1.0)
    out_ref[...] = (jnp.dot(pooled, wl_ref[...], preferred_element_type=F32)
                    + bl_ref[...])


def _full(shape):
  return pl.BlockSpec(shape, lambda i: tuple(0 for _ in shape))


@jax.jit
def kernel(x, edge_index, batch, W1, b1, W2, b2, W3, b3, Wl, bl):
  ei = edge_index.astype(jnp.int32)
  loop = jnp.arange(N, dtype=jnp.int32)
  npad = TOT_E - (ei.shape[1] + N)
  padv = jnp.arange(npad, dtype=jnp.int32) % 16
  src = jnp.concatenate([ei[0], loop, padv]).reshape(NTILES, NBLK, BE)
  dst = jnp.concatenate([ei[1], loop, N + padv]).reshape(NTILES, NBLK, BE)

  w2p = jnp.pad(W2, ((0, 0), (0, 68)))
  b2p = jnp.pad(b2, (0, 68)).reshape(1, 768)
  w3p = jnp.pad(W3, ((0, 68), (0, 56)))
  b3p = jnp.pad(b3, (0, 56)).reshape(1, 256)
  wlp = jnp.pad(Wl, ((0, 56), (0, 0)))
  blp = bl.reshape(1, 10)
  b1p = b1.reshape(1, 1000)
  batchf = jnp.broadcast_to(
      batch.astype(F32)[:, None], (N, NUM_GRAPHS))

  degp = _compute_deg(dst)

  deg_spec = pl.BlockSpec((2, TR, 128), lambda i: (0, i, 0))

  xt = pl.pallas_call(
      _mpre_body,
      grid=(G,),
      in_specs=[pl.BlockSpec((TR, 128), lambda i: (i, 0)), deg_spec],
      out_specs=pl.BlockSpec((TR, 128), lambda i: (i, 0)),
      out_shape=jax.ShapeDtypeStruct((N, 128), F32),
  )(x, degp)

  p0 = _prop(src, dst, [xt])

  t1c = pl.pallas_call(
      _m12_body,
      grid=(G,),
      in_specs=[
          pl.BlockSpec((2, 1, TR, 128), lambda i: (0, 0, i, 0)),
          deg_spec,
          _full((128, 1000)),
          _full((1, 1000)),
          _full((1000, 768)),
      ],
      out_specs=[pl.BlockSpec((TR, 128), lambda i: (i, 0))] * 6,
      out_shape=[jax.ShapeDtypeStruct((N, 128), F32)] * 6,
  )(p0, degp, W1, b1p, w2p)

  p1 = _prop(src, dst, list(t1c))

  t2c = pl.pallas_call(
      _m3_body,
      grid=(G,),
      in_specs=[
          pl.BlockSpec((2, 6, TR, 128), lambda i: (0, 0, i, 0)),
          deg_spec,
          _full((1, 768)),
          _full((768, 256)),
      ],
      out_specs=[pl.BlockSpec((TR, 128), lambda i: (i, 0))] * 2,
      out_shape=[jax.ShapeDtypeStruct((N, 128), F32)] * 2,
  )(p1, degp, b2p, w3p)

  p2 = _prop(src, dst, list(t2c))

  out = pl.pallas_call(
      _m4_body,
      grid=(G,),
      in_specs=[
          pl.BlockSpec((2, 2, TR, 128), lambda i: (0, 0, i, 0)),
          deg_spec,
          _full((1, 256)),
          pl.BlockSpec((TR, NUM_GRAPHS), lambda i: (i, 0)),
          _full((256, 10)),
          _full((1, 10)),
      ],
      out_specs=pl.BlockSpec((NUM_GRAPHS, 10), lambda i: (0, 0)),
      out_shape=jax.ShapeDtypeStruct((NUM_GRAPHS, 10), F32),
      scratch_shapes=[
          pltpu.VMEM((NUM_GRAPHS, 256), F32),
          pltpu.VMEM((NUM_GRAPHS, 8), F32),
      ],
  )(p2, degp, b3p, batchf, wlp, blp)

  return out

# --- scband reference (transcript-rebuilt; emitter-appended) ---
"""Pipeline reference for scband-simple-gcn-66700842107579 (READ-ONLY COPY).

The authoritative reference and input builder live on the scoring server;
editing this copy changes nothing except your own understanding.
"""

import jax, jax.numpy as jnp
import numpy as np

N = 10000
E = 160000
D_IN = 128
NUM_GRAPHS = 128
NUM_CLASSES = 10

def _glorot(key, fan_in, fan_out):
    limit = float(np.sqrt(6.0 / (fan_in + fan_out)))
    return jax.random.uniform(key, (fan_in, fan_out), jnp.float32, -limit, limit)

def setup_inputs(seed: int = 0):
    key = jax.random.key(seed)
    ks = jax.random.split(key, 8)
    x = jax.random.normal(ks[0], (N, D_IN), jnp.float32)
    edge_index = jax.random.randint(ks[1], (2, E), 0, N)
    batch = jnp.sort(jax.random.randint(ks[2], (N,), 0, NUM_GRAPHS))
    W1 = _glorot(ks[3], D_IN, 1000); b1 = jnp.zeros((1000,), jnp.float32)
    W2 = _glorot(ks[4], 1000, 700); b2 = jnp.zeros((700,), jnp.float32)
    W3 = _glorot(ks[5], 700, 200); b3 = jnp.zeros((200,), jnp.float32)
    Wl = _glorot(ks[6], 200, NUM_CLASSES); bl = jnp.zeros((NUM_CLASSES,), jnp.float32)
    return {"x": x, "edge_index": edge_index, "batch": batch,
            "W1": W1, "b1": b1, "W2": W2, "b2": b2, "W3": W3, "b3": b3,
            "Wl": Wl, "bl": bl}

def _norm_and_loops(edge_index):
    # GCNConv default: add self loops, symmetric normalization
    loop = jnp.arange(N, dtype=edge_index.dtype)
    src = jnp.concatenate([edge_index[0], loop])
    dst = jnp.concatenate([edge_index[1], loop])
    deg = jax.ops.segment_sum(jnp.ones_like(src, dtype=jnp.float32), dst, num_segments=N)
    dinv = jnp.where(deg > 0, jax.lax.rsqrt(jnp.maximum(deg, 1e-12)), 0.0)
    norm = dinv[src] * dinv[dst]
    return src, dst, norm

def _gcn_conv(x, src, dst, norm, W, b):
    h = x @ W
    msg = h[src] * norm[:, None]
    out = jax.ops.segment_sum(msg, dst, num_segments=N)
    return out + b

def reference(x, edge_index, batch, W1, b1, W2, b2, W3, b3, Wl, bl):
    src, dst, norm = _norm_and_loops(edge_index)
    h = jax.nn.relu(_gcn_conv(x, src, dst, norm, W1, b1))
    h = jax.nn.relu(_gcn_conv(h, src, dst, norm, W2, b2))
    h = jax.nn.relu(_gcn_conv(h, src, dst, norm, W3, b3))
    sums = jax.ops.segment_sum(h, batch, num_segments=NUM_GRAPHS)
    counts = jax.ops.segment_sum(jnp.ones((N,), jnp.float32), batch, num_segments=NUM_GRAPHS)
    pooled = sums / jnp.maximum(counts, 1.0)[:, None]
    # dropout(p=0.5) is identity in eval mode
    return pooled @ Wl + bl

if __name__ == "__main__":
    import jax
    _d = setup_inputs()
    print(jax.jit(kernel)(*tuple(_d.values())))

</pallas_src>

<mosaic_0001>
#map = affine_map<(d0, d1) -> (0, 0, 0)>
module attributes {stable_mosaic.version = 14 : i64} {
  func.func @_deg_body(%arg0: i32, %arg1: i32, %arg2: memref<32x42x128xi32, #tpu.memory_space<hbm>>, %arg3: memref<2x10240x128xf32, #tpu.memory_space<hbm>>, %arg4: memref<42x128xi32, #tpu.memory_space<vmem>>, %arg5: memref<128x128xf32, #tpu.memory_space<vmem>>, %arg6: memref<64x128xf32, #tpu.memory_space<vmem>>, %arg7: memref<10240x128xf32, #tpu.memory_space<vmem_shared>>, %arg8: memref<!tpu.dma_semaphore, #tpu.memory_space<semaphore_mem>>) attributes {dimension_semantics = [#tpu.dimension_semantics<core_parallel>, #tpu.dimension_semantics<subcore_parallel>], iteration_bounds = array<i64: 2, 16>, scalar_prefetch = 0 : i64, scratch_operands = 5 : i64, tpu.core_type = #tpu.core_type<sc_vector_subcore>, window_params = [{transform_indices = #map}, {transform_indices = #map}]} {
    %mul3A = arith.constant 2 : i32
    %mul3A_0 = arith.muli %arg1, %mul3A : i32
    %add3A = arith.addi %mul3A_0, %arg0 : i32
    "tpu.region"() ({
      %run_scoped3A = tpu.sem_alloc : memref<!tpu.dma_semaphore, #tpu.memory_space<semaphore_mem>>
      %dma_start3A = arith.constant 0 : i32
      %dma_start3A_23 = arith.constant 0 : i32
      %dma_start3A_24 = tpu.memref_slice %arg2[%add3A, %dma_start3A, %dma_start3A_23] : memref<32x42x128xi32, #tpu.memory_space<hbm>> -> memref<1x42x128xi32, #tpu.memory_space<hbm>>
      %dma_start3A_25 = tpu.memref_squeeze %dma_start3A_24 : memref<1x42x128xi32, #tpu.memory_space<hbm>> -> memref<42x128xi32, #tpu.memory_space<hbm>>
      %dma_start3A_26 = arith.constant 0 : i32
      %dma_start3A_27 = arith.constant 0 : i32
      %dma_start3A_28 = tpu.memref_slice %arg2[%add3A, %dma_start3A_26, %dma_start3A_27] : memref<32x42x128xi32, #tpu.memory_space<hbm>> -> memref<1x42x128xi32, #tpu.memory_space<hbm>>
      %dma_start3A_29 = tpu.memref_squeeze %dma_start3A_28 : memref<1x42x128xi32, #tpu.memory_space<hbm>> -> memref<42x128xi32, #tpu.memory_space<hbm>>
      tpu.enqueue_dma source(%dma_start3A_29 : memref<42x128xi32, #tpu.memory_space<hbm>>) target(%arg4 : memref<42x128xi32, #tpu.memory_space<vmem>>) target_semaphore(%run_scoped3A : memref<!tpu.dma_semaphore, #tpu.memory_space<semaphore_mem>>)
      %dma_wait3A = arith.constant 0 : i32
      %dma_wait3A_30 = arith.constant 0 : i32
      %dma_wait3A_31 = tpu.memref_slice %arg2[%add3A, %dma_wait3A, %dma_wait3A_30] : memref<32x42x128xi32, #tpu.memory_space<hbm>> -> memref<1x42x128xi32, #tpu.memory_space<hbm>>
      %dma_wait3A_32 = tpu.memref_squeeze %dma_wait3A_31 : memref<1x42x128xi32, #tpu.memory_space<hbm>> -> memref<42x128xi32, #tpu.memory_space<hbm>>
      %dma_wait3A_33 = arith.constant 0 : i32
      %dma_wait3A_34 = arith.constant 0 : i32
      %dma_wait3A_35 = tpu.memref_slice %arg2[%add3A, %dma_wait3A_33, %dma_wait3A_34] : memref<32x42x128xi32, #tpu.memory_space<hbm>> -> memref<1x42x128xi32, #tpu.memory_space<hbm>>
      %dma_wait3A_36 = tpu.memref_squeeze %dma_wait3A_35 : memref<1x42x128xi32, #tpu.memory_space<hbm>> -> memref<42x128xi32, #tpu.memory_space<hbm>>
      tpu.wait_dma2 semaphore(%run_scoped3A : memref<!tpu.dma_semaphore, #tpu.memory_space<semaphore_mem>>) src(%dma_wait3A_36 : memref<42x128xi32, #tpu.memory_space<hbm>>) dst(%arg4 : memref<42x128xi32, #tpu.memory_space<vmem>>)
      tpu.yield
    }) : () -> ()
    %scan3A = arith.constant 0 : i32
    %scan3A_1 = arith.constant 128 : i32
    %scan3A_2 = arith.addi %scan3A, %scan3A_1 : i32
    %scan3A_3 = arith.constant 1 : i32
    scf.for %scan3A_23 = %scan3A to %scan3A_2 step %scan3A_3  : i32 {
      %mul3A_24 = arith.constant 1 : i32
      %mul3A_25 = arith.muli %scan3A_23, %mul3A_24 : i32
      %add3A_26 = arith.constant 0 : i32
      %add3A_27 = arith.addi %add3A_26, %mul3A_25 : i32
      %scan3A_28 = arith.constant 0 : i32
      %scan3A_29 = arith.constant 8 : i32
      %scan3A_30 = arith.addi %scan3A_28, %scan3A_29 : i32
      %scan3A_31 = arith.constant 1 : i32
      scf.for %scan3A_33 = %scan3A_28 to %scan3A_30 step %scan3A_31  : i32 {
        %mul3A_34 = arith.constant 16 : i32
        %mul3A_35 = arith.muli %scan3A_33, %mul3A_34 : i32
        %add3A_36 = arith.constant 0 : i32
        %add3A_37 = arith.addi %add3A_36, %mul3A_35 : i32
        %broadcast_in_dim3A = arith.constant 1.000000e+00 : f32
        %broadcast_in_dim3A_38 = vector.broadcast %broadcast_in_dim3A : f32 to vector<16xf32>
        %swap3A = arith.index_cast %add3A_27 : i32 to index
        %swap3A_39 = arith.index_cast %add3A_37 : i32 to index
        %swap3A_40 = tpu.vector_load %arg5[%swap3A, %swap3A_39] {strides = array<i32>} : memref<128x128xf32, #tpu.memory_space<vmem>>, vector<1x16xf32>,
        %swap3A_41 = vector.shape_cast %swap3A_40 : vector<1x16xf32> to vector<16xf32>
        %swap3A_42 = vector.shape_cast %broadcast_in_dim3A_38 : vector<16xf32> to vector<1x16xf32>
        tpu.vector_store %arg5[%swap3A, %swap3A_39], %swap3A_42 {strides = array<i32>} : memref<128x128xf32, #tpu.memory_space<vmem>>, vector<1x16xf32>,
      }
      %scan3A_32 = arith.constant 8 : i32
    }
    %scan3A_4 = arith.constant 128 : i32
    %scan3A_5 = arith.constant 0 : i32
    %scan3A_6 = arith.constant 64 : i32
    %scan3A_7 = arith.addi %scan3A_5, %scan3A_6 : i32
    %scan3A_8 = arith.constant 1 : i32
    scf.for %scan3A_23 = %scan3A_5 to %scan3A_7 step %scan3A_8  : i32 {
      %mul3A_24 = arith.constant 1 : i32
      %mul3A_25 = arith.muli %scan3A_23, %mul3A_24 : i32
      %add3A_26 = arith.constant 0 : i32
      %add3A_27 = arith.addi %add3A_26, %mul3A_25 : i32
      %scan3A_28 = arith.constant 0 : i32
      %scan3A_29 = arith.constant 8 : i32
      %scan3A_30 = arith.addi %scan3A_28, %scan3A_29 : i32
      %scan3A_31 = arith.constant 1 : i32
      scf.for %scan3A_33 = %scan3A_28 to %scan3A_30 step %scan3A_31  : i32 {
        %mul3A_34 = arith.constant 16 : i32
        %mul3A_35 = arith.muli %scan3A_33, %mul3A_34 : i32
        %add3A_36 = arith.constant 0 : i32
        %add3A_37 = arith.addi %add3A_36, %mul3A_35 : i32
        %broadcast_in_dim3A = arith.constant 0.000000e+00 : f32
        %broadcast_in_dim3A_38 = vector.broadcast %broadcast_in_dim3A : f32 to vector<16xf32>
        %swap3A = arith.index_cast %add3A_27 : i32 to index
        %swap3A_39 = arith.index_cast %add3A_37 : i32 to index
        %swap3A_40 = tpu.vector_load %arg6[%swap3A, %swap3A_39] {strides = array<i32>} : memref<64x128xf32, #tpu.memory_space<vmem>>, vector<1x16xf32>,
        %swap3A_41 = vector.shape_cast %swap3A_40 : vector<1x16xf32> to vector<16xf32>
        %swap3A_42 = vector.shape_cast %broadcast_in_dim3A_38 : vector<16xf32> to vector<1x16xf32>
        tpu.vector_store %arg6[%swap3A, %swap3A_39], %swap3A_42 {strides = array<i32>} : memref<64x128xf32, #tpu.memory_space<vmem>>, vector<1x16xf32>,
      }
      %scan3A_32 = arith.constant 8 : i32
    }
    %scan3A_9 = arith.constant 64 : i32
    %mul3A_10 = arith.constant 640 : i32
    %mul3A_11 = arith.muli %arg1, %mul3A_10 : i32
    %scan3A_12 = arith.constant 0 : i32
    %scan3A_13 = arith.constant 10 : i32
    %scan3A_14 = arith.addi %scan3A_12, %scan3A_13 : i32
    %scan3A_15 = arith.constant 1 : i32
    scf.for %scan3A_23 = %scan3A_12 to %scan3A_14 step %scan3A_15  : i32 {
      %mul3A_24 = arith.constant 1 : i32
      %mul3A_25 = arith.muli %scan3A_23, %mul3A_24 : i32
      %add3A_26 = arith.constant 0 : i32
      %add3A_27 = arith.addi %add3A_26, %mul3A_25 : i32
      %mul3A_28 = arith.constant 64 : i32
      %mul3A_29 = arith.muli %add3A_27, %mul3A_28 : i32
      %add3A_30 = arith.addi %mul3A_11, %mul3A_29 : i32
      "tpu.region"() ({
        %run_scoped3A = tpu.sem_alloc : memref<!tpu.dma_semaphore, #tpu.memory_space<semaphore_mem>>
        %dma_start3A = arith.constant 0 : i32
        %dma_start3A_31 = tpu.memref_slice %arg7[%add3A_30, %dma_start3A] : memref<10240x128xf32, #tpu.memory_space<vmem_shared>> -> memref<64x128xf32, #tpu.memory_space<vmem_shared>>
        %dma_start3A_32 = arith.constant 0 : i32
        %dma_start3A_33 = tpu.memref_slice %arg7[%add3A_30, %dma_start3A_32] : memref<10240x128xf32, #tpu.memory_space<vmem_shared>> -> memref<64x128xf32, #tpu.memory_space<vmem_shared>>
        tpu.enqueue_dma source(%arg6 : memref<64x128xf32, #tpu.memory_space<vmem>>) target(%dma_start3A_33 : memref<64x128xf32, #tpu.memory_space<vmem_shared>>) target_semaphore(%run_scoped3A : memref<!tpu.dma_semaphore, #tpu.memory_space<semaphore_mem>>)
        %dma_wait3A = arith.constant 0 : i32
        %dma_wait3A_34 = tpu.memref_slice %arg7[%add3A_30, %dma_wait3A] : memref<10240x128xf32, #tpu.memory_space<vmem_shared>> -> memref<64x128xf32, #tpu.memory_space<vmem_shared>>
        %dma_wait3A_35 = arith.constant 0 : i32
        %dma_wait3A_36 = tpu.memref_slice %arg7[%add3A_30, %dma_wait3A_35] : memref<10240x128xf32, #tpu.memory_space<vmem_shared>> -> memref<64x128xf32, #tpu.memory_space<vmem_shared>>
        tpu.wait_dma2 semaphore(%run_scoped3A : memref<!tpu.dma_semaphore, #tpu.memory_space<semaphore_mem>>) src(%arg6 : memref<64x128xf32, #tpu.memory_space<vmem>>) dst(%dma_wait3A_36 : memref<64x128xf32, #tpu.memory_space<vmem_shared>>)
        tpu.yield
      }) : () -> ()
    }
    %scan3A_16 = arith.constant 10 : i32
    %barrier3A = arith.constant 0 : index
    tpu.barrier barrier_id(%barrier3A)
    %scan3A_17 = arith.constant 0 : i32
    %scan3A_18 = arith.constant 42 : i32
    %scan3A_19 = arith.addi %scan3A_17, %scan3A_18 : i32
    %scan3A_20 = arith.constant 1 : i32
    scf.for %scan3A_23 = %scan3A_17 to %scan3A_19 step %scan3A_20  : i32 {
      %mul3A_24 = arith.constant 1 : i32
      %mul3A_25 = arith.muli %scan3A_23, %mul3A_24 : i32
      %add3A_26 = arith.constant 0 : i32
      %add3A_27 = arith.addi %add3A_26, %mul3A_25 : i32
      "tpu.region"() ({
        %run_scoped3A = tpu.sem_alloc : memref<!tpu.dma_semaphore, #tpu.memory_space<semaphore_mem>>
        %dma_start3A = arith.constant 0 : i32
        %dma_start3A_28 = tpu.memref_slice %arg4[%add3A_27, %dma_start3A] : memref<42x128xi32, #tpu.memory_space<vmem>> -> memref<1x128xi32, #tpu.memory_space<vmem>>
        %dma_start3A_29 = tpu.memref_squeeze %dma_start3A_28 : memref<1x128xi32, #tpu.memory_space<vmem>> -> memref<128xi32, #tpu.memory_space<vmem>>
        %dma_start3A_30 = arith.constant 0 : i32
        %dma_start3A_31 = arith.constant 0 : i32
        %dma_start3A_32 = tpu.memref_slice %arg7[%dma_start3A_30, %dma_start3A_31] : memref<10240x128xf32, #tpu.memory_space<vmem_shared>> -> memref<10240x128xf32, #tpu.memory_space<vmem_shared>>
        tpu.enqueue_indirect_dma source(%arg5 : memref<128x128xf32, #tpu.memory_space<vmem>>) target(%dma_start3A_32 : memref<10240x128xf32, #tpu.memory_space<vmem_shared>>) offsets(%dma_start3A_29 : memref<128xi32, #tpu.memory_space<vmem>>) semaphore(%run_scoped3A : memref<!tpu.dma_semaphore, #tpu.memory_space<semaphore_mem>>) {add = true}
        %dma_wait3A = arith.constant 0 : i32
        %dma_wait3A_33 = tpu.memref_slice %arg4[%add3A_27, %dma_wait3A] : memref<42x128xi32, #tpu.memory_space<vmem>> -> memref<1x128xi32, #tpu.memory_space<vmem>>
        %dma_wait3A_34 = tpu.memref_squeeze %dma_wait3A_33 : memref<1x128xi32, #tpu.memory_space<vmem>> -> memref<128xi32, #tpu.memory_space<vmem>>
        %dma_wait3A_35 = arith.constant 0 : i32
        %dma_wait3A_36 = arith.constant 0 : i32
        %dma_wait3A_37 = tpu.memref_slice %arg7[%dma_wait3A_35, %dma_wait3A_36] : memref<10240x128xf32, #tpu.memory_space<vmem_shared>> -> memref<10240x128xf32, #tpu.memory_space<vmem_shared>>
        tpu.wait_indirect_dma semaphore(%run_scoped3A : memref<!tpu.dma_semaphore, #tpu.memory_space<semaphore_mem>>) src(%arg5 : memref<128x128xf32, #tpu.memory_space<vmem>>) dst(%dma_wait3A_37 : memref<10240x128xf32, #tpu.memory_space<vmem_shared>>)
        tpu.yield
      }) : () -> ()
    }
    %scan3A_21 = arith.constant 42 : i32
    %barrier3A_22 = arith.constant 0 : index
    tpu.barrier barrier_id(%barrier3A_22)
    "tpu.region"() ({
      %run_scoped3A = tpu.sem_alloc : memref<!tpu.dma_semaphore, #tpu.memory_space<semaphore_mem>>
      %dma_start3A = arith.constant 0 : i32
      %dma_start3A_23 = tpu.memref_slice %arg3[%arg0, %mul3A_11, %dma_start3A] : memref<2x10240x128xf32, #tpu.memory_space<hbm>> -> memref<1x640x128xf32, #tpu.memory_space<hbm>>
      %dma_start3A_24 = tpu.memref_squeeze %dma_start3A_23 : memref<1x640x128xf32, #tpu.memory_space<hbm>> -> memref<640x128xf32, #tpu.memory_space<hbm>>
      %dma_start3A_25 = arith.constant 0 : i32
      %dma_start3A_26 = tpu.memref_slice %arg7[%mul3A_11, %dma_start3A_25] : memref<10240x128xf32, #tpu.memory_space<vmem_shared>> -> memref<640x128xf32, #tpu.memory_space<vmem_shared>>
      tpu.enqueue_dma source(%dma_start3A_26 : memref<640x128xf32, #tpu.memory_space<vmem_shared>>) target(%dma_start3A_24 : memref<640x128xf32, #tpu.memory_space<hbm>>) target_semaphore(%run_scoped3A : memref<!tpu.dma_semaphore, #tpu.memory_space<semaphore_mem>>)
      %dma_wait3A = arith.constant 0 : i32
      %dma_wait3A_27 = tpu.memref_slice %arg3[%arg0, %mul3A_11, %dma_wait3A] : memref<2x10240x128xf32, #tpu.memory_space<hbm>> -> memref<1x640x128xf32, #tpu.memory_space<hbm>>
      %dma_wait3A_28 = tpu.memref_squeeze %dma_wait3A_27 : memref<1x640x128xf32, #tpu.memory_space<hbm>> -> memref<640x128xf32, #tpu.memory_space<hbm>>
      %dma_wait3A_29 = arith.constant 0 : i32
      %dma_wait3A_30 = tpu.memref_slice %arg7[%mul3A_11, %dma_wait3A_29] : memref<10240x128xf32, #tpu.memory_space<vmem_shared>> -> memref<640x128xf32, #tpu.memory_space<vmem_shared>>
      tpu.wait_dma2 semaphore(%run_scoped3A : memref<!tpu.dma_semaphore, #tpu.memory_space<semaphore_mem>>) src(%dma_wait3A_30 : memref<640x128xf32, #tpu.memory_space<vmem_shared>>) dst(%dma_wait3A_28 : memref<640x128xf32, #tpu.memory_space<hbm>>)
      tpu.yield
    }) : () -> ()
    return
  }
}

#map = affine_map<(d0, d1) -> (0, 0, 0)>
#map1 = affine_map<(d0, d1) -> (0, 0)>
#map2 = affine_map<(d0, d1) -> (0, 0, 0, 0)>
module attributes {stable_mosaic.version = 14 : i64} {
  func.func @body(%arg0: i32, %arg1: i32, %arg2: memref<32x42x128xi32, #tpu.memory_space<hbm>>, %arg3: memref<32x42x128xi32, #tpu.memory_space<hbm>>, %arg4: memref<10000x128xf32, #tpu.memory_space<hbm>>, %arg5: memref<2x1x10240x128xf32, #tpu.memory_space<hbm>>, %arg6: memref<42x128xi32, #tpu.memory_space<vmem>>, %arg7: memref<42x128xi32, #tpu.memory_space<vmem>>, %arg8: memref<128x128xf32, #tpu.memory_space<vmem>>, %arg9: memref<128x128xf32, #tpu.memory_space<vmem>>, %arg10: memref<!tpu.dma_semaphore, #tpu.memory_space<semaphore_mem>>, %arg11: memref<!tpu.dma_semaphore, #tpu.memory_space<semaphore_mem>>, %arg12: memref<10240x128xf32, #tpu.memory_space<vmem_shared>>) attributes {dimension_semantics = [#tpu.dimension_semantics<core_parallel>, #tpu.dimension_semantics<subcore_parallel>], iteration_bounds = array<i64: 2, 16>, scalar_prefetch = 0 : i64, scratch_operands = 7 : i64, tpu.core_type = #tpu.core_type<sc_vector_subcore>, window_params = [{transform_indices = #map}, {transform_indices = #map}, {transform_indices = #map1}, {transform_indices = #map2}]} {
    %mul3A = arith.constant 2 : i32
    %mul3A_0 = arith.muli %arg1, %mul3A : i32
    %add3A = arith.addi %mul3A_0, %arg0 : i32
    "tpu.region"() ({
      %run_scoped3A_31 = tpu.sem_alloc : memref<!tpu.dma_semaphore, #tpu.memory_space<semaphore_mem>>
      %dma_start3A_32 = arith.constant 0 : i32
      %dma_start3A_33 = arith.constant 0 : i32
      %dma_start3A_34 = tpu.memref_slice %arg2[%add3A, %dma_start3A_32, %dma_start3A_33] : memref<32x42x128xi32, #tpu.memory_space<hbm>> -> memref<1x42x128xi32, #tpu.memory_space<hbm>>
      %dma_start3A_35 = tpu.memref_squeeze %dma_start3A_34 : memref<1x42x128xi32, #tpu.memory_space<hbm>> -> memref<42x128xi32, #tpu.memory_space<hbm>>
      %dma_start3A_36 = arith.constant 0 : i32
      %dma_start3A_37 = arith.constant 0 : i32
      %dma_start3A_38 = tpu.memref_slice %arg2[%add3A, %dma_start3A_36, %dma_start3A_37] : memref<32x42x128xi32, #tpu.memory_space<hbm>> -> memref<1x42x128xi32, #tpu.memory_space<hbm>>
      %dma_start3A_39 = tpu.memref_squeeze %dma_start3A_38 : memref<1x42x128xi32, #tpu.memory_space<hbm>> -> memref<42x128xi32, #tpu.memory_space<hbm>>
      tpu.enqueue_dma source(%dma_start3A_39 : memref<42x128xi32, #tpu.memory_space<hbm>>) target(%arg6 : memref<42x128xi32, #tpu.memory_space<vmem>>) target_semaphore(%run_scoped3A_31 : memref<!tpu.dma_semaphore, #tpu.memory_space<semaphore_mem>>)
      %dma_wait3A = arith.constant 0 : i32
      %dma_wait3A_40 = arith.constant 0 : i32
      %dma_wait3A_41 = tpu.memref_slice %arg2[%add3A, %dma_wait3A, %dma_wait3A_40] : memref<32x42x128xi32, #tpu.memory_space<hbm>> -> memref<1x42x128xi32, #tpu.memory_space<hbm>>
      %dma_wait3A_42 = tpu.memref_squeeze %dma_wait3A_41 : memref<1x42x128xi32, #tpu.memory_space<hbm>> -> memref<42x128xi32, #tpu.memory_space<hbm>>
      %dma_wait3A_43 = arith.constant 0 : i32
      %dma_wait3A_44 = arith.constant 0 : i32
      %dma_wait3A_45 = tpu.memref_slice %arg2[%add3A, %dma_wait3A_43, %dma_wait3A_44] : memref<32x42x128xi32, #tpu.memory_space<hbm>> -> memref<1x42x128xi32, #tpu.memory_space<hbm>>
      %dma_wait3A_46 = tpu.memref_squeeze %dma_wait3A_45 : memref<1x42x128xi32, #tpu.memory_space<hbm>> -> memref<42x128xi32, #tpu.memory_space<hbm>>
      tpu.wait_dma2 semaphore(%run_scoped3A_31 : memref<!tpu.dma_semaphore, #tpu.memory_space<semaphore_mem>>) src(%dma_wait3A_46 : memref<42x128xi32, #tpu.memory_space<hbm>>) dst(%arg6 : memref<42x128xi32, #tpu.memory_space<vmem>>)
      tpu.yield
    }) : () -> ()
    "tpu.region"() ({
      %run_scoped3A_31 = tpu.sem_alloc : memref<!tpu.dma_semaphore, #tpu.memory_space<semaphore_mem>>
      %dma_start3A_32 = arith.constant 0 : i32
      %dma_start3A_33 = arith.constant 0 : i32
      %dma_start3A_34 = tpu.memref_slice %arg3[%add3A, %dma_start3A_32, %dma_start3A_33] : memref<32x42x128xi32, #tpu.memory_space<hbm>> -> memref<1x42x128xi32, #tpu.memory_space<hbm>>
      %dma_start3A_35 = tpu.memref_squeeze %dma_start3A_34 : memref<1x42x128xi32, #tpu.memory_space<hbm>> -> memref<42x128xi32, #tpu.memory_space<hbm>>
      %dma_start3A_36 = arith.constant 0 : i32
      %dma_start3A_37 = arith.constant 0 : i32
      %dma_start3A_38 = tpu.memref_slice %arg3[%add3A, %dma_start3A_36, %dma_start3A_37] : memref<32x42x128xi32, #tpu.memory_space<hbm>> -> memref<1x42x128xi32, #tpu.memory_space<hbm>>
      %dma_start3A_39 = tpu.memref_squeeze %dma_start3A_38 : memref<1x42x128xi32, #tpu.memory_space<hbm>> -> memref<42x128xi32, #tpu.memory_space<hbm>>
      tpu.enqueue_dma source(%dma_start3A_39 : memref<42x128xi32, #tpu.memory_space<hbm>>) target(%arg7 : memref<42x128xi32, #tpu.memory_space<vmem>>) target_semaphore(%run_scoped3A_31 : memref<!tpu.dma_semaphore, #tpu.memory_space<semaphore_mem>>)
      %dma_wait3A = arith.constant 0 : i32
      %dma_wait3A_40 = arith.constant 0 : i32
      %dma_wait3A_41 = tpu.memref_slice %arg3[%add3A, %dma_wait3A, %dma_wait3A_40] : memref<32x42x128xi32, #tpu.memory_space<hbm>> -> memref<1x42x128xi32, #tpu.memory_space<hbm>>
      %dma_wait3A_42 = tpu.memref_squeeze %dma_wait3A_41 : memref<1x42x128xi32, #tpu.memory_space<hbm>> -> memref<42x128xi32, #tpu.memory_space<hbm>>
      %dma_wait3A_43 = arith.constant 0 : i32
      %dma_wait3A_44 = arith.constant 0 : i32
      %dma_wait3A_45 = tpu.memref_slice %arg3[%add3A, %dma_wait3A_43, %dma_wait3A_44] : memref<32x42x128xi32, #tpu.memory_space<hbm>> -> memref<1x42x128xi32, #tpu.memory_space<hbm>>
      %dma_wait3A_46 = tpu.memref_squeeze %dma_wait3A_45 : memref<1x42x128xi32, #tpu.memory_space<hbm>> -> memref<42x128xi32, #tpu.memory_space<hbm>>
      tpu.wait_dma2 semaphore(%run_scoped3A_31 : memref<!tpu.dma_semaphore, #tpu.memory_space<semaphore_mem>>) src(%dma_wait3A_46 : memref<42x128xi32, #tpu.memory_space<hbm>>) dst(%arg7 : memref<42x128xi32, #tpu.memory_space<vmem>>)
      tpu.yield
    }) : () -> ()
    %mul3A_1 = arith.constant 640 : i32
    %mul3A_2 = arith.muli %arg1, %mul3A_1 : i32
    %scan3A = arith.constant 0 : i32
    %scan3A_3 = arith.constant 128 : i32
    %scan3A_4 = arith.addi %scan3A, %scan3A_3 : i32
    %scan3A_5 = arith.constant 1 : i32
    scf.for %scan3A_31 = %scan3A to %scan3A_4 step %scan3A_5  : i32 {
      %mul3A_32 = arith.constant 1 : i32
      %mul3A_33 = arith.muli %scan3A_31, %mul3A_32 : i32
      %add3A_34 = arith.constant 0 : i32
      %add3A_35 = arith.addi %add3A_34, %mul3A_33 : i32
      %scan3A_36 = arith.constant 0 : i32
      %scan3A_37 = arith.constant 8 : i32
      %scan3A_38 = arith.addi %scan3A_36, %scan3A_37 : i32
      %scan3A_39 = arith.constant 1 : i32
      scf.for %scan3A_41 = %scan3A_36 to %scan3A_38 step %scan3A_39  : i32 {
        %mul3A_42 = arith.constant 16 : i32
        %mul3A_43 = arith.muli %scan3A_41, %mul3A_42 : i32
        %add3A_44 = arith.constant 0 : i32
        %add3A_45 = arith.addi %add3A_44, %mul3A_43 : i32
        %broadcast_in_dim3A = arith.constant 0.000000e+00 : f32
        %broadcast_in_dim3A_46 = vector.broadcast %broadcast_in_dim3A : f32 to vector<16xf32>
        %swap3A = arith.index_cast %add3A_35 : i32 to index
        %swap3A_47 = arith.index_cast %add3A_45 : i32 to index
        %swap3A_48 = tpu.vector_load %arg8[%swap3A, %swap3A_47] {strides = array<i32>} : memref<128x128xf32, #tpu.memory_space<vmem>>, vector<1x16xf32>,
        %swap3A_49 = vector.shape_cast %swap3A_48 : vector<1x16xf32> to vector<16xf32>
        %swap3A_50 = vector.shape_cast %broadcast_in_dim3A_46 : vector<16xf32> to vector<1x16xf32>
        tpu.vector_store %arg8[%swap3A, %swap3A_47], %swap3A_50 {strides = array<i32>} : memref<128x128xf32, #tpu.memory_space<vmem>>, vector<1x16xf32>,
      }
      %scan3A_40 = arith.constant 8 : i32
    }
    %scan3A_6 = arith.constant 128 : i32
    %scan3A_7 = arith.constant 0 : i32
    %scan3A_8 = arith.constant 5 : i32
    %scan3A_9 = arith.addi %scan3A_7, %scan3A_8 : i32
    %scan3A_10 = arith.constant 1 : i32
    scf.for %scan3A_31 = %scan3A_7 to %scan3A_9 step %scan3A_10  : i32 {
      %mul3A_32 = arith.constant 1 : i32
      %mul3A_33 = arith.muli %scan3A_31, %mul3A_32 : i32
      %add3A_34 = arith.constant 0 : i32
      %add3A_35 = arith.addi %add3A_34, %mul3A_33 : i32
      %mul3A_36 = arith.constant 128 : i32
      %mul3A_37 = arith.muli %add3A_35, %mul3A_36 : i32
      %add3A_38 = arith.addi %mul3A_2, %mul3A_37 : i32
      "tpu.region"() ({
        %run_scoped3A_39 = tpu.sem_alloc : memref<!tpu.dma_semaphore, #tpu.memory_space<semaphore_mem>>
        %dma_start3A_40 = arith.constant 0 : i32
        %dma_start3A_41 = tpu.memref_slice %arg12[%add3A_38, %dma_start3A_40] : memref<10240x128xf32, #tpu.memory_space<vmem_shared>> -> memref<128x128xf32, #tpu.memory_space<vmem_shared>>
        %dma_start3A_42 = arith.constant 0 : i32
        %dma_start3A_43 = tpu.memref_slice %arg12[%add3A_38, %dma_start3A_42] : memref<10240x128xf32, #tpu.memory_space<vmem_shared>> -> memref<128x128xf32, #tpu.memory_space<vmem_shared>>
        tpu.enqueue_dma source(%arg8 : memref<128x128xf32, #tpu.memory_space<vmem>>) target(%dma_start3A_43 : memref<128x128xf32, #tpu.memory_space<vmem_shared>>) target_semaphore(%run_scoped3A_39 : memref<!tpu.dma_semaphore, #tpu.memory_space<semaphore_mem>>)
        %dma_wait3A = arith.constant 0 : i32
        %dma_wait3A_44 = tpu.memref_slice %arg12[%add3A_38, %dma_wait3A] : memref<10240x128xf32, #tpu.memory_space<vmem_shared>> -> memref<128x128xf32, #tpu.memory_space<vmem_shared>>
        %dma_wait3A_45 = arith.constant 0 : i32
        %dma_wait3A_46 = tpu.memref_slice %arg12[%add3A_38, %dma_wait3A_45] : memref<10240x128xf32, #tpu.memory_space<vmem_shared>> -> memref<128x128xf32, #tpu.memory_space<vmem_shared>>
        tpu.wait_dma2 semaphore(%run_scoped3A_39 : memref<!tpu.dma_semaphore, #tpu.memory_space<semaphore_mem>>) src(%arg8 : memref<128x128xf32, #tpu.memory_space<vmem>>) dst(%dma_wait3A_46 : memref<128x128xf32, #tpu.memory_space<vmem_shared>>)
        tpu.yield
      }) : () -> ()
    }
    %scan3A_11 = arith.constant 5 : i32
    %barrier3A = arith.constant 0 : index
    tpu.barrier barrier_id(%barrier3A)
    %dma_start3A = arith.constant 0 : i32
    %dma_start3A_12 = arith.constant 0 : i32
    %dma_start3A_13 = tpu.memref_slice %arg6[%dma_start3A, %dma_start3A_12] : memref<42x128xi32, #tpu.memory_space<vmem>> -> memref<1x128xi32, #tpu.memory_space<vmem>>
    %dma_start3A_14 = tpu.memref_squeeze %dma_start3A_13 : memref<1x128xi32, #tpu.memory_space<vmem>> -> memref<128xi32, #tpu.memory_space<vmem>>
    %dma_start3A_15 = arith.constant 0 : i32
    %dma_start3A_16 = arith.constant 0 : i32
    %dma_start3A_17 = tpu.memref_slice %arg4[%dma_start3A_15, %dma_start3A_16] : memref<10000x128xf32, #tpu.memory_space<hbm>> -> memref<10000x128xf32, #tpu.memory_space<hbm>>
    tpu.enqueue_indirect_dma source(%dma_start3A_17 : memref<10000x128xf32, #tpu.memory_space<hbm>>) target(%arg8 : memref<128x128xf32, #tpu.memory_space<vmem>>) offsets(%dma_start3A_14 : memref<128xi32, #tpu.memory_space<vmem>>) semaphore(%arg10 : memref<!tpu.dma_semaphore, #tpu.memory_space<semaphore_mem>>)
    %dma_start3A_18 = arith.constant 1 : i32
    %dma_start3A_19 = arith.constant 0 : i32
    %dma_start3A_20 = tpu.memref_slice %arg6[%dma_start3A_18, %dma_start3A_19] : memref<42x128xi32, #tpu.memory_space<vmem>> -> memref<1x128xi32, #tpu.memory_space<vmem>>
    %dma_start3A_21 = tpu.memref_squeeze %dma_start3A_20 : memref<1x128xi32, #tpu.memory_space<vmem>> -> memref<128xi32, #tpu.memory_space<vmem>>
    %dma_start3A_22 = arith.constant 0 : i32
    %dma_start3A_23 = arith.constant 0 : i32
    %dma_start3A_24 = tpu.memref_slice %arg4[%dma_start3A_22, %dma_start3A_23] : memref<10000x128xf32, #tpu.memory_space<hbm>> -> memref<10000x128xf32, #tpu.memory_space<hbm>>
    tpu.enqueue_indirect_dma source(%dma_start3A_24 : memref<10000x128xf32, #tpu.memory_space<hbm>>) target(%arg9 : memref<128x128xf32, #tpu.memory_space<vmem>>) offsets(%dma_start3A_21 : memref<128xi32, #tpu.memory_space<vmem>>) semaphore(%arg11 : memref<!tpu.dma_semaphore, #tpu.memory_space<semaphore_mem>>)
    %scan3A_25 = arith.constant 0 : i32
    %scan3A_26 = arith.constant 21 : i32
    %scan3A_27 = arith.addi %scan3A_25, %scan3A_26 : i32
    %scan3A_28 = arith.constant 1 : i32
    scf.for %scan3A_31 = %scan3A_25 to %scan3A_27 step %scan3A_28  : i32 {
      %mul3A_32 = arith.constant 2 : i32
      %mul3A_33 = arith.muli %scan3A_31, %mul3A_32 : i32
      %add3A_34 = arith.constant 0 : i32
      %add3A_35 = arith.addi %add3A_34, %mul3A_33 : i32
      %dma_wait3A = arith.constant 0 : i32
      %dma_wait3A_36 = tpu.memref_slice %arg6[%add3A_35, %dma_wait3A] : memref<42x128xi32, #tpu.memory_space<vmem>> -> memref<1x128xi32, #tpu.memory_space<vmem>>
      %dma_wait3A_37 = tpu.memref_squeeze %dma_wait3A_36 : memref<1x128xi32, #tpu.memory_space<vmem>> -> memref<128xi32, #tpu.memory_space<vmem>>
      %dma_wait3A_38 = arith.constant 0 : i32
      %dma_wait3A_39 = arith.constant 0 : i32
      %dma_wait3A_40 = tpu.memref_slice %arg4[%dma_wait3A_38, %dma_wait3A_39] : memref<10000x128xf32, #tpu.memory_space<hbm>> -> memref<10000x128xf32, #tpu.memory_space<hbm>>
      tpu.wait_indirect_dma semaphore(%arg10 : memref<!tpu.dma_semaphore, #tpu.memory_space<semaphore_mem>>) src(%dma_wait3A_40 : memref<10000x128xf32, #tpu.memory_space<hbm>>) dst(%arg8 : memref<128x128xf32, #tpu.memory_space<vmem>>)
      "tpu.region"() ({
        %run_scoped3A_62 = tpu.sem_alloc : memref<!tpu.dma_semaphore, #tpu.memory_space<semaphore_mem>>
        %dma_start3A_63 = arith.constant 0 : i32
        %dma_start3A_64 = tpu.memref_slice %arg7[%add3A_35, %dma_start3A_63] : memref<42x128xi32, #tpu.memory_space<vmem>> -> memref<1x128xi32, #tpu.memory_space<vmem>>
        %dma_start3A_65 = tpu.memref_squeeze %dma_start3A_64 : memref<1x128xi32, #tpu.memory_space<vmem>> -> memref<128xi32, #tpu.memory_space<vmem>>
        %dma_start3A_66 = arith.constant 0 : i32
        %dma_start3A_67 = arith.constant 0 : i32
        %dma_start3A_68 = tpu.memref_slice %arg12[%dma_start3A_66, %dma_start3A_67] : memref<10240x128xf32, #tpu.memory_space<vmem_shared>> -> memref<10240x128xf32, #tpu.memory_space<vmem_shared>>
        tpu.enqueue_indirect_dma source(%arg8 : memref<128x128xf32, #tpu.memory_space<vmem>>) target(%dma_start3A_68 : memref<10240x128xf32, #tpu.memory_space<vmem_shared>>) offsets(%dma_start3A_65 : memref<128xi32, #tpu.memory_space<vmem>>) semaphore(%run_scoped3A_62 : memref<!tpu.dma_semaphore, #tpu.memory_space<semaphore_mem>>) {add = true}
        %dma_wait3A_69 = arith.constant 0 : i32
        %dma_wait3A_70 = tpu.memref_slice %arg7[%add3A_35, %dma_wait3A_69] : memref<42x128xi32, #tpu.memory_space<vmem>> -> memref<1x128xi32, #tpu.memory_space<vmem>>
        %dma_wait3A_71 = tpu.memref_squeeze %dma_wait3A_70 : memref<1x128xi32, #tpu.memory_space<vmem>> -> memref<128xi32, #tpu.memory_space<vmem>>
        %dma_wait3A_72 = arith.constant 0 : i32
        %dma_wait3A_73 = arith.constant 0 : i32
        %dma_wait3A_74 = tpu.memref_slice %arg12[%dma_wait3A_72, %dma_wait3A_73] : memref<10240x128xf32, #tpu.memory_space<vmem_shared>> -> memref<10240x128xf32, #tpu.memory_space<vmem_shared>>
        tpu.wait_indirect_dma semaphore(%run_scoped3A_62 : memref<!tpu.dma_semaphore, #tpu.memory_space<semaphore_mem>>) src(%arg8 : memref<128x128xf32, #tpu.memory_space<vmem>>) dst(%dma_wait3A_74 : memref<10240x128xf32, #tpu.memory_space<vmem_shared>>)
        tpu.yield
      }) : () -> ()
      %add3A_41 = arith.constant 2 : i32
      %add3A_42 = arith.addi %add3A_35, %add3A_41 : i32
      %lt3A = arith.constant 42 : i32
      %lt3A_43 = arith.cmpi slt, %add3A_42, %lt3A : i32
      %convert_element_type3A = arith.extui %lt3A_43 : i1 to i32
      %cond3A = arith.constant 0 : i32
      %cond3A_44 = arith.cmpi ne, %convert_element_type3A, %cond3A : i32
      scf.if %cond3A_44 {
        %add3A_62 = arith.constant 2 : i32
        %add3A_63 = arith.addi %add3A_35, %add3A_62 : i32
        %dma_start3A_64 = arith.constant 0 : i32
        %dma_start3A_65 = tpu.memref_slice %arg6[%add3A_63, %dma_start3A_64] : memref<42x128xi32, #tpu.memory_space<vmem>> -> memref<1x128xi32, #tpu.memory_space<vmem>>
        %dma_start3A_66 = tpu.memref_squeeze %dma_start3A_65 : memref<1x128xi32, #tpu.memory_space<vmem>> -> memref<128xi32, #tpu.memory_space<vmem>>
        %dma_start3A_67 = arith.constant 0 : i32
        %dma_start3A_68 = arith.constant 0 : i32
        %dma_start3A_69 = tpu.memref_slice %arg4[%dma_start3A_67, %dma_start3A_68] : memref<10000x128xf32, #tpu.memory_space<hbm>> -> memref<10000x128xf32, #tpu.memory_space<hbm>>
        tpu.enqueue_indirect_dma source(%dma_start3A_69 : memref<10000x128xf32, #tpu.memory_space<hbm>>) target(%arg8 : memref<128x128xf32, #tpu.memory_space<vmem>>) offsets(%dma_start3A_66 : memref<128xi32, #tpu.memory_space<vmem>>) semaphore(%arg10 : memref<!tpu.dma_semaphore, #tpu.memory_space<semaphore_mem>>)
      } else {
      }
      %add3A_45 = arith.constant 1 : i32
      %add3A_46 = arith.addi %add3A_35, %add3A_45 : i32
      %dma_wait3A_47 = arith.constant 0 : i32
      %dma_wait3A_48 = tpu.memref_slice %arg6[%add3A_46, %dma_wait3A_47] : memref<42x128xi32, #tpu.memory_space<vmem>> -> memref<1x128xi32, #tpu.memory_space<vmem>>
      %dma_wait3A_49 = tpu.memref_squeeze %dma_wait3A_48 : memref<1x128xi32, #tpu.memory_space<vmem>> -> memref<128xi32, #tpu.memory_space<vmem>>
      %dma_wait3A_50 = arith.constant 0 : i32
      %dma_wait3A_51 = arith.constant 0 : i32
      %dma_wait3A_52 = tpu.memref_slice %arg4[%dma_wait3A_50, %dma_wait3A_51] : memref<10000x128xf32, #tpu.memory_space<hbm>> -> memref<10000x128xf32, #tpu.memory_space<hbm>>
      tpu.wait_indirect_dma semaphore(%arg11 : memref<!tpu.dma_semaphore, #tpu.memory_space<semaphore_mem>>) src(%dma_wait3A_52 : memref<10000x128xf32, #tpu.memory_space<hbm>>) dst(%arg9 : memref<128x128xf32, #tpu.memory_space<vmem>>)
      %add3A_53 = arith.constant 1 : i32
      %add3A_54 = arith.addi %add3A_35, %add3A_53 : i32
      "tpu.region"() ({
        %run_scoped3A_62 = tpu.sem_alloc : memref<!tpu.dma_semaphore, #tpu.memory_space<semaphore_mem>>
        %dma_start3A_63 = arith.constant 0 : i32
        %dma_start3A_64 = tpu.memref_slice %arg7[%add3A_54, %dma_start3A_63] : memref<42x128xi32, #tpu.memory_space<vmem>> -> memref<1x128xi32, #tpu.memory_space<vmem>>
        %dma_start3A_65 = tpu.memref_squeeze %dma_start3A_64 : memref<1x128xi32, #tpu.memory_space<vmem>> -> memref<128xi32, #tpu.memory_space<vmem>>
        %dma_start3A_66 = arith.constant 0 : i32
        %dma_start3A_67 = arith.constant 0 : i32
        %dma_start3A_68 = tpu.memref_slice %arg12[%dma_start3A_66, %dma_start3A_67] : memref<10240x128xf32, #tpu.memory_space<vmem_shared>> -> memref<10240x128xf32, #tpu.memory_space<vmem_shared>>
        tpu.enqueue_indirect_dma source(%arg9 : memref<128x128xf32, #tpu.memory_space<vmem>>) target(%dma_start3A_68 : memref<10240x128xf32, #tpu.memory_space<vmem_shared>>) offsets(%dma_start3A_65 : memref<128xi32, #tpu.memory_space<vmem>>) semaphore(%run_scoped3A_62 : memref<!tpu.dma_semaphore, #tpu.memory_space<semaphore_mem>>) {add = true}
        %dma_wait3A_69 = arith.constant 0 : i32
        %dma_wait3A_70 = tpu.memref_slice %arg7[%add3A_54, %dma_wait3A_69] : memref<42x128xi32, #tpu.memory_space<vmem>> -> memref<1x128xi32, #tpu.memory_space<vmem>>
        %dma_wait3A_71 = tpu.memref_squeeze %dma_wait3A_70 : memref<1x128xi32, #tpu.memory_space<vmem>> -> memref<128xi32, #tpu.memory_space<vmem>>
        %dma_wait3A_72 = arith.constant 0 : i32
        %dma_wait3A_73 = arith.constant 0 : i32
        %dma_wait3A_74 = tpu.memref_slice %arg12[%dma_wait3A_72, %dma_wait3A_73] : memref<10240x128xf32, #tpu.memory_space<vmem_shared>> -> memref<10240x128xf32, #tpu.memory_space<vmem_shared>>
        tpu.wait_indirect_dma semaphore(%run_scoped3A_62 : memref<!tpu.dma_semaphore, #tpu.memory_space<semaphore_mem>>) src(%arg9 : memref<128x128xf32, #tpu.memory_space<vmem>>) dst(%dma_wait3A_74 : memref<10240x128xf32, #tpu.memory_space<vmem_shared>>)
        tpu.yield
      }) : () -> ()
      %add3A_55 = arith.constant 3 : i32
      %add3A_56 = arith.addi %add3A_35, %add3A_55 : i32
      %lt3A_57 = arith.constant 42 : i32
      %lt3A_58 = arith.cmpi slt, %add3A_56, %lt3A_57 : i32
      %convert_element_type3A_59 = arith.extui %lt3A_58 : i1 to i32
      %cond3A_60 = arith.constant 0 : i32
      %cond3A_61 = arith.cmpi ne, %convert_element_type3A_59, %cond3A_60 : i32
      scf.if %cond3A_61 {
        %add3A_62 = arith.constant 3 : i32
        %add3A_63 = arith.addi %add3A_35, %add3A_62 : i32
        %dma_start3A_64 = arith.constant 0 : i32
        %dma_start3A_65 = tpu.memref_slice %arg6[%add3A_63, %dma_start3A_64] : memref<42x128xi32, #tpu.memory_space<vmem>> -> memref<1x128xi32, #tpu.memory_space<vmem>>
        %dma_start3A_66 = tpu.memref_squeeze %dma_start3A_65 : memref<1x128xi32, #tpu.memory_space<vmem>> -> memref<128xi32, #tpu.memory_space<vmem>>
        %dma_start3A_67 = arith.constant 0 : i32
        %dma_start3A_68 = arith.constant 0 : i32
        %dma_start3A_69 = tpu.memref_slice %arg4[%dma_start3A_67, %dma_start3A_68] : memref<10000x128xf32, #tpu.memory_space<hbm>> -> memref<10000x128xf32, #tpu.memory_space<hbm>>
        tpu.enqueue_indirect_dma source(%dma_start3A_69 : memref<10000x128xf32, #tpu.memory_space<hbm>>) target(%arg9 : memref<128x128xf32, #tpu.memory_space<vmem>>) offsets(%dma_start3A_66 : memref<128xi32, #tpu.memory_space<vmem>>) semaphore(%arg11 : memref<!tpu.dma_semaphore, #tpu.memory_space<semaphore_mem>>)
      } else {
      }
    }
    %scan3A_29 = arith.constant 21 : i32
    %barrier3A_30 = arith.constant 0 : index
    tpu.barrier barrier_id(%barrier3A_30)
    %run_scoped3A = arith.constant 0 : i32
    "tpu.region"() ({
      %run_scoped3A_31 = tpu.sem_alloc : memref<!tpu.dma_semaphore, #tpu.memory_space<semaphore_mem>>
      %dma_start3A_32 = arith.constant 0 : i32
      %dma_start3A_33 = tpu.memref_slice %arg5[%arg0, %run_scoped3A, %mul3A_2, %dma_start3A_32] : memref<2x1x10240x128xf32, #tpu.memory_space<hbm>> -> memref<1x1x640x128xf32, #tpu.memory_space<hbm>>
      %dma_start3A_34 = tpu.memref_squeeze %dma_start3A_33 : memref<1x1x640x128xf32, #tpu.memory_space<hbm>> -> memref<640x128xf32, #tpu.memory_space<hbm>>
      %dma_start3A_35 = arith.constant 0 : i32
      %dma_start3A_36 = tpu.memref_slice %arg12[%mul3A_2, %dma_start3A_35] : memref<10240x128xf32, #tpu.memory_space<vmem_shared>> -> memref<640x128xf32, #tpu.memory_space<vmem_shared>>
      tpu.enqueue_dma source(%dma_start3A_36 : memref<640x128xf32, #tpu.memory_space<vmem_shared>>) target(%dma_start3A_34 : memref<640x128xf32, #tpu.memory_space<hbm>>) target_semaphore(%run_scoped3A_31 : memref<!tpu.dma_semaphore, #tpu.memory_space<semaphore_mem>>)
      %dma_wait3A = arith.constant 0 : i32
      %dma_wait3A_37 = tpu.memref_slice %arg5[%arg0, %run_scoped3A, %mul3A_2, %dma_wait3A] : memref<2x1x10240x128xf32, #tpu.memory_space<hbm>> -> memref<1x1x640x128xf32, #tpu.memory_space<hbm>>
      %dma_wait3A_38 = tpu.memref_squeeze %dma_wait3A_37 : memref<1x1x640x128xf32, #tpu.memory_space<hbm>> -> memref<640x128xf32, #tpu.memory_space<hbm>>
      %dma_wait3A_39 = arith.constant 0 : i32
      %dma_wait3A_40 = tpu.memref_slice %arg12[%mul3A_2, %dma_wait3A_39] : memref<10240x128xf32, #tpu.memory_space<vmem_shared>> -> memref<640x128xf32, #tpu.memory_space<vmem_shared>>
      tpu.wait_dma2 semaphore(%run_scoped3A_31 : memref<!tpu.dma_semaphore, #tpu.memory_space<semaphore_mem>>) src(%dma_wait3A_40 : memref<640x128xf32, #tpu.memory_space<vmem_shared>>) dst(%dma_wait3A_38 : memref<640x128xf32, #tpu.memory_space<hbm>>)
      tpu.yield
    }) : () -> ()
    return
  }
}

#map = affine_map<(d0, d1) -> (0, 0, 0)>
#map1 = affine_map<(d0, d1) -> (0, 0)>
#map2 = affine_map<(d0, d1) -> (0, 0, 0, 0)>
module attributes {stable_mosaic.version = 14 : i64} {
  func.func @body(%arg0: i32, %arg1: i32, %arg2: memref<32x42x128xi32, #tpu.memory_space<hbm>>, %arg3: memref<32x42x128xi32, #tpu.memory_space<hbm>>, %arg4: memref<10000x128xf32, #tpu.memory_space<hbm>>, %arg5: memref<10000x128xf32, #tpu.memory_space<hbm>>, %arg6: memref<2x2x10240x128xf32, #tpu.memory_space<hbm>>, %arg7: memref<42x128xi32, #tpu.memory_space<vmem>>, %arg8: memref<42x128xi32, #tpu.memory_space<vmem>>, %arg9: memref<128x128xf32, #tpu.memory_space<vmem>>, %arg10: memref<128x128xf32, #tpu.memory_space<vmem>>, %arg11: memref<!tpu.dma_semaphore, #tpu.memory_space<semaphore_mem>>, %arg12: memref<!tpu.dma_semaphore, #tpu.memory_space<semaphore_mem>>, %arg13: memref<10240x128xf32, #tpu.memory_space<vmem_shared>>) attributes {dimension_semantics = [#tpu.dimension_semantics<core_parallel>, #tpu.dimension_semantics<subcore_parallel>], iteration_bounds = array<i64: 2, 16>, scalar_prefetch = 0 : i64, scratch_operands = 7 : i64, tpu.core_type = #tpu.core_type<sc_vector_subcore>, window_params = [{transform_indices = #map}, {transform_indices = #map}, {transform_indices = #map1}, {transform_indices = #map1}, {transform_indices = #map2}]} {
    %mul3A = arith.constant 2 : i32
    %mul3A_0 = arith.muli %arg1, %mul3A : i32
    %add3A = arith.addi %mul3A_0, %arg0 : i32
    "tpu.region"() ({
      %run_scoped3A_63 = tpu.sem_alloc : memref<!tpu.dma_semaphore, #tpu.memory_space<semaphore_mem>>
      %dma_start3A_64 = arith.constant 0 : i32
      %dma_start3A_65 = arith.constant 0 : i32
      %dma_start3A_66 = tpu.memref_slice %arg2[%add3A, %dma_start3A_64, %dma_start3A_65] : memref<32x42x128xi32, #tpu.memory_space<hbm>> -> memref<1x42x128xi32, #tpu.memory_space<hbm>>
      %dma_start3A_67 = tpu.memref_squeeze %dma_start3A_66 : memref<1x42x128xi32, #tpu.memory_space<hbm>> -> memref<42x128xi32, #tpu.memory_space<hbm>>
      %dma_start3A_68 = arith.constant 0 : i32
      %dma_start3A_69 = arith.constant 0 : i32
      %dma_start3A_70 = tpu.memref_slice %arg2[%add3A, %dma_start3A_68, %dma_start3A_69] : memref<32x42x128xi32, #tpu.memory_space<hbm>> -> memref<1x42x128xi32, #tpu.memory_space<hbm>>
      %dma_start3A_71 = tpu.memref_squeeze %dma_start3A_70 : memref<1x42x128xi32, #tpu.memory_space<hbm>> -> memref<42x128xi32, #tpu.memory_space<hbm>>
      tpu.enqueue_dma source(%dma_start3A_71 : memref<42x128xi32, #tpu.memory_space<hbm>>) target(%arg7 : memref<42x128xi32, #tpu.memory_space<vmem>>) target_semaphore(%run_scoped3A_63 : memref<!tpu.dma_semaphore, #tpu.memory_space<semaphore_mem>>)
      %dma_wait3A = arith.constant 0 : i32
      %dma_wait3A_72 = arith.constant 0 : i32
      %dma_wait3A_73 = tpu.memref_slice %arg2[%add3A, %dma_wait3A, %dma_wait3A_72] : memref<32x42x128xi32, #tpu.memory_space<hbm>> -> memref<1x42x128xi32, #tpu.memory_space<hbm>>
      %dma_wait3A_74 = tpu.memref_squeeze %dma_wait3A_73 : memref<1x42x128xi32, #tpu.memory_space<hbm>> -> memref<42x128xi32, #tpu.memory_space<hbm>>
      %dma_wait3A_75 = arith.constant 0 : i32
      %dma_wait3A_76 = arith.constant 0 : i32
      %dma_wait3A_77 = tpu.memref_slice %arg2[%add3A, %dma_wait3A_75, %dma_wait3A_76] : memref<32x42x128xi32, #tpu.memory_space<hbm>> -> memref<1x42x128xi32, #tpu.memory_space<hbm>>
      %dma_wait3A_78 = tpu.memref_squeeze %dma_wait3A_77 : memref<1x42x128xi32, #tpu.memory_space<hbm>> -> memref<42x128xi32, #tpu.memory_space<hbm>>
      tpu.wait_dma2 semaphore(%run_scoped3A_63 : memref<!tpu.dma_semaphore, #tpu.memory_space<semaphore_mem>>) src(%dma_wait3A_78 : memref<42x128xi32, #tpu.memory_space<hbm>>) dst(%arg7 : memref<42x128xi32, #tpu.memory_space<vmem>>)
      tpu.yield
    }) : () -> ()
    "tpu.region"() ({
      %run_scoped3A_63 = tpu.sem_alloc : memref<!tpu.dma_semaphore, #tpu.memory_space<semaphore_mem>>
      %dma_start3A_64 = arith.constant 0 : i32
      %dma_start3A_65 = arith.constant 0 : i32
      %dma_start3A_66 = tpu.memref_slice %arg3[%add3A, %dma_start3A_64, %dma_start3A_65] : memref<32x42x128xi32, #tpu.memory_space<hbm>> -> memref<1x42x128xi32, #tpu.memory_space<hbm>>
      %dma_start3A_67 = tpu.memref_squeeze %dma_start3A_66 : memref<1x42x128xi32, #tpu.memory_space<hbm>> -> memref<42x128xi32, #tpu.memory_space<hbm>>
      %dma_start3A_68 = arith.constant 0 : i32
      %dma_start3A_69 = arith.constant 0 : i32
      %dma_start3A_70 = tpu.memref_slice %arg3[%add3A, %dma_start3A_68, %dma_start3A_69] : memref<32x42x128xi32, #tpu.memory_space<hbm>> -> memref<1x42x128xi32, #tpu.memory_space<hbm>>
      %dma_start3A_71 = tpu.memref_squeeze %dma_start3A_70 : memref<1x42x128xi32, #tpu.memory_space<hbm>> -> memref<42x128xi32, #tpu.memory_space<hbm>>
      tpu.enqueue_dma source(%dma_start3A_71 : memref<42x128xi32, #tpu.memory_space<hbm>>) target(%arg8 : memref<42x128xi32, #tpu.memory_space<vmem>>) target_semaphore(%run_scoped3A_63 : memref<!tpu.dma_semaphore, #tpu.memory_space<semaphore_mem>>)
      %dma_wait3A = arith.constant 0 : i32
      %dma_wait3A_72 = arith.constant 0 : i32
      %dma_wait3A_73 = tpu.memref_slice %arg3[%add3A, %dma_wait3A, %dma_wait3A_72] : memref<32x42x128xi32, #tpu.memory_space<hbm>> -> memref<1x42x128xi32, #tpu.memory_space<hbm>>
      %dma_wait3A_74 = tpu.memref_squeeze %dma_wait3A_73 : memref<1x42x128xi32, #tpu.memory_space<hbm>> -> memref<42x128xi32, #tpu.memory_space<hbm>>
      %dma_wait3A_75 = arith.constant 0 : i32
      %dma_wait3A_76 = arith.constant 0 : i32
      %dma_wait3A_77 = tpu.memref_slice %arg3[%add3A, %dma_wait3A_75, %dma_wait3A_76] : memref<32x42x128xi32, #tpu.memory_space<hbm>> -> memref<1x42x128xi32, #tpu.memory_space<hbm>>
      %dma_wait3A_78 = tpu.memref_squeeze %dma_wait3A_77 : memref<1x42x128xi32, #tpu.memory_space<hbm>> -> memref<42x128xi32, #tpu.memory_space<hbm>>
      tpu.wait_dma2 semaphore(%run_scoped3A_63 : memref<!tpu.dma_semaphore, #tpu.memory_space<semaphore_mem>>) src(%dma_wait3A_78 : memref<42x128xi32, #tpu.memory_space<hbm>>) dst(%arg8 : memref<42x128xi32, #tpu.memory_space<vmem>>)
      tpu.yield
    }) : () -> ()
    %mul3A_1 = arith.constant 640 : i32
    %mul3A_2 = arith.muli %arg1, %mul3A_1 : i32
    %scan3A = arith.constant 0 : i32
    %scan3A_3 = arith.constant 128 : i32
    %scan3A_4 = arith.addi %scan3A, %scan3A_3 : i32
    %scan3A_5 = arith.constant 1 : i32
    scf.for %scan3A_63 = %scan3A to %scan3A_4 step %scan3A_5  : i32 {
      %mul3A_64 = arith.constant 1 : i32
      %mul3A_65 = arith.muli %scan3A_63, %mul3A_64 : i32
      %add3A_66 = arith.constant 0 : i32
      %add3A_67 = arith.addi %add3A_66, %mul3A_65 : i32
      %scan3A_68 = arith.constant 0 : i32
      %scan3A_69 = arith.constant 8 : i32
      %scan3A_70 = arith.addi %scan3A_68, %scan3A_69 : i32
      %scan3A_71 = arith.constant 1 : i32
      scf.for %scan3A_73 = %scan3A_68 to %scan3A_70 step %scan3A_71  : i32 {
        %mul3A_74 = arith.constant 16 : i32
        %mul3A_75 = arith.muli %scan3A_73, %mul3A_74 : i32
        %add3A_76 = arith.constant 0 : i32
        %add3A_77 = arith.addi %add3A_76, %mul3A_75 : i32
        %broadcast_in_dim3A = arith.constant 0.000000e+00 : f32
        %broadcast_in_dim3A_78 = vector.broadcast %broadcast_in_dim3A : f32 to vector<16xf32>
        %swap3A = arith.index_cast %add3A_67 : i32 to index
        %swap3A_79 = arith.index_cast %add3A_77 : i32 to index
        %swap3A_80 = tpu.vector_load %arg9[%swap3A, %swap3A_79] {strides = array<i32>} : memref<128x128xf32, #tpu.memory_space<vmem>>, vector<1x16xf32>,
        %swap3A_81 = vector.shape_cast %swap3A_80 : vector<1x16xf32> to vector<16xf32>
        %swap3A_82 = vector.shape_cast %broadcast_in_dim3A_78 : vector<16xf32> to vector<1x16xf32>
        tpu.vector_store %arg9[%swap3A, %swap3A_79], %swap3A_82 {strides = array<i32>} : memref<128x128xf32, #tpu.memory_space<vmem>>, vector<1x16xf32>,
      }
      %scan3A_72 = arith.constant 8 : i32
    }
    %scan3A_6 = arith.constant 128 : i32
    %scan3A_7 = arith.constant 0 : i32
    %scan3A_8 = arith.constant 5 : i32
    %scan3A_9 = arith.addi %scan3A_7, %scan3A_8 : i32
    %scan3A_10 = arith.constant 1 : i32
    scf.for %scan3A_63 = %scan3A_7 to %scan3A_9 step %scan3A_10  : i32 {
      %mul3A_64 = arith.constant 1 : i32
      %mul3A_65 = arith.muli %scan3A_63, %mul3A_64 : i32
      %add3A_66 = arith.constant 0 : i32
      %add3A_67 = arith.addi %add3A_66, %mul3A_65 : i32
      %mul3A_68 = arith.constant 128 : i32
      %mul3A_69 = arith.muli %add3A_67, %mul3A_68 : i32
      %add3A_70 = arith.addi %mul3A_2, %mul3A_69 : i32
      "tpu.region"() ({
        %run_scoped3A_71 = tpu.sem_alloc : memref<!tpu.dma_semaphore, #tpu.memory_space<semaphore_mem>>
        %dma_start3A_72 = arith.constant 0 : i32
        %dma_start3A_73 = tpu.memref_slice %arg13[%add3A_70, %dma_start3A_72] : memref<10240x128xf32, #tpu.memory_space<vmem_shared>> -> memref<128x128xf32, #tpu.memory_space<vmem_shared>>
        %dma_start3A_74 = arith.constant 0 : i32
        %dma_start3A_75 = tpu.memref_slice %arg13[%add3A_70, %dma_start3A_74] : memref<10240x128xf32, #tpu.memory_space<vmem_shared>> -> memref<128x128xf32, #tpu.memory_space<vmem_shared>>
        tpu.enqueue_dma source(%arg9 : memref<128x128xf32, #tpu.memory_space<vmem>>) target(%dma_start3A_75 : memref<128x128xf32, #tpu.memory_space<vmem_shared>>) target_semaphore(%run_scoped3A_71 : memref<!tpu.dma_semaphore, #tpu.memory_space<semaphore_mem>>)
        %dma_wait3A = arith.constant 0 : i32
        %dma_wait3A_76 = tpu.memref_slice %arg13[%add3A_70, %dma_wait3A] : memref<10240x128xf32, #tpu.memory_space<vmem_shared>> -> memref<128x128xf32, #tpu.memory_space<vmem_shared>>
        %dma_wait3A_77 = arith.constant 0 : i32
        %dma_wait3A_78 = tpu.memref_slice %arg13[%add3A_70, %dma_wait3A_77] : memref<10240x128xf32, #tpu.memory_space<vmem_shared>> -> memref<128x128xf32, #tpu.memory_space<vmem_shared>>
        tpu.wait_dma2 semaphore(%run_scoped3A_71 : memref<!tpu.dma_semaphore, #tpu.memory_space<semaphore_mem>>) src(%arg9 : memref<128x128xf32, #tpu.memory_space<vmem>>) dst(%dma_wait3A_78 : memref<128x128xf32, #tpu.memory_space<vmem_shared>>)
        tpu.yield
      }) : () -> ()
    }
    %scan3A_11 = arith.constant 5 : i32
    %barrier3A = arith.constant 0 : index
    tpu.barrier barrier_id(%barrier3A)
    %dma_start3A = arith.constant 0 : i32
    %dma_start3A_12 = arith.constant 0 : i32
    %dma_start3A_13 = tpu.memref_slice %arg7[%dma_start3A, %dma_start3A_12] : memref<42x128xi32, #tpu.memory_space<vmem>> -> memref<1x128xi32, #tpu.memory_space<vmem>>
    %dma_start3A_14 = tpu.memref_squeeze %dma_start3A_13 : memref<1x128xi32, #tpu.memory_space<vmem>> -> memref<128xi32, #tpu.memory_space<vmem>>
    %dma_start3A_15 = arith.constant 0 : i32
    %dma_start3A_16 = arith.constant 0 : i32
    %dma_start3A_17 = tpu.memref_slice %arg4[%dma_start3A_15, %dma_start3A_16] : memref<10000x128xf32, #tpu.memory_space<hbm>> -> memref<10000x128xf32, #tpu.memory_space<hbm>>
    tpu.enqueue_indirect_dma source(%dma_start3A_17 : memref<10000x128xf32, #tpu.memory_space<hbm>>) target(%arg9 : memref<128x128xf32, #tpu.memory_space<vmem>>) offsets(%dma_start3A_14 : memref<128xi32, #tpu.memory_space<vmem>>) semaphore(%arg11 : memref<!tpu.dma_semaphore, #tpu.memory_space<semaphore_mem>>)
    %dma_start3A_18 = arith.constant 1 : i32
    %dma_start3A_19 = arith.constant 0 : i32
    %dma_start3A_20 = tpu.memref_slice %arg7[%dma_start3A_18, %dma_start3A_19] : memref<42x128xi32, #tpu.memory_space<vmem>> -> memref<1x128xi32, #tpu.memory_space<vmem>>
    %dma_start3A_21 = tpu.memref_squeeze %dma_start3A_20 : memref<1x128xi32, #tpu.memory_space<vmem>> -> memref<128xi32, #tpu.memory_space<vmem>>
    %dma_start3A_22 = arith.constant 0 : i32
    %dma_start3A_23 = arith.constant 0 : i32
    %dma_start3A_24 = tpu.memref_slice %arg4[%dma_start3A_22, %dma_start3A_23] : memref<10000x128xf32, #tpu.memory_space<hbm>> -> memref<10000x128xf32, #tpu.memory_space<hbm>>
    tpu.enqueue_indirect_dma source(%dma_start3A_24 : memref<10000x128xf32, #tpu.memory_space<hbm>>) target(%arg10 : memref<128x128xf32, #tpu.memory_space<vmem>>) offsets(%dma_start3A_21 : memref<128xi32, #tpu.memory_space<vmem>>) semaphore(%arg12 : memref<!tpu.dma_semaphore, #tpu.memory_space<semaphore_mem>>)
    %scan3A_25 = arith.constant 0 : i32
    %scan3A_26 = arith.constant 21 : i32
    %scan3A_27 = arith.addi %scan3A_25, %scan3A_26 : i32
    %scan3A_28 = arith.constant 1 : i32
    scf.for %scan3A_63 = %scan3A_25 to %scan3A_27 step %scan3A_28  : i32 {
      %mul3A_64 = arith.constant 2 : i32
      %mul3A_65 = arith.muli %scan3A_63, %mul3A_64 : i32
      %add3A_66 = arith.constant 0 : i32
      %add3A_67 = arith.addi %add3A_66, %mul3A_65 : i32
      %dma_wait3A = arith.constant 0 : i32
      %dma_wait3A_68 = tpu.memref_slice %arg7[%add3A_67, %dma_wait3A] : memref<42x128xi32, #tpu.memory_space<vmem>> -> memref<1x128xi32, #tpu.memory_space<vmem>>
      %dma_wait3A_69 = tpu.memref_squeeze %dma_wait3A_68 : memref<1x128xi32, #tpu.memory_space<vmem>> -> memref<128xi32, #tpu.memory_space<vmem>>
      %dma_wait3A_70 = arith.constant 0 : i32
      %dma_wait3A_71 = arith.constant 0 : i32
      %dma_wait3A_72 = tpu.memref_slice %arg4[%dma_wait3A_70, %dma_wait3A_71] : memref<10000x128xf32, #tpu.memory_space<hbm>> -> memref<10000x128xf32, #tpu.memory_space<hbm>>
      tpu.wait_indirect_dma semaphore(%arg11 : memref<!tpu.dma_semaphore, #tpu.memory_space<semaphore_mem>>) src(%dma_wait3A_72 : memref<10000x128xf32, #tpu.memory_space<hbm>>) dst(%arg9 : memref<128x128xf32, #tpu.memory_space<vmem>>)
      "tpu.region"() ({
        %run_scoped3A_94 = tpu.sem_alloc : memref<!tpu.dma_semaphore, #tpu.memory_space<semaphore_mem>>
        %dma_start3A_95 = arith.constant 0 : i32
        %dma_start3A_96 = tpu.memref_slice %arg8[%add3A_67, %dma_start3A_95] : memref<42x128xi32, #tpu.memory_space<vmem>> -> memref<1x128xi32, #tpu.memory_space<vmem>>
        %dma_start3A_97 = tpu.memref_squeeze %dma_start3A_96 : memref<1x128xi32, #tpu.memory_space<vmem>> -> memref<128xi32, #tpu.memory_space<vmem>>
        %dma_start3A_98 = arith.constant 0 : i32
        %dma_start3A_99 = arith.constant 0 : i32
        %dma_start3A_100 = tpu.memref_slice %arg13[%dma_start3A_98, %dma_start3A_99] : memref<10240x128xf32, #tpu.memory_space<vmem_shared>> -> memref<10240x128xf32, #tpu.memory_space<vmem_shared>>
        tpu.enqueue_indirect_dma source(%arg9 : memref<128x128xf32, #tpu.memory_space<vmem>>) target(%dma_start3A_100 : memref<10240x128xf32, #tpu.memory_space<vmem_shared>>) offsets(%dma_start3A_97 : memref<128xi32, #tpu.memory_space<vmem>>) semaphore(%run_scoped3A_94 : memref<!tpu.dma_semaphore, #tpu.memory_space<semaphore_mem>>) {add = true}
        %dma_wait3A_101 = arith.constant 0 : i32
        %dma_wait3A_102 = tpu.memref_slice %arg8[%add3A_67, %dma_wait3A_101] : memref<42x128xi32, #tpu.memory_space<vmem>> -> memref<1x128xi32, #tpu.memory_space<vmem>>
        %dma_wait3A_103 = tpu.memref_squeeze %dma_wait3A_102 : memref<1x128xi32, #tpu.memory_space<vmem>> -> memref<128xi32, #tpu.memory_space<vmem>>
        %dma_wait3A_104 = arith.constant 0 : i32
        %dma_wait3A_105 = arith.constant 0 : i32
        %dma_wait3A_106 = tpu.memref_slice %arg13[%dma_wait3A_104, %dma_wait3A_105] : memref<10240x128xf32, #tpu.memory_space<vmem_shared>> -> memref<10240x128xf32, #tpu.memory_space<vmem_shared>>
        tpu.wait_indirect_dma semaphore(%run_scoped3A_94 : memref<!tpu.dma_semaphore, #tpu.memory_space<semaphore_mem>>) src(%arg9 : memref<128x128xf32, #tpu.memory_space<vmem>>) dst(%dma_wait3A_106 : memref<10240x128xf32, #tpu.memory_space<vmem_shared>>)
        tpu.yield
      }) : () -> ()
      %add3A_73 = arith.constant 2 : i32
      %add3A_74 = arith.addi %add3A_67, %add3A_73 : i32
      %lt3A = arith.constant 42 : i32
      %lt3A_75 = arith.cmpi slt, %add3A_74, %lt3A : i32
      %convert_element_type3A = arith.extui %lt3A_75 : i1 to i32
      %cond3A = arith.constant 0 : i32
      %cond3A_76 = arith.cmpi ne, %convert_element_type3A, %cond3A : i32
      scf.if %cond3A_76 {
        %add3A_94 = arith.constant 2 : i32
        %add3A_95 = arith.addi %add3A_67, %add3A_94 : i32
        %dma_start3A_96 = arith.constant 0 : i32
        %dma_start3A_97 = tpu.memref_slice %arg7[%add3A_95, %dma_start3A_96] : memref<42x128xi32, #tpu.memory_space<vmem>> -> memref<1x128xi32, #tpu.memory_space<vmem>>
        %dma_start3A_98 = tpu.memref_squeeze %dma_start3A_97 : memref<1x128xi32, #tpu.memory_space<vmem>> -> memref<128xi32, #tpu.memory_space<vmem>>
        %dma_start3A_99 = arith.constant 0 : i32
        %dma_start3A_100 = arith.constant 0 : i32
        %dma_start3A_101 = tpu.memref_slice %arg4[%dma_start3A_99, %dma_start3A_100] : memref<10000x128xf32, #tpu.memory_space<hbm>> -> memref<10000x128xf32, #tpu.memory_space<hbm>>
        tpu.enqueue_indirect_dma source(%dma_start3A_101 : memref<10000x128xf32, #tpu.memory_space<hbm>>) target(%arg9 : memref<128x128xf32, #tpu.memory_space<vmem>>) offsets(%dma_start3A_98 : memref<128xi32, #tpu.memory_space<vmem>>) semaphore(%arg11 : memref<!tpu.dma_semaphore, #tpu.memory_space<semaphore_mem>>)
      } else {
      }
      %add3A_77 = arith.constant 1 : i32
      %add3A_78 = arith.addi %add3A_67, %add3A_77 : i32
      %dma_wait3A_79 = arith.constant 0 : i32
      %dma_wait3A_80 = tpu.memref_slice %arg7[%add3A_78, %dma_wait3A_79] : memref<42x128xi32, #tpu.memory_space<vmem>> -> memref<1x128xi32, #tpu.memory_space<vmem>>
      %dma_wait3A_81 = tpu.memref_squeeze %dma_wait3A_80 : memref<1x128xi32, #tpu.memory_space<vmem>> -> memref<128xi32, #tpu.memory_space<vmem>>
      %dma_wait3A_82 = arith.constant 0 : i32
      %dma_wait3A_83 = arith.constant 0 : i32
      %dma_wait3A_84 = tpu.memref_slice %arg4[%dma_wait3A_82, %dma_wait3A_83] : memref<10000x128xf32, #tpu.memory_space<hbm>> -> memref<10000x128xf32, #tpu.memory_space<hbm>>
      tpu.wait_indirect_dma semaphore(%arg12 : memref<!tpu.dma_semaphore, #tpu.memory_space<semaphore_mem>>) src(%dma_wait3A_84 : memref<10000x128xf32, #tpu.memory_space<hbm>>) dst(%arg10 : memref<128x128xf32, #tpu.memory_space<vmem>>)
      %add3A_85 = arith.constant 1 : i32
      %add3A_86 = arith.addi %add3A_67, %add3A_85 : i32
      "tpu.region"() ({
        %run_scoped3A_94 = tpu.sem_alloc : memref<!tpu.dma_semaphore, #tpu.memory_space<semaphore_mem>>
        %dma_start3A_95 = arith.constant 0 : i32
        %dma_start3A_96 = tpu.memref_slice %arg8[%add3A_86, %dma_start3A_95] : memref<42x128xi32, #tpu.memory_space<vmem>> -> memref<1x128xi32, #tpu.memory_space<vmem>>
        %dma_start3A_97 = tpu.memref_squeeze %dma_start3A_96 : memref<1x128xi32, #tpu.memory_space<vmem>> -> memref<128xi32, #tpu.memory_space<vmem>>
        %dma_start3A_98 = arith.constant 0 : i32
        %dma_start3A_99 = arith.constant 0 : i32
        %dma_start3A_100 = tpu.memref_slice %arg13[%dma_start3A_98, %dma_start3A_99] : memref<10240x128xf32, #tpu.memory_space<vmem_shared>> -> memref<10240x128xf32, #tpu.memory_space<vmem_shared>>
        tpu.enqueue_indirect_dma source(%arg10 : memref<128x128xf32, #tpu.memory_space<vmem>>) target(%dma_start3A_100 : memref<10240x128xf32, #tpu.memory_space<vmem_shared>>) offsets(%dma_start3A_97 : memref<128xi32, #tpu.memory_space<vmem>>) semaphore(%run_scoped3A_94 : memref<!tpu.dma_semaphore, #tpu.memory_space<semaphore_mem>>) {add = true}
        %dma_wait3A_101 = arith.constant 0 : i32
        %dma_wait3A_102 = tpu.memref_slice %arg8[%add3A_86, %dma_wait3A_101] : memref<42x128xi32, #tpu.memory_space<vmem>> -> memref<1x128xi32, #tpu.memory_space<vmem>>
        %dma_wait3A_103 = tpu.memref_squeeze %dma_wait3A_102 : memref<1x128xi32, #tpu.memory_space<vmem>> -> memref<128xi32, #tpu.memory_space<vmem>>
        %dma_wait3A_104 = arith.constant 0 : i32
        %dma_wait3A_105 = arith.constant 0 : i32
        %dma_wait3A_106 = tpu.memref_slice %arg13[%dma_wait3A_104, %dma_wait3A_105] : memref<10240x128xf32, #tpu.memory_space<vmem_shared>> -> memref<10240x128xf32, #tpu.memory_space<vmem_shared>>
        tpu.wait_indirect_dma semaphore(%run_scoped3A_94 : memref<!tpu.dma_semaphore, #tpu.memory_space<semaphore_mem>>) src(%arg10 : memref<128x128xf32, #tpu.memory_space<vmem>>) dst(%dma_wait3A_106 : memref<10240x128xf32, #tpu.memory_space<vmem_shared>>)
        tpu.yield
      }) : () -> ()
      %add3A_87 = arith.constant 3 : i32
      %add3A_88 = arith.addi %add3A_67, %add3A_87 : i32
      %lt3A_89 = arith.constant 42 : i32
      %lt3A_90 = arith.cmpi slt, %add3A_88, %lt3A_89 : i32
      %convert_element_type3A_91 = arith.extui %lt3A_90 : i1 to i32
      %cond3A_92 = arith.constant 0 : i32
      %cond3A_93 = arith.cmpi ne, %convert_element_type3A_91, %cond3A_92 : i32
      scf.if %cond3A_93 {
        %add3A_94 = arith.constant 3 : i32
        %add3A_95 = arith.addi %add3A_67, %add3A_94 : i32
        %dma_start3A_96 = arith.constant 0 : i32
        %dma_start3A_97 = tpu.memref_slice %arg7[%add3A_95, %dma_start3A_96] : memref<42x128xi32, #tpu.memory_space<vmem>> -> memref<1x128xi32, #tpu.memory_space<vmem>>
        %dma_start3A_98 = tpu.memref_squeeze %dma_start3A_97 : memref<1x128xi32, #tpu.memory_space<vmem>> -> memref<128xi32, #tpu.memory_space<vmem>>
        %dma_start3A_99 = arith.constant 0 : i32
        %dma_start3A_100 = arith.constant 0 : i32
        %dma_start3A_101 = tpu.memref_slice %arg4[%dma_start3A_99, %dma_start3A_100] : memref<10000x128xf32, #tpu.memory_space<hbm>> -> memref<10000x128xf32, #tpu.memory_space<hbm>>
        tpu.enqueue_indirect_dma source(%dma_start3A_101 : memref<10000x128xf32, #tpu.memory_space<hbm>>) target(%arg10 : memref<128x128xf32, #tpu.memory_space<vmem>>) offsets(%dma_start3A_98 : memref<128xi32, #tpu.memory_space<vmem>>) semaphore(%arg12 : memref<!tpu.dma_semaphore, #tpu.memory_space<semaphore_mem>>)
      } else {
      }
    }
    %scan3A_29 = arith.constant 21 : i32
    %barrier3A_30 = arith.constant 0 : index
    tpu.barrier barrier_id(%barrier3A_30)
    %run_scoped3A = arith.constant 0 : i32
    "tpu.region"() ({
      %run_scoped3A_63 = tpu.sem_alloc : memref<!tpu.dma_semaphore, #tpu.memory_space<semaphore_mem>>
      %dma_start3A_64 = arith.constant 0 : i32
      %dma_start3A_65 = tpu.memref_slice %arg6[%arg0, %run_scoped3A, %mul3A_2, %dma_start3A_64] : memref<2x2x10240x128xf32, #tpu.memory_space<hbm>> -> memref<1x1x640x128xf32, #tpu.memory_space<hbm>>
      %dma_start3A_66 = tpu.memref_squeeze %dma_start3A_65 : memref<1x1x640x128xf32, #tpu.memory_space<hbm>> -> memref<640x128xf32, #tpu.memory_space<hbm>>
      %dma_start3A_67 = arith.constant 0 : i32
      %dma_start3A_68 = tpu.memref_slice %arg13[%mul3A_2, %dma_start3A_67] : memref<10240x128xf32, #tpu.memory_space<vmem_shared>> -> memref<640x128xf32, #tpu.memory_space<vmem_shared>>
      tpu.enqueue_dma source(%dma_start3A_68 : memref<640x128xf32, #tpu.memory_space<vmem_shared>>) target(%dma_start3A_66 : memref<640x128xf32, #tpu.memory_space<hbm>>) target_semaphore(%run_scoped3A_63 : memref<!tpu.dma_semaphore, #tpu.memory_space<semaphore_mem>>)
      %dma_wait3A = arith.constant 0 : i32
      %dma_wait3A_69 = tpu.memref_slice %arg6[%arg0, %run_scoped3A, %mul3A_2, %dma_wait3A] : memref<2x2x10240x128xf32, #tpu.memory_space<hbm>> -> memref<1x1x640x128xf32, #tpu.memory_space<hbm>>
      %dma_wait3A_70 = tpu.memref_squeeze %dma_wait3A_69 : memref<1x1x640x128xf32, #tpu.memory_space<hbm>> -> memref<640x128xf32, #tpu.memory_space<hbm>>
      %dma_wait3A_71 = arith.constant 0 : i32
      %dma_wait3A_72 = tpu.memref_slice %arg13[%mul3A_2, %dma_wait3A_71] : memref<10240x128xf32, #tpu.memory_space<vmem_shared>> -> memref<640x128xf32, #tpu.memory_space<vmem_shared>>
      tpu.wait_dma2 semaphore(%run_scoped3A_63 : memref<!tpu.dma_semaphore, #tpu.memory_space<semaphore_mem>>) src(%dma_wait3A_72 : memref<640x128xf32, #tpu.memory_space<vmem_shared>>) dst(%dma_wait3A_70 : memref<640x128xf32, #tpu.memory_space<hbm>>)
      tpu.yield
    }) : () -> ()
    %scan3A_31 = arith.constant 0 : i32
    %scan3A_32 = arith.constant 128 : i32
    %scan3A_33 = arith.addi %scan3A_31, %scan3A_32 : i32
    %scan3A_34 = arith.constant 1 : i32
    scf.for %scan3A_63 = %scan3A_31 to %scan3A_33 step %scan3A_34  : i32 {
      %mul3A_64 = arith.constant 1 : i32
      %mul3A_65 = arith.muli %scan3A_63, %mul3A_64 : i32
      %add3A_66 = arith.constant 0 : i32
      %add3A_67 = arith.addi %add3A_66, %mul3A_65 : i32
      %scan3A_68 = arith.constant 0 : i32
      %scan3A_69 = arith.constant 8 : i32
      %scan3A_70 = arith.addi %scan3A_68, %scan3A_69 : i32
      %scan3A_71 = arith.constant 1 : i32
      scf.for %scan3A_73 = %scan3A_68 to %scan3A_70 step %scan3A_71  : i32 {
        %mul3A_74 = arith.constant 16 : i32
        %mul3A_75 = arith.muli %scan3A_73, %mul3A_74 : i32
        %add3A_76 = arith.constant 0 : i32
        %add3A_77 = arith.addi %add3A_76, %mul3A_75 : i32
        %broadcast_in_dim3A = arith.constant 0.000000e+00 : f32
        %broadcast_in_dim3A_78 = vector.broadcast %broadcast_in_dim3A : f32 to vector<16xf32>
        %swap3A = arith.index_cast %add3A_67 : i32 to index
        %swap3A_79 = arith.index_cast %add3A_77 : i32 to index
        %swap3A_80 = tpu.vector_load %arg9[%swap3A, %swap3A_79] {strides = array<i32>} : memref<128x128xf32, #tpu.memory_space<vmem>>, vector<1x16xf32>,
        %swap3A_81 = vector.shape_cast %swap3A_80 : vector<1x16xf32> to vector<16xf32>
        %swap3A_82 = vector.shape_cast %broadcast_in_dim3A_78 : vector<16xf32> to vector<1x16xf32>
        tpu.vector_store %arg9[%swap3A, %swap3A_79], %swap3A_82 {strides = array<i32>} : memref<128x128xf32, #tpu.memory_space<vmem>>, vector<1x16xf32>,
      }
      %scan3A_72 = arith.constant 8 : i32
    }
    %scan3A_35 = arith.constant 128 : i32
    %scan3A_36 = arith.constant 0 : i32
    %scan3A_37 = arith.constant 5 : i32
    %scan3A_38 = arith.addi %scan3A_36, %scan3A_37 : i32
    %scan3A_39 = arith.constant 1 : i32
    scf.for %scan3A_63 = %scan3A_36 to %scan3A_38 step %scan3A_39  : i32 {
      %mul3A_64 = arith.constant 1 : i32
      %mul3A_65 = arith.muli %scan3A_63, %mul3A_64 : i32
      %add3A_66 = arith.constant 0 : i32
      %add3A_67 = arith.addi %add3A_66, %mul3A_65 : i32
      %mul3A_68 = arith.constant 128 : i32
      %mul3A_69 = arith.muli %add3A_67, %mul3A_68 : i32
      %add3A_70 = arith.addi %mul3A_2, %mul3A_69 : i32
      "tpu.region"() ({
        %run_scoped3A_71 = tpu.sem_alloc : memref<!tpu.dma_semaphore, #tpu.memory_space<semaphore_mem>>
        %dma_start3A_72 = arith.constant 0 : i32
        %dma_start3A_73 = tpu.memref_slice %arg13[%add3A_70, %dma_start3A_72] : memref<10240x128xf32, #tpu.memory_space<vmem_shared>> -> memref<128x128xf32, #tpu.memory_space<vmem_shared>>
        %dma_start3A_74 = arith.constant 0 : i32
        %dma_start3A_75 = tpu.memref_slice %arg13[%add3A_70, %dma_start3A_74] : memref<10240x128xf32, #tpu.memory_space<vmem_shared>> -> memref<128x128xf32, #tpu.memory_space<vmem_shared>>
        tpu.enqueue_dma source(%arg9 : memref<128x128xf32, #tpu.memory_space<vmem>>) target(%dma_start3A_75 : memref<128x128xf32, #tpu.memory_space<vmem_shared>>) target_semaphore(%run_scoped3A_71 : memref<!tpu.dma_semaphore, #tpu.memory_space<semaphore_mem>>)
        %dma_wait3A = arith.constant 0 : i32
        %dma_wait3A_76 = tpu.memref_slice %arg13[%add3A_70, %dma_wait3A] : memref<10240x128xf32, #tpu.memory_space<vmem_shared>> -> memref<128x128xf32, #tpu.memory_space<vmem_shared>>
        %dma_wait3A_77 = arith.constant 0 : i32
        %dma_wait3A_78 = tpu.memref_slice %arg13[%add3A_70, %dma_wait3A_77] : memref<10240x128xf32, #tpu.memory_space<vmem_shared>> -> memref<128x128xf32, #tpu.memory_space<vmem_shared>>
        tpu.wait_dma2 semaphore(%run_scoped3A_71 : memref<!tpu.dma_semaphore, #tpu.memory_space<semaphore_mem>>) src(%arg9 : memref<128x128xf32, #tpu.memory_space<vmem>>) dst(%dma_wait3A_78 : memref<128x128xf32, #tpu.memory_space<vmem_shared>>)
        tpu.yield
      }) : () -> ()
    }
    %scan3A_40 = arith.constant 5 : i32
    %barrier3A_41 = arith.constant 0 : index
    tpu.barrier barrier_id(%barrier3A_41)
    %dma_start3A_42 = arith.constant 0 : i32
    %dma_start3A_43 = arith.constant 0 : i32
    %dma_start3A_44 = tpu.memref_slice %arg7[%dma_start3A_42, %dma_start3A_43] : memref<42x128xi32, #tpu.memory_space<vmem>> -> memref<1x128xi32, #tpu.memory_space<vmem>>
    %dma_start3A_45 = tpu.memref_squeeze %dma_start3A_44 : memref<1x128xi32, #tpu.memory_space<vmem>> -> memref<128xi32, #tpu.memory_space<vmem>>
    %dma_start3A_46 = arith.constant 0 : i32
    %dma_start3A_47 = arith.constant 0 : i32
    %dma_start3A_48 = tpu.memref_slice %arg5[%dma_start3A_46, %dma_start3A_47] : memref<10000x128xf32, #tpu.memory_space<hbm>> -> memref<10000x128xf32, #tpu.memory_space<hbm>>
    tpu.enqueue_indirect_dma source(%dma_start3A_48 : memref<10000x128xf32, #tpu.memory_space<hbm>>) target(%arg9 : memref<128x128xf32, #tpu.memory_space<vmem>>) offsets(%dma_start3A_45 : memref<128xi32, #tpu.memory_space<vmem>>) semaphore(%arg11 : memref<!tpu.dma_semaphore, #tpu.memory_space<semaphore_mem>>)
    %dma_start3A_49 = arith.constant 1 : i32
    %dma_start3A_50 = arith.constant 0 : i32
    %dma_start3A_51 = tpu.memref_slice %arg7[%dma_start3A_49, %dma_start3A_50] : memref<42x128xi32, #tpu.memory_space<vmem>> -> memref<1x128xi32, #tpu.memory_space<vmem>>
    %dma_start3A_52 = tpu.memref_squeeze %dma_start3A_51 : memref<1x128xi32, #tpu.memory_space<vmem>> -> memref<128xi32, #tpu.memory_space<vmem>>
    %dma_start3A_53 = arith.constant 0 : i32
    %dma_start3A_54 = arith.constant 0 : i32
    %dma_start3A_55 = tpu.memref_slice %arg5[%dma_start3A_53, %dma_start3A_54] : memref<10000x128xf32, #tpu.memory_space<hbm>> -> memref<10000x128xf32, #tpu.memory_space<hbm>>
    tpu.enqueue_indirect_dma source(%dma_start3A_55 : memref<10000x128xf32, #tpu.memory_space<hbm>>) target(%arg10 : memref<128x128xf32, #tpu.memory_space<vmem>>) offsets(%dma_start3A_52 : memref<128xi32, #tpu.memory_space<vmem>>) semaphore(%arg12 : memref<!tpu.dma_semaphore, #tpu.memory_space<semaphore_mem>>)
    %scan3A_56 = arith.constant 0 : i32
    %scan3A_57 = arith.constant 21 : i32
    %scan3A_58 = arith.addi %scan3A_56, %scan3A_57 : i32
    %scan3A_59 = arith.constant 1 : i32
    scf.for %scan3A_63 = %scan3A_56 to %scan3A_58 step %scan3A_59  : i32 {
      %mul3A_64 = arith.constant 2 : i32
      %mul3A_65 = arith.muli %scan3A_63, %mul3A_64 : i32
      %add3A_66 = arith.constant 0 : i32
      %add3A_67 = arith.addi %add3A_66, %mul3A_65 : i32
      %dma_wait3A = arith.constant 0 : i32
      %dma_wait3A_68 = tpu.memref_slice %arg7[%add3A_67, %dma_wait3A] : memref<42x128xi32, #tpu.memory_space<vmem>> -> memref<1x128xi32, #tpu.memory_space<vmem>>
      %dma_wait3A_69 = tpu.memref_squeeze %dma_wait3A_68 : memref<1x128xi32, #tpu.memory_space<vmem>> -> memref<128xi32, #tpu.memory_space<vmem>>
      %dma_wait3A_70 = arith.constant 0 : i32
      %dma_wait3A_71 = arith.constant 0 : i32
      %dma_wait3A_72 = tpu.memref_slice %arg5[%dma_wait3A_70, %dma_wait3A_71] : memref<10000x128xf32, #tpu.memory_space<hbm>> -> memref<10000x128xf32, #tpu.memory_space<hbm>>
      tpu.wait_indirect_dma semaphore(%arg11 : memref<!tpu.dma_semaphore, #tpu.memory_space<semaphore_mem>>) src(%dma_wait3A_72 : memref<10000x128xf32, #tpu.memory_space<hbm>>) dst(%arg9 : memref<128x128xf32, #tpu.memory_space<vmem>>)
      "tpu.region"() ({
        %run_scoped3A_94 = tpu.sem_alloc : memref<!tpu.dma_semaphore, #tpu.memory_space<semaphore_mem>>
        %dma_start3A_95 = arith.constant 0 : i32
        %dma_start3A_96 = tpu.memref_slice %arg8[%add3A_67, %dma_start3A_95] : memref<42x128xi32, #tpu.memory_space<vmem>> -> memref<1x128xi32, #tpu.memory_space<vmem>>
        %dma_start3A_97 = tpu.memref_squeeze %dma_start3A_96 : memref<1x128xi32, #tpu.memory_space<vmem>> -> memref<128xi32, #tpu.memory_space<vmem>>
        %dma_start3A_98 = arith.constant 0 : i32
        %dma_start3A_99 = arith.constant 0 : i32
        %dma_start3A_100 = tpu.memref_slice %arg13[%dma_start3A_98, %dma_start3A_99] : memref<10240x128xf32, #tpu.memory_space<vmem_shared>> -> memref<10240x128xf32, #tpu.memory_space<vmem_shared>>
        tpu.enqueue_indirect_dma source(%arg9 : memref<128x128xf32, #tpu.memory_space<vmem>>) target(%dma_start3A_100 : memref<10240x128xf32, #tpu.memory_space<vmem_shared>>) offsets(%dma_start3A_97 : memref<128xi32, #tpu.memory_space<vmem>>) semaphore(%run_scoped3A_94 : memref<!tpu.dma_semaphore, #tpu.memory_space<semaphore_mem>>) {add = true}
        %dma_wait3A_101 = arith.constant 0 : i32
        %dma_wait3A_102 = tpu.memref_slice %arg8[%add3A_67, %dma_wait3A_101] : memref<42x128xi32, #tpu.memory_space<vmem>> -> memref<1x128xi32, #tpu.memory_space<vmem>>
        %dma_wait3A_103 = tpu.memref_squeeze %dma_wait3A_102 : memref<1x128xi32, #tpu.memory_space<vmem>> -> memref<128xi32, #tpu.memory_space<vmem>>
        %dma_wait3A_104 = arith.constant 0 : i32
        %dma_wait3A_105 = arith.constant 0 : i32
        %dma_wait3A_106 = tpu.memref_slice %arg13[%dma_wait3A_104, %dma_wait3A_105] : memref<10240x128xf32, #tpu.memory_space<vmem_shared>> -> memref<10240x128xf32, #tpu.memory_space<vmem_shared>>
        tpu.wait_indirect_dma semaphore(%run_scoped3A_94 : memref<!tpu.dma_semaphore, #tpu.memory_space<semaphore_mem>>) src(%arg9 : memref<128x128xf32, #tpu.memory_space<vmem>>) dst(%dma_wait3A_106 : memref<10240x128xf32, #tpu.memory_space<vmem_shared>>)
        tpu.yield
      }) : () -> ()
      %add3A_73 = arith.constant 2 : i32
      %add3A_74 = arith.addi %add3A_67, %add3A_73 : i32
      %lt3A = arith.constant 42 : i32
      %lt3A_75 = arith.cmpi slt, %add3A_74, %lt3A : i32
      %convert_element_type3A = arith.extui %lt3A_75 : i1 to i32
      %cond3A = arith.constant 0 : i32
      %cond3A_76 = arith.cmpi ne, %convert_element_type3A, %cond3A : i32
      scf.if %cond3A_76 {
        %add3A_94 = arith.constant 2 : i32
        %add3A_95 = arith.addi %add3A_67, %add3A_94 : i32
        %dma_start3A_96 = arith.constant 0 : i32
        %dma_start3A_97 = tpu.memref_slice %arg7[%add3A_95, %dma_start3A_96] : memref<42x128xi32, #tpu.memory_space<vmem>> -> memref<1x128xi32, #tpu.memory_space<vmem>>
        %dma_start3A_98 = tpu.memref_squeeze %dma_start3A_97 : memref<1x128xi32, #tpu.memory_space<vmem>> -> memref<128xi32, #tpu.memory_space<vmem>>
        %dma_start3A_99 = arith.constant 0 : i32
        %dma_start3A_100 = arith.constant 0 : i32
        %dma_start3A_101 = tpu.memref_slice %arg5[%dma_start3A_99, %dma_start3A_100] : memref<10000x128xf32, #tpu.memory_space<hbm>> -> memref<10000x128xf32, #tpu.memory_space<hbm>>
        tpu.enqueue_indirect_dma source(%dma_start3A_101 : memref<10000x128xf32, #tpu.memory_space<hbm>>) target(%arg9 : memref<128x128xf32, #tpu.memory_space<vmem>>) offsets(%dma_start3A_98 : memref<128xi32, #tpu.memory_space<vmem>>) semaphore(%arg11 : memref<!tpu.dma_semaphore, #tpu.memory_space<semaphore_mem>>)
      } else {
      }
      %add3A_77 = arith.constant 1 : i32
      %add3A_78 = arith.addi %add3A_67, %add3A_77 : i32
      %dma_wait3A_79 = arith.constant 0 : i32
      %dma_wait3A_80 = tpu.memref_slice %arg7[%add3A_78, %dma_wait3A_79] : memref<42x128xi32, #tpu.memory_space<vmem>> -> memref<1x128xi32, #tpu.memory_space<vmem>>
      %dma_wait3A_81 = tpu.memref_squeeze %dma_wait3A_80 : memref<1x128xi32, #tpu.memory_space<vmem>> -> memref<128xi32, #tpu.memory_space<vmem>>
      %dma_wait3A_82 = arith.constant 0 : i32
      %dma_wait3A_83 = arith.constant 0 : i32
      %dma_wait3A_84 = tpu.memref_slice %arg5[%dma_wait3A_82, %dma_wait3A_83] : memref<10000x128xf32, #tpu.memory_space<hbm>> -> memref<10000x128xf32, #tpu.memory_space<hbm>>
      tpu.wait_indirect_dma semaphore(%arg12 : memref<!tpu.dma_semaphore, #tpu.memory_space<semaphore_mem>>) src(%dma_wait3A_84 : memref<10000x128xf32, #tpu.memory_space<hbm>>) dst(%arg10 : memref<128x128xf32, #tpu.memory_space<vmem>>)
      %add3A_85 = arith.constant 1 : i32
      %add3A_86 = arith.addi %add3A_67, %add3A_85 : i32
      "tpu.region"() ({
        %run_scoped3A_94 = tpu.sem_alloc : memref<!tpu.dma_semaphore, #tpu.memory_space<semaphore_mem>>
        %dma_start3A_95 = arith.constant 0 : i32
        %dma_start3A_96 = tpu.memref_slice %arg8[%add3A_86, %dma_start3A_95] : memref<42x128xi32, #tpu.memory_space<vmem>> -> memref<1x128xi32, #tpu.memory_space<vmem>>
        %dma_start3A_97 = tpu.memref_squeeze %dma_start3A_96 : memref<1x128xi32, #tpu.memory_space<vmem>> -> memref<128xi32, #tpu.memory_space<vmem>>
        %dma_start3A_98 = arith.constant 0 : i32
        %dma_start3A_99 = arith.constant 0 : i32
        %dma_start3A_100 = tpu.memref_slice %arg13[%dma_start3A_98, %dma_start3A_99] : memref<10240x128xf32, #tpu.memory_space<vmem_shared>> -> memref<10240x128xf32, #tpu.memory_space<vmem_shared>>
        tpu.enqueue_indirect_dma source(%arg10 : memref<128x128xf32, #tpu.memory_space<vmem>>) target(%dma_start3A_100 : memref<10240x128xf32, #tpu.memory_space<vmem_shared>>) offsets(%dma_start3A_97 : memref<128xi32, #tpu.memory_space<vmem>>) semaphore(%run_scoped3A_94 : memref<!tpu.dma_semaphore, #tpu.memory_space<semaphore_mem>>) {add = true}
        %dma_wait3A_101 = arith.constant 0 : i32
        %dma_wait3A_102 = tpu.memref_slice %arg8[%add3A_86, %dma_wait3A_101] : memref<42x128xi32, #tpu.memory_space<vmem>> -> memref<1x128xi32, #tpu.memory_space<vmem>>
        %dma_wait3A_103 = tpu.memref_squeeze %dma_wait3A_102 : memref<1x128xi32, #tpu.memory_space<vmem>> -> memref<128xi32, #tpu.memory_space<vmem>>
        %dma_wait3A_104 = arith.constant 0 : i32
        %dma_wait3A_105 = arith.constant 0 : i32
        %dma_wait3A_106 = tpu.memref_slice %arg13[%dma_wait3A_104, %dma_wait3A_105] : memref<10240x128xf32, #tpu.memory_space<vmem_shared>> -> memref<10240x128xf32, #tpu.memory_space<vmem_shared>>
        tpu.wait_indirect_dma semaphore(%run_scoped3A_94 : memref<!tpu.dma_semaphore, #tpu.memory_space<semaphore_mem>>) src(%arg10 : memref<128x128xf32, #tpu.memory_space<vmem>>) dst(%dma_wait3A_106 : memref<10240x128xf32, #tpu.memory_space<vmem_shared>>)
        tpu.yield
      }) : () -> ()
      %add3A_87 = arith.constant 3 : i32
      %add3A_88 = arith.addi %add3A_67, %add3A_87 : i32
      %lt3A_89 = arith.constant 42 : i32
      %lt3A_90 = arith.cmpi slt, %add3A_88, %lt3A_89 : i32
      %convert_element_type3A_91 = arith.extui %lt3A_90 : i1 to i32
      %cond3A_92 = arith.constant 0 : i32
      %cond3A_93 = arith.cmpi ne, %convert_element_type3A_91, %cond3A_92 : i32
      scf.if %cond3A_93 {
        %add3A_94 = arith.constant 3 : i32
        %add3A_95 = arith.addi %add3A_67, %add3A_94 : i32
        %dma_start3A_96 = arith.constant 0 : i32
        %dma_start3A_97 = tpu.memref_slice %arg7[%add3A_95, %dma_start3A_96] : memref<42x128xi32, #tpu.memory_space<vmem>> -> memref<1x128xi32, #tpu.memory_space<vmem>>
        %dma_start3A_98 = tpu.memref_squeeze %dma_start3A_97 : memref<1x128xi32, #tpu.memory_space<vmem>> -> memref<128xi32, #tpu.memory_space<vmem>>
        %dma_start3A_99 = arith.constant 0 : i32
        %dma_start3A_100 = arith.constant 0 : i32
        %dma_start3A_101 = tpu.memref_slice %arg5[%dma_start3A_99, %dma_start3A_100] : memref<10000x128xf32, #tpu.memory_space<hbm>> -> memref<10000x128xf32, #tpu.memory_space<hbm>>
        tpu.enqueue_indirect_dma source(%dma_start3A_101 : memref<10000x128xf32, #tpu.memory_space<hbm>>) target(%arg10 : memref<128x128xf32, #tpu.memory_space<vmem>>) offsets(%dma_start3A_98 : memref<128xi32, #tpu.memory_space<vmem>>) semaphore(%arg12 : memref<!tpu.dma_semaphore, #tpu.memory_space<semaphore_mem>>)
      } else {
      }
    }
    %scan3A_60 = arith.constant 21 : i32
    %barrier3A_61 = arith.constant 0 : index
    tpu.barrier barrier_id(%barrier3A_61)
    %run_scoped3A_62 = arith.constant 1 : i32
    "tpu.region"() ({
      %run_scoped3A_63 = tpu.sem_alloc : memref<!tpu.dma_semaphore, #tpu.memory_space<semaphore_mem>>
      %dma_start3A_64 = arith.constant 0 : i32
      %dma_start3A_65 = tpu.memref_slice %arg6[%arg0, %run_scoped3A_62, %mul3A_2, %dma_start3A_64] : memref<2x2x10240x128xf32, #tpu.memory_space<hbm>> -> memref<1x1x640x128xf32, #tpu.memory_space<hbm>>
      %dma_start3A_66 = tpu.memref_squeeze %dma_start3A_65 : memref<1x1x640x128xf32, #tpu.memory_space<hbm>> -> memref<640x128xf32, #tpu.memory_space<hbm>>
      %dma_start3A_67 = arith.constant 0 : i32
      %dma_start3A_68 = tpu.memref_slice %arg13[%mul3A_2, %dma_start3A_67] : memref<10240x128xf32, #tpu.memory_space<vmem_shared>> -> memref<640x128xf32, #tpu.memory_space<vmem_shared>>
      tpu.enqueue_dma source(%dma_start3A_68 : memref<640x128xf32, #tpu.memory_space<vmem_shared>>) target(%dma_start3A_66 : memref<640x128xf32, #tpu.memory_space<hbm>>) target_semaphore(%run_scoped3A_63 : memref<!tpu.dma_semaphore, #tpu.memory_space<semaphore_mem>>)
      %dma_wait3A = arith.constant 0 : i32
      %dma_wait3A_69 = tpu.memref_slice %arg6[%arg0, %run_scoped3A_62, %mul3A_2, %dma_wait3A] : memref<2x2x10240x128xf32, #tpu.memory_space<hbm>> -> memref<1x1x640x128xf32, #tpu.memory_space<hbm>>
      %dma_wait3A_70 = tpu.memref_squeeze %dma_wait3A_69 : memref<1x1x640x128xf32, #tpu.memory_space<hbm>> -> memref<640x128xf32, #tpu.memory_space<hbm>>
      %dma_wait3A_71 = arith.constant 0 : i32
      %dma_wait3A_72 = tpu.memref_slice %arg13[%mul3A_2, %dma_wait3A_71] : memref<10240x128xf32, #tpu.memory_space<vmem_shared>> -> memref<640x128xf32, #tpu.memory_space<vmem_shared>>
      tpu.wait_dma2 semaphore(%run_scoped3A_63 : memref<!tpu.dma_semaphore, #tpu.memory_space<semaphore_mem>>) src(%dma_wait3A_72 : memref<640x128xf32, #tpu.memory_space<vmem_shared>>) dst(%dma_wait3A_70 : memref<640x128xf32, #tpu.memory_space<hbm>>)
      tpu.yield
    }) : () -> ()
    return
  }
}

#map = affine_map<(d0, d1) -> (0, 0, 0)>
#map1 = affine_map<(d0, d1) -> (0, 0)>
#map2 = affine_map<(d0, d1) -> (0, 0, 0, 0)>
module attributes {stable_mosaic.version = 14 : i64} {
  func.func @body(%arg0: i32, %arg1: i32, %arg2: memref<32x42x128xi32, #tpu.memory_space<hbm>>, %arg3: memref<32x42x128xi32, #tpu.memory_space<hbm>>, %arg4: memref<10000x128xf32, #tpu.memory_space<hbm>>, %arg5: memref<10000x128xf32, #tpu.memory_space<hbm>>, %arg6: memref<10000x128xf32, #tpu.memory_space<hbm>>, %arg7: memref<10000x128xf32, #tpu.memory_space<hbm>>, %arg8: memref<10000x128xf32, #tpu.memory_space<hbm>>, %arg9: memref<10000x128xf32, #tpu.memory_space<hbm>>, %arg10: memref<2x6x10240x128xf32, #tpu.memory_space<hbm>>, %arg11: memref<42x128xi32, #tpu.memory_space<vmem>>, %arg12: memref<42x128xi32, #tpu.memory_space<vmem>>, %arg13: memref<128x128xf32, #tpu.memory_space<vmem>>, %arg14: memref<128x128xf32, #tpu.memory_space<vmem>>, %arg15: memref<!tpu.dma_semaphore, #tpu.memory_space<semaphore_mem>>, %arg16: memref<!tpu.dma_semaphore, #tpu.memory_space<semaphore_mem>>, %arg17: memref<10240x128xf32, #tpu.memory_space<vmem_shared>>) attributes {dimension_semantics = [#tpu.dimension_semantics<core_parallel>, #tpu.dimension_semantics<subcore_parallel>], iteration_bounds = array<i64: 2, 16>, scalar_prefetch = 0 : i64, scratch_operands = 7 : i64, tpu.core_type = #tpu.core_type<sc_vector_subcore>, window_params = [{transform_indices = #map}, {transform_indices = #map}, {transform_indices = #map1}, {transform_indices = #map1}, {transform_indices = #map1}, {transform_indices = #map1}, {transform_indices = #map1}, {transform_indices = #map1}, {transform_indices = #map2}]} {
    %mul3A = arith.constant 2 : i32
    %mul3A_0 = arith.muli %arg1, %mul3A : i32
    %add3A = arith.addi %mul3A_0, %arg0 : i32
    "tpu.region"() ({
      %run_scoped3A_191 = tpu.sem_alloc : memref<!tpu.dma_semaphore, #tpu.memory_space<semaphore_mem>>
      %dma_start3A_192 = arith.constant 0 : i32
      %dma_start3A_193 = arith.constant 0 : i32
      %dma_start3A_194 = tpu.memref_slice %arg2[%add3A, %dma_start3A_192, %dma_start3A_193] : memref<32x42x128xi32, #tpu.memory_space<hbm>> -> memref<1x42x128xi32, #tpu.memory_space<hbm>>
      %dma_start3A_195 = tpu.memref_squeeze %dma_start3A_194 : memref<1x42x128xi32, #tpu.memory_space<hbm>> -> memref<42x128xi32, #tpu.memory_space<hbm>>
      %dma_start3A_196 = arith.constant 0 : i32
      %dma_start3A_197 = arith.constant 0 : i32
      %dma_start3A_198 = tpu.memref_slice %arg2[%add3A, %dma_start3A_196, %dma_start3A_197] : memref<32x42x128xi32, #tpu.memory_space<hbm>> -> memref<1x42x128xi32, #tpu.memory_space<hbm>>
      %dma_start3A_199 = tpu.memref_squeeze %dma_start3A_198 : memref<1x42x128xi32, #tpu.memory_space<hbm>> -> memref<42x128xi32, #tpu.memory_space<hbm>>
      tpu.enqueue_dma source(%dma_start3A_199 : memref<42x128xi32, #tpu.memory_space<hbm>>) target(%arg11 : memref<42x128xi32, #tpu.memory_space<vmem>>) target_semaphore(%run_scoped3A_191 : memref<!tpu.dma_semaphore, #tpu.memory_space<semaphore_mem>>)
      %dma_wait3A = arith.constant 0 : i32
      %dma_wait3A_200 = arith.constant 0 : i32
      %dma_wait3A_201 = tpu.memref_slice %arg2[%add3A, %dma_wait3A, %dma_wait3A_200] : memref<32x42x128xi32, #tpu.memory_space<hbm>> -> memref<1x42x128xi32, #tpu.memory_space<hbm>>
      %dma_wait3A_202 = tpu.memref_squeeze %dma_wait3A_201 : memref<1x42x128xi32, #tpu.memory_space<hbm>> -> memref<42x128xi32, #tpu.memory_space<hbm>>
      %dma_wait3A_203 = arith.constant 0 : i32
      %dma_wait3A_204 = arith.constant 0 : i32
      %dma_wait3A_205 = tpu.memref_slice %arg2[%add3A, %dma_wait3A_203, %dma_wait3A_204] : memref<32x42x128xi32, #tpu.memory_space<hbm>> -> memref<1x42x128xi32, #tpu.memory_space<hbm>>
      %dma_wait3A_206 = tpu.memref_squeeze %dma_wait3A_205 : memref<1x42x128xi32, #tpu.memory_space<hbm>> -> memref<42x128xi32, #tpu.memory_space<hbm>>
      tpu.wait_dma2 semaphore(%run_scoped3A_191 : memref<!tpu.dma_semaphore, #tpu.memory_space<semaphore_mem>>) src(%dma_wait3A_206 : memref<42x128xi32, #tpu.memory_space<hbm>>) dst(%arg11 : memref<42x128xi32, #tpu.memory_space<vmem>>)
      tpu.yield
    }) : () -> ()
    "tpu.region"() ({
      %run_scoped3A_191 = tpu.sem_alloc : memref<!tpu.dma_semaphore, #tpu.memory_space<semaphore_mem>>
      %dma_start3A_192 = arith.constant 0 : i32
      %dma_start3A_193 = arith.constant 0 : i32
      %dma_start3A_194 = tpu.memref_slice %arg3[%add3A, %dma_start3A_192, %dma_start3A_193] : memref<32x42x128xi32, #tpu.memory_space<hbm>> -> memref<1x42x128xi32, #tpu.memory_space<hbm>>
      %dma_start3A_195 = tpu.memref_squeeze %dma_start3A_194 : memref<1x42x128xi32, #tpu.memory_space<hbm>> -> memref<42x128xi32, #tpu.memory_space<hbm>>
      %dma_start3A_196 = arith.constant 0 : i32
      %dma_start3A_197 = arith.constant 0 : i32
      %dma_start3A_198 = tpu.memref_slice %arg3[%add3A, %dma_start3A_196, %dma_start3A_197] : memref<32x42x128xi32, #tpu.memory_space<hbm>> -> memref<1x42x128xi32, #tpu.memory_space<hbm>>
      %dma_start3A_199 = tpu.memref_squeeze %dma_start3A_198 : memref<1x42x128xi32, #tpu.memory_space<hbm>> -> memref<42x128xi32, #tpu.memory_space<hbm>>
      tpu.enqueue_dma source(%dma_start3A_199 : memref<42x128xi32, #tpu.memory_space<hbm>>) target(%arg12 : memref<42x128xi32, #tpu.memory_space<vmem>>) target_semaphore(%run_scoped3A_191 : memref<!tpu.dma_semaphore, #tpu.memory_space<semaphore_mem>>)
      %dma_wait3A = arith.constant 0 : i32
      %dma_wait3A_200 = arith.constant 0 : i32
      %dma_wait3A_201 = tpu.memref_slice %arg3[%add3A, %dma_wait3A, %dma_wait3A_200] : memref<32x42x128xi32, #tpu.memory_space<hbm>> -> memref<1x42x128xi32, #tpu.memory_space<hbm>>
      %dma_wait3A_202 = tpu.memref_squeeze %dma_wait3A_201 : memref<1x42x128xi32, #tpu.memory_space<hbm>> -> memref<42x128xi32, #tpu.memory_space<hbm>>
      %dma_wait3A_203 = arith.constant 0 : i32
      %dma_wait3A_204 = arith.constant 0 : i32
      %dma_wait3A_205 = tpu.memref_slice %arg3[%add3A, %dma_wait3A_203, %dma_wait3A_204] : memref<32x42x128xi32, #tpu.memory_space<hbm>> -> memref<1x42x128xi32, #tpu.memory_space<hbm>>
      %dma_wait3A_206 = tpu.memref_squeeze %dma_wait3A_205 : memref<1x42x128xi32, #tpu.memory_space<hbm>> -> memref<42x128xi32, #tpu.memory_space<hbm>>
      tpu.wait_dma2 semaphore(%run_scoped3A_191 : memref<!tpu.dma_semaphore, #tpu.memory_space<semaphore_mem>>) src(%dma_wait3A_206 : memref<42x128xi32, #tpu.memory_space<hbm>>) dst(%arg12 : memref<42x128xi32, #tpu.memory_space<vmem>>)
      tpu.yield
    }) : () -> ()
    %mul3A_1 = arith.constant 640 : i32
    %mul3A_2 = arith.muli %arg1, %mul3A_1 : i32
    %scan3A = arith.constant 0 : i32
    %scan3A_3 = arith.constant 128 : i32
    %scan3A_4 = arith.addi %scan3A, %scan3A_3 : i32
    %scan3A_5 = arith.constant 1 : i32
    scf.for %scan3A_191 = %scan3A to %scan3A_4 step %scan3A_5  : i32 {
      %mul3A_192 = arith.constant 1 : i32
      %mul3A_193 = arith.muli %scan3A_191, %mul3A_192 : i32
      %add3A_194 = arith.constant 0 : i32
      %add3A_195 = arith.addi %add3A_194, %mul3A_193 : i32
      %scan3A_196 = arith.constant 0 : i32
      %scan3A_197 = arith.constant 8 : i32
      %scan3A_198 = arith.addi %scan3A_196, %scan3A_197 : i32
      %scan3A_199 = arith.constant 1 : i32
      scf.for %scan3A_201 = %scan3A_196 to %scan3A_198 step %scan3A_199  : i32 {
        %mul3A_202 = arith.constant 16 : i32
        %mul3A_203 = arith.muli %scan3A_201, %mul3A_202 : i32
        %add3A_204 = arith.constant 0 : i32
        %add3A_205 = arith.addi %add3A_204, %mul3A_203 : i32
        %broadcast_in_dim3A = arith.constant 0.000000e+00 : f32
        %broadcast_in_dim3A_206 = vector.broadcast %broadcast_in_dim3A : f32 to vector<16xf32>
        %swap3A = arith.index_cast %add3A_195 : i32 to index
        %swap3A_207 = arith.index_cast %add3A_205 : i32 to index
        %swap3A_208 = tpu.vector_load %arg13[%swap3A, %swap3A_207] {strides = array<i32>} : memref<128x128xf32, #tpu.memory_space<vmem>>, vector<1x16xf32>,
        %swap3A_209 = vector.shape_cast %swap3A_208 : vector<1x16xf32> to vector<16xf32>
        %swap3A_210 = vector.shape_cast %broadcast_in_dim3A_206 : vector<16xf32> to vector<1x16xf32>
        tpu.vector_store %arg13[%swap3A, %swap3A_207], %swap3A_210 {strides = array<i32>} : memref<128x128xf32, #tpu.memory_space<vmem>>, vector<1x16xf32>,
      }
      %scan3A_200 = arith.constant 8 : i32
    }
    %scan3A_6 = arith.constant 128 : i32
    %scan3A_7 = arith.constant 0 : i32
    %scan3A_8 = arith.constant 5 : i32
    %scan3A_9 = arith.addi %scan3A_7, %scan3A_8 : i32
    %scan3A_10 = arith.constant 1 : i32
    scf.for %scan3A_191 = %scan3A_7 to %scan3A_9 step %scan3A_10  : i32 {
      %mul3A_192 = arith.constant 1 : i32
      %mul3A_193 = arith.muli %scan3A_191, %mul3A_192 : i32
      %add3A_194 = arith.constant 0 : i32
      %add3A_195 = arith.addi %add3A_194, %mul3A_193 : i32
      %mul3A_196 = arith.constant 128 : i32
      %mul3A_197 = arith.muli %add3A_195, %mul3A_196 : i32
      %add3A_198 = arith.addi %mul3A_2, %mul3A_197 : i32
      "tpu.region"() ({
        %run_scoped3A_199 = tpu.sem_alloc : memref<!tpu.dma_semaphore, #tpu.memory_space<semaphore_mem>>
        %dma_start3A_200 = arith.constant 0 : i32
        %dma_start3A_201 = tpu.memref_slice %arg17[%add3A_198, %dma_start3A_200] : memref<10240x128xf32, #tpu.memory_space<vmem_shared>> -> memref<128x128xf32, #tpu.memory_space<vmem_shared>>
        %dma_start3A_202 = arith.constant 0 : i32
        %dma_start3A_203 = tpu.memref_slice %arg17[%add3A_198, %dma_start3A_202] : memref<10240x128xf32, #tpu.memory_space<vmem_shared>> -> memref<128x128xf32, #tpu.memory_space<vmem_shared>>
        tpu.enqueue_dma source(%arg13 : memref<128x128xf32, #tpu.memory_space<vmem>>) target(%dma_start3A_203 : memref<128x128xf32, #tpu.memory_space<vmem_shared>>) target_semaphore(%run_scoped3A_199 : memref<!tpu.dma_semaphore, #tpu.memory_space<semaphore_mem>>)
        %dma_wait3A = arith.constant 0 : i32
        %dma_wait3A_204 = tpu.memref_slice %arg17[%add3A_198, %dma_wait3A] : memref<10240x128xf32, #tpu.memory_space<vmem_shared>> -> memref<128x128xf32, #tpu.memory_space<vmem_shared>>
        %dma_wait3A_205 = arith.constant 0 : i32
        %dma_wait3A_206 = tpu.memref_slice %arg17[%add3A_198, %dma_wait3A_205] : memref<10240x128xf32, #tpu.memory_space<vmem_shared>> -> memref<128x128xf32, #tpu.memory_space<vmem_shared>>
        tpu.wait_dma2 semaphore(%run_scoped3A_199 : memref<!tpu.dma_semaphore, #tpu.memory_space<semaphore_mem>>) src(%arg13 : memref<128x128xf32, #tpu.memory_space<vmem>>) dst(%dma_wait3A_206 : memref<128x128xf32, #tpu.memory_space<vmem_shared>>)
        tpu.yield
      }) : () -> ()
    }
    %scan3A_11 = arith.constant 5 : i32
    %barrier3A = arith.constant 0 : index
    tpu.barrier barrier_id(%barrier3A)
    %dma_start3A = arith.constant 0 : i32
    %dma_start3A_12 = arith.constant 0 : i32
    %dma_start3A_13 = tpu.memref_slice %arg11[%dma_start3A, %dma_start3A_12] : memref<42x128xi32, #tpu.memory_space<vmem>> -> memref<1x128xi32, #tpu.memory_space<vmem>>
    %dma_start3A_14 = tpu.memref_squeeze %dma_start3A_13 : memref<1x128xi32, #tpu.memory_space<vmem>> -> memref<128xi32, #tpu.memory_space<vmem>>
    %dma_start3A_15 = arith.constant 0 : i32
    %dma_start3A_16 = arith.constant 0 : i32
    %dma_start3A_17 = tpu.memref_slice %arg4[%dma_start3A_15, %dma_start3A_16] : memref<10000x128xf32, #tpu.memory_space<hbm>> -> memref<10000x128xf32, #tpu.memory_space<hbm>>
    tpu.enqueue_indirect_dma source(%dma_start3A_17 : memref<10000x128xf32, #tpu.memory_space<hbm>>) target(%arg13 : memref<128x128xf32, #tpu.memory_space<vmem>>) offsets(%dma_start3A_14 : memref<128xi32, #tpu.memory_space<vmem>>) semaphore(%arg15 : memref<!tpu.dma_semaphore, #tpu.memory_space<semaphore_mem>>)
    %dma_start3A_18 = arith.constant 1 : i32
    %dma_start3A_19 = arith.constant 0 : i32
    %dma_start3A_20 = tpu.memref_slice %arg11[%dma_start3A_18, %dma_start3A_19] : memref<42x128xi32, #tpu.memory_space<vmem>> -> memref<1x128xi32, #tpu.memory_space<vmem>>
    %dma_start3A_21 = tpu.memref_squeeze %dma_start3A_20 : memref<1x128xi32, #tpu.memory_space<vmem>> -> memref<128xi32, #tpu.memory_space<vmem>>
    %dma_start3A_22 = arith.constant 0 : i32
    %dma_start3A_23 = arith.constant 0 : i32
    %dma_start3A_24 = tpu.memref_slice %arg4[%dma_start3A_22, %dma_start3A_23] : memref<10000x128xf32, #tpu.memory_space<hbm>> -> memref<10000x128xf32, #tpu.memory_space<hbm>>
    tpu.enqueue_indirect_dma source(%dma_start3A_24 : memref<10000x128xf32, #tpu.memory_space<hbm>>) target(%arg14 : memref<128x128xf32, #tpu.memory_space<vmem>>) offsets(%dma_start3A_21 : memref<128xi32, #tpu.memory_space<vmem>>) semaphore(%arg16 : memref<!tpu.dma_semaphore, #tpu.memory_space<semaphore_mem>>)
    %scan3A_25 = arith.constant 0 : i32
    %scan3A_26 = arith.constant 21 : i32
    %scan3A_27 = arith.addi %scan3A_25, %scan3A_26 : i32
    %scan3A_28 = arith.constant 1 : i32
    scf.for %scan3A_191 = %scan3A_25 to %scan3A_27 step %scan3A_28  : i32 {
      %mul3A_192 = arith.constant 2 : i32
      %mul3A_193 = arith.muli %scan3A_191, %mul3A_192 : i32
      %add3A_194 = arith.constant 0 : i32
      %add3A_195 = arith.addi %add3A_194, %mul3A_193 : i32
      %dma_wait3A = arith.constant 0 : i32
      %dma_wait3A_196 = tpu.memref_slice %arg11[%add3A_195, %dma_wait3A] : memref<42x128xi32, #tpu.memory_space<vmem>> -> memref<1x128xi32, #tpu.memory_space<vmem>>
      %dma_wait3A_197 = tpu.memref_squeeze %dma_wait3A_196 : memref<1x128xi32, #tpu.memory_space<vmem>> -> memref<128xi32, #tpu.memory_space<vmem>>
      %dma_wait3A_198 = arith.constant 0 : i32
      %dma_wait3A_199 = arith.constant 0 : i32
      %dma_wait3A_200 = tpu.memref_slice %arg4[%dma_wait3A_198, %dma_wait3A_199] : memref<10000x128xf32, #tpu.memory_space<hbm>> -> memref<10000x128xf32, #tpu.memory_space<hbm>>
      tpu.wait_indirect_dma semaphore(%arg15 : memref<!tpu.dma_semaphore, #tpu.memory_space<semaphore_mem>>) src(%dma_wait3A_200 : memref<10000x128xf32, #tpu.memory_space<hbm>>) dst(%arg13 : memref<128x128xf32, #tpu.memory_space<vmem>>)
      "tpu.region"() ({
        %run_scoped3A_222 = tpu.sem_alloc : memref<!tpu.dma_semaphore, #tpu.memory_space<semaphore_mem>>
        %dma_start3A_223 = arith.constant 0 : i32
        %dma_start3A_224 = tpu.memref_slice %arg12[%add3A_195, %dma_start3A_223] : memref<42x128xi32, #tpu.memory_space<vmem>> -> memref<1x128xi32, #tpu.memory_space<vmem>>
        %dma_start3A_225 = tpu.memref_squeeze %dma_start3A_224 : memref<1x128xi32, #tpu.memory_space<vmem>> -> memref<128xi32, #tpu.memory_space<vmem>>
        %dma_start3A_226 = arith.constant 0 : i32
        %dma_start3A_227 = arith.constant 0 : i32
        %dma_start3A_228 = tpu.memref_slice %arg17[%dma_start3A_226, %dma_start3A_227] : memref<10240x128xf32, #tpu.memory_space<vmem_shared>> -> memref<10240x128xf32, #tpu.memory_space<vmem_shared>>
        tpu.enqueue_indirect_dma source(%arg13 : memref<128x128xf32, #tpu.memory_space<vmem>>) target(%dma_start3A_228 : memref<10240x128xf32, #tpu.memory_space<vmem_shared>>) offsets(%dma_start3A_225 : memref<128xi32, #tpu.memory_space<vmem>>) semaphore(%run_scoped3A_222 : memref<!tpu.dma_semaphore, #tpu.memory_space<semaphore_mem>>) {add = true}
        %dma_wait3A_229 = arith.constant 0 : i32
        %dma_wait3A_230 = tpu.memref_slice %arg12[%add3A_195, %dma_wait3A_229] : memref<42x128xi32, #tpu.memory_space<vmem>> -> memref<1x128xi32, #tpu.memory_space<vmem>>
        %dma_wait3A_231 = tpu.memref_squeeze %dma_wait3A_230 : memref<1x128xi32, #tpu.memory_space<vmem>> -> memref<128xi32, #tpu.memory_space<vmem>>
        %dma_wait3A_232 = arith.constant 0 : i32
        %dma_wait3A_233 = arith.constant 0 : i32
        %dma_wait3A_234 = tpu.memref_slice %arg17[%dma_wait3A_232, %dma_wait3A_233] : memref<10240x128xf32, #tpu.memory_space<vmem_shared>> -> memref<10240x128xf32, #tpu.memory_space<vmem_shared>>
        tpu.wait_indirect_dma semaphore(%run_scoped3A_222 : memref<!tpu.dma_semaphore, #tpu.memory_space<semaphore_mem>>) src(%arg13 : memref<128x128xf32, #tpu.memory_space<vmem>>) dst(%dma_wait3A_234 : memref<10240x128xf32, #tpu.memory_space<vmem_shared>>)
        tpu.yield
      }) : () -> ()
      %add3A_201 = arith.constant 2 : i32
      %add3A_202 = arith.addi %add3A_195, %add3A_201 : i32
      %lt3A = arith.constant 42 : i32
      %lt3A_203 = arith.cmpi slt, %add3A_202, %lt3A : i32
      %convert_element_type3A = arith.extui %lt3A_203 : i1 to i32
      %cond3A = arith.constant 0 : i32
      %cond3A_204 = arith.cmpi ne, %convert_element_type3A, %cond3A : i32
      scf.if %cond3A_204 {
        %add3A_222 = arith.constant 2 : i32
        %add3A_223 = arith.addi %add3A_195, %add3A_222 : i32
        %dma_start3A_224 = arith.constant 0 : i32
        %dma_start3A_225 = tpu.memref_slice %arg11[%add3A_223, %dma_start3A_224] : memref<42x128xi32, #tpu.memory_space<vmem>> -> memref<1x128xi32, #tpu.memory_space<vmem>>
        %dma_start3A_226 = tpu.memref_squeeze %dma_start3A_225 : memref<1x128xi32, #tpu.memory_space<vmem>> -> memref<128xi32, #tpu.memory_space<vmem>>
        %dma_start3A_227 = arith.constant 0 : i32
        %dma_start3A_228 = arith.constant 0 : i32
        %dma_start3A_229 = tpu.memref_slice %arg4[%dma_start3A_227, %dma_start3A_228] : memref<10000x128xf32, #tpu.memory_space<hbm>> -> memref<10000x128xf32, #tpu.memory_space<hbm>>
        tpu.enqueue_indirect_dma source(%dma_start3A_229 : memref<10000x128xf32, #tpu.memory_space<hbm>>) target(%arg13 : memref<128x128xf32, #tpu.memory_space<vmem>>) offsets(%dma_start3A_226 : memref<128xi32, #tpu.memory_space<vmem>>) semaphore(%arg15 : memref<!tpu.dma_semaphore, #tpu.memory_space<semaphore_mem>>)
      } else {
      }
      %add3A_205 = arith.constant 1 : i32
      %add3A_206 = arith.addi %add3A_195, %add3A_205 : i32
      %dma_wait3A_207 = arith.constant 0 : i32
      %dma_wait3A_208 = tpu.memref_slice %arg11[%add3A_206, %dma_wait3A_207] : memref<42x128xi32, #tpu.memory_space<vmem>> -> memref<1x128xi32, #tpu.memory_space<vmem>>
      %dma_wait3A_209 = tpu.memref_squeeze %dma_wait3A_208 : memref<1x128xi32, #tpu.memory_space<vmem>> -> memref<128xi32, #tpu.memory_space<vmem>>
      %dma_wait3A_210 = arith.constant 0 : i32
      %dma_wait3A_211 = arith.constant 0 : i32
      %dma_wait3A_212 = tpu.memref_slice %arg4[%dma_wait3A_210, %dma_wait3A_211] : memref<10000x128xf32, #tpu.memory_space<hbm>> -> memref<10000x128xf32, #tpu.memory_space<hbm>>
      tpu.wait_indirect_dma semaphore(%arg16 : memref<!tpu.dma_semaphore, #tpu.memory_space<semaphore_mem>>) src(%dma_wait3A_212 : memref<10000x128xf32, #tpu.memory_space<hbm>>) dst(%arg14 : memref<128x128xf32, #tpu.memory_space<vmem>>)
      %add3A_213 = arith.constant 1 : i32
      %add3A_214 = arith.addi %add3A_195, %add3A_213 : i32
      "tpu.region"() ({
        %run_scoped3A_222 = tpu.sem_alloc : memref<!tpu.dma_semaphore, #tpu.memory_space<semaphore_mem>>
        %dma_start3A_223 = arith.constant 0 : i32
        %dma_start3A_224 = tpu.memref_slice %arg12[%add3A_214, %dma_start3A_223] : memref<42x128xi32, #tpu.memory_space<vmem>> -> memref<1x128xi32, #tpu.memory_space<vmem>>
        %dma_start3A_225 = tpu.memref_squeeze %dma_start3A_224 : memref<1x128xi32, #tpu.memory_space<vmem>> -> memref<128xi32, #tpu.memory_space<vmem>>
        %dma_start3A_226 = arith.constant 0 : i32
        %dma_start3A_227 = arith.constant 0 : i32
        %dma_start3A_228 = tpu.memref_slice %arg17[%dma_start3A_226, %dma_start3A_227] : memref<10240x128xf32, #tpu.memory_space<vmem_shared>> -> memref<10240x128xf32, #tpu.memory_space<vmem_shared>>
        tpu.enqueue_indirect_dma source(%arg14 : memref<128x128xf32, #tpu.memory_space<vmem>>) target(%dma_start3A_228 : memref<10240x128xf32, #tpu.memory_space<vmem_shared>>) offsets(%dma_start3A_225 : memref<128xi32, #tpu.memory_space<vmem>>) semaphore(%run_scoped3A_222 : memref<!tpu.dma_semaphore, #tpu.memory_space<semaphore_mem>>) {add = true}
        %dma_wait3A_229 = arith.constant 0 : i32
        %dma_wait3A_230 = tpu.memref_slice %arg12[%add3A_214, %dma_wait3A_229] : memref<42x128xi32, #tpu.memory_space<vmem>> -> memref<1x128xi32, #tpu.memory_space<vmem>>
        %dma_wait3A_231 = tpu.memref_squeeze %dma_wait3A_230 : memref<1x128xi32, #tpu.memory_space<vmem>> -> memref<128xi32, #tpu.memory_space<vmem>>
        %dma_wait3A_232 = arith.constant 0 : i32
        %dma_wait3A_233 = arith.constant 0 : i32
        %dma_wait3A_234 = tpu.memref_slice %arg17[%dma_wait3A_232, %dma_wait3A_233] : memref<10240x128xf32, #tpu.memory_space<vmem_shared>> -> memref<10240x128xf32, #tpu.memory_space<vmem_shared>>
        tpu.wait_indirect_dma semaphore(%run_scoped3A_222 : memref<!tpu.dma_semaphore, #tpu.memory_space<semaphore_mem>>) src(%arg14 : memref<128x128xf32, #tpu.memory_space<vmem>>) dst(%dma_wait3A_234 : memref<10240x128xf32, #tpu.memory_space<vmem_shared>>)
        tpu.yield
      }) : () -> ()
      %add3A_215 = arith.constant 3 : i32
      %add3A_216 = arith.addi %add3A_195, %add3A_215 : i32
      %lt3A_217 = arith.constant 42 : i32
      %lt3A_218 = arith.cmpi slt, %add3A_216, %lt3A_217 : i32
      %convert_element_type3A_219 = arith.extui %lt3A_218 : i1 to i32
      %cond3A_220 = arith.constant 0 : i32
      %cond3A_221 = arith.cmpi ne, %convert_element_type3A_219, %cond3A_220 : i32
      scf.if %cond3A_221 {
        %add3A_222 = arith.constant 3 : i32
        %add3A_223 = arith.addi %add3A_195, %add3A_222 : i32
        %dma_start3A_224 = arith.constant 0 : i32
        %dma_start3A_225 = tpu.memref_slice %arg11[%add3A_223, %dma_start3A_224] : memref<42x128xi32, #tpu.memory_space<vmem>> -> memref<1x128xi32, #tpu.memory_space<vmem>>
        %dma_start3A_226 = tpu.memref_squeeze %dma_start3A_225 : memref<1x128xi32, #tpu.memory_space<vmem>> -> memref<128xi32, #tpu.memory_space<vmem>>
        %dma_start3A_227 = arith.constant 0 : i32
        %dma_start3A_228 = arith.constant 0 : i32
        %dma_start3A_229 = tpu.memref_slice %arg4[%dma_start3A_227, %dma_start3A_228] : memref<10000x128xf32, #tpu.memory_space<hbm>> -> memref<10000x128xf32, #tpu.memory_space<hbm>>
        tpu.enqueue_indirect_dma source(%dma_start3A_229 : memref<10000x128xf32, #tpu.memory_space<hbm>>) target(%arg14 : memref<128x128xf32, #tpu.memory_space<vmem>>) offsets(%dma_start3A_226 : memref<128xi32, #tpu.memory_space<vmem>>) semaphore(%arg16 : memref<!tpu.dma_semaphore, #tpu.memory_space<semaphore_mem>>)
      } else {
      }
    }
    %scan3A_29 = arith.constant 21 : i32
    %barrier3A_30 = arith.constant 0 : index
    tpu.barrier barrier_id(%barrier3A_30)
    %run_scoped3A = arith.constant 0 : i32
    "tpu.region"() ({
      %run_scoped3A_191 = tpu.sem_alloc : memref<!tpu.dma_semaphore, #tpu.memory_space<semaphore_mem>>
      %dma_start3A_192 = arith.constant 0 : i32
      %dma_start3A_193 = tpu.memref_slice %arg10[%arg0, %run_scoped3A, %mul3A_2, %dma_start3A_192] : memref<2x6x10240x128xf32, #tpu.memory_space<hbm>> -> memref<1x1x640x128xf32, #tpu.memory_space<hbm>>
      %dma_start3A_194 = tpu.memref_squeeze %dma_start3A_193 : memref<1x1x640x128xf32, #tpu.memory_space<hbm>> -> memref<640x128xf32, #tpu.memory_space<hbm>>
      %dma_start3A_195 = arith.constant 0 : i32
      %dma_start3A_196 = tpu.memref_slice %arg17[%mul3A_2, %dma_start3A_195] : memref<10240x128xf32, #tpu.memory_space<vmem_shared>> -> memref<640x128xf32, #tpu.memory_space<vmem_shared>>
      tpu.enqueue_dma source(%dma_start3A_196 : memref<640x128xf32, #tpu.memory_space<vmem_shared>>) target(%dma_start3A_194 : memref<640x128xf32, #tpu.memory_space<hbm>>) target_semaphore(%run_scoped3A_191 : memref<!tpu.dma_semaphore, #tpu.memory_space<semaphore_mem>>)
      %dma_wait3A = arith.constant 0 : i32
      %dma_wait3A_197 = tpu.memref_slice %arg10[%arg0, %run_scoped3A, %mul3A_2, %dma_wait3A] : memref<2x6x10240x128xf32, #tpu.memory_space<hbm>> -> memref<1x1x640x128xf32, #tpu.memory_space<hbm>>
      %dma_wait3A_198 = tpu.memref_squeeze %dma_wait3A_197 : memref<1x1x640x128xf32, #tpu.memory_space<hbm>> -> memref<640x128xf32, #tpu.memory_space<hbm>>
      %dma_wait3A_199 = arith.constant 0 : i32
      %dma_wait3A_200 = tpu.memref_slice %arg17[%mul3A_2, %dma_wait3A_199] : memref<10240x128xf32, #tpu.memory_space<vmem_shared>> -> memref<640x128xf32, #tpu.memory_space<vmem_shared>>
      tpu.wait_dma2 semaphore(%run_scoped3A_191 : memref<!tpu.dma_semaphore, #tpu.memory_space<semaphore_mem>>) src(%dma_wait3A_200 : memref<640x128xf32, #tpu.memory_space<vmem_shared>>) dst(%dma_wait3A_198 : memref<640x128xf32, #tpu.memory_space<hbm>>)
      tpu.yield
    }) : () -> ()
    %scan3A_31 = arith.constant 0 : i32
    %scan3A_32 = arith.constant 128 : i32
    %scan3A_33 = arith.addi %scan3A_31, %scan3A_32 : i32
    %scan3A_34 = arith.constant 1 : i32
    scf.for %scan3A_191 = %scan3A_31 to %scan3A_33 step %scan3A_34  : i32 {
      %mul3A_192 = arith.constant 1 : i32
      %mul3A_193 = arith.muli %scan3A_191, %mul3A_192 : i32
      %add3A_194 = arith.constant 0 : i32
      %add3A_195 = arith.addi %add3A_194, %mul3A_193 : i32
      %scan3A_196 = arith.constant 0 : i32
      %scan3A_197 = arith.constant 8 : i32
      %scan3A_198 = arith.addi %scan3A_196, %scan3A_197 : i32
      %scan3A_199 = arith.constant 1 : i32
      scf.for %scan3A_201 = %scan3A_196 to %scan3A_198 step %scan3A_199  : i32 {
        %mul3A_202 = arith.constant 16 : i32
        %mul3A_203 = arith.muli %scan3A_201, %mul3A_202 : i32
        %add3A_204 = arith.constant 0 : i32
        %add3A_205 = arith.addi %add3A_204, %mul3A_203 : i32
        %broadcast_in_dim3A = arith.constant 0.000000e+00 : f32
        %broadcast_in_dim3A_206 = vector.broadcast %broadcast_in_dim3A : f32 to vector<16xf32>
        %swap3A = arith.index_cast %add3A_195 : i32 to index
        %swap3A_207 = arith.index_cast %add3A_205 : i32 to index
        %swap3A_208 = tpu.vector_load %arg13[%swap3A, %swap3A_207] {strides = array<i32>} : memref<128x128xf32, #tpu.memory_space<vmem>>, vector<1x16xf32>,
        %swap3A_209 = vector.shape_cast %swap3A_208 : vector<1x16xf32> to vector<16xf32>
        %swap3A_210 = vector.shape_cast %broadcast_in_dim3A_206 : vector<16xf32> to vector<1x16xf32>
        tpu.vector_store %arg13[%swap3A, %swap3A_207], %swap3A_210 {strides = array<i32>} : memref<128x128xf32, #tpu.memory_space<vmem>>, vector<1x16xf32>,
      }
      %scan3A_200 = arith.constant 8 : i32
    }
    %scan3A_35 = arith.constant 128 : i32
    %scan3A_36 = arith.constant 0 : i32
    %scan3A_37 = arith.constant 5 : i32
    %scan3A_38 = arith.addi %scan3A_36, %scan3A_37 : i32
    %scan3A_39 = arith.constant 1 : i32
    scf.for %scan3A_191 = %scan3A_36 to %scan3A_38 step %scan3A_39  : i32 {
      %mul3A_192 = arith.constant 1 : i32
      %mul3A_193 = arith.muli %scan3A_191, %mul3A_192 : i32
      %add3A_194 = arith.constant 0 : i32
      %add3A_195 = arith.addi %add3A_194, %mul3A_193 : i32
      %mul3A_196 = arith.constant 128 : i32
      %mul3A_197 = arith.muli %add3A_195, %mul3A_196 : i32
      %add3A_198 = arith.addi %mul3A_2, %mul3A_197 : i32
      "tpu.region"() ({
        %run_scoped3A_199 = tpu.sem_alloc : memref<!tpu.dma_semaphore, #tpu.memory_space<semaphore_mem>>
        %dma_start3A_200 = arith.constant 0 : i32
        %dma_start3A_201 = tpu.memref_slice %arg17[%add3A_198, %dma_start3A_200] : memref<10240x128xf32, #tpu.memory_space<vmem_shared>> -> memref<128x128xf32, #tpu.memory_space<vmem_shared>>
        %dma_start3A_202 = arith.constant 0 : i32
        %dma_start3A_203 = tpu.memref_slice %arg17[%add3A_198, %dma_start3A_202] : memref<10240x128xf32, #tpu.memory_space<vmem_shared>> -> memref<128x128xf32, #tpu.memory_space<vmem_shared>>
        tpu.enqueue_dma source(%arg13 : memref<128x128xf32, #tpu.memory_space<vmem>>) target(%dma_start3A_203 : memref<128x128xf32, #tpu.memory_space<vmem_shared>>) target_semaphore(%run_scoped3A_199 : memref<!tpu.dma_semaphore, #tpu.memory_space<semaphore_mem>>)
        %dma_wait3A = arith.constant 0 : i32
        %dma_wait3A_204 = tpu.memref_slice %arg17[%add3A_198, %dma_wait3A] : memref<10240x128xf32, #tpu.memory_space<vmem_shared>> -> memref<128x128xf32, #tpu.memory_space<vmem_shared>>
        %dma_wait3A_205 = arith.constant 0 : i32
        %dma_wait3A_206 = tpu.memref_slice %arg17[%add3A_198, %dma_wait3A_205] : memref<10240x128xf32, #tpu.memory_space<vmem_shared>> -> memref<128x128xf32, #tpu.memory_space<vmem_shared>>
        tpu.wait_dma2 semaphore(%run_scoped3A_199 : memref<!tpu.dma_semaphore, #tpu.memory_space<semaphore_mem>>) src(%arg13 : memref<128x128xf32, #tpu.memory_space<vmem>>) dst(%dma_wait3A_206 : memref<128x128xf32, #tpu.memory_space<vmem_shared>>)
        tpu.yield
      }) : () -> ()
    }
    %scan3A_40 = arith.constant 5 : i32
    %barrier3A_41 = arith.constant 0 : index
    tpu.barrier barrier_id(%barrier3A_41)
    %dma_start3A_42 = arith.constant 0 : i32
    %dma_start3A_43 = arith.constant 0 : i32
    %dma_start3A_44 = tpu.memref_slice %arg11[%dma_start3A_42, %dma_start3A_43] : memref<42x128xi32, #tpu.memory_space<vmem>> -> memref<1x128xi32, #tpu.memory_space<vmem>>
    %dma_start3A_45 = tpu.memref_squeeze %dma_start3A_44 : memref<1x128xi32, #tpu.memory_space<vmem>> -> memref<128xi32, #tpu.memory_space<vmem>>
    %dma_start3A_46 = arith.constant 0 : i32
    %dma_start3A_47 = arith.constant 0 : i32
    %dma_start3A_48 = tpu.memref_slice %arg5[%dma_start3A_46, %dma_start3A_47] : memref<10000x128xf32, #tpu.memory_space<hbm>> -> memref<10000x128xf32, #tpu.memory_space<hbm>>
    tpu.enqueue_indirect_dma source(%dma_start3A_48 : memref<10000x128xf32, #tpu.memory_space<hbm>>) target(%arg13 : memref<128x128xf32, #tpu.memory_space<vmem>>) offsets(%dma_start3A_45 : memref<128xi32, #tpu.memory_space<vmem>>) semaphore(%arg15 : memref<!tpu.dma_semaphore, #tpu.memory_space<semaphore_mem>>)
    %dma_start3A_49 = arith.constant 1 : i32
    %dma_start3A_50 = arith.constant 0 : i32
    %dma_start3A_51 = tpu.memref_slice %arg11[%dma_start3A_49, %dma_start3A_50] : memref<42x128xi32, #tpu.memory_space<vmem>> -> memref<1x128xi32, #tpu.memory_space<vmem>>
    %dma_start3A_52 = tpu.memref_squeeze %dma_start3A_51 : memref<1x128xi32, #tpu.memory_space<vmem>> -> memref<128xi32, #tpu.memory_space<vmem>>
    %dma_start3A_53 = arith.constant 0 : i32
    %dma_start3A_54 = arith.constant 0 : i32
    %dma_start3A_55 = tpu.memref_slice %arg5[%dma_start3A_53, %dma_start3A_54] : memref<10000x128xf32, #tpu.memory_space<hbm>> -> memref<10000x128xf32, #tpu.memory_space<hbm>>
    tpu.enqueue_indirect_dma source(%dma_start3A_55 : memref<10000x128xf32, #tpu.memory_space<hbm>>) target(%arg14 : memref<128x128xf32, #tpu.memory_space<vmem>>) offsets(%dma_start3A_52 : memref<128xi32, #tpu.memory_space<vmem>>) semaphore(%arg16 : memref<!tpu.dma_semaphore, #tpu.memory_space<semaphore_mem>>)
    %scan3A_56 = arith.constant 0 : i32
    %scan3A_57 = arith.constant 21 : i32
    %scan3A_58 = arith.addi %scan3A_56, %scan3A_57 : i32
    %scan3A_59 = arith.constant 1 : i32
    scf.for %scan3A_191 = %scan3A_56 to %scan3A_58 step %scan3A_59  : i32 {
      %mul3A_192 = arith.constant 2 : i32
      %mul3A_193 = arith.muli %scan3A_191, %mul3A_192 : i32
      %add3A_194 = arith.constant 0 : i32
      %add3A_195 = arith.addi %add3A_194, %mul3A_193 : i32
      %dma_wait3A = arith.constant 0 : i32
      %dma_wait3A_196 = tpu.memref_slice %arg11[%add3A_195, %dma_wait3A] : memref<42x128xi32, #tpu.memory_space<vmem>> -> memref<1x128xi32, #tpu.memory_space<vmem>>
      %dma_wait3A_197 = tpu.memref_squeeze %dma_wait3A_196 : memref<1x128xi32, #tpu.memory_space<vmem>> -> memref<128xi32, #tpu.memory_space<vmem>>
      %dma_wait3A_198 = arith.constant 0 : i32
      %dma_wait3A_199 = arith.constant 0 : i32
      %dma_wait3A_200 = tpu.memref_slice %arg5[%dma_wait3A_198, %dma_wait3A_199] : memref<10000x128xf32, #tpu.memory_space<hbm>> -> memref<10000x128xf32, #tpu.memory_space<hbm>>
      tpu.wait_indirect_dma semaphore(%arg15 : memref<!tpu.dma_semaphore, #tpu.memory_space<semaphore_mem>>) src(%dma_wait3A_200 : memref<10000x128xf32, #tpu.memory_space<hbm>>) dst(%arg13 : memref<128x128xf32, #tpu.memory_space<vmem>>)
      "tpu.region"() ({
        %run_scoped3A_222 = tpu.sem_alloc : memref<!tpu.dma_semaphore, #tpu.memory_space<semaphore_mem>>
        %dma_start3A_223 = arith.constant 0 : i32
        %dma_start3A_224 = tpu.memref_slice %arg12[%add3A_195, %dma_start3A_223] : memref<42x128xi32, #tpu.memory_space<vmem>> -> memref<1x128xi32, #tpu.memory_space<vmem>>
        %dma_start3A_225 = tpu.memref_squeeze %dma_start3A_224 : memref<1x128xi32, #tpu.memory_space<vmem>> -> memref<128xi32, #tpu.memory_space<vmem>>
        %dma_start3A_226 = arith.constant 0 : i32
        %dma_start3A_227 = arith.constant 0 : i32
        %dma_start3A_228 = tpu.memref_slice %arg17[%dma_start3A_226, %dma_start3A_227] : memref<10240x128xf32, #tpu.memory_space<vmem_shared>> -> memref<10240x128xf32, #tpu.memory_space<vmem_shared>>
        tpu.enqueue_indirect_dma source(%arg13 : memref<128x128xf32, #tpu.memory_space<vmem>>) target(%dma_start3A_228 : memref<10240x128xf32, #tpu.memory_space<vmem_shared>>) offsets(%dma_start3A_225 : memref<128xi32, #tpu.memory_space<vmem>>) semaphore(%run_scoped3A_222 : memref<!tpu.dma_semaphore, #tpu.memory_space<semaphore_mem>>) {add = true}
        %dma_wait3A_229 = arith.constant 0 : i32
        %dma_wait3A_230 = tpu.memref_slice %arg12[%add3A_195, %dma_wait3A_229] : memref<42x128xi32, #tpu.memory_space<vmem>> -> memref<1x128xi32, #tpu.memory_space<vmem>>
        %dma_wait3A_231 = tpu.memref_squeeze %dma_wait3A_230 : memref<1x128xi32, #tpu.memory_space<vmem>> -> memref<128xi32, #tpu.memory_space<vmem>>
        %dma_wait3A_232 = arith.constant 0 : i32
        %dma_wait3A_233 = arith.constant 0 : i32
        %dma_wait3A_234 = tpu.memref_slice %arg17[%dma_wait3A_232, %dma_wait3A_233] : memref<10240x128xf32, #tpu.memory_space<vmem_shared>> -> memref<10240x128xf32, #tpu.memory_space<vmem_shared>>
        tpu.wait_indirect_dma semaphore(%run_scoped3A_222 : memref<!tpu.dma_semaphore, #tpu.memory_space<semaphore_mem>>) src(%arg13 : memref<128x128xf32, #tpu.memory_space<vmem>>) dst(%dma_wait3A_234 : memref<10240x128xf32, #tpu.memory_space<vmem_shared>>)
        tpu.yield
      }) : () -> ()
      %add3A_201 = arith.constant 2 : i32
      %add3A_202 = arith.addi %add3A_195, %add3A_201 : i32
      %lt3A = arith.constant 42 : i32
      %lt3A_203 = arith.cmpi slt, %add3A_202, %lt3A : i32
      %convert_element_type3A = arith.extui %lt3A_203 : i1 to i32
      %cond3A = arith.constant 0 : i32
      %cond3A_204 = arith.cmpi ne, %convert_element_type3A, %cond3A : i32
      scf.if %cond3A_204 {
        %add3A_222 = arith.constant 2 : i32
        %add3A_223 = arith.addi %add3A_195, %add3A_222 : i32
        %dma_start3A_224 = arith.constant 0 : i32
        %dma_start3A_225 = tpu.memref_slice %arg11[%add3A_223, %dma_start3A_224] : memref<42x128xi32, #tpu.memory_space<vmem>> -> memref<1x128xi32, #tpu.memory_space<vmem>>
        %dma_start3A_226 = tpu.memref_squeeze %dma_start3A_225 : memref<1x128xi32, #tpu.memory_space<vmem>> -> memref<128xi32, #tpu.memory_space<vmem>>
        %dma_start3A_227 = arith.constant 0 : i32
        %dma_start3A_228 = arith.constant 0 : i32
        %dma_start3A_229 = tpu.memref_slice %arg5[%dma_start3A_227, %dma_start3A_228] : memref<10000x128xf32, #tpu.memory_space<hbm>> -> memref<10000x128xf32, #tpu.memory_space<hbm>>
        tpu.enqueue_indirect_dma source(%dma_start3A_229 : memref<10000x128xf32, #tpu.memory_space<hbm>>) target(%arg13 : memref<128x128xf32, #tpu.memory_space<vmem>>) offsets(%dma_start3A_226 : memref<128xi32, #tpu.memory_space<vmem>>) semaphore(%arg15 : memref<!tpu.dma_semaphore, #tpu.memory_space<semaphore_mem>>)
      } else {
      }
      %add3A_205 = arith.constant 1 : i32
      %add3A_206 = arith.addi %add3A_195, %add3A_205 : i32
      %dma_wait3A_207 = arith.constant 0 : i32
      %dma_wait3A_208 = tpu.memref_slice %arg11[%add3A_206, %dma_wait3A_207] : memref<42x128xi32, #tpu.memory_space<vmem>> -> memref<1x128xi32, #tpu.memory_space<vmem>>
      %dma_wait3A_209 = tpu.memref_squeeze %dma_wait3A_208 : memref<1x128xi32, #tpu.memory_space<vmem>> -> memref<128xi32, #tpu.memory_space<vmem>>
      %dma_wait3A_210 = arith.constant 0 : i32
      %dma_wait3A_211 = arith.constant 0 : i32
      %dma_wait3A_212 = tpu.memref_slice %arg5[%dma_wait3A_210, %dma_wait3A_211] : memref<10000x128xf32, #tpu.memory_space<hbm>> -> memref<10000x128xf32, #tpu.memory_space<hbm>>
      tpu.wait_indirect_dma semaphore(%arg16 : memref<!tpu.dma_semaphore, #tpu.memory_space<semaphore_mem>>) src(%dma_wait3A_212 : memref<10000x128xf32, #tpu.memory_space<hbm>>) dst(%arg14 : memref<128x128xf32, #tpu.memory_space<vmem>>)
      %add3A_213 = arith.constant 1 : i32
      %add3A_214 = arith.addi %add3A_195, %add3A_213 : i32
      "tpu.region"() ({
        %run_scoped3A_222 = tpu.sem_alloc : memref<!tpu.dma_semaphore, #tpu.memory_space<semaphore_mem>>
        %dma_start3A_223 = arith.constant 0 : i32
        %dma_start3A_224 = tpu.memref_slice %arg12[%add3A_214, %dma_start3A_223] : memref<42x128xi32, #tpu.memory_space<vmem>> -> memref<1x128xi32, #tpu.memory_space<vmem>>
        %dma_start3A_225 = tpu.memref_squeeze %dma_start3A_224 : memref<1x128xi32, #tpu.memory_space<vmem>> -> memref<128xi32, #tpu.memory_space<vmem>>
        %dma_start3A_226 = arith.constant 0 : i32
        %dma_start3A_227 = arith.constant 0 : i32
        %dma_start3A_228 = tpu.memref_slice %arg17[%dma_start3A_226, %dma_start3A_227] : memref<10240x128xf32, #tpu.memory_space<vmem_shared>> -> memref<10240x128xf32, #tpu.memory_space<vmem_shared>>
        tpu.enqueue_indirect_dma source(%arg14 : memref<128x128xf32, #tpu.memory_space<vmem>>) target(%dma_start3A_228 : memref<10240x128xf32, #tpu.memory_space<vmem_shared>>) offsets(%dma_start3A_225 : memref<128xi32, #tpu.memory_space<vmem>>) semaphore(%run_scoped3A_222 : memref<!tpu.dma_semaphore, #tpu.memory_space<semaphore_mem>>) {add = true}
        %dma_wait3A_229 = arith.constant 0 : i32
        %dma_wait3A_230 = tpu.memref_slice %arg12[%add3A_214, %dma_wait3A_229] : memref<42x128xi32, #tpu.memory_space<vmem>> -> memref<1x128xi32, #tpu.memory_space<vmem>>
        %dma_wait3A_231 = tpu.memref_squeeze %dma_wait3A_230 : memref<1x128xi32, #tpu.memory_space<vmem>> -> memref<128xi32, #tpu.memory_space<vmem>>
        %dma_wait3A_232 = arith.constant 0 : i32
        %dma_wait3A_233 = arith.constant 0 : i32
        %dma_wait3A_234 = tpu.memref_slice %arg17[%dma_wait3A_232, %dma_wait3A_233] : memref<10240x128xf32, #tpu.memory_space<vmem_shared>> -> memref<10240x128xf32, #tpu.memory_space<vmem_shared>>
        tpu.wait_indirect_dma semaphore(%run_scoped3A_222 : memref<!tpu.dma_semaphore, #tpu.memory_space<semaphore_mem>>) src(%arg14 : memref<128x128xf32, #tpu.memory_space<vmem>>) dst(%dma_wait3A_234 : memref<10240x128xf32, #tpu.memory_space<vmem_shared>>)
        tpu.yield
      }) : () -> ()
      %add3A_215 = arith.constant 3 : i32
      %add3A_216 = arith.addi %add3A_195, %add3A_215 : i32
      %lt3A_217 = arith.constant 42 : i32
      %lt3A_218 = arith.cmpi slt, %add3A_216, %lt3A_217 : i32
      %convert_element_type3A_219 = arith.extui %lt3A_218 : i1 to i32
      %cond3A_220 = arith.constant 0 : i32
      %cond3A_221 = arith.cmpi ne, %convert_element_type3A_219, %cond3A_220 : i32
      scf.if %cond3A_221 {
        %add3A_222 = arith.constant 3 : i32
        %add3A_223 = arith.addi %add3A_195, %add3A_222 : i32
        %dma_start3A_224 = arith.constant 0 : i32
        %dma_start3A_225 = tpu.memref_slice %arg11[%add3A_223, %dma_start3A_224] : memref<42x128xi32, #tpu.memory_space<vmem>> -> memref<1x128xi32, #tpu.memory_space<vmem>>
        %dma_start3A_226 = tpu.memref_squeeze %dma_start3A_225 : memref<1x128xi32, #tpu.memory_space<vmem>> -> memref<128xi32, #tpu.memory_space<vmem>>
        %dma_start3A_227 = arith.constant 0 : i32
        %dma_start3A_228 = arith.constant 0 : i32
        %dma_start3A_229 = tpu.memref_slice %arg5[%dma_start3A_227, %dma_start3A_228] : memref<10000x128xf32, #tpu.memory_space<hbm>> -> memref<10000x128xf32, #tpu.memory_space<hbm>>
        tpu.enqueue_indirect_dma source(%dma_start3A_229 : memref<10000x128xf32, #tpu.memory_space<hbm>>) target(%arg14 : memref<128x128xf32, #tpu.memory_space<vmem>>) offsets(%dma_start3A_226 : memref<128xi32, #tpu.memory_space<vmem>>) semaphore(%arg16 : memref<!tpu.dma_semaphore, #tpu.memory_space<semaphore_mem>>)
      } else {
      }
    }
    %scan3A_60 = arith.constant 21 : i32
    %barrier3A_61 = arith.constant 0 : index
    tpu.barrier barrier_id(%barrier3A_61)
    %run_scoped3A_62 = arith.constant 1 : i32
    "tpu.region"() ({
      %run_scoped3A_191 = tpu.sem_alloc : memref<!tpu.dma_semaphore, #tpu.memory_space<semaphore_mem>>
      %dma_start3A_192 = arith.constant 0 : i32
      %dma_start3A_193 = tpu.memref_slice %arg10[%arg0, %run_scoped3A_62, %mul3A_2, %dma_start3A_192] : memref<2x6x10240x128xf32, #tpu.memory_space<hbm>> -> memref<1x1x640x128xf32, #tpu.memory_space<hbm>>
      %dma_start3A_194 = tpu.memref_squeeze %dma_start3A_193 : memref<1x1x640x128xf32, #tpu.memory_space<hbm>> -> memref<640x128xf32, #tpu.memory_space<hbm>>
      %dma_start3A_195 = arith.constant 0 : i32
      %dma_start3A_196 = tpu.memref_slice %arg17[%mul3A_2, %dma_start3A_195] : memref<10240x128xf32, #tpu.memory_space<vmem_shared>> -> memref<640x128xf32, #tpu.memory_space<vmem_shared>>
      tpu.enqueue_dma source(%dma_start3A_196 : memref<640x128xf32, #tpu.memory_space<vmem_shared>>) target(%dma_start3A_194 : memref<640x128xf32, #tpu.memory_space<hbm>>) target_semaphore(%run_scoped3A_191 : memref<!tpu.dma_semaphore, #tpu.memory_space<semaphore_mem>>)
      %dma_wait3A = arith.constant 0 : i32
      %dma_wait3A_197 = tpu.memref_slice %arg10[%arg0, %run_scoped3A_62, %mul3A_2, %dma_wait3A] : memref<2x6x10240x128xf32, #tpu.memory_space<hbm>> -> memref<1x1x640x128xf32, #tpu.memory_space<hbm>>
      %dma_wait3A_198 = tpu.memref_squeeze %dma_wait3A_197 : memref<1x1x640x128xf32, #tpu.memory_space<hbm>> -> memref<640x128xf32, #tpu.memory_space<hbm>>
      %dma_wait3A_199 = arith.constant 0 : i32
      %dma_wait3A_200 = tpu.memref_slice %arg17[%mul3A_2, %dma_wait3A_199] : memref<10240x128xf32, #tpu.memory_space<vmem_shared>> -> memref<640x128xf32, #tpu.memory_space<vmem_shared>>
      tpu.wait_dma2 semaphore(%run_scoped3A_191 : memref<!tpu.dma_semaphore, #tpu.memory_space<semaphore_mem>>) src(%dma_wait3A_200 : memref<640x128xf32, #tpu.memory_space<vmem_shared>>) dst(%dma_wait3A_198 : memref<640x128xf32, #tpu.memory_space<hbm>>)
      tpu.yield
    }) : () -> ()
    %scan3A_63 = arith.constant 0 : i32
    %scan3A_64 = arith.constant 128 : i32
    %scan3A_65 = arith.addi %scan3A_63, %scan3A_64 : i32
    %scan3A_66 = arith.constant 1 : i32
    scf.for %scan3A_191 = %scan3A_63 to %scan3A_65 step %scan3A_66  : i32 {
      %mul3A_192 = arith.constant 1 : i32
      %mul3A_193 = arith.muli %scan3A_191, %mul3A_192 : i32
      %add3A_194 = arith.constant 0 : i32
      %add3A_195 = arith.addi %add3A_194, %mul3A_193 : i32
      %scan3A_196 = arith.constant 0 : i32
      %scan3A_197 = arith.constant 8 : i32
      %scan3A_198 = arith.addi %scan3A_196, %scan3A_197 : i32
      %scan3A_199 = arith.constant 1 : i32
      scf.for %scan3A_201 = %scan3A_196 to %scan3A_198 step %scan3A_199  : i32 {
        %mul3A_202 = arith.constant 16 : i32
        %mul3A_203 = arith.muli %scan3A_201, %mul3A_202 : i32
        %add3A_204 = arith.constant 0 : i32
        %add3A_205 = arith.addi %add3A_204, %mul3A_203 : i32
        %broadcast_in_dim3A = arith.constant 0.000000e+00 : f32
        %broadcast_in_dim3A_206 = vector.broadcast %broadcast_in_dim3A : f32 to vector<16xf32>
        %swap3A = arith.index_cast %add3A_195 : i32 to index
        %swap3A_207 = arith.index_cast %add3A_205 : i32 to index
        %swap3A_208 = tpu.vector_load %arg13[%swap3A, %swap3A_207] {strides = array<i32>} : memref<128x128xf32, #tpu.memory_space<vmem>>, vector<1x16xf32>,
        %swap3A_209 = vector.shape_cast %swap3A_208 : vector<1x16xf32> to vector<16xf32>
        %swap3A_210 = vector.shape_cast %broadcast_in_dim3A_206 : vector<16xf32> to vector<1x16xf32>
        tpu.vector_store %arg13[%swap3A, %swap3A_207], %swap3A_210 {strides = array<i32>} : memref<128x128xf32, #tpu.memory_space<vmem>>, vector<1x16xf32>,
      }
      %scan3A_200 = arith.constant 8 : i32
    }
    %scan3A_67 = arith.constant 128 : i32
    %scan3A_68 = arith.constant 0 : i32
    %scan3A_69 = arith.constant 5 : i32
    %scan3A_70 = arith.addi %scan3A_68, %scan3A_69 : i32
    %scan3A_71 = arith.constant 1 : i32
    scf.for %scan3A_191 = %scan3A_68 to %scan3A_70 step %scan3A_71  : i32 {
      %mul3A_192 = arith.constant 1 : i32
      %mul3A_193 = arith.muli %scan3A_191, %mul3A_192 : i32
      %add3A_194 = arith.constant 0 : i32
      %add3A_195 = arith.addi %add3A_194, %mul3A_193 : i32
      %mul3A_196 = arith.constant 128 : i32
      %mul3A_197 = arith.muli %add3A_195, %mul3A_196 : i32
      %add3A_198 = arith.addi %mul3A_2, %mul3A_197 : i32
      "tpu.region"() ({
        %run_scoped3A_199 = tpu.sem_alloc : memref<!tpu.dma_semaphore, #tpu.memory_space<semaphore_mem>>
        %dma_start3A_200 = arith.constant 0 : i32
        %dma_start3A_201 = tpu.memref_slice %arg17[%add3A_198, %dma_start3A_200] : memref<10240x128xf32, #tpu.memory_space<vmem_shared>> -> memref<128x128xf32, #tpu.memory_space<vmem_shared>>
        %dma_start3A_202 = arith.constant 0 : i32
        %dma_start3A_203 = tpu.memref_slice %arg17[%add3A_198, %dma_start3A_202] : memref<10240x128xf32, #tpu.memory_space<vmem_shared>> -> memref<128x128xf32, #tpu.memory_space<vmem_shared>>
        tpu.enqueue_dma source(%arg13 : memref<128x128xf32, #tpu.memory_space<vmem>>) target(%dma_start3A_203 : memref<128x128xf32, #tpu.memory_space<vmem_shared>>) target_semaphore(%run_scoped3A_199 : memref<!tpu.dma_semaphore, #tpu.memory_space<semaphore_mem>>)
        %dma_wait3A = arith.constant 0 : i32
        %dma_wait3A_204 = tpu.memref_slice %arg17[%add3A_198, %dma_wait3A] : memref<10240x128xf32, #tpu.memory_space<vmem_shared>> -> memref<128x128xf32, #tpu.memory_space<vmem_shared>>
        %dma_wait3A_205 = arith.constant 0 : i32
        %dma_wait3A_206 = tpu.memref_slice %arg17[%add3A_198, %dma_wait3A_205] : memref<10240x128xf32, #tpu.memory_space<vmem_shared>> -> memref<128x128xf32, #tpu.memory_space<vmem_shared>>
        tpu.wait_dma2 semaphore(%run_scoped3A_199 : memref<!tpu.dma_semaphore, #tpu.memory_space<semaphore_mem>>) src(%arg13 : memref<128x128xf32, #tpu.memory_space<vmem>>) dst(%dma_wait3A_206 : memref<128x128xf32, #tpu.memory_space<vmem_shared>>)
        tpu.yield
      }) : () -> ()
    }
    %scan3A_72 = arith.constant 5 : i32
    %barrier3A_73 = arith.constant 0 : index
    tpu.barrier barrier_id(%barrier3A_73)
    %dma_start3A_74 = arith.constant 0 : i32
    %dma_start3A_75 = arith.constant 0 : i32
    %dma_start3A_76 = tpu.memref_slice %arg11[%dma_start3A_74, %dma_start3A_75] : memref<42x128xi32, #tpu.memory_space<vmem>> -> memref<1x128xi32, #tpu.memory_space<vmem>>
    %dma_start3A_77 = tpu.memref_squeeze %dma_start3A_76 : memref<1x128xi32, #tpu.memory_space<vmem>> -> memref<128xi32, #tpu.memory_space<vmem>>
    %dma_start3A_78 = arith.constant 0 : i32
    %dma_start3A_79 = arith.constant 0 : i32
    %dma_start3A_80 = tpu.memref_slice %arg6[%dma_start3A_78, %dma_start3A_79] : memref<10000x128xf32, #tpu.memory_space<hbm>> -> memref<10000x128xf32, #tpu.memory_space<hbm>>
    tpu.enqueue_indirect_dma source(%dma_start3A_80 : memref<10000x128xf32, #tpu.memory_space<hbm>>) target(%arg13 : memref<128x128xf32, #tpu.memory_space<vmem>>) offsets(%dma_start3A_77 : memref<128xi32, #tpu.memory_space<vmem>>) semaphore(%arg15 : memref<!tpu.dma_semaphore, #tpu.memory_space<semaphore_mem>>)
    %dma_start3A_81 = arith.constant 1 : i32
    %dma_start3A_82 = arith.constant 0 : i32
    %dma_start3A_83 = tpu.memref_slice %arg11[%dma_start3A_81, %dma_start3A_82] : memref<42x128xi32, #tpu.memory_space<vmem>> -> memref<1x128xi32, #tpu.memory_space<vmem>>
    %dma_start3A_84 = tpu.memref_squeeze %dma_start3A_83 : memref<1x128xi32, #tpu.memory_space<vmem>> -> memref<128xi32, #tpu.memory_space<vmem>>
    %dma_start3A_85 = arith.constant 0 : i32
    %dma_start3A_86 = arith.constant 0 : i32
    %dma_start3A_87 = tpu.memref_slice %arg6[%dma_start3A_85, %dma_start3A_86] : memref<10000x128xf32, #tpu.memory_space<hbm>> -> memref<10000x128xf32, #tpu.memory_space<hbm>>
    tpu.enqueue_indirect_dma source(%dma_start3A_87 : memref<10000x128xf32, #tpu.memory_space<hbm>>) target(%arg14 : memref<128x128xf32, #tpu.memory_space<vmem>>) offsets(%dma_start3A_84 : memref<128xi32, #tpu.memory_space<vmem>>) semaphore(%arg16 : memref<!tpu.dma_semaphore, #tpu.memory_space<semaphore_mem>>)
    %scan3A_88 = arith.constant 0 : i32
    %scan3A_89 = arith.constant 21 : i32
    %scan3A_90 = arith.addi %scan3A_88, %scan3A_89 : i32
    %scan3A_91 = arith.constant 1 : i32
    scf.for %scan3A_191 = %scan3A_88 to %scan3A_90 step %scan3A_91  : i32 {
      %mul3A_192 = arith.constant 2 : i32
      %mul3A_193 = arith.muli %scan3A_191, %mul3A_192 : i32
      %add3A_194 = arith.constant 0 : i32
      %add3A_195 = arith.addi %add3A_194, %mul3A_193 : i32
      %dma_wait3A = arith.constant 0 : i32
      %dma_wait3A_196 = tpu.memref_slice %arg11[%add3A_195, %dma_wait3A] : memref<42x128xi32, #tpu.memory_space<vmem>> -> memref<1x128xi32, #tpu.memory_space<vmem>>
      %dma_wait3A_197 = tpu.memref_squeeze %dma_wait3A_196 : memref<1x128xi32, #tpu.memory_space<vmem>> -> memref<128xi32, #tpu.memory_space<vmem>>
      %dma_wait3A_198 = arith.constant 0 : i32
      %dma_wait3A_199 = arith.constant 0 : i32
      %dma_wait3A_200 = tpu.memref_slice %arg6[%dma_wait3A_198, %dma_wait3A_199] : memref<10000x128xf32, #tpu.memory_space<hbm>> -> memref<10000x128xf32, #tpu.memory_space<hbm>>
      tpu.wait_indirect_dma semaphore(%arg15 : memref<!tpu.dma_semaphore, #tpu.memory_space<semaphore_mem>>) src(%dma_wait3A_200 : memref<10000x128xf32, #tpu.memory_space<hbm>>) dst(%arg13 : memref<128x128xf32, #tpu.memory_space<vmem>>)
      "tpu.region"() ({
        %run_scoped3A_222 = tpu.sem_alloc : memref<!tpu.dma_semaphore, #tpu.memory_space<semaphore_mem>>
        %dma_start3A_223 = arith.constant 0 : i32
        %dma_start3A_224 = tpu.memref_slice %arg12[%add3A_195, %dma_start3A_223] : memref<42x128xi32, #tpu.memory_space<vmem>> -> memref<1x128xi32, #tpu.memory_space<vmem>>
        %dma_start3A_225 = tpu.memref_squeeze %dma_start3A_224 : memref<1x128xi32, #tpu.memory_space<vmem>> -> memref<128xi32, #tpu.memory_space<vmem>>
        %dma_start3A_226 = arith.constant 0 : i32
        %dma_start3A_227 = arith.constant 0 : i32
        %dma_start3A_228 = tpu.memref_slice %arg17[%dma_start3A_226, %dma_start3A_227] : memref<10240x128xf32, #tpu.memory_space<vmem_shared>> -> memref<10240x128xf32, #tpu.memory_space<vmem_shared>>
        tpu.enqueue_indirect_dma source(%arg13 : memref<128x128xf32, #tpu.memory_space<vmem>>) target(%dma_start3A_228 : memref<10240x128xf32, #tpu.memory_space<vmem_shared>>) offsets(%dma_start3A_225 : memref<128xi32, #tpu.memory_space<vmem>>) semaphore(%run_scoped3A_222 : memref<!tpu.dma_semaphore, #tpu.memory_space<semaphore_mem>>) {add = true}
        %dma_wait3A_229 = arith.constant 0 : i32
        %dma_wait3A_230 = tpu.memref_slice %arg12[%add3A_195, %dma_wait3A_229] : memref<42x128xi32, #tpu.memory_space<vmem>> -> memref<1x128xi32, #tpu.memory_space<vmem>>
        %dma_wait3A_231 = tpu.memref_squeeze %dma_wait3A_230 : memref<1x128xi32, #tpu.memory_space<vmem>> -> memref<128xi32, #tpu.memory_space<vmem>>
        %dma_wait3A_232 = arith.constant 0 : i32
        %dma_wait3A_233 = arith.constant 0 : i32
        %dma_wait3A_234 = tpu.memref_slice %arg17[%dma_wait3A_232, %dma_wait3A_233] : memref<10240x128xf32, #tpu.memory_space<vmem_shared>> -> memref<10240x128xf32, #tpu.memory_space<vmem_shared>>
        tpu.wait_indirect_dma semaphore(%run_scoped3A_222 : memref<!tpu.dma_semaphore, #tpu.memory_space<semaphore_mem>>) src(%arg13 : memref<128x128xf32, #tpu.memory_space<vmem>>) dst(%dma_wait3A_234 : memref<10240x128xf32, #tpu.memory_space<vmem_shared>>)
        tpu.yield
      }) : () -> ()
      %add3A_201 = arith.constant 2 : i32
      %add3A_202 = arith.addi %add3A_195, %add3A_201 : i32
      %lt3A = arith.constant 42 : i32
      %lt3A_203 = arith.cmpi slt, %add3A_202, %lt3A : i32
      %convert_element_type3A = arith.extui %lt3A_203 : i1 to i32
      %cond3A = arith.constant 0 : i32
      %cond3A_204 = arith.cmpi ne, %convert_element_type3A, %cond3A : i32
      scf.if %cond3A_204 {
        %add3A_222 = arith.constant 2 : i32
        %add3A_223 = arith.addi %add3A_195, %add3A_222 : i32
        %dma_start3A_224 = arith.constant 0 : i32
        %dma_start3A_225 = tpu.memref_slice %arg11[%add3A_223, %dma_start3A_224] : memref<42x128xi32, #tpu.memory_space<vmem>> -> memref<1x128xi32, #tpu.memory_space<vmem>>
        %dma_start3A_226 = tpu.memref_squeeze %dma_start3A_225 : memref<1x128xi32, #tpu.memory_space<vmem>> -> memref<128xi32, #tpu.memory_space<vmem>>
        %dma_start3A_227 = arith.constant 0 : i32
        %dma_start3A_228 = arith.constant 0 : i32
        %dma_start3A_229 = tpu.memref_slice %arg6[%dma_start3A_227, %dma_start3A_228] : memref<10000x128xf32, #tpu.memory_space<hbm>> -> memref<10000x128xf32, #tpu.memory_space<hbm>>
        tpu.enqueue_indirect_dma source(%dma_start3A_229 : memref<10000x128xf32, #tpu.memory_space<hbm>>) target(%arg13 : memref<128x128xf32, #tpu.memory_space<vmem>>) offsets(%dma_start3A_226 : memref<128xi32, #tpu.memory_space<vmem>>) semaphore(%arg15 : memref<!tpu.dma_semaphore, #tpu.memory_space<semaphore_mem>>)
      } else {
      }
      %add3A_205 = arith.constant 1 : i32
      %add3A_206 = arith.addi %add3A_195, %add3A_205 : i32
      %dma_wait3A_207 = arith.constant 0 : i32
      %dma_wait3A_208 = tpu.memref_slice %arg11[%add3A_206, %dma_wait3A_207] : memref<42x128xi32, #tpu.memory_space<vmem>> -> memref<1x128xi32, #tpu.memory_space<vmem>>
      %dma_wait3A_209 = tpu.memref_squeeze %dma_wait3A_208 : memref<1x128xi32, #tpu.memory_space<vmem>> -> memref<128xi32, #tpu.memory_space<vmem>>
      %dma_wait3A_210 = arith.constant 0 : i32
      %dma_wait3A_211 = arith.constant 0 : i32
      %dma_wait3A_212 = tpu.memref_slice %arg6[%dma_wait3A_210, %dma_wait3A_211] : memref<10000x128xf32, #tpu.memory_space<hbm>> -> memref<10000x128xf32, #tpu.memory_space<hbm>>
      tpu.wait_indirect_dma semaphore(%arg16 : memref<!tpu.dma_semaphore, #tpu.memory_space<semaphore_mem>>) src(%dma_wait3A_212 : memref<10000x128xf32, #tpu.memory_space<hbm>>) dst(%arg14 : memref<128x128xf32, #tpu.memory_space<vmem>>)
      %add3A_213 = arith.constant 1 : i32
      %add3A_214 = arith.addi %add3A_195, %add3A_213 : i32
      "tpu.region"() ({
        %run_scoped3A_222 = tpu.sem_alloc : memref<!tpu.dma_semaphore, #tpu.memory_space<semaphore_mem>>
        %dma_start3A_223 = arith.constant 0 : i32
        %dma_start3A_224 = tpu.memref_slice %arg12[%add3A_214, %dma_start3A_223] : memref<42x128xi32, #tpu.memory_space<vmem>> -> memref<1x128xi32, #tpu.memory_space<vmem>>
        %dma_start3A_225 = tpu.memref_squeeze %dma_start3A_224 : memref<1x128xi32, #tpu.memory_space<vmem>> -> memref<128xi32, #tpu.memory_space<vmem>>
        %dma_start3A_226 = arith.constant 0 : i32
        %dma_start3A_227 = arith.constant 0 : i32
        %dma_start3A_228 = tpu.memref_slice %arg17[%dma_start3A_226, %dma_start3A_227] : memref<10240x128xf32, #tpu.memory_space<vmem_shared>> -> memref<10240x128xf32, #tpu.memory_space<vmem_shared>>
        tpu.enqueue_indirect_dma source(%arg14 : memref<128x128xf32, #tpu.memory_space<vmem>>) target(%dma_start3A_228 : memref<10240x128xf32, #tpu.memory_space<vmem_shared>>) offsets(%dma_start3A_225 : memref<128xi32, #tpu.memory_space<vmem>>) semaphore(%run_scoped3A_222 : memref<!tpu.dma_semaphore, #tpu.memory_space<semaphore_mem>>) {add = true}
        %dma_wait3A_229 = arith.constant 0 : i32
        %dma_wait3A_230 = tpu.memref_slice %arg12[%add3A_214, %dma_wait3A_229] : memref<42x128xi32, #tpu.memory_space<vmem>> -> memref<1x128xi32, #tpu.memory_space<vmem>>
        %dma_wait3A_231 = tpu.memref_squeeze %dma_wait3A_230 : memref<1x128xi32, #tpu.memory_space<vmem>> -> memref<128xi32, #tpu.memory_space<vmem>>
        %dma_wait3A_232 = arith.constant 0 : i32
        %dma_wait3A_233 = arith.constant 0 : i32
        %dma_wait3A_234 = tpu.memref_slice %arg17[%dma_wait3A_232, %dma_wait3A_233] : memref<10240x128xf32, #tpu.memory_space<vmem_shared>> -> memref<10240x128xf32, #tpu.memory_space<vmem_shared>>
        tpu.wait_indirect_dma semaphore(%run_scoped3A_222 : memref<!tpu.dma_semaphore, #tpu.memory_space<semaphore_mem>>) src(%arg14 : memref<128x128xf32, #tpu.memory_space<vmem>>) dst(%dma_wait3A_234 : memref<10240x128xf32, #tpu.memory_space<vmem_shared>>)
        tpu.yield
      }) : () -> ()
      %add3A_215 = arith.constant 3 : i32
      %add3A_216 = arith.addi %add3A_195, %add3A_215 : i32
      %lt3A_217 = arith.constant 42 : i32
      %lt3A_218 = arith.cmpi slt, %add3A_216, %lt3A_217 : i32
      %convert_element_type3A_219 = arith.extui %lt3A_218 : i1 to i32
      %cond3A_220 = arith.constant 0 : i32
      %cond3A_221 = arith.cmpi ne, %convert_element_type3A_219, %cond3A_220 : i32
      scf.if %cond3A_221 {
        %add3A_222 = arith.constant 3 : i32
        %add3A_223 = arith.addi %add3A_195, %add3A_222 : i32
        %dma_start3A_224 = arith.constant 0 : i32
        %dma_start3A_225 = tpu.memref_slice %arg11[%add3A_223, %dma_start3A_224] : memref<42x128xi32, #tpu.memory_space<vmem>> -> memref<1x128xi32, #tpu.memory_space<vmem>>
        %dma_start3A_226 = tpu.memref_squeeze %dma_start3A_225 : memref<1x128xi32, #tpu.memory_space<vmem>> -> memref<128xi32, #tpu.memory_space<vmem>>
        %dma_start3A_227 = arith.constant 0 : i32
        %dma_start3A_228 = arith.constant 0 : i32
        %dma_start3A_229 = tpu.memref_slice %arg6[%dma_start3A_227, %dma_start3A_228] : memref<10000x128xf32, #tpu.memory_space<hbm>> -> memref<10000x128xf32, #tpu.memory_space<hbm>>
        tpu.enqueue_indirect_dma source(%dma_start3A_229 : memref<10000x128xf32, #tpu.memory_space<hbm>>) target(%arg14 : memref<128x128xf32, #tpu.memory_space<vmem>>) offsets(%dma_start3A_226 : memref<128xi32, #tpu.memory_space<vmem>>) semaphore(%arg16 : memref<!tpu.dma_semaphore, #tpu.memory_space<semaphore_mem>>)
      } else {
      }
    }
    %scan3A_92 = arith.constant 21 : i32
    %barrier3A_93 = arith.constant 0 : index
    tpu.barrier barrier_id(%barrier3A_93)
    %run_scoped3A_94 = arith.constant 2 : i32
    "tpu.region"() ({
      %run_scoped3A_191 = tpu.sem_alloc : memref<!tpu.dma_semaphore, #tpu.memory_space<semaphore_mem>>
      %dma_start3A_192 = arith.constant 0 : i32
      %dma_start3A_193 = tpu.memref_slice %arg10[%arg0, %run_scoped3A_94, %mul3A_2, %dma_start3A_192] : memref<2x6x10240x128xf32, #tpu.memory_space<hbm>> -> memref<1x1x640x128xf32, #tpu.memory_space<hbm>>
      %dma_start3A_194 = tpu.memref_squeeze %dma_start3A_193 : memref<1x1x640x128xf32, #tpu.memory_space<hbm>> -> memref<640x128xf32, #tpu.memory_space<hbm>>
      %dma_start3A_195 = arith.constant 0 : i32
      %dma_start3A_196 = tpu.memref_slice %arg17[%mul3A_2, %dma_start3A_195] : memref<10240x128xf32, #tpu.memory_space<vmem_shared>> -> memref<640x128xf32, #tpu.memory_space<vmem_shared>>
      tpu.enqueue_dma source(%dma_start3A_196 : memref<640x128xf32, #tpu.memory_space<vmem_shared>>) target(%dma_start3A_194 : memref<640x128xf32, #tpu.memory_space<hbm>>) target_semaphore(%run_scoped3A_191 : memref<!tpu.dma_semaphore, #tpu.memory_space<semaphore_mem>>)
      %dma_wait3A = arith.constant 0 : i32
      %dma_wait3A_197 = tpu.memref_slice %arg10[%arg0, %run_scoped3A_94, %mul3A_2, %dma_wait3A] : memref<2x6x10240x128xf32, #tpu.memory_space<hbm>> -> memref<1x1x640x128xf32, #tpu.memory_space<hbm>>
      %dma_wait3A_198 = tpu.memref_squeeze %dma_wait3A_197 : memref<1x1x640x128xf32, #tpu.memory_space<hbm>> -> memref<640x128xf32, #tpu.memory_space<hbm>>
      %dma_wait3A_199 = arith.constant 0 : i32
      %dma_wait3A_200 = tpu.memref_slice %arg17[%mul3A_2, %dma_wait3A_199] : memref<10240x128xf32, #tpu.memory_space<vmem_shared>> -> memref<640x128xf32, #tpu.memory_space<vmem_shared>>
      tpu.wait_dma2 semaphore(%run_scoped3A_191 : memref<!tpu.dma_semaphore, #tpu.memory_space<semaphore_mem>>) src(%dma_wait3A_200 : memref<640x128xf32, #tpu.memory_space<vmem_shared>>) dst(%dma_wait3A_198 : memref<640x128xf32, #tpu.memory_space<hbm>>)
      tpu.yield
    }) : () -> ()
    %scan3A_95 = arith.constant 0 : i32
    %scan3A_96 = arith.constant 128 : i32
    %scan3A_97 = arith.addi %scan3A_95, %scan3A_96 : i32
    %scan3A_98 = arith.constant 1 : i32
    scf.for %scan3A_191 = %scan3A_95 to %scan3A_97 step %scan3A_98  : i32 {
      %mul3A_192 = arith.constant 1 : i32
      %mul3A_193 = arith.muli %scan3A_191, %mul3A_192 : i32
      %add3A_194 = arith.constant 0 : i32
      %add3A_195 = arith.addi %add3A_194, %mul3A_193 : i32
      %scan3A_196 = arith.constant 0 : i32
      %scan3A_197 = arith.constant 8 : i32
      %scan3A_198 = arith.addi %scan3A_196, %scan3A_197 : i32
      %scan3A_199 = arith.constant 1 : i32
      scf.for %scan3A_201 = %scan3A_196 to %scan3A_198 step %scan3A_199  : i32 {
        %mul3A_202 = arith.constant 16 : i32
        %mul3A_203 = arith.muli %scan3A_201, %mul3A_202 : i32
        %add3A_204 = arith.constant 0 : i32
        %add3A_205 = arith.addi %add3A_204, %mul3A_203 : i32
        %broadcast_in_dim3A = arith.constant 0.000000e+00 : f32
        %broadcast_in_dim3A_206 = vector.broadcast %broadcast_in_dim3A : f32 to vector<16xf32>
        %swap3A = arith.index_cast %add3A_195 : i32 to index
        %swap3A_207 = arith.index_cast %add3A_205 : i32 to index
        %swap3A_208 = tpu.vector_load %arg13[%swap3A, %swap3A_207] {strides = array<i32>} : memref<128x128xf32, #tpu.memory_space<vmem>>, vector<1x16xf32>,
        %swap3A_209 = vector.shape_cast %swap3A_208 : vector<1x16xf32> to vector<16xf32>
        %swap3A_210 = vector.shape_cast %broadcast_in_dim3A_206 : vector<16xf32> to vector<1x16xf32>
        tpu.vector_store %arg13[%swap3A, %swap3A_207], %swap3A_210 {strides = array<i32>} : memref<128x128xf32, #tpu.memory_space<vmem>>, vector<1x16xf32>,
      }
      %scan3A_200 = arith.constant 8 : i32
    }
    %scan3A_99 = arith.constant 128 : i32
    %scan3A_100 = arith.constant 0 : i32
    %scan3A_101 = arith.constant 5 : i32
    %scan3A_102 = arith.addi %scan3A_100, %scan3A_101 : i32
    %scan3A_103 = arith.constant 1 : i32
    scf.for %scan3A_191 = %scan3A_100 to %scan3A_102 step %scan3A_103  : i32 {
      %mul3A_192 = arith.constant 1 : i32
      %mul3A_193 = arith.muli %scan3A_191, %mul3A_192 : i32
      %add3A_194 = arith.constant 0 : i32
      %add3A_195 = arith.addi %add3A_194, %mul3A_193 : i32
      %mul3A_196 = arith.constant 128 : i32
      %mul3A_197 = arith.muli %add3A_195, %mul3A_196 : i32
      %add3A_198 = arith.addi %mul3A_2, %mul3A_197 : i32
      "tpu.region"() ({
        %run_scoped3A_199 = tpu.sem_alloc : memref<!tpu.dma_semaphore, #tpu.memory_space<semaphore_mem>>
        %dma_start3A_200 = arith.constant 0 : i32
        %dma_start3A_201 = tpu.memref_slice %arg17[%add3A_198, %dma_start3A_200] : memref<10240x128xf32, #tpu.memory_space<vmem_shared>> -> memref<128x128xf32, #tpu.memory_space<vmem_shared>>
        %dma_start3A_202 = arith.constant 0 : i32
        %dma_start3A_203 = tpu.memref_slice %arg17[%add3A_198, %dma_start3A_202] : memref<10240x128xf32, #tpu.memory_space<vmem_shared>> -> memref<128x128xf32, #tpu.memory_space<vmem_shared>>
        tpu.enqueue_dma source(%arg13 : memref<128x128xf32, #tpu.memory_space<vmem>>) target(%dma_start3A_203 : memref<128x128xf32, #tpu.memory_space<vmem_shared>>) target_semaphore(%run_scoped3A_199 : memref<!tpu.dma_semaphore, #tpu.memory_space<semaphore_mem>>)
        %dma_wait3A = arith.constant 0 : i32
        %dma_wait3A_204 = tpu.memref_slice %arg17[%add3A_198, %dma_wait3A] : memref<10240x128xf32, #tpu.memory_space<vmem_shared>> -> memref<128x128xf32, #tpu.memory_space<vmem_shared>>
        %dma_wait3A_205 = arith.constant 0 : i32
        %dma_wait3A_206 = tpu.memref_slice %arg17[%add3A_198, %dma_wait3A_205] : memref<10240x128xf32, #tpu.memory_space<vmem_shared>> -> memref<128x128xf32, #tpu.memory_space<vmem_shared>>
        tpu.wait_dma2 semaphore(%run_scoped3A_199 : memref<!tpu.dma_semaphore, #tpu.memory_space<semaphore_mem>>) src(%arg13 : memref<128x128xf32, #tpu.memory_space<vmem>>) dst(%dma_wait3A_206 : memref<128x128xf32, #tpu.memory_space<vmem_shared>>)
        tpu.yield
      }) : () -> ()
    }
    %scan3A_104 = arith.constant 5 : i32
    %barrier3A_105 = arith.constant 0 : index
    tpu.barrier barrier_id(%barrier3A_105)
    %dma_start3A_106 = arith.constant 0 : i32
    %dma_start3A_107 = arith.constant 0 : i32
    %dma_start3A_108 = tpu.memref_slice %arg11[%dma_start3A_106, %dma_start3A_107] : memref<42x128xi32, #tpu.memory_space<vmem>> -> memref<1x128xi32, #tpu.memory_space<vmem>>
    %dma_start3A_109 = tpu.memref_squeeze %dma_start3A_108 : memref<1x128xi32, #tpu.memory_space<vmem>> -> memref<128xi32, #tpu.memory_space<vmem>>
    %dma_start3A_110 = arith.constant 0 : i32
    %dma_start3A_111 = arith.constant 0 : i32
    %dma_start3A_112 = tpu.memref_slice %arg7[%dma_start3A_110, %dma_start3A_111] : memref<10000x128xf32, #tpu.memory_space<hbm>> -> memref<10000x128xf32, #tpu.memory_space<hbm>>
    tpu.enqueue_indirect_dma source(%dma_start3A_112 : memref<10000x128xf32, #tpu.memory_space<hbm>>) target(%arg13 : memref<128x128xf32, #tpu.memory_space<vmem>>) offsets(%dma_start3A_109 : memref<128xi32, #tpu.memory_space<vmem>>) semaphore(%arg15 : memref<!tpu.dma_semaphore, #tpu.memory_space<semaphore_mem>>)
    %dma_start3A_113 = arith.constant 1 : i32
    %dma_start3A_114 = arith.constant 0 : i32
    %dma_start3A_115 = tpu.memref_slice %arg11[%dma_start3A_113, %dma_start3A_114] : memref<42x128xi32, #tpu.memory_space<vmem>> -> memref<1x128xi32, #tpu.memory_space<vmem>>
    %dma_start3A_116 = tpu.memref_squeeze %dma_start3A_115 : memref<1x128xi32, #tpu.memory_space<vmem>> -> memref<128xi32, #tpu.memory_space<vmem>>
    %dma_start3A_117 = arith.constant 0 : i32
    %dma_start3A_118 = arith.constant 0 : i32
    %dma_start3A_119 = tpu.memref_slice %arg7[%dma_start3A_117, %dma_start3A_118] : memref<10000x128xf32, #tpu.memory_space<hbm>> -> memref<10000x128xf32, #tpu.memory_space<hbm>>
    tpu.enqueue_indirect_dma source(%dma_start3A_119 : memref<10000x128xf32, #tpu.memory_space<hbm>>) target(%arg14 : memref<128x128xf32, #tpu.memory_space<vmem>>) offsets(%dma_start3A_116 : memref<128xi32, #tpu.memory_space<vmem>>) semaphore(%arg16 : memref<!tpu.dma_semaphore, #tpu.memory_space<semaphore_mem>>)
    %scan3A_120 = arith.constant 0 : i32
    %scan3A_121 = arith.constant 21 : i32
    %scan3A_122 = arith.addi %scan3A_120, %scan3A_121 : i32
    %scan3A_123 = arith.constant 1 : i32
    scf.for %scan3A_191 = %scan3A_120 to %scan3A_122 step %scan3A_123  : i32 {
      %mul3A_192 = arith.constant 2 : i32
      %mul3A_193 = arith.muli %scan3A_191, %mul3A_192 : i32
      %add3A_194 = arith.constant 0 : i32
      %add3A_195 = arith.addi %add3A_194, %mul3A_193 : i32
      %dma_wait3A = arith.constant 0 : i32
      %dma_wait3A_196 = tpu.memref_slice %arg11[%add3A_195, %dma_wait3A] : memref<42x128xi32, #tpu.memory_space<vmem>> -> memref<1x128xi32, #tpu.memory_space<vmem>>
      %dma_wait3A_197 = tpu.memref_squeeze %dma_wait3A_196 : memref<1x128xi32, #tpu.memory_space<vmem>> -> memref<128xi32, #tpu.memory_space<vmem>>
      %dma_wait3A_198 = arith.constant 0 : i32
      %dma_wait3A_199 = arith.constant 0 : i32
      %dma_wait3A_200 = tpu.memref_slice %arg7[%dma_wait3A_198, %dma_wait3A_199] : memref<10000x128xf32, #tpu.memory_space<hbm>> -> memref<10000x128xf32, #tpu.memory_space<hbm>>
      tpu.wait_indirect_dma semaphore(%arg15 : memref<!tpu.dma_semaphore, #tpu.memory_space<semaphore_mem>>) src(%dma_wait3A_200 : memref<10000x128xf32, #tpu.memory_space<hbm>>) dst(%arg13 : memref<128x128xf32, #tpu.memory_space<vmem>>)
      "tpu.region"() ({
        %run_scoped3A_222 = tpu.sem_alloc : memref<!tpu.dma_semaphore, #tpu.memory_space<semaphore_mem>>
        %dma_start3A_223 = arith.constant 0 : i32
        %dma_start3A_224 = tpu.memref_slice %arg12[%add3A_195, %dma_start3A_223] : memref<42x128xi32, #tpu.memory_space<vmem>> -> memref<1x128xi32, #tpu.memory_space<vmem>>
        %dma_start3A_225 = tpu.memref_squeeze %dma_start3A_224 : memref<1x128xi32, #tpu.memory_space<vmem>> -> memref<128xi32, #tpu.memory_space<vmem>>
        %dma_start3A_226 = arith.constant 0 : i32
        %dma_start3A_227 = arith.constant 0 : i32
        %dma_start3A_228 = tpu.memref_slice %arg17[%dma_start3A_226, %dma_start3A_227] : memref<10240x128xf32, #tpu.memory_space<vmem_shared>> -> memref<10240x128xf32, #tpu.memory_space<vmem_shared>>
        tpu.enqueue_indirect_dma source(%arg13 : memref<128x128xf32, #tpu.memory_space<vmem>>) target(%dma_start3A_228 : memref<10240x128xf32, #tpu.memory_space<vmem_shared>>) offsets(%dma_start3A_225 : memref<128xi32, #tpu.memory_space<vmem>>) semaphore(%run_scoped3A_222 : memref<!tpu.dma_semaphore, #tpu.memory_space<semaphore_mem>>) {add = true}
        %dma_wait3A_229 = arith.constant 0 : i32
        %dma_wait3A_230 = tpu.memref_slice %arg12[%add3A_195, %dma_wait3A_229] : memref<42x128xi32, #tpu.memory_space<vmem>> -> memref<1x128xi32, #tpu.memory_space<vmem>>
        %dma_wait3A_231 = tpu.memref_squeeze %dma_wait3A_230 : memref<1x128xi32, #tpu.memory_space<vmem>> -> memref<128xi32, #tpu.memory_space<vmem>>
        %dma_wait3A_232 = arith.constant 0 : i32
        %dma_wait3A_233 = arith.constant 0 : i32
        %dma_wait3A_234 = tpu.memref_slice %arg17[%dma_wait3A_232, %dma_wait3A_233] : memref<10240x128xf32, #tpu.memory_space<vmem_shared>> -> memref<10240x128xf32, #tpu.memory_space<vmem_shared>>
        tpu.wait_indirect_dma semaphore(%run_scoped3A_222 : memref<!tpu.dma_semaphore, #tpu.memory_space<semaphore_mem>>) src(%arg13 : memref<128x128xf32, #tpu.memory_space<vmem>>) dst(%dma_wait3A_234 : memref<10240x128xf32, #tpu.memory_space<vmem_shared>>)
        tpu.yield
      }) : () -> ()
      %add3A_201 = arith.constant 2 : i32
      %add3A_202 = arith.addi %add3A_195, %add3A_201 : i32
      %lt3A = arith.constant 42 : i32
      %lt3A_203 = arith.cmpi slt, %add3A_202, %lt3A : i32
      %convert_element_type3A = arith.extui %lt3A_203 : i1 to i32
      %cond3A = arith.constant 0 : i32
      %cond3A_204 = arith.cmpi ne, %convert_element_type3A, %cond3A : i32
      scf.if %cond3A_204 {
        %add3A_222 = arith.constant 2 : i32
        %add3A_223 = arith.addi %add3A_195, %add3A_222 : i32
        %dma_start3A_224 = arith.constant 0 : i32
        %dma_start3A_225 = tpu.memref_slice %arg11[%add3A_223, %dma_start3A_224] : memref<42x128xi32, #tpu.memory_space<vmem>> -> memref<1x128xi32, #tpu.memory_space<vmem>>
        %dma_start3A_226 = tpu.memref_squeeze %dma_start3A_225 : memref<1x128xi32, #tpu.memory_space<vmem>> -> memref<128xi32, #tpu.memory_space<vmem>>
        %dma_start3A_227 = arith.constant 0 : i32
        %dma_start3A_228 = arith.constant 0 : i32
        %dma_start3A_229 = tpu.memref_slice %arg7[%dma_start3A_227, %dma_start3A_228] : memref<10000x128xf32, #tpu.memory_space<hbm>> -> memref<10000x128xf32, #tpu.memory_space<hbm>>
        tpu.enqueue_indirect_dma source(%dma_start3A_229 : memref<10000x128xf32, #tpu.memory_space<hbm>>) target(%arg13 : memref<128x128xf32, #tpu.memory_space<vmem>>) offsets(%dma_start3A_226 : memref<128xi32, #tpu.memory_space<vmem>>) semaphore(%arg15 : memref<!tpu.dma_semaphore, #tpu.memory_space<semaphore_mem>>)
      } else {
      }
      %add3A_205 = arith.constant 1 : i32
      %add3A_206 = arith.addi %add3A_195, %add3A_205 : i32
      %dma_wait3A_207 = arith.constant 0 : i32
      %dma_wait3A_208 = tpu.memref_slice %arg11[%add3A_206, %dma_wait3A_207] : memref<42x128xi32, #tpu.memory_space<vmem>> -> memref<1x128xi32, #tpu.memory_space<vmem>>
      %dma_wait3A_209 = tpu.memref_squeeze %dma_wait3A_208 : memref<1x128xi32, #tpu.memory_space<vmem>> -> memref<128xi32, #tpu.memory_space<vmem>>
      %dma_wait3A_210 = arith.constant 0 : i32
      %dma_wait3A_211 = arith.constant 0 : i32
      %dma_wait3A_212 = tpu.memref_slice %arg7[%dma_wait3A_210, %dma_wait3A_211] : memref<10000x128xf32, #tpu.memory_space<hbm>> -> memref<10000x128xf32, #tpu.memory_space<hbm>>
      tpu.wait_indirect_dma semaphore(%arg16 : memref<!tpu.dma_semaphore, #tpu.memory_space<semaphore_mem>>) src(%dma_wait3A_212 : memref<10000x128xf32, #tpu.memory_space<hbm>>) dst(%arg14 : memref<128x128xf32, #tpu.memory_space<vmem>>)
      %add3A_213 = arith.constant 1 : i32
      %add3A_214 = arith.addi %add3A_195, %add3A_213 : i32
      "tpu.region"() ({
        %run_scoped3A_222 = tpu.sem_alloc : memref<!tpu.dma_semaphore, #tpu.memory_space<semaphore_mem>>
        %dma_start3A_223 = arith.constant 0 : i32
        %dma_start3A_224 = tpu.memref_slice %arg12[%add3A_214, %dma_start3A_223] : memref<42x128xi32, #tpu.memory_space<vmem>> -> memref<1x128xi32, #tpu.memory_space<vmem>>
        %dma_start3A_225 = tpu.memref_squeeze %dma_start3A_224 : memref<1x128xi32, #tpu.memory_space<vmem>> -> memref<128xi32, #tpu.memory_space<vmem>>
        %dma_start3A_226 = arith.constant 0 : i32
        %dma_start3A_227 = arith.constant 0 : i32
        %dma_start3A_228 = tpu.memref_slice %arg17[%dma_start3A_226, %dma_start3A_227] : memref<10240x128xf32, #tpu.memory_space<vmem_shared>> -> memref<10240x128xf32, #tpu.memory_space<vmem_shared>>
        tpu.enqueue_indirect_dma source(%arg14 : memref<128x128xf32, #tpu.memory_space<vmem>>) target(%dma_start3A_228 : memref<10240x128xf32, #tpu.memory_space<vmem_shared>>) offsets(%dma_start3A_225 : memref<128xi32, #tpu.memory_space<vmem>>) semaphore(%run_scoped3A_222 : memref<!tpu.dma_semaphore, #tpu.memory_space<semaphore_mem>>) {add = true}
        %dma_wait3A_229 = arith.constant 0 : i32
        %dma_wait3A_230 = tpu.memref_slice %arg12[%add3A_214, %dma_wait3A_229] : memref<42x128xi32, #tpu.memory_space<vmem>> -> memref<1x128xi32, #tpu.memory_space<vmem>>
        %dma_wait3A_231 = tpu.memref_squeeze %dma_wait3A_230 : memref<1x128xi32, #tpu.memory_space<vmem>> -> memref<128xi32, #tpu.memory_space<vmem>>
        %dma_wait3A_232 = arith.constant 0 : i32
        %dma_wait3A_233 = arith.constant 0 : i32
        %dma_wait3A_234 = tpu.memref_slice %arg17[%dma_wait3A_232, %dma_wait3A_233] : memref<10240x128xf32, #tpu.memory_space<vmem_shared>> -> memref<10240x128xf32, #tpu.memory_space<vmem_shared>>
        tpu.wait_indirect_dma semaphore(%run_scoped3A_222 : memref<!tpu.dma_semaphore, #tpu.memory_space<semaphore_mem>>) src(%arg14 : memref<128x128xf32, #tpu.memory_space<vmem>>) dst(%dma_wait3A_234 : memref<10240x128xf32, #tpu.memory_space<vmem_shared>>)
        tpu.yield
      }) : () -> ()
      %add3A_215 = arith.constant 3 : i32
      %add3A_216 = arith.addi %add3A_195, %add3A_215 : i32
      %lt3A_217 = arith.constant 42 : i32
      %lt3A_218 = arith.cmpi slt, %add3A_216, %lt3A_217 : i32
      %convert_element_type3A_219 = arith.extui %lt3A_218 : i1 to i32
      %cond3A_220 = arith.constant 0 : i32
      %cond3A_221 = arith.cmpi ne, %convert_element_type3A_219, %cond3A_220 : i32
      scf.if %cond3A_221 {
        %add3A_222 = arith.constant 3 : i32
        %add3A_223 = arith.addi %add3A_195, %add3A_222 : i32
        %dma_start3A_224 = arith.constant 0 : i32
        %dma_start3A_225 = tpu.memref_slice %arg11[%add3A_223, %dma_start3A_224] : memref<42x128xi32, #tpu.memory_space<vmem>> -> memref<1x128xi32, #tpu.memory_space<vmem>>
        %dma_start3A_226 = tpu.memref_squeeze %dma_start3A_225 : memref<1x128xi32, #tpu.memory_space<vmem>> -> memref<128xi32, #tpu.memory_space<vmem>>
        %dma_start3A_227 = arith.constant 0 : i32
        %dma_start3A_228 = arith.constant 0 : i32
        %dma_start3A_229 = tpu.memref_slice %arg7[%dma_start3A_227, %dma_start3A_228] : memref<10000x128xf32, #tpu.memory_space<hbm>> -> memref<10000x128xf32, #tpu.memory_space<hbm>>
        tpu.enqueue_indirect_dma source(%dma_start3A_229 : memref<10000x128xf32, #tpu.memory_space<hbm>>) target(%arg14 : memref<128x128xf32, #tpu.memory_space<vmem>>) offsets(%dma_start3A_226 : memref<128xi32, #tpu.memory_space<vmem>>) semaphore(%arg16 : memref<!tpu.dma_semaphore, #tpu.memory_space<semaphore_mem>>)
      } else {
      }
    }
    %scan3A_124 = arith.constant 21 : i32
    %barrier3A_125 = arith.constant 0 : index
    tpu.barrier barrier_id(%barrier3A_125)
    %run_scoped3A_126 = arith.constant 3 : i32
    "tpu.region"() ({
      %run_scoped3A_191 = tpu.sem_alloc : memref<!tpu.dma_semaphore, #tpu.memory_space<semaphore_mem>>
      %dma_start3A_192 = arith.constant 0 : i32
      %dma_start3A_193 = tpu.memref_slice %arg10[%arg0, %run_scoped3A_126, %mul3A_2, %dma_start3A_192] : memref<2x6x10240x128xf32, #tpu.memory_space<hbm>> -> memref<1x1x640x128xf32, #tpu.memory_space<hbm>>
      %dma_start3A_194 = tpu.memref_squeeze %dma_start3A_193 : memref<1x1x640x128xf32, #tpu.memory_space<hbm>> -> memref<640x128xf32, #tpu.memory_space<hbm>>
      %dma_start3A_195 = arith.constant 0 : i32
      %dma_start3A_196 = tpu.memref_slice %arg17[%mul3A_2, %dma_start3A_195] : memref<10240x128xf32, #tpu.memory_space<vmem_shared>> -> memref<640x128xf32, #tpu.memory_space<vmem_shared>>
      tpu.enqueue_dma source(%dma_start3A_196 : memref<640x128xf32, #tpu.memory_space<vmem_shared>>) target(%dma_start3A_194 : memref<640x128xf32, #tpu.memory_space<hbm>>) target_semaphore(%run_scoped3A_191 : memref<!tpu.dma_semaphore, #tpu.memory_space<semaphore_mem>>)
      %dma_wait3A = arith.constant 0 : i32
      %dma_wait3A_197 = tpu.memref_slice %arg10[%arg0, %run_scoped3A_126, %mul3A_2, %dma_wait3A] : memref<2x6x10240x128xf32, #tpu.memory_space<hbm>> -> memref<1x1x640x128xf32, #tpu.memory_space<hbm>>
      %dma_wait3A_198 = tpu.memref_squeeze %dma_wait3A_197 : memref<1x1x640x128xf32, #tpu.memory_space<hbm>> -> memref<640x128xf32, #tpu.memory_space<hbm>>
      %dma_wait3A_199 = arith.constant 0 : i32
      %dma_wait3A_200 = tpu.memref_slice %arg17[%mul3A_2, %dma_wait3A_199] : memref<10240x128xf32, #tpu.memory_space<vmem_shared>> -> memref<640x128xf32, #tpu.memory_space<vmem_shared>>
      tpu.wait_dma2 semaphore(%run_scoped3A_191 : memref<!tpu.dma_semaphore, #tpu.memory_space<semaphore_mem>>) src(%dma_wait3A_200 : memref<640x128xf32, #tpu.memory_space<vmem_shared>>) dst(%dma_wait3A_198 : memref<640x128xf32, #tpu.memory_space<hbm>>)
      tpu.yield
    }) : () -> ()
    %scan3A_127 = arith.constant 0 : i32
    %scan3A_128 = arith.constant 128 : i32
    %scan3A_129 = arith.addi %scan3A_127, %scan3A_128 : i32
    %scan3A_130 = arith.constant 1 : i32
    scf.for %scan3A_191 = %scan3A_127 to %scan3A_129 step %scan3A_130  : i32 {
      %mul3A_192 = arith.constant 1 : i32
      %mul3A_193 = arith.muli %scan3A_191, %mul3A_192 : i32
      %add3A_194 = arith.constant 0 : i32
      %add3A_195 = arith.addi %add3A_194, %mul3A_193 : i32
      %scan3A_196 = arith.constant 0 : i32
      %scan3A_197 = arith.constant 8 : i32
      %scan3A_198 = arith.addi %scan3A_196, %scan3A_197 : i32
      %scan3A_199 = arith.constant 1 : i32
      scf.for %scan3A_201 = %scan3A_196 to %scan3A_198 step %scan3A_199  : i32 {
        %mul3A_202 = arith.constant 16 : i32
        %mul3A_203 = arith.muli %scan3A_201, %mul3A_202 : i32
        %add3A_204 = arith.constant 0 : i32
        %add3A_205 = arith.addi %add3A_204, %mul3A_203 : i32
        %broadcast_in_dim3A = arith.constant 0.000000e+00 : f32
        %broadcast_in_dim3A_206 = vector.broadcast %broadcast_in_dim3A : f32 to vector<16xf32>
        %swap3A = arith.index_cast %add3A_195 : i32 to index
        %swap3A_207 = arith.index_cast %add3A_205 : i32 to index
        %swap3A_208 = tpu.vector_load %arg13[%swap3A, %swap3A_207] {strides = array<i32>} : memref<128x128xf32, #tpu.memory_space<vmem>>, vector<1x16xf32>,
        %swap3A_209 = vector.shape_cast %swap3A_208 : vector<1x16xf32> to vector<16xf32>
        %swap3A_210 = vector.shape_cast %broadcast_in_dim3A_206 : vector<16xf32> to vector<1x16xf32>
        tpu.vector_store %arg13[%swap3A, %swap3A_207], %swap3A_210 {strides = array<i32>} : memref<128x128xf32, #tpu.memory_space<vmem>>, vector<1x16xf32>,
      }
      %scan3A_200 = arith.constant 8 : i32
    }
    %scan3A_131 = arith.constant 128 : i32
    %scan3A_132 = arith.constant 0 : i32
    %scan3A_133 = arith.constant 5 : i32
    %scan3A_134 = arith.addi %scan3A_132, %scan3A_133 : i32
    %scan3A_135 = arith.constant 1 : i32
    scf.for %scan3A_191 = %scan3A_132 to %scan3A_134 step %scan3A_135  : i32 {
      %mul3A_192 = arith.constant 1 : i32
      %mul3A_193 = arith.muli %scan3A_191, %mul3A_192 : i32
      %add3A_194 = arith.constant 0 : i32
      %add3A_195 = arith.addi %add3A_194, %mul3A_193 : i32
      %mul3A_196 = arith.constant 128 : i32
      %mul3A_197 = arith.muli %add3A_195, %mul3A_196 : i32
      %add3A_198 = arith.addi %mul3A_2, %mul3A_197 : i32
      "tpu.region"() ({
        %run_scoped3A_199 = tpu.sem_alloc : memref<!tpu.dma_semaphore, #tpu.memory_space<semaphore_mem>>
        %dma_start3A_200 = arith.constant 0 : i32
        %dma_start3A_201 = tpu.memref_slice %arg17[%add3A_198, %dma_start3A_200] : memref<10240x128xf32, #tpu.memory_space<vmem_shared>> -> memref<128x128xf32, #tpu.memory_space<vmem_shared>>
        %dma_start3A_202 = arith.constant 0 : i32
        %dma_start3A_203 = tpu.memref_slice %arg17[%add3A_198, %dma_start3A_202] : memref<10240x128xf32, #tpu.memory_space<vmem_shared>> -> memref<128x128xf32, #tpu.memory_space<vmem_shared>>
        tpu.enqueue_dma source(%arg13 : memref<128x128xf32, #tpu.memory_space<vmem>>) target(%dma_start3A_203 : memref<128x128xf32, #tpu.memory_space<vmem_shared>>) target_semaphore(%run_scoped3A_199 : memref<!tpu.dma_semaphore, #tpu.memory_space<semaphore_mem>>)
        %dma_wait3A = arith.constant 0 : i32
        %dma_wait3A_204 = tpu.memref_slice %arg17[%add3A_198, %dma_wait3A] : memref<10240x128xf32, #tpu.memory_space<vmem_shared>> -> memref<128x128xf32, #tpu.memory_space<vmem_shared>>
        %dma_wait3A_205 = arith.constant 0 : i32
        %dma_wait3A_206 = tpu.memref_slice %arg17[%add3A_198, %dma_wait3A_205] : memref<10240x128xf32, #tpu.memory_space<vmem_shared>> -> memref<128x128xf32, #tpu.memory_space<vmem_shared>>
        tpu.wait_dma2 semaphore(%run_scoped3A_199 : memref<!tpu.dma_semaphore, #tpu.memory_space<semaphore_mem>>) src(%arg13 : memref<128x128xf32, #tpu.memory_space<vmem>>) dst(%dma_wait3A_206 : memref<128x128xf32, #tpu.memory_space<vmem_shared>>)
        tpu.yield
      }) : () -> ()
    }
    %scan3A_136 = arith.constant 5 : i32
    %barrier3A_137 = arith.constant 0 : index
    tpu.barrier barrier_id(%barrier3A_137)
    %dma_start3A_138 = arith.constant 0 : i32
    %dma_start3A_139 = arith.constant 0 : i32
    %dma_start3A_140 = tpu.memref_slice %arg11[%dma_start3A_138, %dma_start3A_139] : memref<42x128xi32, #tpu.memory_space<vmem>> -> memref<1x128xi32, #tpu.memory_space<vmem>>
    %dma_start3A_141 = tpu.memref_squeeze %dma_start3A_140 : memref<1x128xi32, #tpu.memory_space<vmem>> -> memref<128xi32, #tpu.memory_space<vmem>>
    %dma_start3A_142 = arith.constant 0 : i32
    %dma_start3A_143 = arith.constant 0 : i32
    %dma_start3A_144 = tpu.memref_slice %arg8[%dma_start3A_142, %dma_start3A_143] : memref<10000x128xf32, #tpu.memory_space<hbm>> -> memref<10000x128xf32, #tpu.memory_space<hbm>>
    tpu.enqueue_indirect_dma source(%dma_start3A_144 : memref<10000x128xf32, #tpu.memory_space<hbm>>) target(%arg13 : memref<128x128xf32, #tpu.memory_space<vmem>>) offsets(%dma_start3A_141 : memref<128xi32, #tpu.memory_space<vmem>>) semaphore(%arg15 : memref<!tpu.dma_semaphore, #tpu.memory_space<semaphore_mem>>)
    %dma_start3A_145 = arith.constant 1 : i32
    %dma_start3A_146 = arith.constant 0 : i32
    %dma_start3A_147 = tpu.memref_slice %arg11[%dma_start3A_145, %dma_start3A_146] : memref<42x128xi32, #tpu.memory_space<vmem>> -> memref<1x128xi32, #tpu.memory_space<vmem>>
    %dma_start3A_148 = tpu.memref_squeeze %dma_start3A_147 : memref<1x128xi32, #tpu.memory_space<vmem>> -> memref<128xi32, #tpu.memory_space<vmem>>
    %dma_start3A_149 = arith.constant 0 : i32
    %dma_start3A_150 = arith.constant 0 : i32
    %dma_start3A_151 = tpu.memref_slice %arg8[%dma_start3A_149, %dma_start3A_150] : memref<10000x128xf32, #tpu.memory_space<hbm>> -> memref<10000x128xf32, #tpu.memory_space<hbm>>
    tpu.enqueue_indirect_dma source(%dma_start3A_151 : memref<10000x128xf32, #tpu.memory_space<hbm>>) target(%arg14 : memref<128x128xf32, #tpu.memory_space<vmem>>) offsets(%dma_start3A_148 : memref<128xi32, #tpu.memory_space<vmem>>) semaphore(%arg16 : memref<!tpu.dma_semaphore, #tpu.memory_space<semaphore_mem>>)
    %scan3A_152 = arith.constant 0 : i32
    %scan3A_153 = arith.constant 21 : i32
    %scan3A_154 = arith.addi %scan3A_152, %scan3A_153 : i32
    %scan3A_155 = arith.constant 1 : i32
    scf.for %scan3A_191 = %scan3A_152 to %scan3A_154 step %scan3A_155  : i32 {
      %mul3A_192 = arith.constant 2 : i32
      %mul3A_193 = arith.muli %scan3A_191, %mul3A_192 : i32
      %add3A_194 = arith.constant 0 : i32
      %add3A_195 = arith.addi %add3A_194, %mul3A_193 : i32
      %dma_wait3A = arith.constant 0 : i32
      %dma_wait3A_196 = tpu.memref_slice %arg11[%add3A_195, %dma_wait3A] : memref<42x128xi32, #tpu.memory_space<vmem>> -> memref<1x128xi32, #tpu.memory_space<vmem>>
      %dma_wait3A_197 = tpu.memref_squeeze %dma_wait3A_196 : memref<1x128xi32, #tpu.memory_space<vmem>> -> memref<128xi32, #tpu.memory_space<vmem>>
      %dma_wait3A_198 = arith.constant 0 : i32
      %dma_wait3A_199 = arith.constant 0 : i32
      %dma_wait3A_200 = tpu.memref_slice %arg8[%dma_wait3A_198, %dma_wait3A_199] : memref<10000x128xf32, #tpu.memory_space<hbm>> -> memref<10000x128xf32, #tpu.memory_space<hbm>>
      tpu.wait_indirect_dma semaphore(%arg15 : memref<!tpu.dma_semaphore, #tpu.memory_space<semaphore_mem>>) src(%dma_wait3A_200 : memref<10000x128xf32, #tpu.memory_space<hbm>>) dst(%arg13 : memref<128x128xf32, #tpu.memory_space<vmem>>)
      "tpu.region"() ({
        %run_scoped3A_222 = tpu.sem_alloc : memref<!tpu.dma_semaphore, #tpu.memory_space<semaphore_mem>>
        %dma_start3A_223 = arith.constant 0 : i32
        %dma_start3A_224 = tpu.memref_slice %arg12[%add3A_195, %dma_start3A_223] : memref<42x128xi32, #tpu.memory_space<vmem>> -> memref<1x128xi32, #tpu.memory_space<vmem>>
        %dma_start3A_225 = tpu.memref_squeeze %dma_start3A_224 : memref<1x128xi32, #tpu.memory_space<vmem>> -> memref<128xi32, #tpu.memory_space<vmem>>
        %dma_start3A_226 = arith.constant 0 : i32
        %dma_start3A_227 = arith.constant 0 : i32
        %dma_start3A_228 = tpu.memref_slice %arg17[%dma_start3A_226, %dma_start3A_227] : memref<10240x128xf32, #tpu.memory_space<vmem_shared>> -> memref<10240x128xf32, #tpu.memory_space<vmem_shared>>
        tpu.enqueue_indirect_dma source(%arg13 : memref<128x128xf32, #tpu.memory_space<vmem>>) target(%dma_start3A_228 : memref<10240x128xf32, #tpu.memory_space<vmem_shared>>) offsets(%dma_start3A_225 : memref<128xi32, #tpu.memory_space<vmem>>) semaphore(%run_scoped3A_222 : memref<!tpu.dma_semaphore, #tpu.memory_space<semaphore_mem>>) {add = true}
        %dma_wait3A_229 = arith.constant 0 : i32
        %dma_wait3A_230 = tpu.memref_slice %arg12[%add3A_195, %dma_wait3A_229] : memref<42x128xi32, #tpu.memory_space<vmem>> -> memref<1x128xi32, #tpu.memory_space<vmem>>
        %dma_wait3A_231 = tpu.memref_squeeze %dma_wait3A_230 : memref<1x128xi32, #tpu.memory_space<vmem>> -> memref<128xi32, #tpu.memory_space<vmem>>
        %dma_wait3A_232 = arith.constant 0 : i32
        %dma_wait3A_233 = arith.constant 0 : i32
        %dma_wait3A_234 = tpu.memref_slice %arg17[%dma_wait3A_232, %dma_wait3A_233] : memref<10240x128xf32, #tpu.memory_space<vmem_shared>> -> memref<10240x128xf32, #tpu.memory_space<vmem_shared>>
        tpu.wait_indirect_dma semaphore(%run_scoped3A_222 : memref<!tpu.dma_semaphore, #tpu.memory_space<semaphore_mem>>) src(%arg13 : memref<128x128xf32, #tpu.memory_space<vmem>>) dst(%dma_wait3A_234 : memref<10240x128xf32, #tpu.memory_space<vmem_shared>>)
        tpu.yield
      }) : () -> ()
      %add3A_201 = arith.constant 2 : i32
      %add3A_202 = arith.addi %add3A_195, %add3A_201 : i32
      %lt3A = arith.constant 42 : i32
      %lt3A_203 = arith.cmpi slt, %add3A_202, %lt3A : i32
      %convert_element_type3A = arith.extui %lt3A_203 : i1 to i32
      %cond3A = arith.constant 0 : i32
      %cond3A_204 = arith.cmpi ne, %convert_element_type3A, %cond3A : i32
      scf.if %cond3A_204 {
        %add3A_222 = arith.constant 2 : i32
        %add3A_223 = arith.addi %add3A_195, %add3A_222 : i32
        %dma_start3A_224 = arith.constant 0 : i32
        %dma_start3A_225 = tpu.memref_slice %arg11[%add3A_223, %dma_start3A_224] : memref<42x128xi32, #tpu.memory_space<vmem>> -> memref<1x128xi32, #tpu.memory_space<vmem>>
        %dma_start3A_226 = tpu.memref_squeeze %dma_start3A_225 : memref<1x128xi32, #tpu.memory_space<vmem>> -> memref<128xi32, #tpu.memory_space<vmem>>
        %dma_start3A_227 = arith.constant 0 : i32
        %dma_start3A_228 = arith.constant 0 : i32
        %dma_start3A_229 = tpu.memref_slice %arg8[%dma_start3A_227, %dma_start3A_228] : memref<10000x128xf32, #tpu.memory_space<hbm>> -> memref<10000x128xf32, #tpu.memory_space<hbm>>
        tpu.enqueue_indirect_dma source(%dma_start3A_229 : memref<10000x128xf32, #tpu.memory_space<hbm>>) target(%arg13 : memref<128x128xf32, #tpu.memory_space<vmem>>) offsets(%dma_start3A_226 : memref<128xi32, #tpu.memory_space<vmem>>) semaphore(%arg15 : memref<!tpu.dma_semaphore, #tpu.memory_space<semaphore_mem>>)
      } else {
      }
      %add3A_205 = arith.constant 1 : i32
      %add3A_206 = arith.addi %add3A_195, %add3A_205 : i32
      %dma_wait3A_207 = arith.constant 0 : i32
      %dma_wait3A_208 = tpu.memref_slice %arg11[%add3A_206, %dma_wait3A_207] : memref<42x128xi32, #tpu.memory_space<vmem>> -> memref<1x128xi32, #tpu.memory_space<vmem>>
      %dma_wait3A_209 = tpu.memref_squeeze %dma_wait3A_208 : memref<1x128xi32, #tpu.memory_space<vmem>> -> memref<128xi32, #tpu.memory_space<vmem>>
      %dma_wait3A_210 = arith.constant 0 : i32
      %dma_wait3A_211 = arith.constant 0 : i32
      %dma_wait3A_212 = tpu.memref_slice %arg8[%dma_wait3A_210, %dma_wait3A_211] : memref<10000x128xf32, #tpu.memory_space<hbm>> -> memref<10000x128xf32, #tpu.memory_space<hbm>>
      tpu.wait_indirect_dma semaphore(%arg16 : memref<!tpu.dma_semaphore, #tpu.memory_space<semaphore_mem>>) src(%dma_wait3A_212 : memref<10000x128xf32, #tpu.memory_space<hbm>>) dst(%arg14 : memref<128x128xf32, #tpu.memory_space<vmem>>)
      %add3A_213 = arith.constant 1 : i32
      %add3A_214 = arith.addi %add3A_195, %add3A_213 : i32
      "tpu.region"() ({
        %run_scoped3A_222 = tpu.sem_alloc : memref<!tpu.dma_semaphore, #tpu.memory_space<semaphore_mem>>
        %dma_start3A_223 = arith.constant 0 : i32
        %dma_start3A_224 = tpu.memref_slice %arg12[%add3A_214, %dma_start3A_223] : memref<42x128xi32, #tpu.memory_space<vmem>> -> memref<1x128xi32, #tpu.memory_space<vmem>>
        %dma_start3A_225 = tpu.memref_squeeze %dma_start3A_224 : memref<1x128xi32, #tpu.memory_space<vmem>> -> memref<128xi32, #tpu.memory_space<vmem>>
        %dma_start3A_226 = arith.constant 0 : i32
        %dma_start3A_227 = arith.constant 0 : i32
        %dma_start3A_228 = tpu.memref_slice %arg17[%dma_start3A_226, %dma_start3A_227] : memref<10240x128xf32, #tpu.memory_space<vmem_shared>> -> memref<10240x128xf32, #tpu.memory_space<vmem_shared>>
        tpu.enqueue_indirect_dma source(%arg14 : memref<128x128xf32, #tpu.memory_space<vmem>>) target(%dma_start3A_228 : memref<10240x128xf32, #tpu.memory_space<vmem_shared>>) offsets(%dma_start3A_225 : memref<128xi32, #tpu.memory_space<vmem>>) semaphore(%run_scoped3A_222 : memref<!tpu.dma_semaphore, #tpu.memory_space<semaphore_mem>>) {add = true}
        %dma_wait3A_229 = arith.constant 0 : i32
        %dma_wait3A_230 = tpu.memref_slice %arg12[%add3A_214, %dma_wait3A_229] : memref<42x128xi32, #tpu.memory_space<vmem>> -> memref<1x128xi32, #tpu.memory_space<vmem>>
        %dma_wait3A_231 = tpu.memref_squeeze %dma_wait3A_230 : memref<1x128xi32, #tpu.memory_space<vmem>> -> memref<128xi32, #tpu.memory_space<vmem>>
        %dma_wait3A_232 = arith.constant 0 : i32
        %dma_wait3A_233 = arith.constant 0 : i32
        %dma_wait3A_234 = tpu.memref_slice %arg17[%dma_wait3A_232, %dma_wait3A_233] : memref<10240x128xf32, #tpu.memory_space<vmem_shared>> -> memref<10240x128xf32, #tpu.memory_space<vmem_shared>>
        tpu.wait_indirect_dma semaphore(%run_scoped3A_222 : memref<!tpu.dma_semaphore, #tpu.memory_space<semaphore_mem>>) src(%arg14 : memref<128x128xf32, #tpu.memory_space<vmem>>) dst(%dma_wait3A_234 : memref<10240x128xf32, #tpu.memory_space<vmem_shared>>)
        tpu.yield
      }) : () -> ()
      %add3A_215 = arith.constant 3 : i32
      %add3A_216 = arith.addi %add3A_195, %add3A_215 : i32
      %lt3A_217 = arith.constant 42 : i32
      %lt3A_218 = arith.cmpi slt, %add3A_216, %lt3A_217 : i32
      %convert_element_type3A_219 = arith.extui %lt3A_218 : i1 to i32
      %cond3A_220 = arith.constant 0 : i32
      %cond3A_221 = arith.cmpi ne, %convert_element_type3A_219, %cond3A_220 : i32
      scf.if %cond3A_221 {
        %add3A_222 = arith.constant 3 : i32
        %add3A_223 = arith.addi %add3A_195, %add3A_222 : i32
        %dma_start3A_224 = arith.constant 0 : i32
        %dma_start3A_225 = tpu.memref_slice %arg11[%add3A_223, %dma_start3A_224] : memref<42x128xi32, #tpu.memory_space<vmem>> -> memref<1x128xi32, #tpu.memory_space<vmem>>
        %dma_start3A_226 = tpu.memref_squeeze %dma_start3A_225 : memref<1x128xi32, #tpu.memory_space<vmem>> -> memref<128xi32, #tpu.memory_space<vmem>>
        %dma_start3A_227 = arith.constant 0 : i32
        %dma_start3A_228 = arith.constant 0 : i32
        %dma_start3A_229 = tpu.memref_slice %arg8[%dma_start3A_227, %dma_start3A_228] : memref<10000x128xf32, #tpu.memory_space<hbm>> -> memref<10000x128xf32, #tpu.memory_space<hbm>>
        tpu.enqueue_indirect_dma source(%dma_start3A_229 : memref<10000x128xf32, #tpu.memory_space<hbm>>) target(%arg14 : memref<128x128xf32, #tpu.memory_space<vmem>>) offsets(%dma_start3A_226 : memref<128xi32, #tpu.memory_space<vmem>>) semaphore(%arg16 : memref<!tpu.dma_semaphore, #tpu.memory_space<semaphore_mem>>)
      } else {
      }
    }
    %scan3A_156 = arith.constant 21 : i32
    %barrier3A_157 = arith.constant 0 : index
    tpu.barrier barrier_id(%barrier3A_157)
    %run_scoped3A_158 = arith.constant 4 : i32
    "tpu.region"() ({
      %run_scoped3A_191 = tpu.sem_alloc : memref<!tpu.dma_semaphore, #tpu.memory_space<semaphore_mem>>
      %dma_start3A_192 = arith.constant 0 : i32
      %dma_start3A_193 = tpu.memref_slice %arg10[%arg0, %run_scoped3A_158, %mul3A_2, %dma_start3A_192] : memref<2x6x10240x128xf32, #tpu.memory_space<hbm>> -> memref<1x1x640x128xf32, #tpu.memory_space<hbm>>
      %dma_start3A_194 = tpu.memref_squeeze %dma_start3A_193 : memref<1x1x640x128xf32, #tpu.memory_space<hbm>> -> memref<640x128xf32, #tpu.memory_space<hbm>>
      %dma_start3A_195 = arith.constant 0 : i32
      %dma_start3A_196 = tpu.memref_slice %arg17[%mul3A_2, %dma_start3A_195] : memref<10240x128xf32, #tpu.memory_space<vmem_shared>> -> memref<640x128xf32, #tpu.memory_space<vmem_shared>>
      tpu.enqueue_dma source(%dma_start3A_196 : memref<640x128xf32, #tpu.memory_space<vmem_shared>>) target(%dma_start3A_194 : memref<640x128xf32, #tpu.memory_space<hbm>>) target_semaphore(%run_scoped3A_191 : memref<!tpu.dma_semaphore, #tpu.memory_space<semaphore_mem>>)
      %dma_wait3A = arith.constant 0 : i32
      %dma_wait3A_197 = tpu.memref_slice %arg10[%arg0, %run_scoped3A_158, %mul3A_2, %dma_wait3A] : memref<2x6x10240x128xf32, #tpu.memory_space<hbm>> -> memref<1x1x640x128xf32, #tpu.memory_space<hbm>>
      %dma_wait3A_198 = tpu.memref_squeeze %dma_wait3A_197 : memref<1x1x640x128xf32, #tpu.memory_space<hbm>> -> memref<640x128xf32, #tpu.memory_space<hbm>>
      %dma_wait3A_199 = arith.constant 0 : i32
      %dma_wait3A_200 = tpu.memref_slice %arg17[%mul3A_2, %dma_wait3A_199] : memref<10240x128xf32, #tpu.memory_space<vmem_shared>> -> memref<640x128xf32, #tpu.memory_space<vmem_shared>>
      tpu.wait_dma2 semaphore(%run_scoped3A_191 : memref<!tpu.dma_semaphore, #tpu.memory_space<semaphore_mem>>) src(%dma_wait3A_200 : memref<640x128xf32, #tpu.memory_space<vmem_shared>>) dst(%dma_wait3A_198 : memref<640x128xf32, #tpu.memory_space<hbm>>)
      tpu.yield
    }) : () -> ()
    %scan3A_159 = arith.constant 0 : i32
    %scan3A_160 = arith.constant 128 : i32
    %scan3A_161 = arith.addi %scan3A_159, %scan3A_160 : i32
    %scan3A_162 = arith.constant 1 : i32
    scf.for %scan3A_191 = %scan3A_159 to %scan3A_161 step %scan3A_162  : i32 {
      %mul3A_192 = arith.constant 1 : i32
      %mul3A_193 = arith.muli %scan3A_191, %mul3A_192 : i32
      %add3A_194 = arith.constant 0 : i32
      %add3A_195 = arith.addi %add3A_194, %mul3A_193 : i32
      %scan3A_196 = arith.constant 0 : i32
      %scan3A_197 = arith.constant 8 : i32
      %scan3A_198 = arith.addi %scan3A_196, %scan3A_197 : i32
      %scan3A_199 = arith.constant 1 : i32
      scf.for %scan3A_201 = %scan3A_196 to %scan3A_198 step %scan3A_199  : i32 {
        %mul3A_202 = arith.constant 16 : i32
        %mul3A_203 = arith.muli %scan3A_201, %mul3A_202 : i32
        %add3A_204 = arith.constant 0 : i32
        %add3A_205 = arith.addi %add3A_204, %mul3A_203 : i32
        %broadcast_in_dim3A = arith.constant 0.000000e+00 : f32
        %broadcast_in_dim3A_206 = vector.broadcast %broadcast_in_dim3A : f32 to vector<16xf32>
        %swap3A = arith.index_cast %add3A_195 : i32 to index
        %swap3A_207 = arith.index_cast %add3A_205 : i32 to index
        %swap3A_208 = tpu.vector_load %arg13[%swap3A, %swap3A_207] {strides = array<i32>} : memref<128x128xf32, #tpu.memory_space<vmem>>, vector<1x16xf32>,
        %swap3A_209 = vector.shape_cast %swap3A_208 : vector<1x16xf32> to vector<16xf32>
        %swap3A_210 = vector.shape_cast %broadcast_in_dim3A_206 : vector<16xf32> to vector<1x16xf32>
        tpu.vector_store %arg13[%swap3A, %swap3A_207], %swap3A_210 {strides = array<i32>} : memref<128x128xf32, #tpu.memory_space<vmem>>, vector<1x16xf32>,
      }
      %scan3A_200 = arith.constant 8 : i32
    }
    %scan3A_163 = arith.constant 128 : i32
    %scan3A_164 = arith.constant 0 : i32
    %scan3A_165 = arith.constant 5 : i32
    %scan3A_166 = arith.addi %scan3A_164, %scan3A_165 : i32
    %scan3A_167 = arith.constant 1 : i32
    scf.for %scan3A_191 = %scan3A_164 to %scan3A_166 step %scan3A_167  : i32 {
      %mul3A_192 = arith.constant 1 : i32
      %mul3A_193 = arith.muli %scan3A_191, %mul3A_192 : i32
      %add3A_194 = arith.constant 0 : i32
      %add3A_195 = arith.addi %add3A_194, %mul3A_193 : i32
      %mul3A_196 = arith.constant 128 : i32
      %mul3A_197 = arith.muli %add3A_195, %mul3A_196 : i32
      %add3A_198 = arith.addi %mul3A_2, %mul3A_197 : i32
      "tpu.region"() ({
        %run_scoped3A_199 = tpu.sem_alloc : memref<!tpu.dma_semaphore, #tpu.memory_space<semaphore_mem>>
        %dma_start3A_200 = arith.constant 0 : i32
        %dma_start3A_201 = tpu.memref_slice %arg17[%add3A_198, %dma_start3A_200] : memref<10240x128xf32, #tpu.memory_space<vmem_shared>> -> memref<128x128xf32, #tpu.memory_space<vmem_shared>>
        %dma_start3A_202 = arith.constant 0 : i32
        %dma_start3A_203 = tpu.memref_slice %arg17[%add3A_198, %dma_start3A_202] : memref<10240x128xf32, #tpu.memory_space<vmem_shared>> -> memref<128x128xf32, #tpu.memory_space<vmem_shared>>
        tpu.enqueue_dma source(%arg13 : memref<128x128xf32, #tpu.memory_space<vmem>>) target(%dma_start3A_203 : memref<128x128xf32, #tpu.memory_space<vmem_shared>>) target_semaphore(%run_scoped3A_199 : memref<!tpu.dma_semaphore, #tpu.memory_space<semaphore_mem>>)
        %dma_wait3A = arith.constant 0 : i32
        %dma_wait3A_204 = tpu.memref_slice %arg17[%add3A_198, %dma_wait3A] : memref<10240x128xf32, #tpu.memory_space<vmem_shared>> -> memref<128x128xf32, #tpu.memory_space<vmem_shared>>
        %dma_wait3A_205 = arith.constant 0 : i32
        %dma_wait3A_206 = tpu.memref_slice %arg17[%add3A_198, %dma_wait3A_205] : memref<10240x128xf32, #tpu.memory_space<vmem_shared>> -> memref<128x128xf32, #tpu.memory_space<vmem_shared>>
        tpu.wait_dma2 semaphore(%run_scoped3A_199 : memref<!tpu.dma_semaphore, #tpu.memory_space<semaphore_mem>>) src(%arg13 : memref<128x128xf32, #tpu.memory_space<vmem>>) dst(%dma_wait3A_206 : memref<128x128xf32, #tpu.memory_space<vmem_shared>>)
        tpu.yield
      }) : () -> ()
    }
    %scan3A_168 = arith.constant 5 : i32
    %barrier3A_169 = arith.constant 0 : index
    tpu.barrier barrier_id(%barrier3A_169)
    %dma_start3A_170 = arith.constant 0 : i32
    %dma_start3A_171 = arith.constant 0 : i32
    %dma_start3A_172 = tpu.memref_slice %arg11[%dma_start3A_170, %dma_start3A_171] : memref<42x128xi32, #tpu.memory_space<vmem>> -> memref<1x128xi32, #tpu.memory_space<vmem>>
    %dma_start3A_173 = tpu.memref_squeeze %dma_start3A_172 : memref<1x128xi32, #tpu.memory_space<vmem>> -> memref<128xi32, #tpu.memory_space<vmem>>
    %dma_start3A_174 = arith.constant 0 : i32
    %dma_start3A_175 = arith.constant 0 : i32
    %dma_start3A_176 = tpu.memref_slice %arg9[%dma_start3A_174, %dma_start3A_175] : memref<10000x128xf32, #tpu.memory_space<hbm>> -> memref<10000x128xf32, #tpu.memory_space<hbm>>
    tpu.enqueue_indirect_dma source(%dma_start3A_176 : memref<10000x128xf32, #tpu.memory_space<hbm>>) target(%arg13 : memref<128x128xf32, #tpu.memory_space<vmem>>) offsets(%dma_start3A_173 : memref<128xi32, #tpu.memory_space<vmem>>) semaphore(%arg15 : memref<!tpu.dma_semaphore, #tpu.memory_space<semaphore_mem>>)
    %dma_start3A_177 = arith.constant 1 : i32
    %dma_start3A_178 = arith.constant 0 : i32
    %dma_start3A_179 = tpu.memref_slice %arg11[%dma_start3A_177, %dma_start3A_178] : memref<42x128xi32, #tpu.memory_space<vmem>> -> memref<1x128xi32, #tpu.memory_space<vmem>>
    %dma_start3A_180 = tpu.memref_squeeze %dma_start3A_179 : memref<1x128xi32, #tpu.memory_space<vmem>> -> memref<128xi32, #tpu.memory_space<vmem>>
    %dma_start3A_181 = arith.constant 0 : i32
    %dma_start3A_182 = arith.constant 0 : i32
    %dma_start3A_183 = tpu.memref_slice %arg9[%dma_start3A_181, %dma_start3A_182] : memref<10000x128xf32, #tpu.memory_space<hbm>> -> memref<10000x128xf32, #tpu.memory_space<hbm>>
    tpu.enqueue_indirect_dma source(%dma_start3A_183 : memref<10000x128xf32, #tpu.memory_space<hbm>>) target(%arg14 : memref<128x128xf32, #tpu.memory_space<vmem>>) offsets(%dma_start3A_180 : memref<128xi32, #tpu.memory_space<vmem>>) semaphore(%arg16 : memref<!tpu.dma_semaphore, #tpu.memory_space<semaphore_mem>>)
    %scan3A_184 = arith.constant 0 : i32
    %scan3A_185 = arith.constant 21 : i32
    %scan3A_186 = arith.addi %scan3A_184, %scan3A_185 : i32
    %scan3A_187 = arith.constant 1 : i32
    scf.for %scan3A_191 = %scan3A_184 to %scan3A_186 step %scan3A_187  : i32 {
      %mul3A_192 = arith.constant 2 : i32
      %mul3A_193 = arith.muli %scan3A_191, %mul3A_192 : i32
      %add3A_194 = arith.constant 0 : i32
      %add3A_195 = arith.addi %add3A_194, %mul3A_193 : i32
      %dma_wait3A = arith.constant 0 : i32
      %dma_wait3A_196 = tpu.memref_slice %arg11[%add3A_195, %dma_wait3A] : memref<42x128xi32, #tpu.memory_space<vmem>> -> memref<1x128xi32, #tpu.memory_space<vmem>>
      %dma_wait3A_197 = tpu.memref_squeeze %dma_wait3A_196 : memref<1x128xi32, #tpu.memory_space<vmem>> -> memref<128xi32, #tpu.memory_space<vmem>>
      %dma_wait3A_198 = arith.constant 0 : i32
      %dma_wait3A_199 = arith.constant 0 : i32
      %dma_wait3A_200 = tpu.memref_slice %arg9[%dma_wait3A_198, %dma_wait3A_199] : memref<10000x128xf32, #tpu.memory_space<hbm>> -> memref<10000x128xf32, #tpu.memory_space<hbm>>
      tpu.wait_indirect_dma semaphore(%arg15 : memref<!tpu.dma_semaphore, #tpu.memory_space<semaphore_mem>>) src(%dma_wait3A_200 : memref<10000x128xf32, #tpu.memory_space<hbm>>) dst(%arg13 : memref<128x128xf32, #tpu.memory_space<vmem>>)
      "tpu.region"() ({
        %run_scoped3A_222 = tpu.sem_alloc : memref<!tpu.dma_semaphore, #tpu.memory_space<semaphore_mem>>
        %dma_start3A_223 = arith.constant 0 : i32
        %dma_start3A_224 = tpu.memref_slice %arg12[%add3A_195, %dma_start3A_223] : memref<42x128xi32, #tpu.memory_space<vmem>> -> memref<1x128xi32, #tpu.memory_space<vmem>>
        %dma_start3A_225 = tpu.memref_squeeze %dma_start3A_224 : memref<1x128xi32, #tpu.memory_space<vmem>> -> memref<128xi32, #tpu.memory_space<vmem>>
        %dma_start3A_226 = arith.constant 0 : i32
        %dma_start3A_227 = arith.constant 0 : i32
        %dma_start3A_228 = tpu.memref_slice %arg17[%dma_start3A_226, %dma_start3A_227] : memref<10240x128xf32, #tpu.memory_space<vmem_shared>> -> memref<10240x128xf32, #tpu.memory_space<vmem_shared>>
        tpu.enqueue_indirect_dma source(%arg13 : memref<128x128xf32, #tpu.memory_space<vmem>>) target(%dma_start3A_228 : memref<10240x128xf32, #tpu.memory_space<vmem_shared>>) offsets(%dma_start3A_225 : memref<128xi32, #tpu.memory_space<vmem>>) semaphore(%run_scoped3A_222 : memref<!tpu.dma_semaphore, #tpu.memory_space<semaphore_mem>>) {add = true}
        %dma_wait3A_229 = arith.constant 0 : i32
        %dma_wait3A_230 = tpu.memref_slice %arg12[%add3A_195, %dma_wait3A_229] : memref<42x128xi32, #tpu.memory_space<vmem>> -> memref<1x128xi32, #tpu.memory_space<vmem>>
        %dma_wait3A_231 = tpu.memref_squeeze %dma_wait3A_230 : memref<1x128xi32, #tpu.memory_space<vmem>> -> memref<128xi32, #tpu.memory_space<vmem>>
        %dma_wait3A_232 = arith.constant 0 : i32
        %dma_wait3A_233 = arith.constant 0 : i32
        %dma_wait3A_234 = tpu.memref_slice %arg17[%dma_wait3A_232, %dma_wait3A_233] : memref<10240x128xf32, #tpu.memory_space<vmem_shared>> -> memref<10240x128xf32, #tpu.memory_space<vmem_shared>>
        tpu.wait_indirect_dma semaphore(%run_scoped3A_222 : memref<!tpu.dma_semaphore, #tpu.memory_space<semaphore_mem>>) src(%arg13 : memref<128x128xf32, #tpu.memory_space<vmem>>) dst(%dma_wait3A_234 : memref<10240x128xf32, #tpu.memory_space<vmem_shared>>)
        tpu.yield
      }) : () -> ()
      %add3A_201 = arith.constant 2 : i32
      %add3A_202 = arith.addi %add3A_195, %add3A_201 : i32
      %lt3A = arith.constant 42 : i32
      %lt3A_203 = arith.cmpi slt, %add3A_202, %lt3A : i32
      %convert_element_type3A = arith.extui %lt3A_203 : i1 to i32
      %cond3A = arith.constant 0 : i32
      %cond3A_204 = arith.cmpi ne, %convert_element_type3A, %cond3A : i32
      scf.if %cond3A_204 {
        %add3A_222 = arith.constant 2 : i32
        %add3A_223 = arith.addi %add3A_195, %add3A_222 : i32
        %dma_start3A_224 = arith.constant 0 : i32
        %dma_start3A_225 = tpu.memref_slice %arg11[%add3A_223, %dma_start3A_224] : memref<42x128xi32, #tpu.memory_space<vmem>> -> memref<1x128xi32, #tpu.memory_space<vmem>>
        %dma_start3A_226 = tpu.memref_squeeze %dma_start3A_225 : memref<1x128xi32, #tpu.memory_space<vmem>> -> memref<128xi32, #tpu.memory_space<vmem>>
        %dma_start3A_227 = arith.constant 0 : i32
        %dma_start3A_228 = arith.constant 0 : i32
        %dma_start3A_229 = tpu.memref_slice %arg9[%dma_start3A_227, %dma_start3A_228] : memref<10000x128xf32, #tpu.memory_space<hbm>> -> memref<10000x128xf32, #tpu.memory_space<hbm>>
        tpu.enqueue_indirect_dma source(%dma_start3A_229 : memref<10000x128xf32, #tpu.memory_space<hbm>>) target(%arg13 : memref<128x128xf32, #tpu.memory_space<vmem>>) offsets(%dma_start3A_226 : memref<128xi32, #tpu.memory_space<vmem>>) semaphore(%arg15 : memref<!tpu.dma_semaphore, #tpu.memory_space<semaphore_mem>>)
      } else {
      }
      %add3A_205 = arith.constant 1 : i32
      %add3A_206 = arith.addi %add3A_195, %add3A_205 : i32
      %dma_wait3A_207 = arith.constant 0 : i32
      %dma_wait3A_208 = tpu.memref_slice %arg11[%add3A_206, %dma_wait3A_207] : memref<42x128xi32, #tpu.memory_space<vmem>> -> memref<1x128xi32, #tpu.memory_space<vmem>>
      %dma_wait3A_209 = tpu.memref_squeeze %dma_wait3A_208 : memref<1x128xi32, #tpu.memory_space<vmem>> -> memref<128xi32, #tpu.memory_space<vmem>>
      %dma_wait3A_210 = arith.constant 0 : i32
      %dma_wait3A_211 = arith.constant 0 : i32
      %dma_wait3A_212 = tpu.memref_slice %arg9[%dma_wait3A_210, %dma_wait3A_211] : memref<10000x128xf32, #tpu.memory_space<hbm>> -> memref<10000x128xf32, #tpu.memory_space<hbm>>
      tpu.wait_indirect_dma semaphore(%arg16 : memref<!tpu.dma_semaphore, #tpu.memory_space<semaphore_mem>>) src(%dma_wait3A_212 : memref<10000x128xf32, #tpu.memory_space<hbm>>) dst(%arg14 : memref<128x128xf32, #tpu.memory_space<vmem>>)
      %add3A_213 = arith.constant 1 : i32
      %add3A_214 = arith.addi %add3A_195, %add3A_213 : i32
      "tpu.region"() ({
        %run_scoped3A_222 = tpu.sem_alloc : memref<!tpu.dma_semaphore, #tpu.memory_space<semaphore_mem>>
        %dma_start3A_223 = arith.constant 0 : i32
        %dma_start3A_224 = tpu.memref_slice %arg12[%add3A_214, %dma_start3A_223] : memref<42x128xi32, #tpu.memory_space<vmem>> -> memref<1x128xi32, #tpu.memory_space<vmem>>
        %dma_start3A_225 = tpu.memref_squeeze %dma_start3A_224 : memref<1x128xi32, #tpu.memory_space<vmem>> -> memref<128xi32, #tpu.memory_space<vmem>>
        %dma_start3A_226 = arith.constant 0 : i32
        %dma_start3A_227 = arith.constant 0 : i32
        %dma_start3A_228 = tpu.memref_slice %arg17[%dma_start3A_226, %dma_start3A_227] : memref<10240x128xf32, #tpu.memory_space<vmem_shared>> -> memref<10240x128xf32, #tpu.memory_space<vmem_shared>>
        tpu.enqueue_indirect_dma source(%arg14 : memref<128x128xf32, #tpu.memory_space<vmem>>) target(%dma_start3A_228 : memref<10240x128xf32, #tpu.memory_space<vmem_shared>>) offsets(%dma_start3A_225 : memref<128xi32, #tpu.memory_space<vmem>>) semaphore(%run_scoped3A_222 : memref<!tpu.dma_semaphore, #tpu.memory_space<semaphore_mem>>) {add = true}
        %dma_wait3A_229 = arith.constant 0 : i32
        %dma_wait3A_230 = tpu.memref_slice %arg12[%add3A_214, %dma_wait3A_229] : memref<42x128xi32, #tpu.memory_space<vmem>> -> memref<1x128xi32, #tpu.memory_space<vmem>>
        %dma_wait3A_231 = tpu.memref_squeeze %dma_wait3A_230 : memref<1x128xi32, #tpu.memory_space<vmem>> -> memref<128xi32, #tpu.memory_space<vmem>>
        %dma_wait3A_232 = arith.constant 0 : i32
        %dma_wait3A_233 = arith.constant 0 : i32
        %dma_wait3A_234 = tpu.memref_slice %arg17[%dma_wait3A_232, %dma_wait3A_233] : memref<10240x128xf32, #tpu.memory_space<vmem_shared>> -> memref<10240x128xf32, #tpu.memory_space<vmem_shared>>
        tpu.wait_indirect_dma semaphore(%run_scoped3A_222 : memref<!tpu.dma_semaphore, #tpu.memory_space<semaphore_mem>>) src(%arg14 : memref<128x128xf32, #tpu.memory_space<vmem>>) dst(%dma_wait3A_234 : memref<10240x128xf32, #tpu.memory_space<vmem_shared>>)
        tpu.yield
      }) : () -> ()
      %add3A_215 = arith.constant 3 : i32
      %add3A_216 = arith.addi %add3A_195, %add3A_215 : i32
      %lt3A_217 = arith.constant 42 : i32
      %lt3A_218 = arith.cmpi slt, %add3A_216, %lt3A_217 : i32
      %convert_element_type3A_219 = arith.extui %lt3A_218 : i1 to i32
      %cond3A_220 = arith.constant 0 : i32
      %cond3A_221 = arith.cmpi ne, %convert_element_type3A_219, %cond3A_220 : i32
      scf.if %cond3A_221 {
        %add3A_222 = arith.constant 3 : i32
        %add3A_223 = arith.addi %add3A_195, %add3A_222 : i32
        %dma_start3A_224 = arith.constant 0 : i32
        %dma_start3A_225 = tpu.memref_slice %arg11[%add3A_223, %dma_start3A_224] : memref<42x128xi32, #tpu.memory_space<vmem>> -> memref<1x128xi32, #tpu.memory_space<vmem>>
        %dma_start3A_226 = tpu.memref_squeeze %dma_start3A_225 : memref<1x128xi32, #tpu.memory_space<vmem>> -> memref<128xi32, #tpu.memory_space<vmem>>
        %dma_start3A_227 = arith.constant 0 : i32
        %dma_start3A_228 = arith.constant 0 : i32
        %dma_start3A_229 = tpu.memref_slice %arg9[%dma_start3A_227, %dma_start3A_228] : memref<10000x128xf32, #tpu.memory_space<hbm>> -> memref<10000x128xf32, #tpu.memory_space<hbm>>
        tpu.enqueue_indirect_dma source(%dma_start3A_229 : memref<10000x128xf32, #tpu.memory_space<hbm>>) target(%arg14 : memref<128x128xf32, #tpu.memory_space<vmem>>) offsets(%dma_start3A_226 : memref<128xi32, #tpu.memory_space<vmem>>) semaphore(%arg16 : memref<!tpu.dma_semaphore, #tpu.memory_space<semaphore_mem>>)
      } else {
      }
    }
    %scan3A_188 = arith.constant 21 : i32
    %barrier3A_189 = arith.constant 0 : index
    tpu.barrier barrier_id(%barrier3A_189)
    %run_scoped3A_190 = arith.constant 5 : i32
    "tpu.region"() ({
      %run_scoped3A_191 = tpu.sem_alloc : memref<!tpu.dma_semaphore, #tpu.memory_space<semaphore_mem>>
      %dma_start3A_192 = arith.constant 0 : i32
      %dma_start3A_193 = tpu.memref_slice %arg10[%arg0, %run_scoped3A_190, %mul3A_2, %dma_start3A_192] : memref<2x6x10240x128xf32, #tpu.memory_space<hbm>> -> memref<1x1x640x128xf32, #tpu.memory_space<hbm>>
      %dma_start3A_194 = tpu.memref_squeeze %dma_start3A_193 : memref<1x1x640x128xf32, #tpu.memory_space<hbm>> -> memref<640x128xf32, #tpu.memory_space<hbm>>
      %dma_start3A_195 = arith.constant 0 : i32
      %dma_start3A_196 = tpu.memref_slice %arg17[%mul3A_2, %dma_start3A_195] : memref<10240x128xf32, #tpu.memory_space<vmem_shared>> -> memref<640x128xf32, #tpu.memory_space<vmem_shared>>
      tpu.enqueue_dma source(%dma_start3A_196 : memref<640x128xf32, #tpu.memory_space<vmem_shared>>) target(%dma_start3A_194 : memref<640x128xf32, #tpu.memory_space<hbm>>) target_semaphore(%run_scoped3A_191 : memref<!tpu.dma_semaphore, #tpu.memory_space<semaphore_mem>>)
      %dma_wait3A = arith.constant 0 : i32
      %dma_wait3A_197 = tpu.memref_slice %arg10[%arg0, %run_scoped3A_190, %mul3A_2, %dma_wait3A] : memref<2x6x10240x128xf32, #tpu.memory_space<hbm>> -> memref<1x1x640x128xf32, #tpu.memory_space<hbm>>
      %dma_wait3A_198 = tpu.memref_squeeze %dma_wait3A_197 : memref<1x1x640x128xf32, #tpu.memory_space<hbm>> -> memref<640x128xf32, #tpu.memory_space<hbm>>
      %dma_wait3A_199 = arith.constant 0 : i32
      %dma_wait3A_200 = tpu.memref_slice %arg17[%mul3A_2, %dma_wait3A_199] : memref<10240x128xf32, #tpu.memory_space<vmem_shared>> -> memref<640x128xf32, #tpu.memory_space<vmem_shared>>
      tpu.wait_dma2 semaphore(%run_scoped3A_191 : memref<!tpu.dma_semaphore, #tpu.memory_space<semaphore_mem>>) src(%dma_wait3A_200 : memref<640x128xf32, #tpu.memory_space<vmem_shared>>) dst(%dma_wait3A_198 : memref<640x128xf32, #tpu.memory_space<hbm>>)
      tpu.yield
    }) : () -> ()
    return
  }
}

module attributes {stable_mosaic.version = 14 : i64} {
  func.func @_mpre_body(%arg0: i32, %arg1: memref<2000x128xf32, #tpu.memory_space<vmem>>, %arg2: memref<2x2000x128xf32, #tpu.memory_space<vmem>>, %arg3: memref<2000x128xf32, #tpu.memory_space<vmem>>) attributes {dimension_semantics = [#tpu.dimension_semantics<arbitrary>], iteration_bounds = array<i64: 5>, scalar_prefetch = 0 : i64, scratch_operands = 0 : i64, tpu.core_type = #tpu.core_type<tc>, window_params = [{transform_indices = @transform_0, window_bounds = array<i64: 2000, 128>}, {transform_indices = @transform_1, window_bounds = array<i64: 2, 2000, 128>}, {transform_indices = @transform_2, window_bounds = array<i64: 2000, 128>}]} {
    %get3A = arith.constant 0 : index
    %get3A_0 = arith.constant 0 : index
    %get3A_1 = vector.load %arg1[%get3A, %get3A_0] : memref<2000x128xf32, #tpu.memory_space<vmem>>, vector<2000x128xf32>
    %get3A_2 = arith.constant 0 : index
    %get3A_3 = arith.constant 0 : index
    %get3A_4 = arith.constant 0 : index
    %get3A_5 = vector.load %arg2[%get3A_2, %get3A_3, %get3A_4] : memref<2x2000x128xf32, #tpu.memory_space<vmem>>, vector<2x2000x128xf32>
    %slice3A = vector.extract_strided_slice %get3A_5 {offsets = [0, 0, 0], sizes = [1, 2000, 1], strides = [1, 1, 1]} : vector<2x2000x128xf32> to vector<1x2000x1xf32>
    %squeeze3A = vector.shape_cast %slice3A : vector<1x2000x1xf32> to vector<2000x1xf32>
    %slice3A_6 = vector.extract_strided_slice %get3A_5 {offsets = [1, 0, 0], sizes = [1, 2000, 1], strides = [1, 1, 1]} : vector<2x2000x128xf32> to vector<1x2000x1xf32>
    %squeeze3A_7 = vector.shape_cast %slice3A_6 : vector<1x2000x1xf32> to vector<2000x1xf32>
    %add3A = arith.addf %squeeze3A, %squeeze3A_7 : vector<2000x1xf32>
    %rsqrt3A = math.rsqrt %add3A : vector<2000x1xf32>
    %mul3A = vector.broadcast %rsqrt3A : vector<2000x1xf32> to vector<2000x128xf32>
    %mul3A_8 = arith.mulf %get3A_1, %mul3A : vector<2000x128xf32>
    %swap3A = arith.constant 0 : index
    %swap3A_9 = arith.constant 0 : index
    %swap3A_10 = vector.load %arg3[%swap3A, %swap3A_9] : memref<2000x128xf32, #tpu.memory_space<vmem>>, vector<2000x128xf32>
    tpu.vector_store %arg3[%swap3A, %swap3A_9], %mul3A_8 {strides = array<i32>} : memref<2000x128xf32, #tpu.memory_space<vmem>>, vector<2000x128xf32>,
    return
  }
  func.func @transform_0(%arg0: i32) -> (i32, i32) {
    %c0_i32 = arith.constant 0 : i32
    %c0_i32_0 = arith.constant 0 : i32
    return %arg0, %c0_i32 : i32, i32
  }
  func.func @transform_1(%arg0: i32) -> (i32, i32, i32) {
    %c0_i32 = arith.constant 0 : i32
    %c0_i32_0 = arith.constant 0 : i32
    %c0_i32_1 = arith.constant 0 : i32
    return %c0_i32, %arg0, %c0_i32_0 : i32, i32, i32
  }
  func.func @transform_2(%arg0: i32) -> (i32, i32) {
    %c0_i32 = arith.constant 0 : i32
    %c0_i32_0 = arith.constant 0 : i32
    return %arg0, %c0_i32 : i32, i32
  }
}

module attributes {stable_mosaic.version = 14 : i64} {
  func.func @_m12_body(%arg0: i32, %arg1: memref<2x1x2000x128xf32, #tpu.memory_space<vmem>>, %arg2: memref<2x2000x128xf32, #tpu.memory_space<vmem>>, %arg3: memref<128x1000xf32, #tpu.memory_space<vmem>>, %arg4: memref<1x1000xf32, #tpu.memory_space<vmem>>, %arg5: memref<1000x768xf32, #tpu.memory_space<vmem>>, %arg6: memref<2000x128xf32, #tpu.memory_space<vmem>>, %arg7: memref<2000x128xf32, #tpu.memory_space<vmem>>, %arg8: memref<2000x128xf32, #tpu.memory_space<vmem>>, %arg9: memref<2000x128xf32, #tpu.memory_space<vmem>>, %arg10: memref<2000x128xf32, #tpu.memory_space<vmem>>, %arg11: memref<2000x128xf32, #tpu.memory_space<vmem>>) attributes {dimension_semantics = [#tpu.dimension_semantics<arbitrary>], iteration_bounds = array<i64: 5>, scalar_prefetch = 0 : i64, scratch_operands = 0 : i64, tpu.core_type = #tpu.core_type<tc>, window_params = [{transform_indices = @transform_0, window_bounds = array<i64: 2, 1, 2000, 128>}, {transform_indices = @transform_1, window_bounds = array<i64: 2, 2000, 128>}, {pipeline_mode = #tpu.pipeline_mode<synchronous>, transform_indices = @transform_2, window_bounds = array<i64: 128, 1000>}, {pipeline_mode = #tpu.pipeline_mode<synchronous>, transform_indices = @transform_3, window_bounds = array<i64: 1, 1000>}, {pipeline_mode = #tpu.pipeline_mode<synchronous>, transform_indices = @transform_4, window_bounds = array<i64: 1000, 768>}, {transform_indices = @transform_5, window_bounds = array<i64: 2000, 128>}, {transform_indices = @transform_6, window_bounds = array<i64: 2000, 128>}, {transform_indices = @transform_7, window_bounds = array<i64: 2000, 128>}, {transform_indices = @transform_8, window_bounds = array<i64: 2000, 128>}, {transform_indices = @transform_9, window_bounds = array<i64: 2000, 128>}, {transform_indices = @transform_10, window_bounds = array<i64: 2000, 128>}]} {
    %get3A = arith.constant 0 : index
    %get3A_0 = arith.constant 0 : index
    %get3A_1 = arith.constant 0 : index
    %get3A_2 = vector.load %arg2[%get3A, %get3A_0, %get3A_1] : memref<2x2000x128xf32, #tpu.memory_space<vmem>>, vector<2x2000x128xf32>
    %slice3A = vector.extract_strided_slice %get3A_2 {offsets = [0, 0, 0], sizes = [1, 2000, 1], strides = [1, 1, 1]} : vector<2x2000x128xf32> to vector<1x2000x1xf32>
    %squeeze3A = vector.shape_cast %slice3A : vector<1x2000x1xf32> to vector<2000x1xf32>
    %slice3A_3 = vector.extract_strided_slice %get3A_2 {offsets = [1, 0, 0], sizes = [1, 2000, 1], strides = [1, 1, 1]} : vector<2x2000x128xf32> to vector<1x2000x1xf32>
    %squeeze3A_4 = vector.shape_cast %slice3A_3 : vector<1x2000x1xf32> to vector<2000x1xf32>
    %add3A = arith.addf %squeeze3A, %squeeze3A_4 : vector<2000x1xf32>
    %rsqrt3A = math.rsqrt %add3A : vector<2000x1xf32>
    %get3A_5 = arith.constant 0 : index
    %get3A_6 = arith.constant 0 : index
    %get3A_7 = arith.constant 0 : index
    %get3A_8 = arith.constant 0 : index
    %get3A_9 = vector.load %arg1[%get3A_5, %get3A_6, %get3A_7, %get3A_8] : memref<2x1x2000x128xf32, #tpu.memory_space<vmem>>, vector<2x1x2000x128xf32>
    %slice3A_10 = vector.extract_strided_slice %get3A_9 {offsets = [0, 0, 0, 0], sizes = [1, 1, 2000, 128], strides = [1, 1, 1, 1]} : vector<2x1x2000x128xf32> to vector<1x1x2000x128xf32>
    %squeeze3A_11 = vector.shape_cast %slice3A_10 : vector<1x1x2000x128xf32> to vector<2000x128xf32>
    %slice3A_12 = vector.extract_strided_slice %get3A_9 {offsets = [1, 0, 0, 0], sizes = [1, 1, 2000, 128], strides = [1, 1, 1, 1]} : vector<2x1x2000x128xf32> to vector<1x1x2000x128xf32>
    %squeeze3A_13 = vector.shape_cast %slice3A_12 : vector<1x1x2000x128xf32> to vector<2000x128xf32>
    %add3A_14 = arith.addf %squeeze3A_11, %squeeze3A_13 : vector<2000x128xf32>
    %mul3A = vector.broadcast %rsqrt3A : vector<2000x1xf32> to vector<2000x128xf32>
    %mul3A_15 = arith.mulf %add3A_14, %mul3A : vector<2000x128xf32>
    %get3A_16 = arith.constant 0 : index
    %get3A_17 = arith.constant 0 : index
    %get3A_18 = vector.load %arg3[%get3A_16, %get3A_17] : memref<128x1000xf32, #tpu.memory_space<vmem>>, vector<128x1000xf32>
    %dot_general3A = arith.constant dense<0.000000e+00> : vector<2000x1000xf32>
    %dot_general3A_19 = tpu.matmul %mul3A_15, %get3A_18, %dot_general3A {dimension_numbers = #tpu.dot_dimension_numbers<[1], [0], [0], [1], [0, 0, 1, 1], [], []>, transpose_lhs_hint = false} : vector<2000x128xf32>, vector<128x1000xf32>, vector<2000x1000xf32> -> vector<2000x1000xf32>
    %get3A_20 = arith.constant 0 : index
    %get3A_21 = arith.constant 0 : index
    %get3A_22 = vector.load %arg4[%get3A_20, %get3A_21] : memref<1x1000xf32, #tpu.memory_space<vmem>>, vector<1x1000xf32>
    %add3A_23 = vector.broadcast %get3A_22 : vector<1x1000xf32> to vector<2000x1000xf32>
    %add3A_24 = arith.addf %dot_general3A_19, %add3A_23 : vector<2000x1000xf32>
    %max3A = arith.constant 0.000000e+00 : f32
    %max3A_25 = vector.broadcast %max3A : f32 to vector<2000x1000xf32>
    %max3A_26 = arith.maximumf %add3A_24, %max3A_25 : vector<2000x1000xf32>
    %get3A_27 = arith.constant 0 : index
    %get3A_28 = arith.constant 0 : index
    %get3A_29 = vector.load %arg5[%get3A_27, %get3A_28] : memref<1000x768xf32, #tpu.memory_space<vmem>>, vector<1000x768xf32>
    %dot_general3A_30 = arith.constant dense<0.000000e+00> : vector<2000x768xf32>
    %dot_general3A_31 = tpu.matmul %max3A_26, %get3A_29, %dot_general3A_30 {dimension_numbers = #tpu.dot_dimension_numbers<[1], [0], [0], [1], [0, 0, 1, 1], [], []>, transpose_lhs_hint = false} : vector<2000x1000xf32>, vector<1000x768xf32>, vector<2000x768xf32> -> vector<2000x768xf32>
    %mul3A_32 = vector.broadcast %rsqrt3A : vector<2000x1xf32> to vector<2000x768xf32>
    %mul3A_33 = arith.mulf %dot_general3A_31, %mul3A_32 : vector<2000x768xf32>
    %slice3A_34 = vector.extract_strided_slice %mul3A_33 {offsets = [0, 0], sizes = [2000, 128], strides = [1, 1]} : vector<2000x768xf32> to vector<2000x128xf32>
    %swap3A = arith.constant 0 : index
    %swap3A_35 = arith.constant 0 : index
    %swap3A_36 = vector.load %arg6[%swap3A, %swap3A_35] : memref<2000x128xf32, #tpu.memory_space<vmem>>, vector<2000x128xf32>
    tpu.vector_store %arg6[%swap3A, %swap3A_35], %slice3A_34 {strides = array<i32>} : memref<2000x128xf32, #tpu.memory_space<vmem>>, vector<2000x128xf32>,
    %slice3A_37 = vector.extract_strided_slice %mul3A_33 {offsets = [0, 128], sizes = [2000, 128], strides = [1, 1]} : vector<2000x768xf32> to vector<2000x128xf32>
    %swap3A_38 = arith.constant 0 : index
    %swap3A_39 = arith.constant 0 : index
    %swap3A_40 = vector.load %arg7[%swap3A_38, %swap3A_39] : memref<2000x128xf32, #tpu.memory_space<vmem>>, vector<2000x128xf32>
    tpu.vector_store %arg7[%swap3A_38, %swap3A_39], %slice3A_37 {strides = array<i32>} : memref<2000x128xf32, #tpu.memory_space<vmem>>, vector<2000x128xf32>,
    %slice3A_41 = vector.extract_strided_slice %mul3A_33 {offsets = [0, 256], sizes = [2000, 128], strides = [1, 1]} : vector<2000x768xf32> to vector<2000x128xf32>
    %swap3A_42 = arith.constant 0 : index
    %swap3A_43 = arith.constant 0 : index
    %swap3A_44 = vector.load %arg8[%swap3A_42, %swap3A_43] : memref<2000x128xf32, #tpu.memory_space<vmem>>, vector<2000x128xf32>
    tpu.vector_store %arg8[%swap3A_42, %swap3A_43], %slice3A_41 {strides = array<i32>} : memref<2000x128xf32, #tpu.memory_space<vmem>>, vector<2000x128xf32>,
    %slice3A_45 = vector.extract_strided_slice %mul3A_33 {offsets = [0, 384], sizes = [2000, 128], strides = [1, 1]} : vector<2000x768xf32> to vector<2000x128xf32>
    %swap3A_46 = arith.constant 0 : index
    %swap3A_47 = arith.constant 0 : index
    %swap3A_48 = vector.load %arg9[%swap3A_46, %swap3A_47] : memref<2000x128xf32, #tpu.memory_space<vmem>>, vector<2000x128xf32>
    tpu.vector_store %arg9[%swap3A_46, %swap3A_47], %slice3A_45 {strides = array<i32>} : memref<2000x128xf32, #tpu.memory_space<vmem>>, vector<2000x128xf32>,
    %slice3A_49 = vector.extract_strided_slice %mul3A_33 {offsets = [0, 512], sizes = [2000, 128], strides = [1, 1]} : vector<2000x768xf32> to vector<2000x128xf32>
    %swap3A_50 = arith.constant 0 : index
    %swap3A_51 = arith.constant 0 : index
    %swap3A_52 = vector.load %arg10[%swap3A_50, %swap3A_51] : memref<2000x128xf32, #tpu.memory_space<vmem>>, vector<2000x128xf32>
    tpu.vector_store %arg10[%swap3A_50, %swap3A_51], %slice3A_49 {strides = array<i32>} : memref<2000x128xf32, #tpu.memory_space<vmem>>, vector<2000x128xf32>,
    %slice3A_53 = vector.extract_strided_slice %mul3A_33 {offsets = [0, 640], sizes = [2000, 128], strides = [1, 1]} : vector<2000x768xf32> to vector<2000x128xf32>
    %swap3A_54 = arith.constant 0 : index
    %swap3A_55 = arith.constant 0 : index
    %swap3A_56 = vector.load %arg11[%swap3A_54, %swap3A_55] : memref<2000x128xf32, #tpu.memory_space<vmem>>, vector<2000x128xf32>
    tpu.vector_store %arg11[%swap3A_54, %swap3A_55], %slice3A_53 {strides = array<i32>} : memref<2000x128xf32, #tpu.memory_space<vmem>>, vector<2000x128xf32>,
    return
  }
  func.func @transform_0(%arg0: i32) -> (i32, i32, i32, i32) {
    %c0_i32 = arith.constant 0 : i32
    %c0_i32_0 = arith.constant 0 : i32
    %c0_i32_1 = arith.constant 0 : i32
    %c0_i32_2 = arith.constant 0 : i32
    return %c0_i32, %c0_i32_0, %arg0, %c0_i32_1 : i32, i32, i32, i32
  }
  func.func @transform_1(%arg0: i32) -> (i32, i32, i32) {
    %c0_i32 = arith.constant 0 : i32
    %c0_i32_0 = arith.constant 0 : i32
    %c0_i32_1 = arith.constant 0 : i32
    return %c0_i32, %arg0, %c0_i32_0 : i32, i32, i32
  }
  func.func @transform_2(%arg0: i32) -> (i32, i32) {
    %c0_i32 = arith.constant 0 : i32
    %c0_i32_0 = arith.constant 0 : i32
    %c0_i32_1 = arith.constant 0 : i32
    return %c0_i32, %c0_i32_0 : i32, i32
  }
  func.func @transform_3(%arg0: i32) -> (i32, i32) {
    %c0_i32 = arith.constant 0 : i32
    %c0_i32_0 = arith.constant 0 : i32
    %c0_i32_1 = arith.constant 0 : i32
    return %c0_i32, %c0_i32_0 : i32, i32
  }
  func.func @transform_4(%arg0: i32) -> (i32, i32) {
    %c0_i32 = arith.constant 0 : i32
    %c0_i32_0 = arith.constant 0 : i32
    %c0_i32_1 = arith.constant 0 : i32
    return %c0_i32, %c0_i32_0 : i32, i32
  }
  func.func @transform_5(%arg0: i32) -> (i32, i32) {
    %c0_i32 = arith.constant 0 : i32
    %c0_i32_0 = arith.constant 0 : i32
    return %arg0, %c0_i32 : i32, i32
  }
  func.func @transform_6(%arg0: i32) -> (i32, i32) {
    %c0_i32 = arith.constant 0 : i32
    %c0_i32_0 = arith.constant 0 : i32
    return %arg0, %c0_i32 : i32, i32
  }
  func.func @transform_7(%arg0: i32) -> (i32, i32) {
    %c0_i32 = arith.constant 0 : i32
    %c0_i32_0 = arith.constant 0 : i32
    return %arg0, %c0_i32 : i32, i32
  }
  func.func @transform_8(%arg0: i32) -> (i32, i32) {
    %c0_i32 = arith.constant 0 : i32
    %c0_i32_0 = arith.constant 0 : i32
    return %arg0, %c0_i32 : i32, i32
  }
  func.func @transform_9(%arg0: i32) -> (i32, i32) {
    %c0_i32 = arith.constant 0 : i32
    %c0_i32_0 = arith.constant 0 : i32
    return %arg0, %c0_i32 : i32, i32
  }
  func.func @transform_10(%arg0: i32) -> (i32, i32) {
    %c0_i32 = arith.constant 0 : i32
    %c0_i32_0 = arith.constant 0 : i32
    return %arg0, %c0_i32 : i32, i32
  }
}

module attributes {stable_mosaic.version = 14 : i64} {
  func.func @_m3_body(%arg0: i32, %arg1: memref<2x6x2000x128xf32, #tpu.memory_space<vmem>>, %arg2: memref<2x2000x128xf32, #tpu.memory_space<vmem>>, %arg3: memref<1x768xf32, #tpu.memory_space<vmem>>, %arg4: memref<768x256xf32, #tpu.memory_space<vmem>>, %arg5: memref<2000x128xf32, #tpu.memory_space<vmem>>, %arg6: memref<2000x128xf32, #tpu.memory_space<vmem>>) attributes {dimension_semantics = [#tpu.dimension_semantics<arbitrary>], iteration_bounds = array<i64: 5>, scalar_prefetch = 0 : i64, scratch_operands = 0 : i64, tpu.core_type = #tpu.core_type<tc>, window_params = [{transform_indices = @transform_0, window_bounds = array<i64: 2, 6, 2000, 128>}, {transform_indices = @transform_1, window_bounds = array<i64: 2, 2000, 128>}, {pipeline_mode = #tpu.pipeline_mode<synchronous>, transform_indices = @transform_2, window_bounds = array<i64: 1, 768>}, {pipeline_mode = #tpu.pipeline_mode<synchronous>, transform_indices = @transform_3, window_bounds = array<i64: 768, 256>}, {transform_indices = @transform_4, window_bounds = array<i64: 2000, 128>}, {transform_indices = @transform_5, window_bounds = array<i64: 2000, 128>}]} {
    %get3A = arith.constant 0 : index
    %get3A_0 = arith.constant 0 : index
    %get3A_1 = arith.constant 0 : index
    %get3A_2 = vector.load %arg2[%get3A, %get3A_0, %get3A_1] : memref<2x2000x128xf32, #tpu.memory_space<vmem>>, vector<2x2000x128xf32>
    %slice3A = vector.extract_strided_slice %get3A_2 {offsets = [0, 0, 0], sizes = [1, 2000, 1], strides = [1, 1, 1]} : vector<2x2000x128xf32> to vector<1x2000x1xf32>
    %squeeze3A = vector.shape_cast %slice3A : vector<1x2000x1xf32> to vector<2000x1xf32>
    %slice3A_3 = vector.extract_strided_slice %get3A_2 {offsets = [1, 0, 0], sizes = [1, 2000, 1], strides = [1, 1, 1]} : vector<2x2000x128xf32> to vector<1x2000x1xf32>
    %squeeze3A_4 = vector.shape_cast %slice3A_3 : vector<1x2000x1xf32> to vector<2000x1xf32>
    %add3A = arith.addf %squeeze3A, %squeeze3A_4 : vector<2000x1xf32>
    %rsqrt3A = math.rsqrt %add3A : vector<2000x1xf32>
    %get3A_5 = arith.constant 0 : index
    %get3A_6 = arith.constant 0 : index
    %get3A_7 = arith.constant 0 : index
    %get3A_8 = arith.constant 0 : index
    %get3A_9 = vector.load %arg1[%get3A_5, %get3A_6, %get3A_7, %get3A_8] : memref<2x6x2000x128xf32, #tpu.memory_space<vmem>>, vector<2x6x2000x128xf32>
    %slice3A_10 = vector.extract_strided_slice %get3A_9 {offsets = [0, 0, 0, 0], sizes = [1, 1, 2000, 128], strides = [1, 1, 1, 1]} : vector<2x6x2000x128xf32> to vector<1x1x2000x128xf32>
    %squeeze3A_11 = vector.shape_cast %slice3A_10 : vector<1x1x2000x128xf32> to vector<2000x128xf32>
    %slice3A_12 = vector.extract_strided_slice %get3A_9 {offsets = [1, 0, 0, 0], sizes = [1, 1, 2000, 128], strides = [1, 1, 1, 1]} : vector<2x6x2000x128xf32> to vector<1x1x2000x128xf32>
    %squeeze3A_13 = vector.shape_cast %slice3A_12 : vector<1x1x2000x128xf32> to vector<2000x128xf32>
    %add3A_14 = arith.addf %squeeze3A_11, %squeeze3A_13 : vector<2000x128xf32>
    %slice3A_15 = vector.extract_strided_slice %get3A_9 {offsets = [0, 1, 0, 0], sizes = [1, 1, 2000, 128], strides = [1, 1, 1, 1]} : vector<2x6x2000x128xf32> to vector<1x1x2000x128xf32>
    %squeeze3A_16 = vector.shape_cast %slice3A_15 : vector<1x1x2000x128xf32> to vector<2000x128xf32>
    %slice3A_17 = vector.extract_strided_slice %get3A_9 {offsets = [1, 1, 0, 0], sizes = [1, 1, 2000, 128], strides = [1, 1, 1, 1]} : vector<2x6x2000x128xf32> to vector<1x1x2000x128xf32>
    %squeeze3A_18 = vector.shape_cast %slice3A_17 : vector<1x1x2000x128xf32> to vector<2000x128xf32>
    %add3A_19 = arith.addf %squeeze3A_16, %squeeze3A_18 : vector<2000x128xf32>
    %slice3A_20 = vector.extract_strided_slice %get3A_9 {offsets = [0, 2, 0, 0], sizes = [1, 1, 2000, 128], strides = [1, 1, 1, 1]} : vector<2x6x2000x128xf32> to vector<1x1x2000x128xf32>
    %squeeze3A_21 = vector.shape_cast %slice3A_20 : vector<1x1x2000x128xf32> to vector<2000x128xf32>
    %slice3A_22 = vector.extract_strided_slice %get3A_9 {offsets = [1, 2, 0, 0], sizes = [1, 1, 2000, 128], strides = [1, 1, 1, 1]} : vector<2x6x2000x128xf32> to vector<1x1x2000x128xf32>
    %squeeze3A_23 = vector.shape_cast %slice3A_22 : vector<1x1x2000x128xf32> to vector<2000x128xf32>
    %add3A_24 = arith.addf %squeeze3A_21, %squeeze3A_23 : vector<2000x128xf32>
    %slice3A_25 = vector.extract_strided_slice %get3A_9 {offsets = [0, 3, 0, 0], sizes = [1, 1, 2000, 128], strides = [1, 1, 1, 1]} : vector<2x6x2000x128xf32> to vector<1x1x2000x128xf32>
    %squeeze3A_26 = vector.shape_cast %slice3A_25 : vector<1x1x2000x128xf32> to vector<2000x128xf32>
    %slice3A_27 = vector.extract_strided_slice %get3A_9 {offsets = [1, 3, 0, 0], sizes = [1, 1, 2000, 128], strides = [1, 1, 1, 1]} : vector<2x6x2000x128xf32> to vector<1x1x2000x128xf32>
    %squeeze3A_28 = vector.shape_cast %slice3A_27 : vector<1x1x2000x128xf32> to vector<2000x128xf32>
    %add3A_29 = arith.addf %squeeze3A_26, %squeeze3A_28 : vector<2000x128xf32>
    %slice3A_30 = vector.extract_strided_slice %get3A_9 {offsets = [0, 4, 0, 0], sizes = [1, 1, 2000, 128], strides = [1, 1, 1, 1]} : vector<2x6x2000x128xf32> to vector<1x1x2000x128xf32>
    %squeeze3A_31 = vector.shape_cast %slice3A_30 : vector<1x1x2000x128xf32> to vector<2000x128xf32>
    %slice3A_32 = vector.extract_strided_slice %get3A_9 {offsets = [1, 4, 0, 0], sizes = [1, 1, 2000, 128], strides = [1, 1, 1, 1]} : vector<2x6x2000x128xf32> to vector<1x1x2000x128xf32>
    %squeeze3A_33 = vector.shape_cast %slice3A_32 : vector<1x1x2000x128xf32> to vector<2000x128xf32>
    %add3A_34 = arith.addf %squeeze3A_31, %squeeze3A_33 : vector<2000x128xf32>
    %slice3A_35 = vector.extract_strided_slice %get3A_9 {offsets = [0, 5, 0, 0], sizes = [1, 1, 2000, 128], strides = [1, 1, 1, 1]} : vector<2x6x2000x128xf32> to vector<1x1x2000x128xf32>
    %squeeze3A_36 = vector.shape_cast %slice3A_35 : vector<1x1x2000x128xf32> to vector<2000x128xf32>
    %slice3A_37 = vector.extract_strided_slice %get3A_9 {offsets = [1, 5, 0, 0], sizes = [1, 1, 2000, 128], strides = [1, 1, 1, 1]} : vector<2x6x2000x128xf32> to vector<1x1x2000x128xf32>
    %squeeze3A_38 = vector.shape_cast %slice3A_37 : vector<1x1x2000x128xf32> to vector<2000x128xf32>
    %add3A_39 = arith.addf %squeeze3A_36, %squeeze3A_38 : vector<2000x128xf32>
    %concatenate3A = tpu.concatenate %add3A_14, %add3A_19, %add3A_24, %add3A_29, %add3A_34, %add3A_39 in 1 : vector<2000x128xf32>, vector<2000x128xf32>, vector<2000x128xf32>, vector<2000x128xf32>, vector<2000x128xf32>, vector<2000x128xf32> -> vector<2000x768xf32>
    %mul3A = vector.broadcast %rsqrt3A : vector<2000x1xf32> to vector<2000x768xf32>
    %mul3A_40 = arith.mulf %concatenate3A, %mul3A : vector<2000x768xf32>
    %get3A_41 = arith.constant 0 : index
    %get3A_42 = arith.constant 0 : index
    %get3A_43 = vector.load %arg3[%get3A_41, %get3A_42] : memref<1x768xf32, #tpu.memory_space<vmem>>, vector<1x768xf32>
    %add3A_44 = vector.broadcast %get3A_43 : vector<1x768xf32> to vector<2000x768xf32>
    %add3A_45 = arith.addf %mul3A_40, %add3A_44 : vector<2000x768xf32>
    %max3A = arith.constant 0.000000e+00 : f32
    %max3A_46 = vector.broadcast %max3A : f32 to vector<2000x768xf32>
    %max3A_47 = arith.maximumf %add3A_45, %max3A_46 : vector<2000x768xf32>
    %get3A_48 = arith.constant 0 : index
    %get3A_49 = arith.constant 0 : index
    %get3A_50 = vector.load %arg4[%get3A_48, %get3A_49] : memref<768x256xf32, #tpu.memory_space<vmem>>, vector<768x256xf32>
    %dot_general3A = arith.constant dense<0.000000e+00> : vector<2000x256xf32>
    %dot_general3A_51 = tpu.matmul %max3A_47, %get3A_50, %dot_general3A {dimension_numbers = #tpu.dot_dimension_numbers<[1], [0], [0], [1], [0, 0, 1, 1], [], []>, transpose_lhs_hint = false} : vector<2000x768xf32>, vector<768x256xf32>, vector<2000x256xf32> -> vector<2000x256xf32>
    %mul3A_52 = vector.broadcast %rsqrt3A : vector<2000x1xf32> to vector<2000x256xf32>
    %mul3A_53 = arith.mulf %dot_general3A_51, %mul3A_52 : vector<2000x256xf32>
    %slice3A_54 = vector.extract_strided_slice %mul3A_53 {offsets = [0, 0], sizes = [2000, 128], strides = [1, 1]} : vector<2000x256xf32> to vector<2000x128xf32>
    %swap3A = arith.constant 0 : index
    %swap3A_55 = arith.constant 0 : index
    %swap3A_56 = vector.load %arg5[%swap3A, %swap3A_55] : memref<2000x128xf32, #tpu.memory_space<vmem>>, vector<2000x128xf32>
    tpu.vector_store %arg5[%swap3A, %swap3A_55], %slice3A_54 {strides = array<i32>} : memref<2000x128xf32, #tpu.memory_space<vmem>>, vector<2000x128xf32>,
    %slice3A_57 = vector.extract_strided_slice %mul3A_53 {offsets = [0, 128], sizes = [2000, 128], strides = [1, 1]} : vector<2000x256xf32> to vector<2000x128xf32>
    %swap3A_58 = arith.constant 0 : index
    %swap3A_59 = arith.constant 0 : index
    %swap3A_60 = vector.load %arg6[%swap3A_58, %swap3A_59] : memref<2000x128xf32, #tpu.memory_space<vmem>>, vector<2000x128xf32>
    tpu.vector_store %arg6[%swap3A_58, %swap3A_59], %slice3A_57 {strides = array<i32>} : memref<2000x128xf32, #tpu.memory_space<vmem>>, vector<2000x128xf32>,
    return
  }
  func.func @transform_0(%arg0: i32) -> (i32, i32, i32, i32) {
    %c0_i32 = arith.constant 0 : i32
    %c0_i32_0 = arith.constant 0 : i32
    %c0_i32_1 = arith.constant 0 : i32
    %c0_i32_2 = arith.constant 0 : i32
    return %c0_i32, %c0_i32_0, %arg0, %c0_i32_1 : i32, i32, i32, i32
  }
  func.func @transform_1(%arg0: i32) -> (i32, i32, i32) {
    %c0_i32 = arith.constant 0 : i32
    %c0_i32_0 = arith.constant 0 : i32
    %c0_i32_1 = arith.constant 0 : i32
    return %c0_i32, %arg0, %c0_i32_0 : i32, i32, i32
  }
  func.func @transform_2(%arg0: i32) -> (i32, i32) {
    %c0_i32 = arith.constant 0 : i32
    %c0_i32_0 = arith.constant 0 : i32
    %c0_i32_1 = arith.constant 0 : i32
    return %c0_i32, %c0_i32_0 : i32, i32
  }
  func.func @transform_3(%arg0: i32) -> (i32, i32) {
    %c0_i32 = arith.constant 0 : i32
    %c0_i32_0 = arith.constant 0 : i32
    %c0_i32_1 = arith.constant 0 : i32
    return %c0_i32, %c0_i32_0 : i32, i32
  }
  func.func @transform_4(%arg0: i32) -> (i32, i32) {
    %c0_i32 = arith.constant 0 : i32
    %c0_i32_0 = arith.constant 0 : i32
    return %arg0, %c0_i32 : i32, i32
  }
  func.func @transform_5(%arg0: i32) -> (i32, i32) {
    %c0_i32 = arith.constant 0 : i32
    %c0_i32_0 = arith.constant 0 : i32
    return %arg0, %c0_i32 : i32, i32
  }
}

module attributes {stable_mosaic.version = 14 : i64} {
  func.func @_m4_body(%arg0: i32, %arg1: memref<2x2x2000x128xf32, #tpu.memory_space<vmem>>, %arg2: memref<2x2000x128xf32, #tpu.memory_space<vmem>>, %arg3: memref<1x256xf32, #tpu.memory_space<vmem>>, %arg4: memref<2000x128xf32, #tpu.memory_space<vmem>>, %arg5: memref<256x10xf32, #tpu.memory_space<vmem>>, %arg6: memref<1x10xf32, #tpu.memory_space<vmem>>, %arg7: memref<128x10xf32, #tpu.memory_space<vmem>>, %arg8: memref<128x256xf32, #tpu.memory_space<vmem>>, %arg9: memref<128x8xf32, #tpu.memory_space<vmem>>) attributes {dimension_semantics = [#tpu.dimension_semantics<arbitrary>], iteration_bounds = array<i64: 5>, scalar_prefetch = 0 : i64, scratch_operands = 2 : i64, tpu.core_type = #tpu.core_type<tc>, window_params = [{transform_indices = @transform_0, window_bounds = array<i64: 2, 2, 2000, 128>}, {transform_indices = @transform_1, window_bounds = array<i64: 2, 2000, 128>}, {pipeline_mode = #tpu.pipeline_mode<synchronous>, transform_indices = @transform_2, window_bounds = array<i64: 1, 256>}, {transform_indices = @transform_3, window_bounds = array<i64: 2000, 128>}, {pipeline_mode = #tpu.pipeline_mode<synchronous>, transform_indices = @transform_4, window_bounds = array<i64: 256, 10>}, {pipeline_mode = #tpu.pipeline_mode<synchronous>, transform_indices = @transform_5, window_bounds = array<i64: 1, 10>}, {pipeline_mode = #tpu.pipeline_mode<synchronous>, transform_indices = @transform_6, window_bounds = array<i64: 128, 10>}]} {
    %eq3A = arith.constant 0 : i32
    %eq3A_0 = arith.cmpi eq, %arg0, %eq3A : i32
    %convert_element_type3A = arith.extui %eq3A_0 : i1 to i32
    %cond3A = arith.constant 0 : i32
    %cond3A_1 = arith.cmpi ne, %convert_element_type3A, %cond3A : i32
    scf.if %cond3A_1 {
      %broadcast_in_dim3A_59 = arith.constant 0.000000e+00 : f32
      %broadcast_in_dim3A_60 = vector.broadcast %broadcast_in_dim3A_59 : f32 to vector<128x256xf32>
      %swap3A_61 = arith.constant 0 : index
      %swap3A_62 = arith.constant 0 : index
      %swap3A_63 = vector.load %arg8[%swap3A_61, %swap3A_62] : memref<128x256xf32, #tpu.memory_space<vmem>>, vector<128x256xf32>
      tpu.vector_store %arg8[%swap3A_61, %swap3A_62], %broadcast_in_dim3A_60 {strides = array<i32>} : memref<128x256xf32, #tpu.memory_space<vmem>>, vector<128x256xf32>,
      %broadcast_in_dim3A_64 = arith.constant 0.000000e+00 : f32
      %broadcast_in_dim3A_65 = vector.broadcast %broadcast_in_dim3A_64 : f32 to vector<128x8xf32>
      %swap3A_66 = arith.constant 0 : index
      %swap3A_67 = arith.constant 0 : index
      %swap3A_68 = vector.load %arg9[%swap3A_66, %swap3A_67] : memref<128x8xf32, #tpu.memory_space<vmem>>, vector<128x8xf32>
      tpu.vector_store %arg9[%swap3A_66, %swap3A_67], %broadcast_in_dim3A_65 {strides = array<i32>} : memref<128x8xf32, #tpu.memory_space<vmem>>, vector<128x8xf32>,
    } else {
    }
    %get3A = arith.constant 0 : index
    %get3A_2 = arith.constant 0 : index
    %get3A_3 = arith.constant 0 : index
    %get3A_4 = vector.load %arg2[%get3A, %get3A_2, %get3A_3] : memref<2x2000x128xf32, #tpu.memory_space<vmem>>, vector<2x2000x128xf32>
    %slice3A = vector.extract_strided_slice %get3A_4 {offsets = [0, 0, 0], sizes = [1, 2000, 1], strides = [1, 1, 1]} : vector<2x2000x128xf32> to vector<1x2000x1xf32>
    %squeeze3A = vector.shape_cast %slice3A : vector<1x2000x1xf32> to vector<2000x1xf32>
    %slice3A_5 = vector.extract_strided_slice %get3A_4 {offsets = [1, 0, 0], sizes = [1, 2000, 1], strides = [1, 1, 1]} : vector<2x2000x128xf32> to vector<1x2000x1xf32>
    %squeeze3A_6 = vector.shape_cast %slice3A_5 : vector<1x2000x1xf32> to vector<2000x1xf32>
    %add3A = arith.addf %squeeze3A, %squeeze3A_6 : vector<2000x1xf32>
    %rsqrt3A = math.rsqrt %add3A : vector<2000x1xf32>
    %get3A_7 = arith.constant 0 : index
    %get3A_8 = arith.constant 0 : index
    %get3A_9 = arith.constant 0 : index
    %get3A_10 = arith.constant 0 : index
    %get3A_11 = vector.load %arg1[%get3A_7, %get3A_8, %get3A_9, %get3A_10] : memref<2x2x2000x128xf32, #tpu.memory_space<vmem>>, vector<2x2x2000x128xf32>
    %slice3A_12 = vector.extract_strided_slice %get3A_11 {offsets = [0, 0, 0, 0], sizes = [1, 1, 2000, 128], strides = [1, 1, 1, 1]} : vector<2x2x2000x128xf32> to vector<1x1x2000x128xf32>
    %squeeze3A_13 = vector.shape_cast %slice3A_12 : vector<1x1x2000x128xf32> to vector<2000x128xf32>
    %slice3A_14 = vector.extract_strided_slice %get3A_11 {offsets = [1, 0, 0, 0], sizes = [1, 1, 2000, 128], strides = [1, 1, 1, 1]} : vector<2x2x2000x128xf32> to vector<1x1x2000x128xf32>
    %squeeze3A_15 = vector.shape_cast %slice3A_14 : vector<1x1x2000x128xf32> to vector<2000x128xf32>
    %add3A_16 = arith.addf %squeeze3A_13, %squeeze3A_15 : vector<2000x128xf32>
    %slice3A_17 = vector.extract_strided_slice %get3A_11 {offsets = [0, 1, 0, 0], sizes = [1, 1, 2000, 128], strides = [1, 1, 1, 1]} : vector<2x2x2000x128xf32> to vector<1x1x2000x128xf32>
    %squeeze3A_18 = vector.shape_cast %slice3A_17 : vector<1x1x2000x128xf32> to vector<2000x128xf32>
    %slice3A_19 = vector.extract_strided_slice %get3A_11 {offsets = [1, 1, 0, 0], sizes = [1, 1, 2000, 128], strides = [1, 1, 1, 1]} : vector<2x2x2000x128xf32> to vector<1x1x2000x128xf32>
    %squeeze3A_20 = vector.shape_cast %slice3A_19 : vector<1x1x2000x128xf32> to vector<2000x128xf32>
    %add3A_21 = arith.addf %squeeze3A_18, %squeeze3A_20 : vector<2000x128xf32>
    %concatenate3A = tpu.concatenate %add3A_16, %add3A_21 in 1 : vector<2000x128xf32>, vector<2000x128xf32> -> vector<2000x256xf32>
    %mul3A = vector.broadcast %rsqrt3A : vector<2000x1xf32> to vector<2000x256xf32>
    %mul3A_22 = arith.mulf %concatenate3A, %mul3A : vector<2000x256xf32>
    %get3A_23 = arith.constant 0 : index
    %get3A_24 = arith.constant 0 : index
    %get3A_25 = vector.load %arg3[%get3A_23, %get3A_24] : memref<1x256xf32, #tpu.memory_space<vmem>>, vector<1x256xf32>
    %add3A_26 = vector.broadcast %get3A_25 : vector<1x256xf32> to vector<2000x256xf32>
    %add3A_27 = arith.addf %mul3A_22, %add3A_26 : vector<2000x256xf32>
    %max3A = arith.constant 0.000000e+00 : f32
    %max3A_28 = vector.broadcast %max3A : f32 to vector<2000x256xf32>
    %max3A_29 = arith.maximumf %add3A_27, %max3A_28 : vector<2000x256xf32>
    %get3A_30 = arith.constant 0 : index
    %get3A_31 = arith.constant 0 : index
    %get3A_32 = vector.load %arg4[%get3A_30, %get3A_31] : memref<2000x128xf32, #tpu.memory_space<vmem>>, vector<2000x128xf32>
    %iota3A = tpu.iota {dimensions = array<i32: 1>} : vector<2000x128xi32>
    %convert_element_type3A_33 = arith.sitofp %iota3A : vector<2000x128xi32> to vector<2000x128xf32>
    %eq3A_34 = arith.cmpf oeq, %get3A_32, %convert_element_type3A_33 : vector<2000x128xf32>
    %convert_element_type3A_35 = arith.extui %eq3A_34 : vector<2000x128xi1> to vector<2000x128xi32>
    %convert_element_type3A_36 = arith.sitofp %convert_element_type3A_35 : vector<2000x128xi32> to vector<2000x128xf32>
    %get3A_37 = arith.constant 0 : index
    %get3A_38 = arith.constant 0 : index
    %get3A_39 = vector.load %arg8[%get3A_37, %get3A_38] : memref<128x256xf32, #tpu.memory_space<vmem>>, vector<128x256xf32>
    %dot_general3A = arith.constant dense<0.000000e+00> : vector<128x256xf32>
    %dot_general3A_40 = tpu.matmul %convert_element_type3A_36, %max3A_29, %dot_general3A {dimension_numbers = #tpu.dot_dimension_numbers<[0], [0], [1], [1], [0, 1, 1, 1], [], []>, transpose_lhs_hint = false} : vector<2000x128xf32>, vector<2000x256xf32>, vector<128x256xf32> -> vector<128x256xf32>
    %add3A_41 = arith.addf %get3A_39, %dot_general3A_40 : vector<128x256xf32>
    %swap3A = arith.constant 0 : index
    %swap3A_42 = arith.constant 0 : index
    %swap3A_43 = vector.load %arg8[%swap3A, %swap3A_42] : memref<128x256xf32, #tpu.memory_space<vmem>>, vector<128x256xf32>
    tpu.vector_store %arg8[%swap3A, %swap3A_42], %add3A_41 {strides = array<i32>} : memref<128x256xf32, #tpu.memory_space<vmem>>, vector<128x256xf32>,
    %get3A_44 = arith.constant 0 : index
    %get3A_45 = arith.constant 0 : index
    %get3A_46 = vector.load %arg9[%get3A_44, %get3A_45] : memref<128x8xf32, #tpu.memory_space<vmem>>, vector<128x8xf32>
    %broadcast_in_dim3A = arith.constant 1.000000e+00 : f32
    %broadcast_in_dim3A_47 = vector.broadcast %broadcast_in_dim3A : f32 to vector<2000x8xf32>
    %dot_general3A_48 = arith.constant dense<0.000000e+00> : vector<128x8xf32>
    %dot_general3A_49 = tpu.matmul %convert_element_type3A_36, %broadcast_in_dim3A_47, %dot_general3A_48 {dimension_numbers = #tpu.dot_dimension_numbers<[0], [0], [1], [1], [0, 1, 1, 1], [], []>, transpose_lhs_hint = false} : vector<2000x128xf32>, vector<2000x8xf32>, vector<128x8xf32> -> vector<128x8xf32>
    %add3A_50 = arith.addf %get3A_46, %dot_general3A_49 : vector<128x8xf32>
    %swap3A_51 = arith.constant 0 : index
    %swap3A_52 = arith.constant 0 : index
    %swap3A_53 = vector.load %arg9[%swap3A_51, %swap3A_52] : memref<128x8xf32, #tpu.memory_space<vmem>>, vector<128x8xf32>
    tpu.vector_store %arg9[%swap3A_51, %swap3A_52], %add3A_50 {strides = array<i32>} : memref<128x8xf32, #tpu.memory_space<vmem>>, vector<128x8xf32>,
    %eq3A_54 = arith.constant 4 : i32
    %eq3A_55 = arith.cmpi eq, %arg0, %eq3A_54 : i32
    %convert_element_type3A_56 = arith.extui %eq3A_55 : i1 to i32
    %cond3A_57 = arith.constant 0 : i32
    %cond3A_58 = arith.cmpi ne, %convert_element_type3A_56, %cond3A_57 : i32
    scf.if %cond3A_58 {
      %get3A_59 = arith.constant 0 : index
      %get3A_60 = arith.constant 0 : index
      %get3A_61 = vector.load %arg8[%get3A_59, %get3A_60] : memref<128x256xf32, #tpu.memory_space<vmem>>, vector<128x256xf32>
      %get3A_62 = arith.constant 0 : index
      %get3A_63 = arith.constant 0 : index
      %get3A_64 = vector.load %arg9[%get3A_62, %get3A_63] : memref<128x8xf32, #tpu.memory_space<vmem>>, vector<128x8xf32>
      %slice3A_65 = vector.extract_strided_slice %get3A_64 {offsets = [0, 0], sizes = [128, 1], strides = [1, 1]} : vector<128x8xf32> to vector<128x1xf32>
      %max3A_66 = arith.constant 1.000000e+00 : f32
      %max3A_67 = vector.broadcast %max3A_66 : f32 to vector<128x1xf32>
      %max3A_68 = arith.maximumf %slice3A_65, %max3A_67 : vector<128x1xf32>
      %div3A = vector.broadcast %max3A_68 : vector<128x1xf32> to vector<128x256xf32>
      %div3A_69 = arith.divf %get3A_61, %div3A : vector<128x256xf32>
      %get3A_70 = arith.constant 0 : index
      %get3A_71 = arith.constant 0 : index
      %get3A_72 = vector.load %arg5[%get3A_70, %get3A_71] : memref<256x10xf32, #tpu.memory_space<vmem>>, vector<256x10xf32>
      %dot_general3A_73 = arith.constant dense<0.000000e+00> : vector<128x10xf32>
      %dot_general3A_74 = tpu.matmul %div3A_69, %get3A_72, %dot_general3A_73 {dimension_numbers = #tpu.dot_dimension_numbers<[1], [0], [0], [1], [0, 0, 1, 1], [], []>, transpose_lhs_hint = false} : vector<128x256xf32>, vector<256x10xf32>, vector<128x10xf32> -> vector<128x10xf32>
      %get3A_75 = arith.constant 0 : index
      %get3A_76 = arith.constant 0 : index
      %get3A_77 = vector.load %arg6[%get3A_75, %get3A_76] : memref<1x10xf32, #tpu.memory_space<vmem>>, vector<1x10xf32>
      %add3A_78 = vector.broadcast %get3A_77 : vector<1x10xf32> to vector<128x10xf32>
      %add3A_79 = arith.addf %dot_general3A_74, %add3A_78 : vector<128x10xf32>
      %swap3A_80 = arith.constant 0 : index
      %swap3A_81 = arith.constant 0 : index
      %swap3A_82 = vector.load %arg7[%swap3A_80, %swap3A_81] : memref<128x10xf32, #tpu.memory_space<vmem>>, vector<128x10xf32>
      tpu.vector_store %arg7[%swap3A_80, %swap3A_81], %add3A_79 {strides = array<i32>} : memref<128x10xf32, #tpu.memory_space<vmem>>, vector<128x10xf32>,
    } else {
    }
    return
  }
  func.func @transform_0(%arg0: i32) -> (i32, i32, i32, i32) {
    %c0_i32 = arith.constant 0 : i32
    %c0_i32_0 = arith.constant 0 : i32
    %c0_i32_1 = arith.constant 0 : i32
    %c0_i32_2 = arith.constant 0 : i32
    return %c0_i32, %c0_i32_0, %arg0, %c0_i32_1 : i32, i32, i32, i32
  }
  func.func @transform_1(%arg0: i32) -> (i32, i32, i32) {
    %c0_i32 = arith.constant 0 : i32
    %c0_i32_0 = arith.constant 0 : i32
    %c0_i32_1 = arith.constant 0 : i32
    return %c0_i32, %arg0, %c0_i32_0 : i32, i32, i32
  }
  func.func @transform_2(%arg0: i32) -> (i32, i32) {
    %c0_i32 = arith.constant 0 : i32
    %c0_i32_0 = arith.constant 0 : i32
    %c0_i32_1 = arith.constant 0 : i32
    return %c0_i32, %c0_i32_0 : i32, i32
  }
  func.func @transform_3(%arg0: i32) -> (i32, i32) {
    %c0_i32 = arith.constant 0 : i32
    %c0_i32_0 = arith.constant 0 : i32
    return %arg0, %c0_i32 : i32, i32
  }
  func.func @transform_4(%arg0: i32) -> (i32, i32) {
    %c0_i32 = arith.constant 0 : i32
    %c0_i32_0 = arith.constant 0 : i32
    %c0_i32_1 = arith.constant 0 : i32
    return %c0_i32, %c0_i32_0 : i32, i32
  }
  func.func @transform_5(%arg0: i32) -> (i32, i32) {
    %c0_i32 = arith.constant 0 : i32
    %c0_i32_0 = arith.constant 0 : i32
    %c0_i32_1 = arith.constant 0 : i32
    return %c0_i32, %c0_i32_0 : i32, i32
  }
  func.func @transform_6(%arg0: i32) -> (i32, i32) {
    %c0_i32 = arith.constant 0 : i32
    %c0_i32_0 = arith.constant 0 : i32
    %c0_i32_1 = arith.constant 0 : i32
    return %c0_i32, %c0_i32_0 : i32, i32
  }
}

</mosaic_0001>

<sc_bundles>
// kernel: kernel.10.cloned.1.call-start
scs
__scs_entry_jumppad:
0x0: {  	(pc) =	sbr.rel $0x88, $3  }
0x1: {  	(tag) =	ssettag $0x0;
	lr =	simm.s32 $0x1  }
0x2: {  	[smem:$0x3F96] =	sst lr;
	_ =	strace $0xD0000000  }
0x3: {  	_ = 	snop  }
0x4: {  	_ = 	snop  }
0x5: {  	_ = 	snop  }
0x6: {  	_ = 	snop  }
0x7: {  	_ = 	snop  }
__scs_overlays_trampoline_lowered:
0x8: {  	[smem:$0x3FA5] =	sst s0  }
0x9: {  	[smem:$0x3FA6] =	sst s1  }
0xa: {  	[smem:$0x3FA7] =	sst s2  }
0xb: {  	[smem:$0x3FA8] =	sst s3  }
0xc: {  	[smem:$0x3FA9] =	sst s4  }
0xd: {  	[smem:$0x3FAA] =	sst s5  }
0xe: {  	[smem:$0x3FAB] =	sst s6  }
0xf: {  	[smem:$0x3FAC] =	sst s7  }
0x10: {  	[smem:$0x3FAD] =	sst s8  }
0x11: {  	[smem:$0x3FAE] =	sst s9;
	s0 =	simm.s32 @!p0 $0x0  }
0x12: {  	s1 =	sld [smem:$0x3F94];
	s0 =	simm.s32 @p0 $0x1  }
0x13: {  	[smem:$0x3FAF] =	sst s0;
	s0 =	simm.s32 @!p1 $0x0  }
0x14: {  	s2 =	sld [smem:$0x3F93];
	s0 =	simm.s32 @p1 $0x1  }
0x15: {  	[smem:$0x3FB0] =	sst s0;
	s0 =	simm.s32 @!p2 $0x0  }
0x16: {  	s3 =	sld [smem:$0x3FDB];
	s0 =	simm.s32 @p2 $0x1  }
0x17: {  	s4 =	simm.s32 $0x1BF5;
	[smem:$0x3FB2] =	sst s0  }
0x18: {  	s0 =	sld [smem:$0x3F95];
	_ =	swait.ge [sflag:s4], $0x0  }
0x19: {  	s7 =	sld [smem:$0x3F96]  }
0x1a: {  	s8 =	sadd.s32 $0xFFFFE003, lr  }
0x1b: {  	s9 =	sadd.s32 $0xFFFFFEF7, lr;
	s5 =	simm.s32 $0xFFFFFFFF;
	p2 =	slt.u32 s8, $0xFFFFF086  }
0x1c: {  	p1 =	slt.u32 s9, $0xF7A;
	s5 =	simm.s32 @!p2 $0x0  }
0x1d: {  	s5 =	simm.s32 @p1 $0x1;
	p0 =	seq.s32 s7, s2  }
0x1e: {  	s7 =	smul.u32 @!p0 $0xF7A, s2;
	p2 =	seq.s32 @!p0 s5, $0x0  }
0x1f: {  	s9 =	smul.u32 $0xF7A, s1;
	s8 =	simm.s32 @!p0 $0x1BF5;
	p2 =	por !p2, p0  }
0x20: {  	[sflag:s8] =	ssyncset.s32 @!p0 $0xFFFFF086;
	s6 =	sadd.s32 @!p0 s3, s7;
	s7 =	simm.s32 @!p0 $0x108  }
0x21: {  	s3 =	sadd.s32 s3, s9;
	s6 =	sadd.s32 @!p0 $0x88, s6;
	s7 =	simm.s32 @p2 $0x1082  }
0x22: {  	[simem:s7], [sflag:s8] =	dma.local @!p0 [hbm:s6], $0xF7A  }
0x23: {  	s9 =	sor.u32 $0xD0000000, s2;
	s6 =	simm.s32 $0x108;
	_ =	swait.ge @!p0 [sflag:s8], $0x0  }
0x24: {  	s3 =	sadd.s32 $0x88, s3;
	s6 =	simm.s32 @!p1 $0x1082;
	[sflag:s4] =	ssyncset.s32 $0xFFFFF086  }
0x25: {  	[simem:s6], [sflag:s4] =	dma.local [hbm:s3], $0xF7A  }
0x26: {  	[smem:$0x3F96] =	sst s1;
	(tag) =	ssettag s2;
	_ =	strace s9  }
0x27: {  	s1 =	sld [smem:$0x3FA6]  }
0x28: {  	s2 =	sld [smem:$0x3FA7]  }
0x29: {  	s4 =	sld [smem:$0x3FA9]  }
0x2a: {  	p0 =	seq.s32 s5, $0x0;
	s5 =	sld [smem:$0x3FAA]  }
0x2b: {  	s6 =	sld [smem:$0x3FAB]  }
0x2c: {  	s7 =	sld [smem:$0x3FAC]  }
0x2d: {  	s3 =	simm.s32 $0x108;
	s8 =	sld [smem:$0x3FAD]  }
0x2e: {  	s3 =	simm.s32 @!p0 $0x1082;
	s9 =	sld [smem:$0x3FAE]  }
0x2f: {  	lr =	sadd.s32 s0, s3;
	s0 =	sld [smem:$0x3FA5]  }
0x30: {  	s3 =	sld [smem:$0x3FA8]  }
0x31: {  	[smem:$0x3FB1] =	sst s10  }
0x32: {  	s10 =	sld [smem:$0x3FAF];
	_ =	sdelay $0x3  }
0x33: {  	p0 =	seq.s32 s10, $0x1;
	s10 =	sld [smem:$0x3FB1];
	_ =	sdelay $0x3  }
0x34: {  	[smem:$0x3FB1] =	sst s10  }
0x35: {  	s10 =	sld [smem:$0x3FB0];
	_ =	sdelay $0x3  }
0x36: {  	p1 =	seq.s32 s10, $0x1;
	s10 =	sld [smem:$0x3FB1];
	_ =	sdelay $0x3  }
0x37: {  	[smem:$0x3FB1] =	sst s10  }
0x38: {  	s10 =	sld [smem:$0x3FB2]  }
0x39: {  	_ = 	snop;
	(pc) =	sbr.ind lr, $3  }
0x3a: {  	_ = 	snop  }
0x3b: {  	_ = 	snop  }
0x3c: {  	p2 =	seq.s32 s10, $0x1;
	s10 =	sld [smem:$0x3FB1]  }
0x3d: {  	_ =	shalt  }
0x3e: {  	_ =	shalt  }
0x3f: {  	_ =	shalt  }
0x40: {  	_ =	shalt  }
0x41: {  	_ =	shalt  }
0x42: {  	_ =	shalt  }
0x43: {  	_ =	shalt  }
0x44: {  	_ =	shalt  }
0x45: {  	_ =	shalt  }
0x46: {  	_ =	shalt  }
0x47: {  	_ =	shalt  }
0x48: {  	_ =	shalt  }
0x49: {  	_ =	shalt  }
0x4a: {  	_ =	shalt  }
0x4b: {  	_ =	shalt  }
0x4c: {  	_ =	shalt  }
0x4d: {  	_ =	shalt  }
0x4e: {  	_ =	shalt  }
0x4f: {  	_ =	shalt  }
0x50: {  	_ =	shalt  }
0x51: {  	_ =	shalt  }
0x52: {  	_ =	shalt  }
0x53: {  	_ =	shalt  }
0x54: {  	_ =	shalt  }
0x55: {  	_ =	shalt  }
0x56: {  	_ =	shalt  }
0x57: {  	_ =	shalt  }
0x58: {  	_ =	shalt  }
0x59: {  	_ =	shalt  }
0x5a: {  	_ =	shalt  }
0x5b: {  	_ =	shalt  }
0x5c: {  	_ =	shalt  }
0x5d: {  	_ =	shalt  }
0x5e: {  	_ =	shalt  }
0x5f: {  	_ =	shalt  }
0x60: {  	_ =	shalt  }
0x61: {  	_ =	shalt  }
0x62: {  	_ =	shalt  }
0x63: {  	_ =	shalt  }
0x64: {  	_ =	shalt  }
0x65: {  	_ =	shalt  }
0x66: {  	_ =	shalt  }
0x67: {  	_ =	shalt  }
0x68: {  	_ =	shalt  }
0x69: {  	_ =	shalt  }
0x6a: {  	_ =	shalt  }
0x6b: {  	_ =	shalt  }
0x6c: {  	_ =	shalt  }
0x6d: {  	_ =	shalt  }
0x6e: {  	_ =	shalt  }
0x6f: {  	_ =	shalt  }
0x70: {  	_ =	shalt  }
0x71: {  	_ =	shalt  }
0x72: {  	_ =	shalt  }
0x73: {  	_ =	shalt  }
0x74: {  	_ =	shalt  }
0x75: {  	_ =	shalt  }
0x76: {  	_ =	shalt  }
0x77: {  	_ =	shalt  }
0x78: {  	_ =	shalt  }
0x79: {  	_ =	shalt  }
0x7a: {  	_ =	shalt  }
0x7b: {  	_ =	shalt  }
0x7c: {  	_ =	shalt  }
0x7d: {  	_ =	shalt  }
0x7e: {  	_ =	shalt  }
0x7f: {  	_ =	shalt  }
0x80: {  	_ =	shalt  }
0x81: {  	_ =	shalt  }
0x82: {  	_ =	shalt  }
0x83: {  	_ =	shalt  }
0x84: {  	_ =	shalt  }
0x85: {  	_ =	shalt  }
0x86: {  	_ =	shalt  }
0x87: {  	_ =	shalt  }
.Lfunc_end0:
.L_simem_size_0:
called_computation_lowered:
.L_overlay_start_0:
0x88: {  	s2 =	sld [smem:$0x3FD9]  }
0x89: {  	s3 =	sld [smem:$0x3FFE];
	_ =	sdelay $0x1  }
0x8a: {  	s1 =	srdreg.scid  }
0x8b: {  	s0 =	sand.u32 $0x1, s1  }
0x8c: {  	s16 =	sshll.u32 s0, $0xA;
	s2 =	sadd.s32 s3, s2  }
0x8d: {  	s2 =	sadd.s32 s2, s16  }
0x8e: {  	[smem:$0x3FBD] =	sst s2  }
0x8f: {  	_ = 	snop  }
0x90: {  	(tm) =	ssettm $0x1  }
0x91: {  	s17 =	sld [smem:$0x3FFB];
	_ =	sdelay $0x3  }
0x92: {  	_ =	strace s17  }
0x93: {  	s2 =	sld [smem:$0x3FFC];
	_ =	sdelay $0x3  }
0x94: {  	_ =	strace s2  }
0x95: {  	s2 =	sld [smem:$0x3FFD];
	_ =	sdelay $0x3  }
0x96: {  	_ =	strace s2  }
0x97: {  	_ =	strace $0x8FFFFFFF  }
0x98: {  	s18 =	sld [smem:$0x3FDB];
	_ =	sdelay $0x1  }
0x99: {  	s19 =	simm.s32 $_scs_section_size  }
0x9a: {  	s4 =	simm.s32 $_size__tile_overlayer_lowered;
	s5 =	simm.s32 $_tile_overlayer_lowered  }
0x9b: {  	s22 =	simm.s32 $0x1BFF;
	s21 =	sshll.u32 s5, $0x1;
	s2 =	sadd.s32 s19, s18  }
0x9c: {  	s6 =	simm.s32 $0x0;
	s20 =	sshll.u32 s4, $0x1;
	s4 =	sadd.s32 s21, s2  }
0x9d: {  	[timem:s6], [sflag:s22] =	dma.local [hbm:s4], s20  }
0x9e: {  	_ =	swait.ge [sflag:s22], s20  }
0x9f: {  	s3 =	ssub.s32 $0x0, s20;
	[sflag:s22] =	ssyncset.done $0x0  }
0xa0: {  	[sflag:s22] =	ssyncadd.s32 s3;
	_ =	sdelay $0x1  }
0xa1: {  	s23 =	simm.s32 $0x1B8B  }
0xa2: {  	_ =	swait.ge [sflag:s23], $0x1  }
0xa3: {  	[sflag:s23] =	ssyncset.done $0x0  }
0xa4: {  	s25 =	simm.s32 $0x1B8E;
	s24 =	sld [smem:$0x3FFE];
	[sflag:s23] =	ssyncadd.s32 $0xFFFFFFFF  }
0xa5: {  	s26 =	simm.s32 $execute0_lowered;
	[smem:$0x3FD2] =	sst s25  }
0xa6: {  	s4 =	sshll.u32 s26, $0x1;
	_ =	strace $0x80000046;
	[dreg:$0x1] =	wrdreg $0xFFFFFFFF  }
0xa7: {  	s28 =	simm.s32 $_size_execute0_lowered;
	s2 =	sadd.s32 s2, s4;
	[dreg:$0x0] =	wrdreg $0x0  }
0xa8: {  	s4 =	sshll.u32 s28, $0x1;
	[dreg:$0x2] =	wrdreg s2  }
0xa9: {  	[dreg:$0x3] =	wrdreg s4  }
0xaa: {  	[dreg:$0x4] =	wrdreg $0xC0  }
0xab: {  	_ =	task [dreg:s6], $0x5FFFF  }
0xac: {  	[dreg:$0x1] =	wrdreg $0xFFFFFFFF  }
0xad: {  	[dreg:$0x0] =	wrdreg $0x60  }
0xae: {  	[dreg:$0x2] =	wrdreg s24  }
0xaf: {  	[dreg:$0x3] =	wrdreg $0x78000  }
0xb0: {  	[dreg:$0x4] =	wrdreg $0x9  }
0xb1: {  	_ =	task.clear_ibuf [dreg:s6], $0x5FFFF;
	_ =	strace $0x90000046  }
0xb2: {  	s29 =	simm.s32 $0x9;
	_ =	strace $0x80000048  }
0xb3: {  	_ =	swait.ge [sflag:s29], $0x1  }
0xb4: {  	[sflag:s29] =	ssyncadd.s32 $0xFFFFFFFF  }
0xb5: {  	_ =	strace $0x90000048  }
0xb6: {  	_ =	sfence  }
0xb7: {  	s30 =	sld [smem:$0x0];
	_ =	sdelay $0x2  }
0xb8: {  	s31 =	sshll.u32 s1, $0xD;
	s1 =	sshrl.u32 s1, $0x2  }
0xb9: {  	s3 =	sand.u32 $0x4000, s31;
	s1 =	sadd.s32 s1, s30  }
0xba: {  	s0 =	sor.u32 s3, s0;
	s1 =	sshll.u32 s1, $0x11  }
0xbb: {  	s0 =	sor.u32 s1, s0  }
0xbc: {  	s0 =	sadd.s32 $0x8F2B, s0  }
0xbd: {  	[sflag:s0] =	ssyncadd.remote.s32 $0x1  }
0xbe: {  	_ =	sfence.sel $0xFFFF  }
0xbf: {  	[dreg:$0x0] =	wrdreg $0xFFFFFFFF;
	(pc) =	sbr.abs _section_cstart, $3  }
0xc0: {  	[dreg:$0x1] =	wrdreg $0xFFFFFFFF  }
0xc1: {  	_ =	task.clear_ibuf [dreg:s6], $0x2FFFF;
	_ =	strace $0x9FFFFFFF  }
0xc2: {  	(tm) =	ssettm $0x7FFFFFFF  }
0xc3: {  	_ =	shalt  }
tec
execute0_lowered:
.L_overlay_start_1:
0x0: {  	(tag) =	ssettag $0x1  }
0x1: {  	s4 =	rddreg [dreg:$0x0]  }
0x2: {  	s2 =	rddreg [dreg:$0x1];
	s3 =	srdreg.scid  }
0x3: {  	s0 =	rddreg [dreg:$0x2];
	s1 =	stileid.u32  }
0x4: {  	s17 =	simm.s32 $0x1;
	s18 =	simm.s32 $0x5800;
	s19 =	simm.s32 $0x80  }
0x5: {  	s20 =	simm.s32 $0x1800;
	s21 =	simm.s32 $0x0;
	s8 =	smul.u32 $0x14000, s1  }
0x6: {  	s5 =	sand.u32 $0x1, s3;
	s3 =	simm.s32 $0x0;
	s30 =	smul.u32 $0x50000, s1  }
0x7: {  	s6 =	sshll.u32 s1, $0x1;
	s7 =	smul.u32 $0x140000, s5;
	[smem:$0x7FF] =	sst s3  }
0x8: {  	s6 =	sor.u32 s5, s6;
	s5 =	ssub.s32 $0x2, s5;
	_ =	strace $0x80000047  }
0x9: {  	s6 =	smul.u32 $0x300, s6;
	s9 =	sshrl.u32 s5, $0x1;
	s31 =	sshrl.u32 s30, $0x2  }
0xa: {  	s7 =	sadd.s32 s8, s7;
	s9 =	ssub.s32 s5, s9;
	s5 =	sadd.s32 s31, s2  }
0xb: {  	s6 =	sadd.s32 s6, s4;
	s7 =	sshrl.u32 s7, $0x3;
	s8 =	sadd.s32 $0x2000, s5  }
0xc: {  	s10 =	sadd.s32 $0x6000, s5;
	s11 =	sadd.s32 $0x8000, s5;
	s12 =	sadd.s32 $0xA000, s5  }
0xd: {  	s13 =	sadd.s32 $0xC000, s5;
	s14 =	sadd.s32 $0xE000, s5;
	s15 =	sadd.s32 $0x10000, s5  }
0xe: {  	s16 =	sadd.s32 $0x12000, s5;
	s7 =	sadd.s32 s7, s4;
	s4 =	sadd.s32 $0x4000, s6  }
0xf: {  	v0 =	vimm.f32 $1.000000000e+00;
	v1 =	vimm.f32 $0.0e+00;
	s6 =	sadd.s32 $0xA000, s7;
	s7 =	smax.u32 s9, $0x1;
	s9 =	sadd.s32 $0x4000, s5  }
.LBB2_1:
0x10: {  	[tilespmem:s3], [sflag:$0x1] =	stream.linear.gather [hbm4b:s4+s3], $0x1500, $0x38;
	[tilespmem:$0x1B800] =	vst v63  }
0x11: {  	_ =	swait.ge [sflag:s17], $0x1500  }
0x12: {  	[sflag:s17] =	ssyncset.done $0x0  }
0x13: {  	s22 =	simm.s32 $0x0;
	s23 =	simm.s32 $0x200;
	[sflag:s17] =	ssyncadd.s32 $0xFFFFEB00  }
.LBB2_2:
0x14: {  	p0 =	sne.s32 s23, $0xFE00;
	[tilespmem:s22+$0x1870] =	vst v0  }
0x15: {  	[tilespmem:s22+$0x1800] =	vst v0  }
0x16: {  	[tilespmem:s22+$0x1810] =	vst v0  }
.Ltmp0:
0x17: {  	[tilespmem:s22+$0x1820] =	vst v0;
	(pc) =	sbr.rel @p0 .LBB2_2-.Ltmp0, $4  }
0x18: {  	[tilespmem:s22+$0x1830] =	vst v0  }
0x19: {  	[tilespmem:s22+$0x1840] =	vst v0  }
0x1a: {  	[tilespmem:s22+$0x1850] =	vst v0  }
0x1b: {  	[tilespmem:s22+$0x1860] =	vst v0;
	s22 =	sshra.s32 s23, $0x2;
	s23 =	sadd.s32 $0x200, s23  }
0x1c: {  	[tilespmem:s22+$0x1870] =	vst v0  }
0x1d: {  	[tilespmem:s22+$0x1800] =	vst v0  }
0x1e: {  	[tilespmem:s22+$0x1810] =	vst v0  }
0x1f: {  	[tilespmem:s22+$0x1820] =	vst v0  }
0x20: {  	[tilespmem:s22+$0x1830] =	vst v0  }
0x21: {  	[tilespmem:s22+$0x1840] =	vst v0  }
0x22: {  	[tilespmem:s22+$0x1850] =	vst v0  }
0x23: {  	[tilespmem:s22+$0x1860] =	vst v0;
	s22 =	simm.s32 $0x0;
	s23 =	simm.s32 $0x200  }
.LBB2_4:
0x24: {  	p0 =	sne.s32 s23, $0x7E00;
	[tilespmem:s22+$0x5870] =	vst v1  }
0x25: {  	[tilespmem:s22+$0x5800] =	vst v1  }
0x26: {  	[tilespmem:s22+$0x5810] =	vst v1  }
.Ltmp1:
0x27: {  	[tilespmem:s22+$0x5820] =	vst v1;
	(pc) =	sbr.rel @p0 .LBB2_4-.Ltmp1, $4  }
0x28: {  	[tilespmem:s22+$0x5830] =	vst v1  }
0x29: {  	[tilespmem:s22+$0x5840] =	vst v1  }
0x2a: {  	[tilespmem:s22+$0x5850] =	vst v1  }
0x2b: {  	[tilespmem:s22+$0x5860] =	vst v1;
	s22 =	sshra.s32 s23, $0x2;
	s23 =	sadd.s32 $0x200, s23  }
0x2c: {  	[tilespmem:s22+$0x5870] =	vst v1  }
0x2d: {  	[tilespmem:s22+$0x5800] =	vst v1  }
0x2e: {  	[tilespmem:s22+$0x5810] =	vst v1  }
0x2f: {  	[tilespmem:s22+$0x5820] =	vst v1  }
0x30: {  	[tilespmem:s22+$0x5830] =	vst v1  }
0x31: {  	[tilespmem:s22+$0x5840] =	vst v1  }
0x32: {  	[tilespmem:s22+$0x5850] =	vst v1  }
0x33: {  	[tilespmem:s22+$0x5860] =	vst v1  }
0x34: {  	[spmem:s5] =	stream.linear.scatter [tilespmem:s18], [sflag:$0x1], $0x2000, $0x38;
	[tilespmem:$0x1B800] =	vst v63  }
0x35: {  	_ =	swait.ge [sflag:s17], $0x2000  }
0x36: {  	[sflag:s17] =	ssyncset.done $0x0  }
0x37: {  	[sflag:s17] =	ssyncadd.s32 $0xFFFFE000  }
0x38: {  	[spmem:s8] =	stream.linear.scatter [tilespmem:s18], [sflag:$0x1], $0x2000, $0x38;
	[tilespmem:$0x1B800] =	vst v63  }
0x39: {  	_ =	swait.ge [sflag:s17], $0x2000  }
0x3a: {  	[sflag:s17] =	ssyncset.done $0x0  }
0x3b: {  	[sflag:s17] =	ssyncadd.s32 $0xFFFFE000  }
0x3c: {  	[spmem:s9] =	stream.linear.scatter [tilespmem:s18], [sflag:$0x1], $0x2000, $0x38;
	[tilespmem:$0x1B800] =	vst v63  }
0x3d: {  	_ =	swait.ge [sflag:s17], $0x2000  }
0x3e: {  	[sflag:s17] =	ssyncset.done $0x0  }
0x3f: {  	[sflag:s17] =	ssyncadd.s32 $0xFFFFE000  }
0x40: {  	[spmem:s10] =	stream.linear.scatter [tilespmem:s18], [sflag:$0x1], $0x2000, $0x38;
	[tilespmem:$0x1B800] =	vst v63  }
0x41: {  	_ =	swait.ge [sflag:s17], $0x2000  }
0x42: {  	[sflag:s17] =	ssyncset.done $0x0  }
0x43: {  	[sflag:s17] =	ssyncadd.s32 $0xFFFFE000  }
0x44: {  	[spmem:s11] =	stream.linear.scatter [tilespmem:s18], [sflag:$0x1], $0x2000, $0x38;
	[tilespmem:$0x1B800] =	vst v63  }
0x45: {  	_ =	swait.ge [sflag:s17], $0x2000  }
0x46: {  	[sflag:s17] =	ssyncset.done $0x0  }
0x47: {  	[sflag:s17] =	ssyncadd.s32 $0xFFFFE000  }
0x48: {  	[spmem:s12] =	stream.linear.scatter [tilespmem:s18], [sflag:$0x1], $0x2000, $0x38;
	[tilespmem:$0x1B800] =	vst v63  }
0x49: {  	_ =	swait.ge [sflag:s17], $0x2000  }
0x4a: {  	[sflag:s17] =	ssyncset.done $0x0  }
0x4b: {  	[sflag:s17] =	ssyncadd.s32 $0xFFFFE000  }
0x4c: {  	[spmem:s13] =	stream.linear.scatter [tilespmem:s18], [sflag:$0x1], $0x2000, $0x38;
	[tilespmem:$0x1B800] =	vst v63  }
0x4d: {  	_ =	swait.ge [sflag:s17], $0x2000  }
0x4e: {  	[sflag:s17] =	ssyncset.done $0x0  }
0x4f: {  	[sflag:s17] =	ssyncadd.s32 $0xFFFFE000  }
0x50: {  	[spmem:s14] =	stream.linear.scatter [tilespmem:s18], [sflag:$0x1], $0x2000, $0x38;
	[tilespmem:$0x1B800] =	vst v63  }
0x51: {  	_ =	swait.ge [sflag:s17], $0x2000  }
0x52: {  	[sflag:s17] =	ssyncset.done $0x0  }
0x53: {  	[sflag:s17] =	ssyncadd.s32 $0xFFFFE000  }
0x54: {  	[spmem:s15] =	stream.linear.scatter [tilespmem:s18], [sflag:$0x1], $0x2000, $0x38;
	[tilespmem:$0x1B800] =	vst v63  }
0x55: {  	_ =	swait.ge [sflag:s17], $0x2000  }
0x56: {  	[sflag:s17] =	ssyncset.done $0x0  }
0x57: {  	[sflag:s17] =	ssyncadd.s32 $0xFFFFE000  }
0x58: {  	[spmem:s16] =	stream.linear.scatter [tilespmem:s18], [sflag:$0x1], $0x2000, $0x38;
	[tilespmem:$0x1B800] =	vst v63  }
0x59: {  	_ =	swait.ge [sflag:s17], $0x2000  }
0x5a: {  	[sflag:s17] =	ssyncset.done $0x0  }
0x5b: {  	[sflag:s17] =	ssyncadd.s32 $0xFFFFE000  }
0x5c: {  	s31 =	simm.s32 $0x0;
	[bflag:$0x0] =	sbarrier.arrive $0xFFFF  }
0x5d: {  	[spmem:s2] =	stream.indirect.scatter.add.f32 [tilespmem:s20], [sflag:$0x1], $0x80, s31, s19, $0xb8;
	[tilespmem:$0x1B800] =	vst v63  }
0x5e: {  	_ =	swait.ge [sflag:s17], $0x4000  }
0x5f: {  	s22 =	simm.s32 $0x200;
	[sflag:s17] =	ssyncset.done $0x0  }
.LBB2_6:
0x60: {  	s23 =	sshra.s32 s22, $0x2;
	[sflag:s17] =	ssyncadd.s32 $0xFFFFC000;
	p0 =	sne.s32 s22, $0x5200  }
0x61: {  	[spmem:s2] =	stream.indirect.scatter.add.f32 [tilespmem:s20], [sflag:$0x1], $0x80, s23, s19, $0xb8;
	[tilespmem:$0x1B800] =	vst v63  }
.Ltmp2:
0x62: {  	_ = 	snop;
	(pc) =	sbr.rel @p0 .LBB2_6-.Ltmp2, $4  }
0x63: {  	_ = 	snop  }
0x64: {  	s22 =	sadd.s32 $0x200, s22  }
0x65: {  	_ =	swait.ge [sflag:s17], $0x4000  }
0x66: {  	[sflag:s17] =	ssyncset.done $0x0  }
0x67: {  	[sflag:s17] =	ssyncadd.s32 $0xFFFFC000;
	s21 =	sadd.s32 $0x1, s21  }
0x68: {  	s22 =	sshll.u32 s1, $0x6;
	s23 =	sshrl.u32 s5, $0x3;
	p0 =	sne.s32 s21, s7  }
.Ltmp3:
0x69: {  	[bflag:$0x0] =	sbarrier.arrive $0xFFFF;
	s22 =	sor.u32 $0x1C01, s22;
	(pc) =	sbr.rel @p0 .LBB2_1-.Ltmp3, $4  }
0x6a: {  	[hbm:s6], [sflag:s22] =	dma.local [spmem:s23], $0x2800  }
0x6b: {  	_ =	swait.ge [sflag:s17], $0x2800  }
0x6c: {  	[sflag:s17] =	ssyncset.done $0x0  }
0x6d: {  	[sflag:s17] =	ssyncadd.s32 $0xFFFFD800  }
0x6e: {  	_ =	sfence.sel $0x180000  }
0x6f: {  	[bflag:$0x0] =	sbarrier.arrive $0xFFFF  }
0x70: {  	p0 =	sne.s32 s1, $0x0;
	_ =	strace $0x90000047  }
0x71: {  	s0 =	sadd.s32 @!p0 $0x100000, s0;
	[bflag:$0x2] =	sbarrier.arrive $0xFFFF  }
0x72: {  	[sflag:s0] =	ssyncadd.tile.s32 @!p0 $0x1;
	_ =	shalt  }
.Lfunc_end2:
_tile_overlayer_lowered:
.L_overlay_start_2:
0x73: {  	(tag) =	ssettag $0x2  }
0x74: {  	s0 =	rddreg [dreg:$0x0];
	s2 =	stileid.u32  }
0x75: {  	s1 =	rddreg [dreg:$0x1];
	p0 =	sne.s32 s2, $0x0  }
0x76: {  	s3 =	rddreg [dreg:$0x2];
	[bflag:$0x3] =	sbarrier.arrive $0xFFFF;
	s2 =	simm.s32 @!p0 $0x1C01  }
0x77: {  	[timem:s3], [sflag:s2] =	dma.local @!p0 [hbm:s0], s1  }
0x78: {  	s0 =	simm.s32 @!p0 $0x1  }
0x79: {  	_ =	swait.ge @!p0 [sflag:s0], s1  }
0x7a: {  	s1 =	ssub.s32 @!p0 $0x0, s1;
	[sflag:s0] =	ssyncset.done @!p0 $0x0  }
0x7b: {  	[sflag:s0] =	ssyncadd.s32 @!p0 s1  }
0x7c: {  	[bflag:$0x3] =	sbarrier.arrive $0xFFFF  }
0x7d: {  	_ =	shalt  }

// kernel: kernel.13.cloned.1.call-start
scs
__scs_entry_jumppad:
0x0: {  	(pc) =	sbr.rel $0x88, $3  }
0x1: {  	(tag) =	ssettag $0x0;
	lr =	simm.s32 $0x1  }
0x2: {  	[smem:$0x3F96] =	sst lr;
	_ =	strace $0xD0000000  }
0x3: {  	_ = 	snop  }
0x4: {  	_ = 	snop  }
0x5: {  	_ = 	snop  }
0x6: {  	_ = 	snop  }
0x7: {  	_ = 	snop  }
__scs_overlays_trampoline_lowered:
0x8: {  	[smem:$0x3FA5] =	sst s0  }
0x9: {  	[smem:$0x3FA6] =	sst s1  }
0xa: {  	[smem:$0x3FA7] =	sst s2  }
0xb: {  	[smem:$0x3FA8] =	sst s3  }
0xc: {  	[smem:$0x3FA9] =	sst s4  }
0xd: {  	[smem:$0x3FAA] =	sst s5  }
0xe: {  	[smem:$0x3FAB] =	sst s6  }
0xf: {  	[smem:$0x3FAC] =	sst s7  }
0x10: {  	[smem:$0x3FAD] =	sst s8  }
0x11: {  	[smem:$0x3FAE] =	sst s9;
	s0 =	simm.s32 @!p0 $0x0  }
0x12: {  	s1 =	sld [smem:$0x3F94];
	s0 =	simm.s32 @p0 $0x1  }
0x13: {  	[smem:$0x3FAF] =	sst s0;
	s0 =	simm.s32 @!p1 $0x0  }
0x14: {  	s2 =	sld [smem:$0x3F93];
	s0 =	simm.s32 @p1 $0x1  }
0x15: {  	[smem:$0x3FB0] =	sst s0;
	s0 =	simm.s32 @!p2 $0x0  }
0x16: {  	s3 =	sld [smem:$0x3FDB];
	s0 =	simm.s32 @p2 $0x1  }
0x17: {  	s4 =	simm.s32 $0x1BF5;
	[smem:$0x3FB2] =	sst s0  }
0x18: {  	s0 =	sld [smem:$0x3F95];
	_ =	swait.ge [sflag:s4], $0x0  }
0x19: {  	s7 =	sld [smem:$0x3F96]  }
0x1a: {  	s8 =	sadd.s32 $0xFFFFE003, lr  }
0x1b: {  	s9 =	sadd.s32 $0xFFFFFEF7, lr;
	s5 =	simm.s32 $0xFFFFFFFF;
	p2 =	slt.u32 s8, $0xFFFFF086  }
0x1c: {  	p1 =	slt.u32 s9, $0xF7A;
	s5 =	simm.s32 @!p2 $0x0  }
0x1d: {  	s5 =	simm.s32 @p1 $0x1;
	p0 =	seq.s32 s7, s2  }
0x1e: {  	s7 =	smul.u32 @!p0 $0xF7A, s2;
	p2 =	seq.s32 @!p0 s5, $0x0  }
0x1f: {  	s9 =	smul.u32 $0xF7A, s1;
	s8 =	simm.s32 @!p0 $0x1BF5;
	p2 =	por !p2, p0  }
0x20: {  	[sflag:s8] =	ssyncset.s32 @!p0 $0xFFFFF086;
	s6 =	sadd.s32 @!p0 s3, s7;
	s7 =	simm.s32 @!p0 $0x108  }
0x21: {  	s3 =	sadd.s32 s3, s9;
	s6 =	sadd.s32 @!p0 $0x88, s6;
	s7 =	simm.s32 @p2 $0x1082  }
0x22: {  	[simem:s7], [sflag:s8] =	dma.local @!p0 [hbm:s6], $0xF7A  }
0x23: {  	s9 =	sor.u32 $0xD0000000, s2;
	s6 =	simm.s32 $0x108;
	_ =	swait.ge @!p0 [sflag:s8], $0x0  }
0x24: {  	s3 =	sadd.s32 $0x88, s3;
	s6 =	simm.s32 @!p1 $0x1082;
	[sflag:s4] =	ssyncset.s32 $0xFFFFF086  }
0x25: {  	[simem:s6], [sflag:s4] =	dma.local [hbm:s3], $0xF7A  }
0x26: {  	[smem:$0x3F96] =	sst s1;
	(tag) =	ssettag s2;
	_ =	strace s9  }
0x27: {  	s1 =	sld [smem:$0x3FA6]  }
0x28: {  	s2 =	sld [smem:$0x3FA7]  }
0x29: {  	s4 =	sld [smem:$0x3FA9]  }
0x2a: {  	p0 =	seq.s32 s5, $0x0;
	s5 =	sld [smem:$0x3FAA]  }
0x2b: {  	s6 =	sld [smem:$0x3FAB]  }
0x2c: {  	s7 =	sld [smem:$0x3FAC]  }
0x2d: {  	s3 =	simm.s32 $0x108;
	s8 =	sld [smem:$0x3FAD]  }
0x2e: {  	s3 =	simm.s32 @!p0 $0x1082;
	s9 =	sld [smem:$0x3FAE]  }
0x2f: {  	lr =	sadd.s32 s0, s3;
	s0 =	sld [smem:$0x3FA5]  }
0x30: {  	s3 =	sld [smem:$0x3FA8]  }
0x31: {  	[smem:$0x3FB1] =	sst s10  }
0x32: {  	s10 =	sld [smem:$0x3FAF];
	_ =	sdelay $0x3  }
0x33: {  	p0 =	seq.s32 s10, $0x1;
	s10 =	sld [smem:$0x3FB1];
	_ =	sdelay $0x3  }
0x34: {  	[smem:$0x3FB1] =	sst s10  }
0x35: {  	s10 =	sld [smem:$0x3FB0];
	_ =	sdelay $0x3  }
0x36: {  	p1 =	seq.s32 s10, $0x1;
	s10 =	sld [smem:$0x3FB1];
	_ =	sdelay $0x3  }
0x37: {  	[smem:$0x3FB1] =	sst s10  }
0x38: {  	s10 =	sld [smem:$0x3FB2]  }
0x39: {  	_ = 	snop;
	(pc) =	sbr.ind lr, $3  }
0x3a: {  	_ = 	snop  }
0x3b: {  	_ = 	snop  }
0x3c: {  	p2 =	seq.s32 s10, $0x1;
	s10 =	sld [smem:$0x3FB1]  }
0x3d: {  	_ =	shalt  }
0x3e: {  	_ =	shalt  }
0x3f: {  	_ =	shalt  }
0x40: {  	_ =	shalt  }
0x41: {  	_ =	shalt  }
0x42: {  	_ =	shalt  }
0x43: {  	_ =	shalt  }
0x44: {  	_ =	shalt  }
0x45: {  	_ =	shalt  }
0x46: {  	_ =	shalt  }
0x47: {  	_ =	shalt  }
0x48: {  	_ =	shalt  }
0x49: {  	_ =	shalt  }
0x4a: {  	_ =	shalt  }
0x4b: {  	_ =	shalt  }
0x4c: {  	_ =	shalt  }
0x4d: {  	_ =	shalt  }
0x4e: {  	_ =	shalt  }
0x4f: {  	_ =	shalt  }
0x50: {  	_ =	shalt  }
0x51: {  	_ =	shalt  }
0x52: {  	_ =	shalt  }
0x53: {  	_ =	shalt  }
0x54: {  	_ =	shalt  }
0x55: {  	_ =	shalt  }
0x56: {  	_ =	shalt  }
0x57: {  	_ =	shalt  }
0x58: {  	_ =	shalt  }
0x59: {  	_ =	shalt  }
0x5a: {  	_ =	shalt  }
0x5b: {  	_ =	shalt  }
0x5c: {  	_ =	shalt  }
0x5d: {  	_ =	shalt  }
0x5e: {  	_ =	shalt  }
0x5f: {  	_ =	shalt  }
0x60: {  	_ =	shalt  }
0x61: {  	_ =	shalt  }
0x62: {  	_ =	shalt  }
0x63: {  	_ =	shalt  }
0x64: {  	_ =	shalt  }
0x65: {  	_ =	shalt  }
0x66: {  	_ =	shalt  }
0x67: {  	_ =	shalt  }
0x68: {  	_ =	shalt  }
0x69: {  	_ =	shalt  }
0x6a: {  	_ =	shalt  }
0x6b: {  	_ =	shalt  }
0x6c: {  	_ =	shalt  }
0x6d: {  	_ =	shalt  }
0x6e: {  	_ =	shalt  }
0x6f: {  	_ =	shalt  }
0x70: {  	_ =	shalt  }
0x71: {  	_ =	shalt  }
0x72: {  	_ =	shalt  }
0x73: {  	_ =	shalt  }
0x74: {  	_ =	shalt  }
0x75: {  	_ =	shalt  }
0x76: {  	_ =	shalt  }
0x77: {  	_ =	shalt  }
0x78: {  	_ =	shalt  }
0x79: {  	_ =	shalt  }
0x7a: {  	_ =	shalt  }
0x7b: {  	_ =	shalt  }
0x7c: {  	_ =	shalt  }
0x7d: {  	_ =	shalt  }
0x7e: {  	_ =	shalt  }
0x7f: {  	_ =	shalt  }
0x80: {  	_ =	shalt  }
0x81: {  	_ =	shalt  }
0x82: {  	_ =	shalt  }
0x83: {  	_ =	shalt  }
0x84: {  	_ =	shalt  }
0x85: {  	_ =	shalt  }
0x86: {  	_ =	shalt  }
0x87: {  	_ =	shalt  }
.Lfunc_end0:
.L_simem_size_0:
called_computation.1_lowered:
.L_overlay_start_0:
0x88: {  	s2 =	sld [smem:$0x3FD9]  }
0x89: {  	s3 =	sld [smem:$0x3FFE];
	_ =	sdelay $0x1  }
0x8a: {  	s1 =	srdreg.scid  }
0x8b: {  	s0 =	sand.u32 $0x1, s1  }
0x8c: {  	s16 =	sshll.u32 s0, $0xA;
	s2 =	sadd.s32 s3, s2  }
0x8d: {  	s2 =	sadd.s32 s2, s16  }
0x8e: {  	[smem:$0x3FBD] =	sst s2  }
0x8f: {  	_ = 	snop  }
0x90: {  	(tm) =	ssettm $0x1  }
0x91: {  	s17 =	sld [smem:$0x3FFB];
	_ =	sdelay $0x3  }
0x92: {  	_ =	strace s17  }
0x93: {  	s2 =	sld [smem:$0x3FFC];
	_ =	sdelay $0x3  }
0x94: {  	_ =	strace s2  }
0x95: {  	s2 =	sld [smem:$0x3FFD];
	_ =	sdelay $0x3  }
0x96: {  	_ =	strace s2  }
0x97: {  	_ =	strace $0x8FFFFFFF  }
0x98: {  	s18 =	sld [smem:$0x3FDB];
	_ =	sdelay $0x1  }
0x99: {  	s19 =	simm.s32 $_scs_section_size  }
0x9a: {  	s4 =	simm.s32 $_size__tile_overlayer_lowered;
	s5 =	simm.s32 $_tile_overlayer_lowered  }
0x9b: {  	s22 =	simm.s32 $0x1BFF;
	s21 =	sshll.u32 s5, $0x1;
	s2 =	sadd.s32 s19, s18  }
0x9c: {  	s6 =	simm.s32 $0x0;
	s20 =	sshll.u32 s4, $0x1;
	s4 =	sadd.s32 s21, s2  }
0x9d: {  	[timem:s6], [sflag:s22] =	dma.local [hbm:s4], s20  }
0x9e: {  	_ =	swait.ge [sflag:s22], s20  }
0x9f: {  	s3 =	ssub.s32 $0x0, s20;
	[sflag:s22] =	ssyncset.done $0x0  }
0xa0: {  	[sflag:s22] =	ssyncadd.s32 s3;
	_ =	sdelay $0x1  }
0xa1: {  	s23 =	simm.s32 $0x1B8B  }
0xa2: {  	_ =	swait.ge [sflag:s23], $0x1  }
0xa3: {  	[sflag:s23] =	ssyncset.done $0x0  }
0xa4: {  	s25 =	simm.s32 $0x1B8E;
	s24 =	sld [smem:$0x3FFE];
	[sflag:s23] =	ssyncadd.s32 $0xFFFFFFFF  }
0xa5: {  	s26 =	simm.s32 $execute0_lowered;
	[smem:$0x3FD2] =	sst s25  }
0xa6: {  	s4 =	sshll.u32 s26, $0x1;
	_ =	strace $0x80000049;
	[dreg:$0x1] =	wrdreg $0xFFFFFFFF  }
0xa7: {  	s28 =	simm.s32 $_size_execute0_lowered;
	s2 =	sadd.s32 s2, s4;
	[dreg:$0x0] =	wrdreg $0x0  }
0xa8: {  	s4 =	sshll.u32 s28, $0x1;
	[dreg:$0x2] =	wrdreg s2  }
0xa9: {  	[dreg:$0x3] =	wrdreg s4  }
0xaa: {  	[dreg:$0x4] =	wrdreg $0xC0  }
0xab: {  	_ =	task [dreg:s6], $0x5FFFF  }
0xac: {  	[dreg:$0x1] =	wrdreg $0xFFFFFFFF  }
0xad: {  	[dreg:$0x0] =	wrdreg $0x60  }
0xae: {  	[dreg:$0x2] =	wrdreg s24  }
0xaf: {  	[dreg:$0x3] =	wrdreg $0xB0000  }
0xb0: {  	[dreg:$0x4] =	wrdreg $0x9  }
0xb1: {  	_ =	task.clear_ibuf [dreg:s6], $0x5FFFF;
	_ =	strace $0x90000049  }
0xb2: {  	s29 =	simm.s32 $0x9;
	_ =	strace $0x8000004B  }
0xb3: {  	_ =	swait.ge [sflag:s29], $0x1  }
0xb4: {  	[sflag:s29] =	ssyncadd.s32 $0xFFFFFFFF  }
0xb5: {  	_ =	strace $0x9000004B  }
0xb6: {  	_ =	sfence  }
0xb7: {  	s30 =	sld [smem:$0x0];
	_ =	sdelay $0x2  }
0xb8: {  	s31 =	sshll.u32 s1, $0xD;
	s1 =	sshrl.u32 s1, $0x2  }
0xb9: {  	s3 =	sand.u32 $0x4000, s31;
	s1 =	sadd.s32 s1, s30  }
0xba: {  	s0 =	sor.u32 s3, s0;
	s1 =	sshll.u32 s1, $0x11  }
0xbb: {  	s0 =	sor.u32 s1, s0  }
0xbc: {  	s0 =	sadd.s32 $0x8F2B, s0  }
0xbd: {  	[sflag:s0] =	ssyncadd.remote.s32 $0x1  }
0xbe: {  	_ =	sfence.sel $0xFFFF  }
0xbf: {  	[dreg:$0x0] =	wrdreg $0xFFFFFFFF;
	(pc) =	sbr.abs _section_cstart, $3  }
0xc0: {  	[dreg:$0x1] =	wrdreg $0xFFFFFFFF  }
0xc1: {  	_ =	task.clear_ibuf [dreg:s6], $0x2FFFF;
	_ =	strace $0x9FFFFFFF  }
0xc2: {  	(tm) =	ssettm $0x7FFFFFFF  }
0xc3: {  	_ =	shalt  }
tec
execute0_lowered:
.L_overlay_start_1:
0x0: {  	(tag) =	ssettag $0x1  }
0x1: {  	s1 =	srdreg.scid;
	s5 =	rddreg [dreg:$0x0]  }
0x2: {  	s0 =	stileid.u32;
	s2 =	rddreg [dreg:$0x1]  }
0x3: {  	s3 =	simm.s32 $0x0;
	s14 =	simm.s32 $0x3;
	s15 =	simm.s32 $0x1800  }
0x4: {  	s16 =	simm.s32 $0x3000;
	s17 =	simm.s32 $0x80;
	s18 =	simm.s32 $0x7000  }
0x5: {  	s19 =	simm.s32 $0x1;
	s20 =	simm.s32 $0x2;
	s21 =	simm.s32 $0x2C00  }
0x6: {  	s22 =	simm.s32 $0x2C80;
	s25 =	simm.s32 $0x0;
	s4 =	sand.u32 $0x1, s1  }
0x7: {  	s28 =	sshll.u32 s0, $0x1;
	s8 =	smul.u32 $0x14000, s0;
	[smem:$0x7FF] =	sst s3  }
0x8: {  	s9 =	smul.u32 $0x50000, s0;
	s23 =	sshll.u32 s0, $0x6;
	s1 =	sor.u32 s4, s28  }
0x9: {  	s7 =	smul.u32 $0x140000, s4;
	s29 =	ssub.s32 $0x2, s4;
	s4 =	sadd.s32 $0x60000, s5  }
0xa: {  	s23 =	sor.u32 $0x1C03, s23;
	s6 =	smul.u32 $0x300, s1;
	s1 =	rddreg [dreg:$0x2]  }
0xb: {  	_ =	strace $0x8000004A;
	s30 =	sshrl.u32 s29, $0x1;
	s7 =	sadd.s32 s8, s7  }
0xc: {  	s31 =	sshrl.u32 s9, $0x2;
	s11 =	ssub.s32 s29, s30;
	s7 =	sshrl.u32 s7, $0x3  }
0xd: {  	s6 =	sadd.s32 s6, s5;
	s9 =	smax.u32 s11, $0x1;
	s10 =	sadd.s32 s7, s5  }
0xe: {  	s5 =	sadd.s32 $0x5A000, s6;
	s6 =	sadd.s32 $0x4000, s6;
	s7 =	sadd.s32 s31, s2  }
0xf: {  	s8 =	sadd.s32 $0x87200, s10;
	s10 =	sadd.s32 $0x4000, s7;
	s11 =	sadd.s32 $0x8000, s7  }
0x10: {  	v0 =	vimm.f32 $0.0e+00;
	s12 =	sadd.s32 $0xC000, s7;
	s13 =	sadd.s32 $0x10000, s7;
	s24 =	sshrl.u32 s7, $0x3  }
.LBB2_1:
0x11: {  	[tilespmem:s3], [sflag:$0x3] =	stream.linear.gather [hbm4b:s5+s3], $0x1500, $0x38;
	[tilespmem:$0x1F000] =	vst v63  }
0x12: {  	_ =	swait.ge [sflag:s14], $0x1500  }
0x13: {  	[sflag:s14] =	ssyncset.done $0x0  }
0x14: {  	[sflag:s14] =	ssyncadd.s32 $0xFFFFEB00  }
0x15: {  	[tilespmem:s15], [sflag:$0x3] =	stream.linear.gather [hbm4b:s6+s3], $0x1500, $0x38;
	[tilespmem:$0x1F000] =	vst v63  }
0x16: {  	_ =	swait.ge [sflag:s14], $0x1500  }
0x17: {  	[sflag:s14] =	ssyncset.done $0x0  }
0x18: {  	s26 =	simm.s32 $0x0;
	s28 =	simm.s32 $0x200;
	[sflag:s14] =	ssyncadd.s32 $0xFFFFEB00  }
.LBB2_2:
0x19: {  	p0 =	sne.s32 s28, $0xFE00;
	[tilespmem:s26+$0x3070] =	vst v0  }
0x1a: {  	[tilespmem:s26+$0x3000] =	vst v0  }
0x1b: {  	[tilespmem:s26+$0x3010] =	vst v0  }
.Ltmp0:
0x1c: {  	[tilespmem:s26+$0x3020] =	vst v0;
	(pc) =	sbr.rel @p0 .LBB2_2-.Ltmp0, $4  }
0x1d: {  	[tilespmem:s26+$0x3030] =	vst v0  }
0x1e: {  	[tilespmem:s26+$0x3040] =	vst v0  }
0x1f: {  	[tilespmem:s26+$0x3050] =	vst v0  }
0x20: {  	[tilespmem:s26+$0x3060] =	vst v0;
	s26 =	sshra.s32 s28, $0x2;
	s28 =	sadd.s32 $0x200, s28  }
0x21: {  	[tilespmem:s26+$0x3070] =	vst v0  }
0x22: {  	[tilespmem:s26+$0x3000] =	vst v0  }
0x23: {  	[tilespmem:s26+$0x3010] =	vst v0  }
0x24: {  	[tilespmem:s26+$0x3020] =	vst v0  }
0x25: {  	[tilespmem:s26+$0x3030] =	vst v0  }
0x26: {  	[tilespmem:s26+$0x3040] =	vst v0  }
0x27: {  	[tilespmem:s26+$0x3050] =	vst v0  }
0x28: {  	[tilespmem:s26+$0x3060] =	vst v0  }
0x29: {  	[spmem:s7] =	stream.linear.scatter [tilespmem:s16], [sflag:$0x3], $0x4000, $0x38;
	[tilespmem:$0x1F000] =	vst v63  }
0x2a: {  	_ =	swait.ge [sflag:s14], $0x4000  }
0x2b: {  	[sflag:s14] =	ssyncset.done $0x0  }
0x2c: {  	[sflag:s14] =	ssyncadd.s32 $0xFFFFC000  }
0x2d: {  	[spmem:s10] =	stream.linear.scatter [tilespmem:s16], [sflag:$0x3], $0x4000, $0x38;
	[tilespmem:$0x1F000] =	vst v63  }
0x2e: {  	_ =	swait.ge [sflag:s14], $0x4000  }
0x2f: {  	[sflag:s14] =	ssyncset.done $0x0  }
0x30: {  	[sflag:s14] =	ssyncadd.s32 $0xFFFFC000  }
0x31: {  	[spmem:s11] =	stream.linear.scatter [tilespmem:s16], [sflag:$0x3], $0x4000, $0x38;
	[tilespmem:$0x1F000] =	vst v63  }
0x32: {  	_ =	swait.ge [sflag:s14], $0x4000  }
0x33: {  	[sflag:s14] =	ssyncset.done $0x0  }
0x34: {  	[sflag:s14] =	ssyncadd.s32 $0xFFFFC000  }
0x35: {  	[spmem:s12] =	stream.linear.scatter [tilespmem:s16], [sflag:$0x3], $0x4000, $0x38;
	[tilespmem:$0x1F000] =	vst v63  }
0x36: {  	_ =	swait.ge [sflag:s14], $0x4000  }
0x37: {  	[sflag:s14] =	ssyncset.done $0x0  }
0x38: {  	[sflag:s14] =	ssyncadd.s32 $0xFFFFC000  }
0x39: {  	[spmem:s13] =	stream.linear.scatter [tilespmem:s16], [sflag:$0x3], $0x4000, $0x38;
	[tilespmem:$0x1F000] =	vst v63  }
0x3a: {  	_ =	swait.ge [sflag:s14], $0x4000  }
0x3b: {  	[sflag:s14] =	ssyncset.done $0x0  }
0x3c: {  	[sflag:s14] =	ssyncadd.s32 $0xFFFFC000  }
0x3d: {  	s31 =	simm.s32 $0x0;
	[bflag:$0x0] =	sbarrier.arrive $0xFFFF  }
0x3e: {  	[tilespmem:s16], [sflag:$0x1] =	stream.indirect.gather [hbm4b:s4+s17], $0x80, s31, s17, $0xb8;
	[tilespmem:$0x1F000] =	vst v63  }
0x3f: {  	_ = 	snop  }
0x40: {  	[tilespmem:s18], [sflag:$0x2] =	stream.indirect.gather [hbm4b:s4+s17], $0x80, s17, s17, $0xb8;
	[tilespmem:$0x1F000] =	vst v63  }
0x41: {  	_ =	swait.ge [sflag:s19], $0x4000  }
0x42: {  	[sflag:s19] =	ssyncset.done $0x0  }
0x43: {  	s29 =	simm.s32 $0x1800;
	[sflag:s19] =	ssyncadd.s32 $0xFFFFC000  }
0x44: {  	[spmem:s2] =	stream.indirect.scatter.add.f32 [tilespmem:s16], [sflag:$0x3], $0x80, s29, s17, $0xb8;
	[tilespmem:$0x1F000] =	vst v63  }
0x45: {  	_ =	swait.ge [sflag:s14], $0x4000  }
0x46: {  	[sflag:s14] =	ssyncset.done $0x0  }
0x47: {  	s30 =	simm.s32 $0x100;
	[sflag:s14] =	ssyncadd.s32 $0xFFFFC000  }
0x48: {  	[tilespmem:s16], [sflag:$0x1] =	stream.indirect.gather [hbm4b:s4+s17], $0x80, s30, s17, $0xb8;
	[tilespmem:$0x1F000] =	vst v63  }
0x49: {  	_ =	swait.ge [sflag:s20], $0x4000  }
0x4a: {  	[sflag:s20] =	ssyncset.done $0x0  }
0x4b: {  	s31 =	simm.s32 $0x1880;
	[sflag:s20] =	ssyncadd.s32 $0xFFFFC000  }
0x4c: {  	[spmem:s2] =	stream.indirect.scatter.add.f32 [tilespmem:s18], [sflag:$0x3], $0x80, s31, s17, $0xb8;
	[tilespmem:$0x1F000] =	vst v63  }
0x4d: {  	_ =	swait.ge [sflag:s14], $0x4000  }
0x4e: {  	[sflag:s14] =	ssyncset.done $0x0  }
0x4f: {  	s26 =	simm.s32 $0x400;
	s28 =	simm.s32 $0x180;
	[sflag:s14] =	ssyncadd.s32 $0xFFFFC000  }
.LBB2_4:
0x50: {  	[tilespmem:s18], [sflag:$0x2] =	stream.indirect.gather [hbm4b:s4+s17], $0x80, s28, s17, $0xb8;
	[tilespmem:$0x1F000] =	vst v63  }
0x51: {  	s28 =	smov.u32 s26  }
0x52: {  	p0 =	sne.s32 s26, $0x4C00;
	s26 =	sadd.s32 $0x400, s26;
	_ =	swait.ge [sflag:s19], $0x4000  }
0x53: {  	s28 =	sshra.s32 s28, $0x2;
	[sflag:s19] =	ssyncset.done $0x0  }
0x54: {  	s29 =	sadd.s32 $0x1800, s28;
	[sflag:s19] =	ssyncadd.s32 $0xFFFFC000  }
0x55: {  	[spmem:s2] =	stream.indirect.scatter.add.f32 [tilespmem:s16], [sflag:$0x3], $0x80, s29, s17, $0xb8;
	[tilespmem:$0x1F000] =	vst v63  }
0x56: {  	_ =	swait.ge [sflag:s14], $0x4000  }
0x57: {  	[sflag:s14] =	ssyncset.done $0x0  }
0x58: {  	s29 =	sadd.s32 $0x100, s28;
	[sflag:s14] =	ssyncadd.s32 $0xFFFFC000  }
0x59: {  	[tilespmem:s16], [sflag:$0x1] =	stream.indirect.gather [hbm4b:s4+s17], $0x80, s29, s17, $0xb8;
	[tilespmem:$0x1F000] =	vst v63  }
0x5a: {  	_ =	swait.ge [sflag:s20], $0x4000  }
0x5b: {  	[sflag:s20] =	ssyncset.done $0x0  }
.Ltmp1:
0x5c: {  	s29 =	sadd.s32 $0x1880, s28;
	[sflag:s20] =	ssyncadd.s32 $0xFFFFC000;
	(pc) =	sbr.rel @p0 .LBB2_4-.Ltmp1, $4  }
0x5d: {  	[spmem:s2] =	stream.indirect.scatter.add.f32 [tilespmem:s18], [sflag:$0x3], $0x80, s29, s17, $0xb8;
	[tilespmem:$0x1F000] =	vst v63  }
0x5e: {  	_ =	swait.ge [sflag:s14], $0x4000  }
0x5f: {  	[sflag:s14] =	ssyncset.done $0x0  }
0x60: {  	s28 =	sadd.s32 $0x180, s28;
	[sflag:s14] =	ssyncadd.s32 $0xFFFFC000  }
0x61: {  	[tilespmem:s18], [sflag:$0x2] =	stream.indirect.gather [hbm4b:s4+s17], $0x80, s28, s17, $0xb8;
	[tilespmem:$0x1F000] =	vst v63  }
0x62: {  	_ =	swait.ge [sflag:s19], $0x4000  }
0x63: {  	[sflag:s19] =	ssyncset.done $0x0  }
0x64: {  	[sflag:s19] =	ssyncadd.s32 $0xFFFFC000  }
0x65: {  	[spmem:s2] =	stream.indirect.scatter.add.f32 [tilespmem:s16], [sflag:$0x3], $0x80, s21, s17, $0xb8;
	[tilespmem:$0x1F000] =	vst v63  }
0x66: {  	_ =	swait.ge [sflag:s14], $0x4000  }
0x67: {  	[sflag:s14] =	ssyncset.done $0x0  }
0x68: {  	[sflag:s14] =	ssyncadd.s32 $0xFFFFC000  }
0x69: {  	_ =	swait.ge [sflag:s20], $0x4000  }
0x6a: {  	[sflag:s20] =	ssyncset.done $0x0  }
0x6b: {  	[sflag:s20] =	ssyncadd.s32 $0xFFFFC000  }
0x6c: {  	[spmem:s2] =	stream.indirect.scatter.add.f32 [tilespmem:s18], [sflag:$0x3], $0x80, s22, s17, $0xb8;
	[tilespmem:$0x1F000] =	vst v63  }
0x6d: {  	_ =	swait.ge [sflag:s14], $0x4000  }
0x6e: {  	s25 =	sadd.s32 $0x1, s25;
	[sflag:s14] =	ssyncset.done $0x0  }
0x6f: {  	p0 =	sne.s32 s25, s9;
	[sflag:s14] =	ssyncadd.s32 $0xFFFFC000  }
.Ltmp2:
0x70: {  	[bflag:$0x0] =	sbarrier.arrive $0xFFFF;
	(pc) =	sbr.rel @p0 .LBB2_1-.Ltmp2, $4  }
0x71: {  	[hbm:s8], [sflag:s23] =	dma.local [spmem:s24], $0x2800  }
0x72: {  	_ =	swait.ge [sflag:s14], $0x2800  }
0x73: {  	[sflag:s14] =	ssyncset.done $0x0  }
0x74: {  	[sflag:s14] =	ssyncadd.s32 $0xFFFFD800  }
0x75: {  	_ =	sfence.sel $0x180000  }
0x76: {  	[bflag:$0x0] =	sbarrier.arrive $0xFFFF  }
0x77: {  	p0 =	sne.s32 s0, $0x0;
	_ =	strace $0x9000004A  }
0x78: {  	s0 =	sadd.s32 @!p0 $0x100000, s1;
	[bflag:$0x2] =	sbarrier.arrive $0xFFFF  }
0x79: {  	[sflag:s0] =	ssyncadd.tile.s32 @!p0 $0x1;
	_ =	shalt  }
.Lfunc_end2:
_tile_overlayer_lowered:
.L_overlay_start_2:
0x7a: {  	(tag) =	ssettag $0x2  }
0x7b: {  	s0 =	rddreg [dreg:$0x0];
	s2 =	stileid.u32  }
0x7c: {  	s1 =	rddreg [dreg:$0x1];
	p0 =	sne.s32 s2, $0x0  }
0x7d: {  	s3 =	rddreg [dreg:$0x2];
	[bflag:$0x3] =	sbarrier.arrive $0xFFFF;
	s2 =	simm.s32 @!p0 $0x1C03  }
0x7e: {  	[timem:s3], [sflag:s2] =	dma.local @!p0 [hbm:s0], s1  }
0x7f: {  	s0 =	simm.s32 @!p0 $0x3  }
0x80: {  	_ =	swait.ge @!p0 [sflag:s0], s1  }
0x81: {  	s1 =	ssub.s32 @!p0 $0x0, s1;
	[sflag:s0] =	ssyncset.done @!p0 $0x0  }
0x82: {  	[sflag:s0] =	ssyncadd.s32 @!p0 s1  }
0x83: {  	[bflag:$0x3] =	sbarrier.arrive $0xFFFF  }
0x84: {  	_ =	shalt  }

// kernel: kernel.16.cloned.1.call-start
scs
__scs_entry_jumppad:
0x0: {  	(pc) =	sbr.rel $0x88, $3  }
0x1: {  	(tag) =	ssettag $0x0;
	lr =	simm.s32 $0x1  }
0x2: {  	[smem:$0x3F96] =	sst lr;
	_ =	strace $0xD0000000  }
0x3: {  	_ = 	snop  }
0x4: {  	_ = 	snop  }
0x5: {  	_ = 	snop  }
0x6: {  	_ = 	snop  }
0x7: {  	_ = 	snop  }
__scs_overlays_trampoline_lowered:
0x8: {  	[smem:$0x3FA5] =	sst s0  }
0x9: {  	[smem:$0x3FA6] =	sst s1  }
0xa: {  	[smem:$0x3FA7] =	sst s2  }
0xb: {  	[smem:$0x3FA8] =	sst s3  }
0xc: {  	[smem:$0x3FA9] =	sst s4  }
0xd: {  	[smem:$0x3FAA] =	sst s5  }
0xe: {  	[smem:$0x3FAB] =	sst s6  }
0xf: {  	[smem:$0x3FAC] =	sst s7  }
0x10: {  	[smem:$0x3FAD] =	sst s8  }
0x11: {  	[smem:$0x3FAE] =	sst s9;
	s0 =	simm.s32 @!p0 $0x0  }
0x12: {  	s1 =	sld [smem:$0x3F94];
	s0 =	simm.s32 @p0 $0x1  }
0x13: {  	[smem:$0x3FAF] =	sst s0;
	s0 =	simm.s32 @!p1 $0x0  }
0x14: {  	s2 =	sld [smem:$0x3F93];
	s0 =	simm.s32 @p1 $0x1  }
0x15: {  	[smem:$0x3FB0] =	sst s0;
	s0 =	simm.s32 @!p2 $0x0  }
0x16: {  	s3 =	sld [smem:$0x3FDB];
	s0 =	simm.s32 @p2 $0x1  }
0x17: {  	s4 =	simm.s32 $0x1BF5;
	[smem:$0x3FB2] =	sst s0  }
0x18: {  	s0 =	sld [smem:$0x3F95];
	_ =	swait.ge [sflag:s4], $0x0  }
0x19: {  	s7 =	sld [smem:$0x3F96]  }
0x1a: {  	s8 =	sadd.s32 $0xFFFFE003, lr  }
0x1b: {  	s9 =	sadd.s32 $0xFFFFFEF7, lr;
	s5 =	simm.s32 $0xFFFFFFFF;
	p2 =	slt.u32 s8, $0xFFFFF086  }
0x1c: {  	p1 =	slt.u32 s9, $0xF7A;
	s5 =	simm.s32 @!p2 $0x0  }
0x1d: {  	s5 =	simm.s32 @p1 $0x1;
	p0 =	seq.s32 s7, s2  }
0x1e: {  	s7 =	smul.u32 @!p0 $0xF7A, s2;
	p2 =	seq.s32 @!p0 s5, $0x0  }
0x1f: {  	s9 =	smul.u32 $0xF7A, s1;
	s8 =	simm.s32 @!p0 $0x1BF5;
	p2 =	por !p2, p0  }
0x20: {  	[sflag:s8] =	ssyncset.s32 @!p0 $0xFFFFF086;
	s6 =	sadd.s32 @!p0 s3, s7;
	s7 =	simm.s32 @!p0 $0x108  }
0x21: {  	s3 =	sadd.s32 s3, s9;
	s6 =	sadd.s32 @!p0 $0x88, s6;
	s7 =	simm.s32 @p2 $0x1082  }
0x22: {  	[simem:s7], [sflag:s8] =	dma.local @!p0 [hbm:s6], $0xF7A  }
0x23: {  	s9 =	sor.u32 $0xD0000000, s2;
	s6 =	simm.s32 $0x108;
	_ =	swait.ge @!p0 [sflag:s8], $0x0  }
0x24: {  	s3 =	sadd.s32 $0x88, s3;
	s6 =	simm.s32 @!p1 $0x1082;
	[sflag:s4] =	ssyncset.s32 $0xFFFFF086  }
0x25: {  	[simem:s6], [sflag:s4] =	dma.local [hbm:s3], $0xF7A  }
0x26: {  	[smem:$0x3F96] =	sst s1;
	(tag) =	ssettag s2;
	_ =	strace s9  }
0x27: {  	s1 =	sld [smem:$0x3FA6]  }
0x28: {  	s2 =	sld [smem:$0x3FA7]  }
0x29: {  	s4 =	sld [smem:$0x3FA9]  }
0x2a: {  	p0 =	seq.s32 s5, $0x0;
	s5 =	sld [smem:$0x3FAA]  }
0x2b: {  	s6 =	sld [smem:$0x3FAB]  }
0x2c: {  	s7 =	sld [smem:$0x3FAC]  }
0x2d: {  	s3 =	simm.s32 $0x108;
	s8 =	sld [smem:$0x3FAD]  }
0x2e: {  	s3 =	simm.s32 @!p0 $0x1082;
	s9 =	sld [smem:$0x3FAE]  }
0x2f: {  	lr =	sadd.s32 s0, s3;
	s0 =	sld [smem:$0x3FA5]  }
0x30: {  	s3 =	sld [smem:$0x3FA8]  }
0x31: {  	[smem:$0x3FB1] =	sst s10  }
0x32: {  	s10 =	sld [smem:$0x3FAF];
	_ =	sdelay $0x3  }
0x33: {  	p0 =	seq.s32 s10, $0x1;
	s10 =	sld [smem:$0x3FB1];
	_ =	sdelay $0x3  }
0x34: {  	[smem:$0x3FB1] =	sst s10  }
0x35: {  	s10 =	sld [smem:$0x3FB0];
	_ =	sdelay $0x3  }
0x36: {  	p1 =	seq.s32 s10, $0x1;
	s10 =	sld [smem:$0x3FB1];
	_ =	sdelay $0x3  }
0x37: {  	[smem:$0x3FB1] =	sst s10  }
0x38: {  	s10 =	sld [smem:$0x3FB2]  }
0x39: {  	_ = 	snop;
	(pc) =	sbr.ind lr, $3  }
0x3a: {  	_ = 	snop  }
0x3b: {  	_ = 	snop  }
0x3c: {  	p2 =	seq.s32 s10, $0x1;
	s10 =	sld [smem:$0x3FB1]  }
0x3d: {  	_ =	shalt  }
0x3e: {  	_ =	shalt  }
0x3f: {  	_ =	shalt  }
0x40: {  	_ =	shalt  }
0x41: {  	_ =	shalt  }
0x42: {  	_ =	shalt  }
0x43: {  	_ =	shalt  }
0x44: {  	_ =	shalt  }
0x45: {  	_ =	shalt  }
0x46: {  	_ =	shalt  }
0x47: {  	_ =	shalt  }
0x48: {  	_ =	shalt  }
0x49: {  	_ =	shalt  }
0x4a: {  	_ =	shalt  }
0x4b: {  	_ =	shalt  }
0x4c: {  	_ =	shalt  }
0x4d: {  	_ =	shalt  }
0x4e: {  	_ =	shalt  }
0x4f: {  	_ =	shalt  }
0x50: {  	_ =	shalt  }
0x51: {  	_ =	shalt  }
0x52: {  	_ =	shalt  }
0x53: {  	_ =	shalt  }
0x54: {  	_ =	shalt  }
0x55: {  	_ =	shalt  }
0x56: {  	_ =	shalt  }
0x57: {  	_ =	shalt  }
0x58: {  	_ =	shalt  }
0x59: {  	_ =	shalt  }
0x5a: {  	_ =	shalt  }
0x5b: {  	_ =	shalt  }
0x5c: {  	_ =	shalt  }
0x5d: {  	_ =	shalt  }
0x5e: {  	_ =	shalt  }
0x5f: {  	_ =	shalt  }
0x60: {  	_ =	shalt  }
0x61: {  	_ =	shalt  }
0x62: {  	_ =	shalt  }
0x63: {  	_ =	shalt  }
0x64: {  	_ =	shalt  }
0x65: {  	_ =	shalt  }
0x66: {  	_ =	shalt  }
0x67: {  	_ =	shalt  }
0x68: {  	_ =	shalt  }
0x69: {  	_ =	shalt  }
0x6a: {  	_ =	shalt  }
0x6b: {  	_ =	shalt  }
0x6c: {  	_ =	shalt  }
0x6d: {  	_ =	shalt  }
0x6e: {  	_ =	shalt  }
0x6f: {  	_ =	shalt  }
0x70: {  	_ =	shalt  }
0x71: {  	_ =	shalt  }
0x72: {  	_ =	shalt  }
0x73: {  	_ =	shalt  }
0x74: {  	_ =	shalt  }
0x75: {  	_ =	shalt  }
0x76: {  	_ =	shalt  }
0x77: {  	_ =	shalt  }
0x78: {  	_ =	shalt  }
0x79: {  	_ =	shalt  }
0x7a: {  	_ =	shalt  }
0x7b: {  	_ =	shalt  }
0x7c: {  	_ =	shalt  }
0x7d: {  	_ =	shalt  }
0x7e: {  	_ =	shalt  }
0x7f: {  	_ =	shalt  }
0x80: {  	_ =	shalt  }
0x81: {  	_ =	shalt  }
0x82: {  	_ =	shalt  }
0x83: {  	_ =	shalt  }
0x84: {  	_ =	shalt  }
0x85: {  	_ =	shalt  }
0x86: {  	_ =	shalt  }
0x87: {  	_ =	shalt  }
.Lfunc_end0:
.L_simem_size_0:
called_computation.2_lowered:
.L_overlay_start_0:
0x88: {  	s2 =	sld [smem:$0x3FD9]  }
0x89: {  	s3 =	sld [smem:$0x3FFE];
	_ =	sdelay $0x1  }
0x8a: {  	s1 =	srdreg.scid  }
0x8b: {  	s0 =	sand.u32 $0x1, s1  }
0x8c: {  	s16 =	sshll.u32 s0, $0xA;
	s2 =	sadd.s32 s3, s2  }
0x8d: {  	s2 =	sadd.s32 s2, s16  }
0x8e: {  	[smem:$0x3FBD] =	sst s2  }
0x8f: {  	_ = 	snop  }
0x90: {  	(tm) =	ssettm $0x1  }
0x91: {  	s17 =	sld [smem:$0x3FFB];
	_ =	sdelay $0x3  }
0x92: {  	_ =	strace s17  }
0x93: {  	s2 =	sld [smem:$0x3FFC];
	_ =	sdelay $0x3  }
0x94: {  	_ =	strace s2  }
0x95: {  	s2 =	sld [smem:$0x3FFD];
	_ =	sdelay $0x3  }
0x96: {  	_ =	strace s2  }
0x97: {  	_ =	strace $0x8FFFFFFF  }
0x98: {  	s18 =	sld [smem:$0x3FDB];
	_ =	sdelay $0x1  }
0x99: {  	s19 =	simm.s32 $_scs_section_size  }
0x9a: {  	s4 =	simm.s32 $_size__tile_overlayer_lowered;
	s5 =	simm.s32 $_tile_overlayer_lowered  }
0x9b: {  	s22 =	simm.s32 $0x1BFF;
	s21 =	sshll.u32 s5, $0x1;
	s2 =	sadd.s32 s19, s18  }
0x9c: {  	s6 =	simm.s32 $0x0;
	s20 =	sshll.u32 s4, $0x1;
	s4 =	sadd.s32 s21, s2  }
0x9d: {  	[timem:s6], [sflag:s22] =	dma.local [hbm:s4], s20  }
0x9e: {  	_ =	swait.ge [sflag:s22], s20  }
0x9f: {  	s3 =	ssub.s32 $0x0, s20;
	[sflag:s22] =	ssyncset.done $0x0  }
0xa0: {  	[sflag:s22] =	ssyncadd.s32 s3;
	_ =	sdelay $0x1  }
0xa1: {  	s23 =	simm.s32 $0x1B8B  }
0xa2: {  	_ =	swait.ge [sflag:s23], $0x1  }
0xa3: {  	[sflag:s23] =	ssyncset.done $0x0  }
0xa4: {  	s25 =	simm.s32 $0x1B8E;
	s24 =	sld [smem:$0x3FFE];
	[sflag:s23] =	ssyncadd.s32 $0xFFFFFFFF  }
0xa5: {  	s26 =	simm.s32 $execute0_lowered;
	[smem:$0x3FD2] =	sst s25  }
0xa6: {  	s4 =	sshll.u32 s26, $0x1;
	_ =	strace $0x8000004C;
	[dreg:$0x1] =	wrdreg $0xFFFFFFFF  }
0xa7: {  	s28 =	simm.s32 $_size_execute0_lowered;
	s2 =	sadd.s32 s2, s4;
	[dreg:$0x0] =	wrdreg $0x0  }
0xa8: {  	s4 =	sshll.u32 s28, $0x1;
	[dreg:$0x2] =	wrdreg s2  }
0xa9: {  	[dreg:$0x3] =	wrdreg s4  }
0xaa: {  	[dreg:$0x4] =	wrdreg $0xC0  }
0xab: {  	_ =	task [dreg:s6], $0x5FFFF  }
0xac: {  	[dreg:$0x1] =	wrdreg $0xFFFFFFFF  }
0xad: {  	[dreg:$0x0] =	wrdreg $0x60  }
0xae: {  	[dreg:$0x2] =	wrdreg s24  }
0xaf: {  	[dreg:$0x3] =	wrdreg $0xB0000  }
0xb0: {  	[dreg:$0x4] =	wrdreg $0x9  }
0xb1: {  	_ =	task.clear_ibuf [dreg:s6], $0x5FFFF;
	_ =	strace $0x9000004C  }
0xb2: {  	s29 =	simm.s32 $0x9;
	_ =	strace $0x8000004E  }
0xb3: {  	_ =	swait.ge [sflag:s29], $0x1  }
0xb4: {  	[sflag:s29] =	ssyncadd.s32 $0xFFFFFFFF  }
0xb5: {  	_ =	strace $0x9000004E  }
0xb6: {  	_ =	sfence  }
0xb7: {  	s30 =	sld [smem:$0x0];
	_ =	sdelay $0x2  }
0xb8: {  	s31 =	sshll.u32 s1, $0xD;
	s1 =	sshrl.u32 s1, $0x2  }
0xb9: {  	s3 =	sand.u32 $0x4000, s31;
	s1 =	sadd.s32 s1, s30  }
0xba: {  	s0 =	sor.u32 s3, s0;
	s1 =	sshll.u32 s1, $0x11  }
0xbb: {  	s0 =	sor.u32 s1, s0  }
0xbc: {  	s0 =	sadd.s32 $0x8F2B, s0  }
0xbd: {  	[sflag:s0] =	ssyncadd.remote.s32 $0x1  }
0xbe: {  	_ =	sfence.sel $0xFFFF  }
0xbf: {  	[dreg:$0x0] =	wrdreg $0xFFFFFFFF;
	(pc) =	sbr.abs _section_cstart, $3  }
0xc0: {  	[dreg:$0x1] =	wrdreg $0xFFFFFFFF  }
0xc1: {  	_ =	task.clear_ibuf [dreg:s6], $0x2FFFF;
	_ =	strace $0x9FFFFFFF  }
0xc2: {  	(tm) =	ssettm $0x7FFFFFFF  }
0xc3: {  	_ =	shalt  }
tec
execute0_lowered:
.L_overlay_start_1:
0x0: {  	(tag) =	ssettag $0x1  }
0x1: {  	s0 =	srdreg.scid;
	s1 =	rddreg [dreg:$0x0]  }
0x2: {  	s11 =	stileid.u32;
	s2 =	rddreg [dreg:$0x1]  }
0x3: {  	s4 =	simm.s32 $0x0;
	s28 =	simm.s32 $0x80;
	s29 =	simm.s32 $0x7000  }
0x4: {  	s30 =	simm.s32 $0x1;
	s31 =	simm.s32 $0x2;
	s0 =	sand.u32 $0x1, s0  }
0x5: {  	s3 =	sshll.u32 s11, $0x1;
	[smem:$0x7FF] =	sst s4;
	s9 =	smul.u32 $0x14000, s11  }
0x6: {  	s4 =	sadd.s32 $0x87200, s1;
	s5 =	sadd.s32 $0xAE400, s1;
	s24 =	smul.u32 $0x50000, s11  }
0x7: {  	s6 =	sadd.s32 $0x125600, s1;
	s3 =	sor.u32 s0, s3;
	s8 =	smul.u32 $0x780000, s0  }
0x8: {  	s7 =	sadd.s32 $0x60000, s1;
	s0 =	ssub.s32 $0x2, s0;
	s3 =	smul.u32 $0x300, s3  }
0x9: {  	_ =	strace $0x8000004D;
	s23 =	sshrl.u32 s0, $0x1;
	s9 =	sadd.s32 s9, s8  }
0xa: {  	s8 =	sadd.s32 $0xD7200, s1;
	s0 =	ssub.s32 s0, s23;
	s3 =	sadd.s32 s3, s1  }
0xb: {  	s10 =	sshrl.u32 s9, $0x3;
	s9 =	sadd.s32 $0xFE400, s1;
	s19 =	smax.u32 s0, $0x1  }
0xc: {  	s0 =	simm.s32 $0x0;
	s1 =	sadd.s32 s10, s1;
	s12 =	sadd.s32 $0x5A000, s3  }
0xd: {  	s3 =	sadd.s32 $0x4000, s3;
	[dreg:$0x3] =	wrdreg s12;
	s25 =	sadd.s32 $0x14C800, s1  }
0xe: {  	[dreg:$0x4] =	wrdreg s3;
	s26 =	sadd.s32 $0x174800, s1;
	s14 =	sadd.s32 $0x19C800, s1  }
0xf: {  	s3 =	sshrl.u32 s24, $0x2;
	s15 =	sadd.s32 $0x1C4800, s1;
	s17 =	sadd.s32 $0x1EC800, s1  }
0x10: {  	s18 =	sadd.s32 $0x214800, s1;
	s24 =	simm.s32 $0x3;
	[dreg:$0x5] =	wrdreg s25  }
0x11: {  	s1 =	simm.s32 $0x2C00;
	[dreg:$0x6] =	wrdreg s26;
	s16 =	sadd.s32 s3, s2  }
0x12: {  	s26 =	simm.s32 $0x3000;
	s25 =	simm.s32 $0x2C80;
	s20 =	sadd.s32 $0x4000, s16  }
0x13: {  	v0 =	vimm.f32 $0.0e+00;
	s21 =	sadd.s32 $0x8000, s16;
	s22 =	sadd.s32 $0xC000, s16;
	s23 =	sadd.s32 $0x10000, s16  }
.LBB2_1:
0x14: {  	s3 =	simm.s32 $0x0;
	s10 =	rddreg [dreg:$0x3]  }
0x15: {  	[tilespmem:s3], [sflag:$0x3] =	stream.linear.gather [hbm4b:s10+s3], $0x1500, $0x38;
	[tilespmem:$0x1F000] =	vst v63  }
0x16: {  	_ =	swait.ge [sflag:s24], $0x1500  }
0x17: {  	[sflag:s24] =	ssyncset.done $0x0  }
0x18: {  	s11 =	simm.s32 $0x1800;
	s13 =	rddreg [dreg:$0x4];
	[sflag:s24] =	ssyncadd.s32 $0xFFFFEB00  }
0x19: {  	[tilespmem:s11], [sflag:$0x3] =	stream.linear.gather [hbm4b:s13+s3], $0x1500, $0x38;
	[tilespmem:$0x1F000] =	vst v63  }
0x1a: {  	_ =	swait.ge [sflag:s24], $0x1500  }
0x1b: {  	[sflag:s24] =	ssyncset.done $0x0  }
0x1c: {  	s10 =	simm.s32 $0x200;
	s3 =	simm.s32 $0x0;
	[sflag:s24] =	ssyncadd.s32 $0xFFFFEB00  }
.LBB2_2:
0x1d: {  	p0 =	sne.s32 s10, $0xFE00;
	[tilespmem:s3+$0x3070] =	vst v0  }
0x1e: {  	[tilespmem:s3+$0x3000] =	vst v0  }
0x1f: {  	[tilespmem:s3+$0x3010] =	vst v0  }
.Ltmp0:
0x20: {  	[tilespmem:s3+$0x3020] =	vst v0;
	(pc) =	sbr.rel @p0 .LBB2_2-.Ltmp0, $4  }
0x21: {  	[tilespmem:s3+$0x3030] =	vst v0  }
0x22: {  	[tilespmem:s3+$0x3040] =	vst v0  }
0x23: {  	[tilespmem:s3+$0x3050] =	vst v0  }
0x24: {  	[tilespmem:s3+$0x3060] =	vst v0;
	s3 =	sshra.s32 s10, $0x2;
	s10 =	sadd.s32 $0x200, s10  }
0x25: {  	[tilespmem:s3+$0x3070] =	vst v0  }
0x26: {  	[tilespmem:s3+$0x3000] =	vst v0  }
0x27: {  	[tilespmem:s3+$0x3010] =	vst v0  }
0x28: {  	[tilespmem:s3+$0x3020] =	vst v0  }
0x29: {  	[tilespmem:s3+$0x3030] =	vst v0  }
0x2a: {  	[tilespmem:s3+$0x3040] =	vst v0  }
0x2b: {  	[tilespmem:s3+$0x3050] =	vst v0  }
0x2c: {  	[tilespmem:s3+$0x3060] =	vst v0  }
0x2d: {  	[spmem:s16] =	stream.linear.scatter [tilespmem:s26], [sflag:$0x3], $0x4000, $0x38;
	[tilespmem:$0x1F000] =	vst v63  }
0x2e: {  	_ =	swait.ge [sflag:s24], $0x4000  }
0x2f: {  	[sflag:s24] =	ssyncset.done $0x0  }
0x30: {  	[sflag:s24] =	ssyncadd.s32 $0xFFFFC000  }
0x31: {  	[spmem:s20] =	stream.linear.scatter [tilespmem:s26], [sflag:$0x3], $0x4000, $0x38;
	[tilespmem:$0x1F000] =	vst v63  }
0x32: {  	_ =	swait.ge [sflag:s24], $0x4000  }
0x33: {  	[sflag:s24] =	ssyncset.done $0x0  }
0x34: {  	[sflag:s24] =	ssyncadd.s32 $0xFFFFC000  }
0x35: {  	[spmem:s21] =	stream.linear.scatter [tilespmem:s26], [sflag:$0x3], $0x4000, $0x38;
	[tilespmem:$0x1F000] =	vst v63  }
0x36: {  	_ =	swait.ge [sflag:s24], $0x4000  }
0x37: {  	[sflag:s24] =	ssyncset.done $0x0  }
0x38: {  	[sflag:s24] =	ssyncadd.s32 $0xFFFFC000  }
0x39: {  	[spmem:s22] =	stream.linear.scatter [tilespmem:s26], [sflag:$0x3], $0x4000, $0x38;
	[tilespmem:$0x1F000] =	vst v63  }
0x3a: {  	_ =	swait.ge [sflag:s24], $0x4000  }
0x3b: {  	[sflag:s24] =	ssyncset.done $0x0  }
0x3c: {  	[sflag:s24] =	ssyncadd.s32 $0xFFFFC000  }
0x3d: {  	[spmem:s23] =	stream.linear.scatter [tilespmem:s26], [sflag:$0x3], $0x4000, $0x38;
	[tilespmem:$0x1F000] =	vst v63  }
0x3e: {  	_ =	swait.ge [sflag:s24], $0x4000  }
0x3f: {  	[sflag:s24] =	ssyncset.done $0x0  }
0x40: {  	[sflag:s24] =	ssyncadd.s32 $0xFFFFC000  }
0x41: {  	s10 =	simm.s32 $0x0;
	[bflag:$0x0] =	sbarrier.arrive $0xFFFF  }
0x42: {  	[tilespmem:s26], [sflag:$0x1] =	stream.indirect.gather [hbm4b:s4+s28], $0x80, s10, s28, $0xb8;
	[tilespmem:$0x1F000] =	vst v63  }
0x43: {  	_ = 	snop  }
0x44: {  	[tilespmem:s29], [sflag:$0x2] =	stream.indirect.gather [hbm4b:s4+s28], $0x80, s28, s28, $0xb8;
	[tilespmem:$0x1F000] =	vst v63  }
0x45: {  	_ =	swait.ge [sflag:s30], $0x4000  }
0x46: {  	[sflag:s30] =	ssyncset.done $0x0  }
0x47: {  	s11 =	simm.s32 $0x1800;
	[sflag:s30] =	ssyncadd.s32 $0xFFFFC000  }
0x48: {  	[spmem:s2] =	stream.indirect.scatter.add.f32 [tilespmem:s26], [sflag:$0x3], $0x80, s11, s28, $0xb8;
	[tilespmem:$0x1F000] =	vst v63  }
0x49: {  	_ =	swait.ge [sflag:s24], $0x4000  }
0x4a: {  	[sflag:s24] =	ssyncset.done $0x0  }
0x4b: {  	s12 =	simm.s32 $0x100;
	[sflag:s24] =	ssyncadd.s32 $0xFFFFC000  }
0x4c: {  	[tilespmem:s26], [sflag:$0x1] =	stream.indirect.gather [hbm4b:s4+s28], $0x80, s12, s28, $0xb8;
	[tilespmem:$0x1F000] =	vst v63  }
0x4d: {  	_ =	swait.ge [sflag:s31], $0x4000  }
0x4e: {  	[sflag:s31] =	ssyncset.done $0x0  }
0x4f: {  	s13 =	simm.s32 $0x1880;
	[sflag:s31] =	ssyncadd.s32 $0xFFFFC000  }
0x50: {  	[spmem:s2] =	stream.indirect.scatter.add.f32 [tilespmem:s29], [sflag:$0x3], $0x80, s13, s28, $0xb8;
	[tilespmem:$0x1F000] =	vst v63  }
0x51: {  	_ =	swait.ge [sflag:s24], $0x4000  }
0x52: {  	[sflag:s24] =	ssyncset.done $0x0  }
0x53: {  	s3 =	simm.s32 $0x400;
	s10 =	simm.s32 $0x180;
	[sflag:s24] =	ssyncadd.s32 $0xFFFFC000  }
.LBB2_4:
0x54: {  	[tilespmem:s29], [sflag:$0x2] =	stream.indirect.gather [hbm4b:s4+s28], $0x80, s10, s28, $0xb8;
	[tilespmem:$0x1F000] =	vst v63  }
0x55: {  	s10 =	smov.u32 s3  }
0x56: {  	p0 =	sne.s32 s3, $0x4C00;
	s3 =	sadd.s32 $0x400, s3;
	_ =	swait.ge [sflag:s30], $0x4000  }
0x57: {  	s10 =	sshra.s32 s10, $0x2;
	[sflag:s30] =	ssyncset.done $0x0  }
0x58: {  	s11 =	sadd.s32 $0x1800, s10;
	[sflag:s30] =	ssyncadd.s32 $0xFFFFC000  }
0x59: {  	[spmem:s2] =	stream.indirect.scatter.add.f32 [tilespmem:s26], [sflag:$0x3], $0x80, s11, s28, $0xb8;
	[tilespmem:$0x1F000] =	vst v63  }
0x5a: {  	_ =	swait.ge [sflag:s24], $0x4000  }
0x5b: {  	[sflag:s24] =	ssyncset.done $0x0  }
0x5c: {  	s11 =	sadd.s32 $0x100, s10;
	[sflag:s24] =	ssyncadd.s32 $0xFFFFC000  }
0x5d: {  	[tilespmem:s26], [sflag:$0x1] =	stream.indirect.gather [hbm4b:s4+s28], $0x80, s11, s28, $0xb8;
	[tilespmem:$0x1F000] =	vst v63  }
0x5e: {  	_ =	swait.ge [sflag:s31], $0x4000  }
0x5f: {  	[sflag:s31] =	ssyncset.done $0x0  }
.Ltmp1:
0x60: {  	s11 =	sadd.s32 $0x1880, s10;
	[sflag:s31] =	ssyncadd.s32 $0xFFFFC000;
	(pc) =	sbr.rel @p0 .LBB2_4-.Ltmp1, $4  }
0x61: {  	[spmem:s2] =	stream.indirect.scatter.add.f32 [tilespmem:s29], [sflag:$0x3], $0x80, s11, s28, $0xb8;
	[tilespmem:$0x1F000] =	vst v63  }
0x62: {  	_ =	swait.ge [sflag:s24], $0x4000  }
0x63: {  	[sflag:s24] =	ssyncset.done $0x0  }
0x64: {  	s10 =	sadd.s32 $0x180, s10;
	[sflag:s24] =	ssyncadd.s32 $0xFFFFC000  }
0x65: {  	[tilespmem:s29], [sflag:$0x2] =	stream.indirect.gather [hbm4b:s4+s28], $0x80, s10, s28, $0xb8;
	[tilespmem:$0x1F000] =	vst v63  }
0x66: {  	_ =	swait.ge [sflag:s30], $0x4000  }
0x67: {  	[sflag:s30] =	ssyncset.done $0x0  }
0x68: {  	[sflag:s30] =	ssyncadd.s32 $0xFFFFC000  }
0x69: {  	[spmem:s2] =	stream.indirect.scatter.add.f32 [tilespmem:s26], [sflag:$0x3], $0x80, s1, s28, $0xb8;
	[tilespmem:$0x1F000] =	vst v63  }
0x6a: {  	_ =	swait.ge [sflag:s24], $0x4000  }
0x6b: {  	[sflag:s24] =	ssyncset.done $0x0  }
0x6c: {  	[sflag:s24] =	ssyncadd.s32 $0xFFFFC000  }
0x6d: {  	_ =	swait.ge [sflag:s31], $0x4000  }
0x6e: {  	[sflag:s31] =	ssyncset.done $0x0  }
0x6f: {  	[sflag:s31] =	ssyncadd.s32 $0xFFFFC000  }
0x70: {  	[spmem:s2] =	stream.indirect.scatter.add.f32 [tilespmem:s29], [sflag:$0x3], $0x80, s25, s28, $0xb8;
	[tilespmem:$0x1F000] =	vst v63  }
0x71: {  	_ =	swait.ge [sflag:s24], $0x4000  }
0x72: {  	[sflag:s24] =	ssyncset.done $0x0  }
0x73: {  	s3 =	stileid.u32;
	[sflag:s24] =	ssyncadd.s32 $0xFFFFC000  }
0x74: {  	s3 =	sshll.u32 s3, $0x6;
	[bflag:$0x0] =	sbarrier.arrive $0xFFFF  }
0x75: {  	s10 =	sshrl.u32 s16, $0x3;
	s3 =	sor.u32 $0x1C03, s3;
	s11 =	rddreg [dreg:$0x5]  }
0x76: {  	[hbm:s11], [sflag:s3] =	dma.local [spmem:s10], $0x2800  }
0x77: {  	_ =	swait.ge [sflag:s24], $0x2800  }
0x78: {  	[sflag:s24] =	ssyncset.done $0x0  }
0x79: {  	s12 =	simm.s32 $0x200;
	s11 =	simm.s32 $0x0;
	[sflag:s24] =	ssyncadd.s32 $0xFFFFD800  }
.LBB2_6:
0x7a: {  	p0 =	sne.s32 s12, $0xFE00;
	[tilespmem:s11+$0x3070] =	vst v0  }
0x7b: {  	[tilespmem:s11+$0x3000] =	vst v0  }
0x7c: {  	[tilespmem:s11+$0x3010] =	vst v0  }
.Ltmp2:
0x7d: {  	[tilespmem:s11+$0x3020] =	vst v0;
	(pc) =	sbr.rel @p0 .LBB2_6-.Ltmp2, $4  }
0x7e: {  	[tilespmem:s11+$0x3030] =	vst v0  }
0x7f: {  	[tilespmem:s11+$0x3040] =	vst v0  }
0x80: {  	[tilespmem:s11+$0x3050] =	vst v0  }
0x81: {  	[tilespmem:s11+$0x3060] =	vst v0;
	s11 =	sshra.s32 s12, $0x2;
	s12 =	sadd.s32 $0x200, s12  }
0x82: {  	[tilespmem:s11+$0x3070] =	vst v0  }
0x83: {  	[tilespmem:s11+$0x3000] =	vst v0  }
0x84: {  	[tilespmem:s11+$0x3010] =	vst v0  }
0x85: {  	[tilespmem:s11+$0x3020] =	vst v0  }
0x86: {  	[tilespmem:s11+$0x3030] =	vst v0  }
0x87: {  	[tilespmem:s11+$0x3040] =	vst v0  }
0x88: {  	[tilespmem:s11+$0x3050] =	vst v0  }
0x89: {  	[tilespmem:s11+$0x3060] =	vst v0  }
0x8a: {  	[spmem:s16] =	stream.linear.scatter [tilespmem:s26], [sflag:$0x3], $0x4000, $0x38;
	[tilespmem:$0x1F000] =	vst v63  }
0x8b: {  	_ =	swait.ge [sflag:s24], $0x4000  }
0x8c: {  	[sflag:s24] =	ssyncset.done $0x0  }
0x8d: {  	[sflag:s24] =	ssyncadd.s32 $0xFFFFC000  }
0x8e: {  	[spmem:s20] =	stream.linear.scatter [tilespmem:s26], [sflag:$0x3], $0x4000, $0x38;
	[tilespmem:$0x1F000] =	vst v63  }
0x8f: {  	_ =	swait.ge [sflag:s24], $0x4000  }
0x90: {  	[sflag:s24] =	ssyncset.done $0x0  }
0x91: {  	[sflag:s24] =	ssyncadd.s32 $0xFFFFC000  }
0x92: {  	[spmem:s21] =	stream.linear.scatter [tilespmem:s26], [sflag:$0x3], $0x4000, $0x38;
	[tilespmem:$0x1F000] =	vst v63  }
0x93: {  	_ =	swait.ge [sflag:s24], $0x4000  }
0x94: {  	[sflag:s24] =	ssyncset.done $0x0  }
0x95: {  	[sflag:s24] =	ssyncadd.s32 $0xFFFFC000  }
0x96: {  	[spmem:s22] =	stream.linear.scatter [tilespmem:s26], [sflag:$0x3], $0x4000, $0x38;
	[tilespmem:$0x1F000] =	vst v63  }
0x97: {  	_ =	swait.ge [sflag:s24], $0x4000  }
0x98: {  	[sflag:s24] =	ssyncset.done $0x0  }
0x99: {  	[sflag:s24] =	ssyncadd.s32 $0xFFFFC000  }
0x9a: {  	[spmem:s23] =	stream.linear.scatter [tilespmem:s26], [sflag:$0x3], $0x4000, $0x38;
	[tilespmem:$0x1F000] =	vst v63  }
0x9b: {  	_ =	swait.ge [sflag:s24], $0x4000  }
0x9c: {  	[sflag:s24] =	ssyncset.done $0x0  }
0x9d: {  	[sflag:s24] =	ssyncadd.s32 $0xFFFFC000  }
0x9e: {  	s12 =	simm.s32 $0x0;
	[bflag:$0x0] =	sbarrier.arrive $0xFFFF  }
0x9f: {  	[tilespmem:s26], [sflag:$0x1] =	stream.indirect.gather [hbm4b:s5+s28], $0x80, s12, s28, $0xb8;
	[tilespmem:$0x1F000] =	vst v63  }
0xa0: {  	_ = 	snop  }
0xa1: {  	[tilespmem:s29], [sflag:$0x2] =	stream.indirect.gather [hbm4b:s5+s28], $0x80, s28, s28, $0xb8;
	[tilespmem:$0x1F000] =	vst v63  }
0xa2: {  	_ =	swait.ge [sflag:s30], $0x4000  }
0xa3: {  	[sflag:s30] =	ssyncset.done $0x0  }
0xa4: {  	s13 =	simm.s32 $0x1800;
	[sflag:s30] =	ssyncadd.s32 $0xFFFFC000  }
0xa5: {  	[spmem:s2] =	stream.indirect.scatter.add.f32 [tilespmem:s26], [sflag:$0x3], $0x80, s13, s28, $0xb8;
	[tilespmem:$0x1F000] =	vst v63  }
0xa6: {  	_ =	swait.ge [sflag:s24], $0x4000  }
0xa7: {  	[sflag:s24] =	ssyncset.done $0x0  }
0xa8: {  	s12 =	simm.s32 $0x100;
	[sflag:s24] =	ssyncadd.s32 $0xFFFFC000  }
0xa9: {  	[tilespmem:s26], [sflag:$0x1] =	stream.indirect.gather [hbm4b:s5+s28], $0x80, s12, s28, $0xb8;
	[tilespmem:$0x1F000] =	vst v63  }
0xaa: {  	_ =	swait.ge [sflag:s31], $0x4000  }
0xab: {  	[sflag:s31] =	ssyncset.done $0x0  }
0xac: {  	s13 =	simm.s32 $0x1880;
	[sflag:s31] =	ssyncadd.s32 $0xFFFFC000  }
0xad: {  	[spmem:s2] =	stream.indirect.scatter.add.f32 [tilespmem:s29], [sflag:$0x3], $0x80, s13, s28, $0xb8;
	[tilespmem:$0x1F000] =	vst v63  }
0xae: {  	_ =	swait.ge [sflag:s24], $0x4000  }
0xaf: {  	[sflag:s24] =	ssyncset.done $0x0  }
0xb0: {  	s11 =	simm.s32 $0x400;
	s12 =	simm.s32 $0x180;
	[sflag:s24] =	ssyncadd.s32 $0xFFFFC000  }
.LBB2_8:
0xb1: {  	[tilespmem:s29], [sflag:$0x2] =	stream.indirect.gather [hbm4b:s5+s28], $0x80, s12, s28, $0xb8;
	[tilespmem:$0x1F000] =	vst v63  }
0xb2: {  	s12 =	smov.u32 s11  }
0xb3: {  	p0 =	sne.s32 s11, $0x4C00;
	s11 =	sadd.s32 $0x400, s11;
	_ =	swait.ge [sflag:s30], $0x4000  }
0xb4: {  	s12 =	sshra.s32 s12, $0x2;
	[sflag:s30] =	ssyncset.done $0x0  }
0xb5: {  	s13 =	sadd.s32 $0x1800, s12;
	[sflag:s30] =	ssyncadd.s32 $0xFFFFC000  }
0xb6: {  	[spmem:s2] =	stream.indirect.scatter.add.f32 [tilespmem:s26], [sflag:$0x3], $0x80, s13, s28, $0xb8;
	[tilespmem:$0x1F000] =	vst v63  }
0xb7: {  	_ =	swait.ge [sflag:s24], $0x4000  }
0xb8: {  	[sflag:s24] =	ssyncset.done $0x0  }
0xb9: {  	s13 =	sadd.s32 $0x100, s12;
	[sflag:s24] =	ssyncadd.s32 $0xFFFFC000  }
0xba: {  	[tilespmem:s26], [sflag:$0x1] =	stream.indirect.gather [hbm4b:s5+s28], $0x80, s13, s28, $0xb8;
	[tilespmem:$0x1F000] =	vst v63  }
0xbb: {  	_ =	swait.ge [sflag:s31], $0x4000  }
0xbc: {  	[sflag:s31] =	ssyncset.done $0x0  }
.Ltmp3:
0xbd: {  	s13 =	sadd.s32 $0x1880, s12;
	[sflag:s31] =	ssyncadd.s32 $0xFFFFC000;
	(pc) =	sbr.rel @p0 .LBB2_8-.Ltmp3, $4  }
0xbe: {  	[spmem:s2] =	stream.indirect.scatter.add.f32 [tilespmem:s29], [sflag:$0x3], $0x80, s13, s28, $0xb8;
	[tilespmem:$0x1F000] =	vst v63  }
0xbf: {  	_ =	swait.ge [sflag:s24], $0x4000  }
0xc0: {  	[sflag:s24] =	ssyncset.done $0x0  }
0xc1: {  	s12 =	sadd.s32 $0x180, s12;
	[sflag:s24] =	ssyncadd.s32 $0xFFFFC000  }
0xc2: {  	[tilespmem:s29], [sflag:$0x2] =	stream.indirect.gather [hbm4b:s5+s28], $0x80, s12, s28, $0xb8;
	[tilespmem:$0x1F000] =	vst v63  }
0xc3: {  	_ =	swait.ge [sflag:s30], $0x4000  }
0xc4: {  	[sflag:s30] =	ssyncset.done $0x0  }
0xc5: {  	[sflag:s30] =	ssyncadd.s32 $0xFFFFC000  }
0xc6: {  	[spmem:s2] =	stream.indirect.scatter.add.f32 [tilespmem:s26], [sflag:$0x3], $0x80, s1, s28, $0xb8;
	[tilespmem:$0x1F000] =	vst v63  }
0xc7: {  	_ =	swait.ge [sflag:s24], $0x4000  }
0xc8: {  	[sflag:s24] =	ssyncset.done $0x0  }
0xc9: {  	[sflag:s24] =	ssyncadd.s32 $0xFFFFC000  }
0xca: {  	_ =	swait.ge [sflag:s31], $0x4000  }
0xcb: {  	[sflag:s31] =	ssyncset.done $0x0  }
0xcc: {  	[sflag:s31] =	ssyncadd.s32 $0xFFFFC000  }
0xcd: {  	[spmem:s2] =	stream.indirect.scatter.add.f32 [tilespmem:s29], [sflag:$0x3], $0x80, s25, s28, $0xb8;
	[tilespmem:$0x1F000] =	vst v63  }
0xce: {  	_ =	swait.ge [sflag:s24], $0x4000  }
0xcf: {  	[sflag:s24] =	ssyncset.done $0x0  }
0xd0: {  	[sflag:s24] =	ssyncadd.s32 $0xFFFFC000  }
0xd1: {  	[bflag:$0x0] =	sbarrier.arrive $0xFFFF  }
0xd2: {  	s11 =	rddreg [dreg:$0x6]  }
0xd3: {  	[hbm:s11], [sflag:s3] =	dma.local [spmem:s10], $0x2800  }
0xd4: {  	_ =	swait.ge [sflag:s24], $0x2800  }
0xd5: {  	[sflag:s24] =	ssyncset.done $0x0  }
0xd6: {  	s12 =	simm.s32 $0x200;
	s11 =	simm.s32 $0x0;
	[sflag:s24] =	ssyncadd.s32 $0xFFFFD800  }
.LBB2_10:
0xd7: {  	p0 =	sne.s32 s12, $0xFE00;
	[tilespmem:s11+$0x3070] =	vst v0  }
0xd8: {  	[tilespmem:s11+$0x3000] =	vst v0  }
0xd9: {  	[tilespmem:s11+$0x3010] =	vst v0  }
.Ltmp4:
0xda: {  	[tilespmem:s11+$0x3020] =	vst v0;
	(pc) =	sbr.rel @p0 .LBB2_10-.Ltmp4, $4  }
0xdb: {  	[tilespmem:s11+$0x3030] =	vst v0  }
0xdc: {  	[tilespmem:s11+$0x3040] =	vst v0  }
0xdd: {  	[tilespmem:s11+$0x3050] =	vst v0  }
0xde: {  	[tilespmem:s11+$0x3060] =	vst v0;
	s11 =	sshra.s32 s12, $0x2;
	s12 =	sadd.s32 $0x200, s12  }
0xdf: {  	[tilespmem:s11+$0x3070] =	vst v0  }
0xe0: {  	[tilespmem:s11+$0x3000] =	vst v0  }
0xe1: {  	[tilespmem:s11+$0x3010] =	vst v0  }
0xe2: {  	[tilespmem:s11+$0x3020] =	vst v0  }
0xe3: {  	[tilespmem:s11+$0x3030] =	vst v0  }
0xe4: {  	[tilespmem:s11+$0x3040] =	vst v0  }
0xe5: {  	[tilespmem:s11+$0x3050] =	vst v0  }
0xe6: {  	[tilespmem:s11+$0x3060] =	vst v0  }
0xe7: {  	[spmem:s16] =	stream.linear.scatter [tilespmem:s26], [sflag:$0x3], $0x4000, $0x38;
	[tilespmem:$0x1F000] =	vst v63  }
0xe8: {  	_ =	swait.ge [sflag:s24], $0x4000  }
0xe9: {  	[sflag:s24] =	ssyncset.done $0x0  }
0xea: {  	[sflag:s24] =	ssyncadd.s32 $0xFFFFC000  }
0xeb: {  	[spmem:s20] =	stream.linear.scatter [tilespmem:s26], [sflag:$0x3], $0x4000, $0x38;
	[tilespmem:$0x1F000] =	vst v63  }
0xec: {  	_ =	swait.ge [sflag:s24], $0x4000  }
0xed: {  	[sflag:s24] =	ssyncset.done $0x0  }
0xee: {  	[sflag:s24] =	ssyncadd.s32 $0xFFFFC000  }
0xef: {  	[spmem:s21] =	stream.linear.scatter [tilespmem:s26], [sflag:$0x3], $0x4000, $0x38;
	[tilespmem:$0x1F000] =	vst v63  }
0xf0: {  	_ =	swait.ge [sflag:s24], $0x4000  }
0xf1: {  	[sflag:s24] =	ssyncset.done $0x0  }
0xf2: {  	[sflag:s24] =	ssyncadd.s32 $0xFFFFC000  }
0xf3: {  	[spmem:s22] =	stream.linear.scatter [tilespmem:s26], [sflag:$0x3], $0x4000, $0x38;
	[tilespmem:$0x1F000] =	vst v63  }
0xf4: {  	_ =	swait.ge [sflag:s24], $0x4000  }
0xf5: {  	[sflag:s24] =	ssyncset.done $0x0  }
0xf6: {  	[sflag:s24] =	ssyncadd.s32 $0xFFFFC000  }
0xf7: {  	[spmem:s23] =	stream.linear.scatter [tilespmem:s26], [sflag:$0x3], $0x4000, $0x38;
	[tilespmem:$0x1F000] =	vst v63  }
0xf8: {  	_ =	swait.ge [sflag:s24], $0x4000  }
0xf9: {  	[sflag:s24] =	ssyncset.done $0x0  }
0xfa: {  	[sflag:s24] =	ssyncadd.s32 $0xFFFFC000  }
0xfb: {  	s12 =	simm.s32 $0x0;
	[bflag:$0x0] =	sbarrier.arrive $0xFFFF  }
0xfc: {  	[tilespmem:s26], [sflag:$0x1] =	stream.indirect.gather [hbm4b:s6+s28], $0x80, s12, s28, $0xb8;
	[tilespmem:$0x1F000] =	vst v63  }
0xfd: {  	_ = 	snop  }
0xfe: {  	[tilespmem:s29], [sflag:$0x2] =	stream.indirect.gather [hbm4b:s6+s28], $0x80, s28, s28, $0xb8;
	[tilespmem:$0x1F000] =	vst v63  }
0xff: {  	_ =	swait.ge [sflag:s30], $0x4000  }
0x100: {  	[sflag:s30] =	ssyncset.done $0x0  }
0x101: {  	s13 =	simm.s32 $0x1800;
	[sflag:s30] =	ssyncadd.s32 $0xFFFFC000  }
0x102: {  	[spmem:s2] =	stream.indirect.scatter.add.f32 [tilespmem:s26], [sflag:$0x3], $0x80, s13, s28, $0xb8;
	[tilespmem:$0x1F000] =	vst v63  }
0x103: {  	_ =	swait.ge [sflag:s24], $0x4000  }
0x104: {  	[sflag:s24] =	ssyncset.done $0x0  }
0x105: {  	s12 =	simm.s32 $0x100;
	[sflag:s24] =	ssyncadd.s32 $0xFFFFC000  }
0x106: {  	[tilespmem:s26], [sflag:$0x1] =	stream.indirect.gather [hbm4b:s6+s28], $0x80, s12, s28, $0xb8;
	[tilespmem:$0x1F000] =	vst v63  }
0x107: {  	_ =	swait.ge [sflag:s31], $0x4000  }
0x108: {  	[sflag:s31] =	ssyncset.done $0x0  }
0x109: {  	s13 =	simm.s32 $0x1880;
	[sflag:s31] =	ssyncadd.s32 $0xFFFFC000  }
0x10a: {  	[spmem:s2] =	stream.indirect.scatter.add.f32 [tilespmem:s29], [sflag:$0x3], $0x80, s13, s28, $0xb8;
	[tilespmem:$0x1F000] =	vst v63  }
0x10b: {  	_ =	swait.ge [sflag:s24], $0x4000  }
0x10c: {  	[sflag:s24] =	ssyncset.done $0x0  }
0x10d: {  	s11 =	simm.s32 $0x400;
	s12 =	simm.s32 $0x180;
	[sflag:s24] =	ssyncadd.s32 $0xFFFFC000  }
.LBB2_12:
0x10e: {  	[tilespmem:s29], [sflag:$0x2] =	stream.indirect.gather [hbm4b:s6+s28], $0x80, s12, s28, $0xb8;
	[tilespmem:$0x1F000] =	vst v63  }
0x10f: {  	s12 =	smov.u32 s11  }
0x110: {  	p0 =	sne.s32 s11, $0x4C00;
	s11 =	sadd.s32 $0x400, s11;
	_ =	swait.ge [sflag:s30], $0x4000  }
0x111: {  	s12 =	sshra.s32 s12, $0x2;
	[sflag:s30] =	ssyncset.done $0x0  }
0x112: {  	s13 =	sadd.s32 $0x1800, s12;
	[sflag:s30] =	ssyncadd.s32 $0xFFFFC000  }
0x113: {  	[spmem:s2] =	stream.indirect.scatter.add.f32 [tilespmem:s26], [sflag:$0x3], $0x80, s13, s28, $0xb8;
	[tilespmem:$0x1F000] =	vst v63  }
0x114: {  	_ =	swait.ge [sflag:s24], $0x4000  }
0x115: {  	[sflag:s24] =	ssyncset.done $0x0  }
0x116: {  	s13 =	sadd.s32 $0x100, s12;
	[sflag:s24] =	ssyncadd.s32 $0xFFFFC000  }
0x117: {  	[tilespmem:s26], [sflag:$0x1] =	stream.indirect.gather [hbm4b:s6+s28], $0x80, s13, s28, $0xb8;
	[tilespmem:$0x1F000] =	vst v63  }
0x118: {  	_ =	swait.ge [sflag:s31], $0x4000  }
0x119: {  	[sflag:s31] =	ssyncset.done $0x0  }
.Ltmp5:
0x11a: {  	s13 =	sadd.s32 $0x1880, s12;
	[sflag:s31] =	ssyncadd.s32 $0xFFFFC000;
	(pc) =	sbr.rel @p0 .LBB2_12-.Ltmp5, $4  }
0x11b: {  	[spmem:s2] =	stream.indirect.scatter.add.f32 [tilespmem:s29], [sflag:$0x3], $0x80, s13, s28, $0xb8;
	[tilespmem:$0x1F000] =	vst v63  }
0x11c: {  	_ =	swait.ge [sflag:s24], $0x4000  }
0x11d: {  	[sflag:s24] =	ssyncset.done $0x0  }
0x11e: {  	s12 =	sadd.s32 $0x180, s12;
	[sflag:s24] =	ssyncadd.s32 $0xFFFFC000  }
0x11f: {  	[tilespmem:s29], [sflag:$0x2] =	stream.indirect.gather [hbm4b:s6+s28], $0x80, s12, s28, $0xb8;
	[tilespmem:$0x1F000] =	vst v63  }
0x120: {  	_ =	swait.ge [sflag:s30], $0x4000  }
0x121: {  	[sflag:s30] =	ssyncset.done $0x0  }
0x122: {  	[sflag:s30] =	ssyncadd.s32 $0xFFFFC000  }
0x123: {  	[spmem:s2] =	stream.indirect.scatter.add.f32 [tilespmem:s26], [sflag:$0x3], $0x80, s1, s28, $0xb8;
	[tilespmem:$0x1F000] =	vst v63  }
0x124: {  	_ =	swait.ge [sflag:s24], $0x4000  }
0x125: {  	[sflag:s24] =	ssyncset.done $0x0  }
0x126: {  	[sflag:s24] =	ssyncadd.s32 $0xFFFFC000  }
0x127: {  	_ =	swait.ge [sflag:s31], $0x4000  }
0x128: {  	[sflag:s31] =	ssyncset.done $0x0  }
0x129: {  	[sflag:s31] =	ssyncadd.s32 $0xFFFFC000  }
0x12a: {  	[spmem:s2] =	stream.indirect.scatter.add.f32 [tilespmem:s29], [sflag:$0x3], $0x80, s25, s28, $0xb8;
	[tilespmem:$0x1F000] =	vst v63  }
0x12b: {  	_ =	swait.ge [sflag:s24], $0x4000  }
0x12c: {  	[sflag:s24] =	ssyncset.done $0x0  }
0x12d: {  	[sflag:s24] =	ssyncadd.s32 $0xFFFFC000  }
0x12e: {  	[bflag:$0x0] =	sbarrier.arrive $0xFFFF  }
0x12f: {  	[hbm:s14], [sflag:s3] =	dma.local [spmem:s10], $0x2800  }
0x130: {  	_ =	swait.ge [sflag:s24], $0x2800  }
0x131: {  	[sflag:s24] =	ssyncset.done $0x0  }
0x132: {  	s11 =	simm.s32 $0x0;
	s12 =	simm.s32 $0x200;
	[sflag:s24] =	ssyncadd.s32 $0xFFFFD800  }
.LBB2_14:
0x133: {  	p0 =	sne.s32 s12, $0xFE00;
	[tilespmem:s11+$0x3070] =	vst v0  }
0x134: {  	[tilespmem:s11+$0x3000] =	vst v0  }
0x135: {  	[tilespmem:s11+$0x3010] =	vst v0  }
.Ltmp6:
0x136: {  	[tilespmem:s11+$0x3020] =	vst v0;
	(pc) =	sbr.rel @p0 .LBB2_14-.Ltmp6, $4  }
0x137: {  	[tilespmem:s11+$0x3030] =	vst v0  }
0x138: {  	[tilespmem:s11+$0x3040] =	vst v0  }
0x139: {  	[tilespmem:s11+$0x3050] =	vst v0  }
0x13a: {  	[tilespmem:s11+$0x3060] =	vst v0;
	s11 =	sshra.s32 s12, $0x2;
	s12 =	sadd.s32 $0x200, s12  }
0x13b: {  	[tilespmem:s11+$0x3070] =	vst v0  }
0x13c: {  	[tilespmem:s11+$0x3000] =	vst v0  }
0x13d: {  	[tilespmem:s11+$0x3010] =	vst v0  }
0x13e: {  	[tilespmem:s11+$0x3020] =	vst v0  }
0x13f: {  	[tilespmem:s11+$0x3030] =	vst v0  }
0x140: {  	[tilespmem:s11+$0x3040] =	vst v0  }
0x141: {  	[tilespmem:s11+$0x3050] =	vst v0  }
0x142: {  	[tilespmem:s11+$0x3060] =	vst v0  }
0x143: {  	[spmem:s16] =	stream.linear.scatter [tilespmem:s26], [sflag:$0x3], $0x4000, $0x38;
	[tilespmem:$0x1F000] =	vst v63  }
0x144: {  	_ =	swait.ge [sflag:s24], $0x4000  }
0x145: {  	[sflag:s24] =	ssyncset.done $0x0  }
0x146: {  	[sflag:s24] =	ssyncadd.s32 $0xFFFFC000  }
0x147: {  	[spmem:s20] =	stream.linear.scatter [tilespmem:s26], [sflag:$0x3], $0x4000, $0x38;
	[tilespmem:$0x1F000] =	vst v63  }
0x148: {  	_ =	swait.ge [sflag:s24], $0x4000  }
0x149: {  	[sflag:s24] =	ssyncset.done $0x0  }
0x14a: {  	[sflag:s24] =	ssyncadd.s32 $0xFFFFC000  }
0x14b: {  	[spmem:s21] =	stream.linear.scatter [tilespmem:s26], [sflag:$0x3], $0x4000, $0x38;
	[tilespmem:$0x1F000] =	vst v63  }
0x14c: {  	_ =	swait.ge [sflag:s24], $0x4000  }
0x14d: {  	[sflag:s24] =	ssyncset.done $0x0  }
0x14e: {  	[sflag:s24] =	ssyncadd.s32 $0xFFFFC000  }
0x14f: {  	[spmem:s22] =	stream.linear.scatter [tilespmem:s26], [sflag:$0x3], $0x4000, $0x38;
	[tilespmem:$0x1F000] =	vst v63  }
0x150: {  	_ =	swait.ge [sflag:s24], $0x4000  }
0x151: {  	[sflag:s24] =	ssyncset.done $0x0  }
0x152: {  	[sflag:s24] =	ssyncadd.s32 $0xFFFFC000  }
0x153: {  	[spmem:s23] =	stream.linear.scatter [tilespmem:s26], [sflag:$0x3], $0x4000, $0x38;
	[tilespmem:$0x1F000] =	vst v63  }
0x154: {  	_ =	swait.ge [sflag:s24], $0x4000  }
0x155: {  	[sflag:s24] =	ssyncset.done $0x0  }
0x156: {  	[sflag:s24] =	ssyncadd.s32 $0xFFFFC000  }
0x157: {  	s12 =	simm.s32 $0x0;
	[bflag:$0x0] =	sbarrier.arrive $0xFFFF  }
0x158: {  	[tilespmem:s26], [sflag:$0x1] =	stream.indirect.gather [hbm4b:s7+s28], $0x80, s12, s28, $0xb8;
	[tilespmem:$0x1F000] =	vst v63  }
0x159: {  	_ = 	snop  }
0x15a: {  	[tilespmem:s29], [sflag:$0x2] =	stream.indirect.gather [hbm4b:s7+s28], $0x80, s28, s28, $0xb8;
	[tilespmem:$0x1F000] =	vst v63  }
0x15b: {  	_ =	swait.ge [sflag:s30], $0x4000  }
0x15c: {  	[sflag:s30] =	ssyncset.done $0x0  }
0x15d: {  	s13 =	simm.s32 $0x1800;
	[sflag:s30] =	ssyncadd.s32 $0xFFFFC000  }
0x15e: {  	[spmem:s2] =	stream.indirect.scatter.add.f32 [tilespmem:s26], [sflag:$0x3], $0x80, s13, s28, $0xb8;
	[tilespmem:$0x1F000] =	vst v63  }
0x15f: {  	_ =	swait.ge [sflag:s24], $0x4000  }
0x160: {  	[sflag:s24] =	ssyncset.done $0x0  }
0x161: {  	s12 =	simm.s32 $0x100;
	[sflag:s24] =	ssyncadd.s32 $0xFFFFC000  }
0x162: {  	[tilespmem:s26], [sflag:$0x1] =	stream.indirect.gather [hbm4b:s7+s28], $0x80, s12, s28, $0xb8;
	[tilespmem:$0x1F000] =	vst v63  }
0x163: {  	_ =	swait.ge [sflag:s31], $0x4000  }
0x164: {  	[sflag:s31] =	ssyncset.done $0x0  }
0x165: {  	s13 =	simm.s32 $0x1880;
	[sflag:s31] =	ssyncadd.s32 $0xFFFFC000  }
0x166: {  	[spmem:s2] =	stream.indirect.scatter.add.f32 [tilespmem:s29], [sflag:$0x3], $0x80, s13, s28, $0xb8;
	[tilespmem:$0x1F000] =	vst v63  }
0x167: {  	_ =	swait.ge [sflag:s24], $0x4000  }
0x168: {  	[sflag:s24] =	ssyncset.done $0x0  }
0x169: {  	s11 =	simm.s32 $0x400;
	s12 =	simm.s32 $0x180;
	[sflag:s24] =	ssyncadd.s32 $0xFFFFC000  }
.LBB2_16:
0x16a: {  	[tilespmem:s29], [sflag:$0x2] =	stream.indirect.gather [hbm4b:s7+s28], $0x80, s12, s28, $0xb8;
	[tilespmem:$0x1F000] =	vst v63  }
0x16b: {  	s12 =	smov.u32 s11  }
0x16c: {  	p0 =	sne.s32 s11, $0x4C00;
	s11 =	sadd.s32 $0x400, s11;
	_ =	swait.ge [sflag:s30], $0x4000  }
0x16d: {  	s12 =	sshra.s32 s12, $0x2;
	[sflag:s30] =	ssyncset.done $0x0  }
0x16e: {  	s13 =	sadd.s32 $0x1800, s12;
	[sflag:s30] =	ssyncadd.s32 $0xFFFFC000  }
0x16f: {  	[spmem:s2] =	stream.indirect.scatter.add.f32 [tilespmem:s26], [sflag:$0x3], $0x80, s13, s28, $0xb8;
	[tilespmem:$0x1F000] =	vst v63  }
0x170: {  	_ =	swait.ge [sflag:s24], $0x4000  }
0x171: {  	[sflag:s24] =	ssyncset.done $0x0  }
0x172: {  	s13 =	sadd.s32 $0x100, s12;
	[sflag:s24] =	ssyncadd.s32 $0xFFFFC000  }
0x173: {  	[tilespmem:s26], [sflag:$0x1] =	stream.indirect.gather [hbm4b:s7+s28], $0x80, s13, s28, $0xb8;
	[tilespmem:$0x1F000] =	vst v63  }
0x174: {  	_ =	swait.ge [sflag:s31], $0x4000  }
0x175: {  	[sflag:s31] =	ssyncset.done $0x0  }
.Ltmp7:
0x176: {  	s13 =	sadd.s32 $0x1880, s12;
	[sflag:s31] =	ssyncadd.s32 $0xFFFFC000;
	(pc) =	sbr.rel @p0 .LBB2_16-.Ltmp7, $4  }
0x177: {  	[spmem:s2] =	stream.indirect.scatter.add.f32 [tilespmem:s29], [sflag:$0x3], $0x80, s13, s28, $0xb8;
	[tilespmem:$0x1F000] =	vst v63  }
0x178: {  	_ =	swait.ge [sflag:s24], $0x4000  }
0x179: {  	[sflag:s24] =	ssyncset.done $0x0  }
0x17a: {  	s12 =	sadd.s32 $0x180, s12;
	[sflag:s24] =	ssyncadd.s32 $0xFFFFC000  }
0x17b: {  	[tilespmem:s29], [sflag:$0x2] =	stream.indirect.gather [hbm4b:s7+s28], $0x80, s12, s28, $0xb8;
	[tilespmem:$0x1F000] =	vst v63  }
0x17c: {  	_ =	swait.ge [sflag:s30], $0x4000  }
0x17d: {  	[sflag:s30] =	ssyncset.done $0x0  }
0x17e: {  	[sflag:s30] =	ssyncadd.s32 $0xFFFFC000  }
0x17f: {  	[spmem:s2] =	stream.indirect.scatter.add.f32 [tilespmem:s26], [sflag:$0x3], $0x80, s1, s28, $0xb8;
	[tilespmem:$0x1F000] =	vst v63  }
0x180: {  	_ =	swait.ge [sflag:s24], $0x4000  }
0x181: {  	[sflag:s24] =	ssyncset.done $0x0  }
0x182: {  	[sflag:s24] =	ssyncadd.s32 $0xFFFFC000  }
0x183: {  	_ =	swait.ge [sflag:s31], $0x4000  }
0x184: {  	[sflag:s31] =	ssyncset.done $0x0  }
0x185: {  	[sflag:s31] =	ssyncadd.s32 $0xFFFFC000  }
0x186: {  	[spmem:s2] =	stream.indirect.scatter.add.f32 [tilespmem:s29], [sflag:$0x3], $0x80, s25, s28, $0xb8;
	[tilespmem:$0x1F000] =	vst v63  }
0x187: {  	_ =	swait.ge [sflag:s24], $0x4000  }
0x188: {  	[sflag:s24] =	ssyncset.done $0x0  }
0x189: {  	[sflag:s24] =	ssyncadd.s32 $0xFFFFC000  }
0x18a: {  	[bflag:$0x0] =	sbarrier.arrive $0xFFFF  }
0x18b: {  	[hbm:s15], [sflag:s3] =	dma.local [spmem:s10], $0x2800  }
0x18c: {  	_ =	swait.ge [sflag:s24], $0x2800  }
0x18d: {  	[sflag:s24] =	ssyncset.done $0x0  }
0x18e: {  	s11 =	simm.s32 $0x0;
	s12 =	simm.s32 $0x200;
	[sflag:s24] =	ssyncadd.s32 $0xFFFFD800  }
.LBB2_18:
0x18f: {  	p0 =	sne.s32 s12, $0xFE00;
	[tilespmem:s11+$0x3070] =	vst v0  }
0x190: {  	[tilespmem:s11+$0x3000] =	vst v0  }
0x191: {  	[tilespmem:s11+$0x3010] =	vst v0  }
.Ltmp8:
0x192: {  	[tilespmem:s11+$0x3020] =	vst v0;
	(pc) =	sbr.rel @p0 .LBB2_18-.Ltmp8, $4  }
0x193: {  	[tilespmem:s11+$0x3030] =	vst v0  }
0x194: {  	[tilespmem:s11+$0x3040] =	vst v0  }
0x195: {  	[tilespmem:s11+$0x3050] =	vst v0  }
0x196: {  	[tilespmem:s11+$0x3060] =	vst v0;
	s11 =	sshra.s32 s12, $0x2;
	s12 =	sadd.s32 $0x200, s12  }
0x197: {  	[tilespmem:s11+$0x3070] =	vst v0  }
0x198: {  	[tilespmem:s11+$0x3000] =	vst v0  }
0x199: {  	[tilespmem:s11+$0x3010] =	vst v0  }
0x19a: {  	[tilespmem:s11+$0x3020] =	vst v0  }
0x19b: {  	[tilespmem:s11+$0x3030] =	vst v0  }
0x19c: {  	[tilespmem:s11+$0x3040] =	vst v0  }
0x19d: {  	[tilespmem:s11+$0x3050] =	vst v0  }
0x19e: {  	[tilespmem:s11+$0x3060] =	vst v0  }
0x19f: {  	[spmem:s16] =	stream.linear.scatter [tilespmem:s26], [sflag:$0x3], $0x4000, $0x38;
	[tilespmem:$0x1F000] =	vst v63  }
0x1a0: {  	_ =	swait.ge [sflag:s24], $0x4000  }
0x1a1: {  	[sflag:s24] =	ssyncset.done $0x0  }
0x1a2: {  	[sflag:s24] =	ssyncadd.s32 $0xFFFFC000  }
0x1a3: {  	[spmem:s20] =	stream.linear.scatter [tilespmem:s26], [sflag:$0x3], $0x4000, $0x38;
	[tilespmem:$0x1F000] =	vst v63  }
0x1a4: {  	_ =	swait.ge [sflag:s24], $0x4000  }
0x1a5: {  	[sflag:s24] =	ssyncset.done $0x0  }
0x1a6: {  	[sflag:s24] =	ssyncadd.s32 $0xFFFFC000  }
0x1a7: {  	[spmem:s21] =	stream.linear.scatter [tilespmem:s26], [sflag:$0x3], $0x4000, $0x38;
	[tilespmem:$0x1F000] =	vst v63  }
0x1a8: {  	_ =	swait.ge [sflag:s24], $0x4000  }
0x1a9: {  	[sflag:s24] =	ssyncset.done $0x0  }
0x1aa: {  	[sflag:s24] =	ssyncadd.s32 $0xFFFFC000  }
0x1ab: {  	[spmem:s22] =	stream.linear.scatter [tilespmem:s26], [sflag:$0x3], $0x4000, $0x38;
	[tilespmem:$0x1F000] =	vst v63  }
0x1ac: {  	_ =	swait.ge [sflag:s24], $0x4000  }
0x1ad: {  	[sflag:s24] =	ssyncset.done $0x0  }
0x1ae: {  	[sflag:s24] =	ssyncadd.s32 $0xFFFFC000  }
0x1af: {  	[spmem:s23] =	stream.linear.scatter [tilespmem:s26], [sflag:$0x3], $0x4000, $0x38;
	[tilespmem:$0x1F000] =	vst v63  }
0x1b0: {  	_ =	swait.ge [sflag:s24], $0x4000  }
0x1b1: {  	[sflag:s24] =	ssyncset.done $0x0  }
0x1b2: {  	[sflag:s24] =	ssyncadd.s32 $0xFFFFC000  }
0x1b3: {  	s12 =	simm.s32 $0x0;
	[bflag:$0x0] =	sbarrier.arrive $0xFFFF  }
0x1b4: {  	[tilespmem:s26], [sflag:$0x1] =	stream.indirect.gather [hbm4b:s8+s28], $0x80, s12, s28, $0xb8;
	[tilespmem:$0x1F000] =	vst v63  }
0x1b5: {  	_ = 	snop  }
0x1b6: {  	[tilespmem:s29], [sflag:$0x2] =	stream.indirect.gather [hbm4b:s8+s28], $0x80, s28, s28, $0xb8;
	[tilespmem:$0x1F000] =	vst v63  }
0x1b7: {  	_ =	swait.ge [sflag:s30], $0x4000  }
0x1b8: {  	[sflag:s30] =	ssyncset.done $0x0  }
0x1b9: {  	s13 =	simm.s32 $0x1800;
	[sflag:s30] =	ssyncadd.s32 $0xFFFFC000  }
0x1ba: {  	[spmem:s2] =	stream.indirect.scatter.add.f32 [tilespmem:s26], [sflag:$0x3], $0x80, s13, s28, $0xb8;
	[tilespmem:$0x1F000] =	vst v63  }
0x1bb: {  	_ =	swait.ge [sflag:s24], $0x4000  }
0x1bc: {  	[sflag:s24] =	ssyncset.done $0x0  }
0x1bd: {  	s12 =	simm.s32 $0x100;
	[sflag:s24] =	ssyncadd.s32 $0xFFFFC000  }
0x1be: {  	[tilespmem:s26], [sflag:$0x1] =	stream.indirect.gather [hbm4b:s8+s28], $0x80, s12, s28, $0xb8;
	[tilespmem:$0x1F000] =	vst v63  }
0x1bf: {  	_ =	swait.ge [sflag:s31], $0x4000  }
0x1c0: {  	[sflag:s31] =	ssyncset.done $0x0  }
0x1c1: {  	s13 =	simm.s32 $0x1880;
	[sflag:s31] =	ssyncadd.s32 $0xFFFFC000  }
0x1c2: {  	[spmem:s2] =	stream.indirect.scatter.add.f32 [tilespmem:s29], [sflag:$0x3], $0x80, s13, s28, $0xb8;
	[tilespmem:$0x1F000] =	vst v63  }
0x1c3: {  	_ =	swait.ge [sflag:s24], $0x4000  }
0x1c4: {  	[sflag:s24] =	ssyncset.done $0x0  }
0x1c5: {  	s11 =	simm.s32 $0x400;
	s12 =	simm.s32 $0x180;
	[sflag:s24] =	ssyncadd.s32 $0xFFFFC000  }
.LBB2_20:
0x1c6: {  	[tilespmem:s29], [sflag:$0x2] =	stream.indirect.gather [hbm4b:s8+s28], $0x80, s12, s28, $0xb8;
	[tilespmem:$0x1F000] =	vst v63  }
0x1c7: {  	s12 =	smov.u32 s11  }
0x1c8: {  	p0 =	sne.s32 s11, $0x4C00;
	s11 =	sadd.s32 $0x400, s11;
	_ =	swait.ge [sflag:s30], $0x4000  }
0x1c9: {  	s12 =	sshra.s32 s12, $0x2;
	[sflag:s30] =	ssyncset.done $0x0  }
0x1ca: {  	s13 =	sadd.s32 $0x1800, s12;
	[sflag:s30] =	ssyncadd.s32 $0xFFFFC000  }
0x1cb: {  	[spmem:s2] =	stream.indirect.scatter.add.f32 [tilespmem:s26], [sflag:$0x3], $0x80, s13, s28, $0xb8;
	[tilespmem:$0x1F000] =	vst v63  }
0x1cc: {  	_ =	swait.ge [sflag:s24], $0x4000  }
0x1cd: {  	[sflag:s24] =	ssyncset.done $0x0  }
0x1ce: {  	s13 =	sadd.s32 $0x100, s12;
	[sflag:s24] =	ssyncadd.s32 $0xFFFFC000  }
0x1cf: {  	[tilespmem:s26], [sflag:$0x1] =	stream.indirect.gather [hbm4b:s8+s28], $0x80, s13, s28, $0xb8;
	[tilespmem:$0x1F000] =	vst v63  }
0x1d0: {  	_ =	swait.ge [sflag:s31], $0x4000  }
0x1d1: {  	[sflag:s31] =	ssyncset.done $0x0  }
.Ltmp9:
0x1d2: {  	s13 =	sadd.s32 $0x1880, s12;
	[sflag:s31] =	ssyncadd.s32 $0xFFFFC000;
	(pc) =	sbr.rel @p0 .LBB2_20-.Ltmp9, $4  }
0x1d3: {  	[spmem:s2] =	stream.indirect.scatter.add.f32 [tilespmem:s29], [sflag:$0x3], $0x80, s13, s28, $0xb8;
	[tilespmem:$0x1F000] =	vst v63  }
0x1d4: {  	_ =	swait.ge [sflag:s24], $0x4000  }
0x1d5: {  	[sflag:s24] =	ssyncset.done $0x0  }
0x1d6: {  	s12 =	sadd.s32 $0x180, s12;
	[sflag:s24] =	ssyncadd.s32 $0xFFFFC000  }
0x1d7: {  	[tilespmem:s29], [sflag:$0x2] =	stream.indirect.gather [hbm4b:s8+s28], $0x80, s12, s28, $0xb8;
	[tilespmem:$0x1F000] =	vst v63  }
0x1d8: {  	_ =	swait.ge [sflag:s30], $0x4000  }
0x1d9: {  	[sflag:s30] =	ssyncset.done $0x0  }
0x1da: {  	[sflag:s30] =	ssyncadd.s32 $0xFFFFC000  }
0x1db: {  	[spmem:s2] =	stream.indirect.scatter.add.f32 [tilespmem:s26], [sflag:$0x3], $0x80, s1, s28, $0xb8;
	[tilespmem:$0x1F000] =	vst v63  }
0x1dc: {  	_ =	swait.ge [sflag:s24], $0x4000  }
0x1dd: {  	[sflag:s24] =	ssyncset.done $0x0  }
0x1de: {  	[sflag:s24] =	ssyncadd.s32 $0xFFFFC000  }
0x1df: {  	_ =	swait.ge [sflag:s31], $0x4000  }
0x1e0: {  	[sflag:s31] =	ssyncset.done $0x0  }
0x1e1: {  	[sflag:s31] =	ssyncadd.s32 $0xFFFFC000  }
0x1e2: {  	[spmem:s2] =	stream.indirect.scatter.add.f32 [tilespmem:s29], [sflag:$0x3], $0x80, s25, s28, $0xb8;
	[tilespmem:$0x1F000] =	vst v63  }
0x1e3: {  	_ =	swait.ge [sflag:s24], $0x4000  }
0x1e4: {  	[sflag:s24] =	ssyncset.done $0x0  }
0x1e5: {  	[sflag:s24] =	ssyncadd.s32 $0xFFFFC000  }
0x1e6: {  	[bflag:$0x0] =	sbarrier.arrive $0xFFFF  }
0x1e7: {  	[hbm:s17], [sflag:s3] =	dma.local [spmem:s10], $0x2800  }
0x1e8: {  	_ =	swait.ge [sflag:s24], $0x2800  }
0x1e9: {  	[sflag:s24] =	ssyncset.done $0x0  }
0x1ea: {  	s11 =	simm.s32 $0x0;
	s12 =	simm.s32 $0x200;
	[sflag:s24] =	ssyncadd.s32 $0xFFFFD800  }
.LBB2_22:
0x1eb: {  	p0 =	sne.s32 s12, $0xFE00;
	[tilespmem:s11+$0x3070] =	vst v0  }
0x1ec: {  	[tilespmem:s11+$0x3000] =	vst v0  }
0x1ed: {  	[tilespmem:s11+$0x3010] =	vst v0  }
.Ltmp10:
0x1ee: {  	[tilespmem:s11+$0x3020] =	vst v0;
	(pc) =	sbr.rel @p0 .LBB2_22-.Ltmp10, $4  }
0x1ef: {  	[tilespmem:s11+$0x3030] =	vst v0  }
0x1f0: {  	[tilespmem:s11+$0x3040] =	vst v0  }
0x1f1: {  	[tilespmem:s11+$0x3050] =	vst v0  }
0x1f2: {  	[tilespmem:s11+$0x3060] =	vst v0;
	s11 =	sshra.s32 s12, $0x2;
	s12 =	sadd.s32 $0x200, s12  }
0x1f3: {  	[tilespmem:s11+$0x3070] =	vst v0  }
0x1f4: {  	[tilespmem:s11+$0x3000] =	vst v0  }
0x1f5: {  	[tilespmem:s11+$0x3010] =	vst v0  }
0x1f6: {  	[tilespmem:s11+$0x3020] =	vst v0  }
0x1f7: {  	[tilespmem:s11+$0x3030] =	vst v0  }
0x1f8: {  	[tilespmem:s11+$0x3040] =	vst v0  }
0x1f9: {  	[tilespmem:s11+$0x3050] =	vst v0  }
0x1fa: {  	[tilespmem:s11+$0x3060] =	vst v0  }
0x1fb: {  	[spmem:s16] =	stream.linear.scatter [tilespmem:s26], [sflag:$0x3], $0x4000, $0x38;
	[tilespmem:$0x1F000] =	vst v63  }
0x1fc: {  	_ =	swait.ge [sflag:s24], $0x4000  }
0x1fd: {  	[sflag:s24] =	ssyncset.done $0x0  }
0x1fe: {  	[sflag:s24] =	ssyncadd.s32 $0xFFFFC000  }
0x1ff: {  	[spmem:s20] =	stream.linear.scatter [tilespmem:s26], [sflag:$0x3], $0x4000, $0x38;
	[tilespmem:$0x1F000] =	vst v63  }
0x200: {  	_ =	swait.ge [sflag:s24], $0x4000  }
0x201: {  	[sflag:s24] =	ssyncset.done $0x0  }
0x202: {  	[sflag:s24] =	ssyncadd.s32 $0xFFFFC000  }
0x203: {  	[spmem:s21] =	stream.linear.scatter [tilespmem:s26], [sflag:$0x3], $0x4000, $0x38;
	[tilespmem:$0x1F000] =	vst v63  }
0x204: {  	_ =	swait.ge [sflag:s24], $0x4000  }
0x205: {  	[sflag:s24] =	ssyncset.done $0x0  }
0x206: {  	[sflag:s24] =	ssyncadd.s32 $0xFFFFC000  }
0x207: {  	[spmem:s22] =	stream.linear.scatter [tilespmem:s26], [sflag:$0x3], $0x4000, $0x38;
	[tilespmem:$0x1F000] =	vst v63  }
0x208: {  	_ =	swait.ge [sflag:s24], $0x4000  }
0x209: {  	[sflag:s24] =	ssyncset.done $0x0  }
0x20a: {  	[sflag:s24] =	ssyncadd.s32 $0xFFFFC000  }
0x20b: {  	[spmem:s23] =	stream.linear.scatter [tilespmem:s26], [sflag:$0x3], $0x4000, $0x38;
	[tilespmem:$0x1F000] =	vst v63  }
0x20c: {  	_ =	swait.ge [sflag:s24], $0x4000  }
0x20d: {  	[sflag:s24] =	ssyncset.done $0x0  }
0x20e: {  	[sflag:s24] =	ssyncadd.s32 $0xFFFFC000  }
0x20f: {  	s12 =	simm.s32 $0x0;
	[bflag:$0x0] =	sbarrier.arrive $0xFFFF  }
0x210: {  	[tilespmem:s26], [sflag:$0x1] =	stream.indirect.gather [hbm4b:s9+s28], $0x80, s12, s28, $0xb8;
	[tilespmem:$0x1F000] =	vst v63  }
0x211: {  	_ = 	snop  }
0x212: {  	[tilespmem:s29], [sflag:$0x2] =	stream.indirect.gather [hbm4b:s9+s28], $0x80, s28, s28, $0xb8;
	[tilespmem:$0x1F000] =	vst v63  }
0x213: {  	_ =	swait.ge [sflag:s30], $0x4000  }
0x214: {  	[sflag:s30] =	ssyncset.done $0x0  }
0x215: {  	s13 =	simm.s32 $0x1800;
	[sflag:s30] =	ssyncadd.s32 $0xFFFFC000  }
0x216: {  	[spmem:s2] =	stream.indirect.scatter.add.f32 [tilespmem:s26], [sflag:$0x3], $0x80, s13, s28, $0xb8;
	[tilespmem:$0x1F000] =	vst v63  }
0x217: {  	_ =	swait.ge [sflag:s24], $0x4000  }
0x218: {  	[sflag:s24] =	ssyncset.done $0x0  }
0x219: {  	s12 =	simm.s32 $0x100;
	[sflag:s24] =	ssyncadd.s32 $0xFFFFC000  }
0x21a: {  	[tilespmem:s26], [sflag:$0x1] =	stream.indirect.gather [hbm4b:s9+s28], $0x80, s12, s28, $0xb8;
	[tilespmem:$0x1F000] =	vst v63  }
0x21b: {  	_ =	swait.ge [sflag:s31], $0x4000  }
0x21c: {  	[sflag:s31] =	ssyncset.done $0x0  }
0x21d: {  	s13 =	simm.s32 $0x1880;
	[sflag:s31] =	ssyncadd.s32 $0xFFFFC000  }
0x21e: {  	[spmem:s2] =	stream.indirect.scatter.add.f32 [tilespmem:s29], [sflag:$0x3], $0x80, s13, s28, $0xb8;
	[tilespmem:$0x1F000] =	vst v63  }
0x21f: {  	_ =	swait.ge [sflag:s24], $0x4000  }
0x220: {  	[sflag:s24] =	ssyncset.done $0x0  }
0x221: {  	s11 =	simm.s32 $0x400;
	s12 =	simm.s32 $0x180;
	[sflag:s24] =	ssyncadd.s32 $0xFFFFC000  }
.LBB2_24:
0x222: {  	[tilespmem:s29], [sflag:$0x2] =	stream.indirect.gather [hbm4b:s9+s28], $0x80, s12, s28, $0xb8;
	[tilespmem:$0x1F000] =	vst v63  }
0x223: {  	s12 =	smov.u32 s11  }
0x224: {  	p0 =	sne.s32 s11, $0x4C00;
	s11 =	sadd.s32 $0x400, s11;
	_ =	swait.ge [sflag:s30], $0x4000  }
0x225: {  	s12 =	sshra.s32 s12, $0x2;
	[sflag:s30] =	ssyncset.done $0x0  }
0x226: {  	s13 =	sadd.s32 $0x1800, s12;
	[sflag:s30] =	ssyncadd.s32 $0xFFFFC000  }
0x227: {  	[spmem:s2] =	stream.indirect.scatter.add.f32 [tilespmem:s26], [sflag:$0x3], $0x80, s13, s28, $0xb8;
	[tilespmem:$0x1F000] =	vst v63  }
0x228: {  	_ =	swait.ge [sflag:s24], $0x4000  }
0x229: {  	[sflag:s24] =	ssyncset.done $0x0  }
0x22a: {  	s13 =	sadd.s32 $0x100, s12;
	[sflag:s24] =	ssyncadd.s32 $0xFFFFC000  }
0x22b: {  	[tilespmem:s26], [sflag:$0x1] =	stream.indirect.gather [hbm4b:s9+s28], $0x80, s13, s28, $0xb8;
	[tilespmem:$0x1F000] =	vst v63  }
0x22c: {  	_ =	swait.ge [sflag:s31], $0x4000  }
0x22d: {  	[sflag:s31] =	ssyncset.done $0x0  }
.Ltmp11:
0x22e: {  	s13 =	sadd.s32 $0x1880, s12;
	[sflag:s31] =	ssyncadd.s32 $0xFFFFC000;
	(pc) =	sbr.rel @p0 .LBB2_24-.Ltmp11, $4  }
0x22f: {  	[spmem:s2] =	stream.indirect.scatter.add.f32 [tilespmem:s29], [sflag:$0x3], $0x80, s13, s28, $0xb8;
	[tilespmem:$0x1F000] =	vst v63  }
0x230: {  	_ =	swait.ge [sflag:s24], $0x4000  }
0x231: {  	[sflag:s24] =	ssyncset.done $0x0  }
0x232: {  	s12 =	sadd.s32 $0x180, s12;
	[sflag:s24] =	ssyncadd.s32 $0xFFFFC000  }
0x233: {  	[tilespmem:s29], [sflag:$0x2] =	stream.indirect.gather [hbm4b:s9+s28], $0x80, s12, s28, $0xb8;
	[tilespmem:$0x1F000] =	vst v63  }
0x234: {  	_ =	swait.ge [sflag:s30], $0x4000  }
0x235: {  	[sflag:s30] =	ssyncset.done $0x0  }
0x236: {  	[sflag:s30] =	ssyncadd.s32 $0xFFFFC000  }
0x237: {  	[spmem:s2] =	stream.indirect.scatter.add.f32 [tilespmem:s26], [sflag:$0x3], $0x80, s1, s28, $0xb8;
	[tilespmem:$0x1F000] =	vst v63  }
0x238: {  	_ =	swait.ge [sflag:s24], $0x4000  }
0x239: {  	[sflag:s24] =	ssyncset.done $0x0  }
0x23a: {  	[sflag:s24] =	ssyncadd.s32 $0xFFFFC000  }
0x23b: {  	_ =	swait.ge [sflag:s31], $0x4000  }
0x23c: {  	[sflag:s31] =	ssyncset.done $0x0  }
0x23d: {  	[sflag:s31] =	ssyncadd.s32 $0xFFFFC000  }
0x23e: {  	[spmem:s2] =	stream.indirect.scatter.add.f32 [tilespmem:s29], [sflag:$0x3], $0x80, s25, s28, $0xb8;
	[tilespmem:$0x1F000] =	vst v63  }
0x23f: {  	_ =	swait.ge [sflag:s24], $0x4000  }
0x240: {  	s0 =	sadd.s32 $0x1, s0;
	[sflag:s24] =	ssyncset.done $0x0  }
0x241: {  	p0 =	sne.s32 s0, s19;
	[sflag:s24] =	ssyncadd.s32 $0xFFFFC000  }
.Ltmp12:
0x242: {  	[bflag:$0x0] =	sbarrier.arrive $0xFFFF;
	(pc) =	sbr.rel @p0 .LBB2_1-.Ltmp12, $4  }
0x243: {  	[hbm:s18], [sflag:s3] =	dma.local [spmem:s10], $0x2800  }
0x244: {  	_ =	swait.ge [sflag:s24], $0x2800  }
0x245: {  	[sflag:s24] =	ssyncset.done $0x0  }
0x246: {  	[sflag:s24] =	ssyncadd.s32 $0xFFFFD800  }
0x247: {  	_ =	sfence.sel $0x180000  }
0x248: {  	[bflag:$0x0] =	sbarrier.arrive $0xFFFF  }
0x249: {  	_ =	strace $0x9000004D  }
0x24a: {  	s0 =	stileid.u32;
	[bflag:$0x2] =	sbarrier.arrive $0xFFFF  }
0x24b: {  	p0 =	sne.s32 s0, $0x0;
	s0 =	rddreg [dreg:$0x2]  }
0x24c: {  	s0 =	sadd.s32 @!p0 $0x100000, s0  }
0x24d: {  	[sflag:s0] =	ssyncadd.tile.s32 @!p0 $0x1;
	_ =	shalt  }
.Lfunc_end2:
_tile_overlayer_lowered:
.L_overlay_start_2:
0x24e: {  	(tag) =	ssettag $0x2  }
0x24f: {  	s0 =	rddreg [dreg:$0x0];
	s2 =	stileid.u32  }
0x250: {  	s1 =	rddreg [dreg:$0x1];
	p0 =	sne.s32 s2, $0x0  }
0x251: {  	s3 =	rddreg [dreg:$0x2];
	[bflag:$0x3] =	sbarrier.arrive $0xFFFF;
	s2 =	simm.s32 @!p0 $0x1C03  }
0x252: {  	[timem:s3], [sflag:s2] =	dma.local @!p0 [hbm:s0], s1  }
0x253: {  	s0 =	simm.s32 @!p0 $0x3  }
0x254: {  	_ =	swait.ge @!p0 [sflag:s0], s1  }
0x255: {  	s1 =	ssub.s32 @!p0 $0x0, s1;
	[sflag:s0] =	ssyncset.done @!p0 $0x0  }
0x256: {  	[sflag:s0] =	ssyncadd.s32 @!p0 s1  }
0x257: {  	[bflag:$0x3] =	sbarrier.arrive $0xFFFF  }
0x258: {  	_ =	shalt  }

// kernel: kernel.19.cloned.1.call-start
scs
__scs_entry_jumppad:
0x0: {  	(pc) =	sbr.rel $0x88, $3  }
0x1: {  	(tag) =	ssettag $0x0;
	lr =	simm.s32 $0x1  }
0x2: {  	[smem:$0x3F96] =	sst lr;
	_ =	strace $0xD0000000  }
0x3: {  	_ = 	snop  }
0x4: {  	_ = 	snop  }
0x5: {  	_ = 	snop  }
0x6: {  	_ = 	snop  }
0x7: {  	_ = 	snop  }
__scs_overlays_trampoline_lowered:
0x8: {  	[smem:$0x3FA5] =	sst s0  }
0x9: {  	[smem:$0x3FA6] =	sst s1  }
0xa: {  	[smem:$0x3FA7] =	sst s2  }
0xb: {  	[smem:$0x3FA8] =	sst s3  }
0xc: {  	[smem:$0x3FA9] =	sst s4  }
0xd: {  	[smem:$0x3FAA] =	sst s5  }
0xe: {  	[smem:$0x3FAB] =	sst s6  }
0xf: {  	[smem:$0x3FAC] =	sst s7  }
0x10: {  	[smem:$0x3FAD] =	sst s8  }
0x11: {  	[smem:$0x3FAE] =	sst s9;
	s0 =	simm.s32 @!p0 $0x0  }
0x12: {  	s1 =	sld [smem:$0x3F94];
	s0 =	simm.s32 @p0 $0x1  }
0x13: {  	[smem:$0x3FAF] =	sst s0;
	s0 =	simm.s32 @!p1 $0x0  }
0x14: {  	s2 =	sld [smem:$0x3F93];
	s0 =	simm.s32 @p1 $0x1  }
0x15: {  	[smem:$0x3FB0] =	sst s0;
	s0 =	simm.s32 @!p2 $0x0  }
0x16: {  	s3 =	sld [smem:$0x3FDB];
	s0 =	simm.s32 @p2 $0x1  }
0x17: {  	s4 =	simm.s32 $0x1BF5;
	[smem:$0x3FB2] =	sst s0  }
0x18: {  	s0 =	sld [smem:$0x3F95];
	_ =	swait.ge [sflag:s4], $0x0  }
0x19: {  	s7 =	sld [smem:$0x3F96]  }
0x1a: {  	s8 =	sadd.s32 $0xFFFFE003, lr  }
0x1b: {  	s9 =	sadd.s32 $0xFFFFFEF7, lr;
	s5 =	simm.s32 $0xFFFFFFFF;
	p2 =	slt.u32 s8, $0xFFFFF086  }
0x1c: {  	p1 =	slt.u32 s9, $0xF7A;
	s5 =	simm.s32 @!p2 $0x0  }
0x1d: {  	s5 =	simm.s32 @p1 $0x1;
	p0 =	seq.s32 s7, s2  }
0x1e: {  	s7 =	smul.u32 @!p0 $0xF7A, s2;
	p2 =	seq.s32 @!p0 s5, $0x0  }
0x1f: {  	s9 =	smul.u32 $0xF7A, s1;
	s8 =	simm.s32 @!p0 $0x1BF5;
	p2 =	por !p2, p0  }
0x20: {  	[sflag:s8] =	ssyncset.s32 @!p0 $0xFFFFF086;
	s6 =	sadd.s32 @!p0 s3, s7;
	s7 =	simm.s32 @!p0 $0x108  }
0x21: {  	s3 =	sadd.s32 s3, s9;
	s6 =	sadd.s32 @!p0 $0x88, s6;
	s7 =	simm.s32 @p2 $0x1082  }
0x22: {  	[simem:s7], [sflag:s8] =	dma.local @!p0 [hbm:s6], $0xF7A  }
0x23: {  	s9 =	sor.u32 $0xD0000000, s2;
	s6 =	simm.s32 $0x108;
	_ =	swait.ge @!p0 [sflag:s8], $0x0  }
0x24: {  	s3 =	sadd.s32 $0x88, s3;
	s6 =	simm.s32 @!p1 $0x1082;
	[sflag:s4] =	ssyncset.s32 $0xFFFFF086  }
0x25: {  	[simem:s6], [sflag:s4] =	dma.local [hbm:s3], $0xF7A  }
0x26: {  	[smem:$0x3F96] =	sst s1;
	(tag) =	ssettag s2;
	_ =	strace s9  }
0x27: {  	s1 =	sld [smem:$0x3FA6]  }
0x28: {  	s2 =	sld [smem:$0x3FA7]  }
0x29: {  	s4 =	sld [smem:$0x3FA9]  }
0x2a: {  	p0 =	seq.s32 s5, $0x0;
	s5 =	sld [smem:$0x3FAA]  }
0x2b: {  	s6 =	sld [smem:$0x3FAB]  }
0x2c: {  	s7 =	sld [smem:$0x3FAC]  }
0x2d: {  	s3 =	simm.s32 $0x108;
	s8 =	sld [smem:$0x3FAD]  }
0x2e: {  	s3 =	simm.s32 @!p0 $0x1082;
	s9 =	sld [smem:$0x3FAE]  }
0x2f: {  	lr =	sadd.s32 s0, s3;
	s0 =	sld [smem:$0x3FA5]  }
0x30: {  	s3 =	sld [smem:$0x3FA8]  }
0x31: {  	[smem:$0x3FB1] =	sst s10  }
0x32: {  	s10 =	sld [smem:$0x3FAF];
	_ =	sdelay $0x3  }
0x33: {  	p0 =	seq.s32 s10, $0x1;
	s10 =	sld [smem:$0x3FB1];
	_ =	sdelay $0x3  }
0x34: {  	[smem:$0x3FB1] =	sst s10  }
0x35: {  	s10 =	sld [smem:$0x3FB0];
	_ =	sdelay $0x3  }
0x36: {  	p1 =	seq.s32 s10, $0x1;
	s10 =	sld [smem:$0x3FB1];
	_ =	sdelay $0x3  }
0x37: {  	[smem:$0x3FB1] =	sst s10  }
0x38: {  	s10 =	sld [smem:$0x3FB2]  }
0x39: {  	_ = 	snop;
	(pc) =	sbr.ind lr, $3  }
0x3a: {  	_ = 	snop  }
0x3b: {  	_ = 	snop  }
0x3c: {  	p2 =	seq.s32 s10, $0x1;
	s10 =	sld [smem:$0x3FB1]  }
0x3d: {  	_ =	shalt  }
0x3e: {  	_ =	shalt  }
0x3f: {  	_ =	shalt  }
0x40: {  	_ =	shalt  }
0x41: {  	_ =	shalt  }
0x42: {  	_ =	shalt  }
0x43: {  	_ =	shalt  }
0x44: {  	_ =	shalt  }
0x45: {  	_ =	shalt  }
0x46: {  	_ =	shalt  }
0x47: {  	_ =	shalt  }
0x48: {  	_ =	shalt  }
0x49: {  	_ =	shalt  }
0x4a: {  	_ =	shalt  }
0x4b: {  	_ =	shalt  }
0x4c: {  	_ =	shalt  }
0x4d: {  	_ =	shalt  }
0x4e: {  	_ =	shalt  }
0x4f: {  	_ =	shalt  }
0x50: {  	_ =	shalt  }
0x51: {  	_ =	shalt  }
0x52: {  	_ =	shalt  }
0x53: {  	_ =	shalt  }
0x54: {  	_ =	shalt  }
0x55: {  	_ =	shalt  }
0x56: {  	_ =	shalt  }
0x57: {  	_ =	shalt  }
0x58: {  	_ =	shalt  }
0x59: {  	_ =	shalt  }
0x5a: {  	_ =	shalt  }
0x5b: {  	_ =	shalt  }
0x5c: {  	_ =	shalt  }
0x5d: {  	_ =	shalt  }
0x5e: {  	_ =	shalt  }
0x5f: {  	_ =	shalt  }
0x60: {  	_ =	shalt  }
0x61: {  	_ =	shalt  }
0x62: {  	_ =	shalt  }
0x63: {  	_ =	shalt  }
0x64: {  	_ =	shalt  }
0x65: {  	_ =	shalt  }
0x66: {  	_ =	shalt  }
0x67: {  	_ =	shalt  }
0x68: {  	_ =	shalt  }
0x69: {  	_ =	shalt  }
0x6a: {  	_ =	shalt  }
0x6b: {  	_ =	shalt  }
0x6c: {  	_ =	shalt  }
0x6d: {  	_ =	shalt  }
0x6e: {  	_ =	shalt  }
0x6f: {  	_ =	shalt  }
0x70: {  	_ =	shalt  }
0x71: {  	_ =	shalt  }
0x72: {  	_ =	shalt  }
0x73: {  	_ =	shalt  }
0x74: {  	_ =	shalt  }
0x75: {  	_ =	shalt  }
0x76: {  	_ =	shalt  }
0x77: {  	_ =	shalt  }
0x78: {  	_ =	shalt  }
0x79: {  	_ =	shalt  }
0x7a: {  	_ =	shalt  }
0x7b: {  	_ =	shalt  }
0x7c: {  	_ =	shalt  }
0x7d: {  	_ =	shalt  }
0x7e: {  	_ =	shalt  }
0x7f: {  	_ =	shalt  }
0x80: {  	_ =	shalt  }
0x81: {  	_ =	shalt  }
0x82: {  	_ =	shalt  }
0x83: {  	_ =	shalt  }
0x84: {  	_ =	shalt  }
0x85: {  	_ =	shalt  }
0x86: {  	_ =	shalt  }
0x87: {  	_ =	shalt  }
.Lfunc_end0:
.L_simem_size_0:
called_computation.3_lowered:
.L_overlay_start_0:
0x88: {  	s2 =	sld [smem:$0x3FD9]  }
0x89: {  	s3 =	sld [smem:$0x3FFE];
	_ =	sdelay $0x1  }
0x8a: {  	s1 =	srdreg.scid  }
0x8b: {  	s0 =	sand.u32 $0x1, s1  }
0x8c: {  	s16 =	sshll.u32 s0, $0xA;
	s2 =	sadd.s32 s3, s2  }
0x8d: {  	s2 =	sadd.s32 s2, s16  }
0x8e: {  	[smem:$0x3FBD] =	sst s2  }
0x8f: {  	_ = 	snop  }
0x90: {  	(tm) =	ssettm $0x1  }
0x91: {  	s17 =	sld [smem:$0x3FFB];
	_ =	sdelay $0x3  }
0x92: {  	_ =	strace s17  }
0x93: {  	s2 =	sld [smem:$0x3FFC];
	_ =	sdelay $0x3  }
0x94: {  	_ =	strace s2  }
0x95: {  	s2 =	sld [smem:$0x3FFD];
	_ =	sdelay $0x3  }
0x96: {  	_ =	strace s2  }
0x97: {  	_ =	strace $0x8FFFFFFF  }
0x98: {  	s18 =	sld [smem:$0x3FDB];
	_ =	sdelay $0x1  }
0x99: {  	s19 =	simm.s32 $_scs_section_size  }
0x9a: {  	s4 =	simm.s32 $_size__tile_overlayer_lowered;
	s5 =	simm.s32 $_tile_overlayer_lowered  }
0x9b: {  	s22 =	simm.s32 $0x1BFF;
	s21 =	sshll.u32 s5, $0x1;
	s2 =	sadd.s32 s19, s18  }
0x9c: {  	s6 =	simm.s32 $0x0;
	s20 =	sshll.u32 s4, $0x1;
	s4 =	sadd.s32 s21, s2  }
0x9d: {  	[timem:s6], [sflag:s22] =	dma.local [hbm:s4], s20  }
0x9e: {  	_ =	swait.ge [sflag:s22], s20  }
0x9f: {  	s3 =	ssub.s32 $0x0, s20;
	[sflag:s22] =	ssyncset.done $0x0  }
0xa0: {  	[sflag:s22] =	ssyncadd.s32 s3;
	_ =	sdelay $0x1  }
0xa1: {  	s23 =	simm.s32 $0x1B8B  }
0xa2: {  	_ =	swait.ge [sflag:s23], $0x1  }
0xa3: {  	[sflag:s23] =	ssyncset.done $0x0  }
0xa4: {  	s25 =	simm.s32 $0x1B8E;
	s24 =	sld [smem:$0x3FFE];
	[sflag:s23] =	ssyncadd.s32 $0xFFFFFFFF  }
0xa5: {  	s26 =	simm.s32 $execute0_lowered;
	[smem:$0x3FD2] =	sst s25  }
0xa6: {  	s4 =	sshll.u32 s26, $0x1;
	_ =	strace $0x8000004F;
	[dreg:$0x1] =	wrdreg $0xFFFFFFFF  }
0xa7: {  	s28 =	simm.s32 $_size_execute0_lowered;
	s2 =	sadd.s32 s2, s4;
	[dreg:$0x0] =	wrdreg $0x0  }
0xa8: {  	s4 =	sshll.u32 s28, $0x1;
	[dreg:$0x2] =	wrdreg s2  }
0xa9: {  	[dreg:$0x3] =	wrdreg s4  }
0xaa: {  	[dreg:$0x4] =	wrdreg $0xC0  }
0xab: {  	_ =	task [dreg:s6], $0x5FFFF  }
0xac: {  	[dreg:$0x1] =	wrdreg $0xFFFFFFFF  }
0xad: {  	[dreg:$0x0] =	wrdreg $0x60  }
0xae: {  	[dreg:$0x2] =	wrdreg s24  }
0xaf: {  	[dreg:$0x3] =	wrdreg $0xB0000  }
0xb0: {  	[dreg:$0x4] =	wrdreg $0x9  }
0xb1: {  	_ =	task.clear_ibuf [dreg:s6], $0x5FFFF;
	_ =	strace $0x9000004F  }
0xb2: {  	s29 =	simm.s32 $0x9;
	_ =	strace $0x80000051  }
0xb3: {  	_ =	swait.ge [sflag:s29], $0x1  }
0xb4: {  	[sflag:s29] =	ssyncadd.s32 $0xFFFFFFFF  }
0xb5: {  	_ =	strace $0x90000051  }
0xb6: {  	_ =	sfence  }
0xb7: {  	s30 =	sld [smem:$0x0];
	_ =	sdelay $0x2  }
0xb8: {  	s31 =	sshll.u32 s1, $0xD;
	s1 =	sshrl.u32 s1, $0x2  }
0xb9: {  	s3 =	sand.u32 $0x4000, s31;
	s1 =	sadd.s32 s1, s30  }
0xba: {  	s0 =	sor.u32 s3, s0;
	s1 =	sshll.u32 s1, $0x11  }
0xbb: {  	s0 =	sor.u32 s1, s0  }
0xbc: {  	s0 =	sadd.s32 $0x8F2B, s0  }
0xbd: {  	[sflag:s0] =	ssyncadd.remote.s32 $0x1  }
0xbe: {  	_ =	sfence.sel $0xFFFF  }
0xbf: {  	[dreg:$0x0] =	wrdreg $0xFFFFFFFF;
	(pc) =	sbr.abs _section_cstart, $3  }
0xc0: {  	[dreg:$0x1] =	wrdreg $0xFFFFFFFF  }
0xc1: {  	_ =	task.clear_ibuf [dreg:s6], $0x2FFFF;
	_ =	strace $0x9FFFFFFF  }
0xc2: {  	(tm) =	ssettm $0x7FFFFFFF  }
0xc3: {  	_ =	shalt  }
tec
execute0_lowered:
.L_overlay_start_1:
0x0: {  	(tag) =	ssettag $0x1  }
0x1: {  	s1 =	srdreg.scid  }
0x2: {  	s0 =	stileid.u32;
	s6 =	rddreg [dreg:$0x0]  }
0x3: {  	s2 =	rddreg [dreg:$0x1];
	s3 =	simm.s32 $0x0;
	s16 =	simm.s32 $0x3  }
0x4: {  	s17 =	simm.s32 $0x1800;
	s18 =	simm.s32 $0x3000;
	s19 =	simm.s32 $0x80  }
0x5: {  	s20 =	simm.s32 $0x7000;
	s21 =	simm.s32 $0x1;
	s22 =	simm.s32 $0x2  }
0x6: {  	s23 =	simm.s32 $0x2C00;
	s24 =	simm.s32 $0x2C80;
	s25 =	simm.s32 $0x0  }
0x7: {  	s5 =	sand.u32 $0x1, s1;
	s29 =	sshll.u32 s0, $0x1;
	s8 =	smul.u32 $0x14000, s0  }
0x8: {  	[smem:$0x7FF] =	sst s3;
	s11 =	smul.u32 $0x50000, s0;
	s1 =	sor.u32 s5, s29  }
0x9: {  	s7 =	smul.u32 $0x280000, s5;
	s30 =	ssub.s32 $0x2, s5;
	s5 =	sadd.s32 $0x31200, s6  }
0xa: {  	s4 =	smul.u32 $0x300, s1;
	s1 =	rddreg [dreg:$0x2];
	_ =	strace $0x80000050  }
0xb: {  	s10 =	sshrl.u32 s30, $0x1;
	s31 =	sshrl.u32 s11, $0x2;
	s7 =	sadd.s32 s8, s7  }
0xc: {  	s13 =	ssub.s32 s30, s10;
	s8 =	sadd.s32 s31, s2;
	s9 =	sadd.s32 s4, s6  }
0xd: {  	s4 =	sadd.s32 $0xA000, s6;
	s7 =	sshrl.u32 s7, $0x3;
	s11 =	smax.u32 s13, $0x1  }
0xe: {  	s13 =	sadd.s32 $0x8000, s8;
	s14 =	sadd.s32 $0xC000, s8;
	s15 =	sadd.s32 $0x10000, s8  }
0xf: {  	s12 =	sadd.s32 s7, s6;
	s6 =	sadd.s32 $0x5A000, s9;
	s7 =	sadd.s32 $0x4000, s9  }
0x10: {  	v0 =	vimm.f32 $0.0e+00;
	s9 =	sadd.s32 $0x60000, s12;
	s10 =	sadd.s32 $0x88000, s12;
	s12 =	sadd.s32 $0x4000, s8  }
.LBB2_1:
0x11: {  	[tilespmem:s3], [sflag:$0x3] =	stream.linear.gather [hbm4b:s6+s3], $0x1500, $0x38;
	[tilespmem:$0x1F000] =	vst v63  }
0x12: {  	_ =	swait.ge [sflag:s16], $0x1500  }
0x13: {  	[sflag:s16] =	ssyncset.done $0x0  }
0x14: {  	[sflag:s16] =	ssyncadd.s32 $0xFFFFEB00  }
0x15: {  	[tilespmem:s17], [sflag:$0x3] =	stream.linear.gather [hbm4b:s7+s3], $0x1500, $0x38;
	[tilespmem:$0x1F000] =	vst v63  }
0x16: {  	_ =	swait.ge [sflag:s16], $0x1500  }
0x17: {  	[sflag:s16] =	ssyncset.done $0x0  }
0x18: {  	s26 =	simm.s32 $0x0;
	s28 =	simm.s32 $0x200;
	[sflag:s16] =	ssyncadd.s32 $0xFFFFEB00  }
.LBB2_2:
0x19: {  	p0 =	sne.s32 s28, $0xFE00;
	[tilespmem:s26+$0x3070] =	vst v0  }
0x1a: {  	[tilespmem:s26+$0x3000] =	vst v0  }
0x1b: {  	[tilespmem:s26+$0x3010] =	vst v0  }
.Ltmp0:
0x1c: {  	[tilespmem:s26+$0x3020] =	vst v0;
	(pc) =	sbr.rel @p0 .LBB2_2-.Ltmp0, $4  }
0x1d: {  	[tilespmem:s26+$0x3030] =	vst v0  }
0x1e: {  	[tilespmem:s26+$0x3040] =	vst v0  }
0x1f: {  	[tilespmem:s26+$0x3050] =	vst v0  }
0x20: {  	[tilespmem:s26+$0x3060] =	vst v0;
	s26 =	sshra.s32 s28, $0x2;
	s28 =	sadd.s32 $0x200, s28  }
0x21: {  	[tilespmem:s26+$0x3070] =	vst v0  }
0x22: {  	[tilespmem:s26+$0x3000] =	vst v0  }
0x23: {  	[tilespmem:s26+$0x3010] =	vst v0  }
0x24: {  	[tilespmem:s26+$0x3020] =	vst v0  }
0x25: {  	[tilespmem:s26+$0x3030] =	vst v0  }
0x26: {  	[tilespmem:s26+$0x3040] =	vst v0  }
0x27: {  	[tilespmem:s26+$0x3050] =	vst v0  }
0x28: {  	[tilespmem:s26+$0x3060] =	vst v0  }
0x29: {  	[spmem:s8] =	stream.linear.scatter [tilespmem:s18], [sflag:$0x3], $0x4000, $0x38;
	[tilespmem:$0x1F000] =	vst v63  }
0x2a: {  	_ =	swait.ge [sflag:s16], $0x4000  }
0x2b: {  	[sflag:s16] =	ssyncset.done $0x0  }
0x2c: {  	[sflag:s16] =	ssyncadd.s32 $0xFFFFC000  }
0x2d: {  	[spmem:s12] =	stream.linear.scatter [tilespmem:s18], [sflag:$0x3], $0x4000, $0x38;
	[tilespmem:$0x1F000] =	vst v63  }
0x2e: {  	_ =	swait.ge [sflag:s16], $0x4000  }
0x2f: {  	[sflag:s16] =	ssyncset.done $0x0  }
0x30: {  	[sflag:s16] =	ssyncadd.s32 $0xFFFFC000  }
0x31: {  	[spmem:s13] =	stream.linear.scatter [tilespmem:s18], [sflag:$0x3], $0x4000, $0x38;
	[tilespmem:$0x1F000] =	vst v63  }
0x32: {  	_ =	swait.ge [sflag:s16], $0x4000  }
0x33: {  	[sflag:s16] =	ssyncset.done $0x0  }
0x34: {  	[sflag:s16] =	ssyncadd.s32 $0xFFFFC000  }
0x35: {  	[spmem:s14] =	stream.linear.scatter [tilespmem:s18], [sflag:$0x3], $0x4000, $0x38;
	[tilespmem:$0x1F000] =	vst v63  }
0x36: {  	_ =	swait.ge [sflag:s16], $0x4000  }
0x37: {  	[sflag:s16] =	ssyncset.done $0x0  }
0x38: {  	[sflag:s16] =	ssyncadd.s32 $0xFFFFC000  }
0x39: {  	[spmem:s15] =	stream.linear.scatter [tilespmem:s18], [sflag:$0x3], $0x4000, $0x38;
	[tilespmem:$0x1F000] =	vst v63  }
0x3a: {  	_ =	swait.ge [sflag:s16], $0x4000  }
0x3b: {  	[sflag:s16] =	ssyncset.done $0x0  }
0x3c: {  	[sflag:s16] =	ssyncadd.s32 $0xFFFFC000  }
0x3d: {  	s31 =	simm.s32 $0x0;
	[bflag:$0x0] =	sbarrier.arrive $0xFFFF  }
0x3e: {  	[tilespmem:s18], [sflag:$0x1] =	stream.indirect.gather [hbm4b:s4+s19], $0x80, s31, s19, $0xb8;
	[tilespmem:$0x1F000] =	vst v63  }
0x3f: {  	_ = 	snop  }
0x40: {  	[tilespmem:s20], [sflag:$0x2] =	stream.indirect.gather [hbm4b:s4+s19], $0x80, s19, s19, $0xb8;
	[tilespmem:$0x1F000] =	vst v63  }
0x41: {  	_ =	swait.ge [sflag:s21], $0x4000  }
0x42: {  	[sflag:s21] =	ssyncset.done $0x0  }
0x43: {  	s29 =	simm.s32 $0x1800;
	[sflag:s21] =	ssyncadd.s32 $0xFFFFC000  }
0x44: {  	[spmem:s2] =	stream.indirect.scatter.add.f32 [tilespmem:s18], [sflag:$0x3], $0x80, s29, s19, $0xb8;
	[tilespmem:$0x1F000] =	vst v63  }
0x45: {  	_ =	swait.ge [sflag:s16], $0x4000  }
0x46: {  	[sflag:s16] =	ssyncset.done $0x0  }
0x47: {  	s30 =	simm.s32 $0x100;
	[sflag:s16] =	ssyncadd.s32 $0xFFFFC000  }
0x48: {  	[tilespmem:s18], [sflag:$0x1] =	stream.indirect.gather [hbm4b:s4+s19], $0x80, s30, s19, $0xb8;
	[tilespmem:$0x1F000] =	vst v63  }
0x49: {  	_ =	swait.ge [sflag:s22], $0x4000  }
0x4a: {  	[sflag:s22] =	ssyncset.done $0x0  }
0x4b: {  	s31 =	simm.s32 $0x1880;
	[sflag:s22] =	ssyncadd.s32 $0xFFFFC000  }
0x4c: {  	[spmem:s2] =	stream.indirect.scatter.add.f32 [tilespmem:s20], [sflag:$0x3], $0x80, s31, s19, $0xb8;
	[tilespmem:$0x1F000] =	vst v63  }
0x4d: {  	_ =	swait.ge [sflag:s16], $0x4000  }
0x4e: {  	[sflag:s16] =	ssyncset.done $0x0  }
0x4f: {  	s26 =	simm.s32 $0x400;
	s28 =	simm.s32 $0x180;
	[sflag:s16] =	ssyncadd.s32 $0xFFFFC000  }
.LBB2_4:
0x50: {  	[tilespmem:s20], [sflag:$0x2] =	stream.indirect.gather [hbm4b:s4+s19], $0x80, s28, s19, $0xb8;
	[tilespmem:$0x1F000] =	vst v63  }
0x51: {  	s28 =	smov.u32 s26  }
0x52: {  	p0 =	sne.s32 s26, $0x4C00;
	s26 =	sadd.s32 $0x400, s26;
	_ =	swait.ge [sflag:s21], $0x4000  }
0x53: {  	s28 =	sshra.s32 s28, $0x2;
	[sflag:s21] =	ssyncset.done $0x0  }
0x54: {  	s29 =	sadd.s32 $0x1800, s28;
	[sflag:s21] =	ssyncadd.s32 $0xFFFFC000  }
0x55: {  	[spmem:s2] =	stream.indirect.scatter.add.f32 [tilespmem:s18], [sflag:$0x3], $0x80, s29, s19, $0xb8;
	[tilespmem:$0x1F000] =	vst v63  }
0x56: {  	_ =	swait.ge [sflag:s16], $0x4000  }
0x57: {  	[sflag:s16] =	ssyncset.done $0x0  }
0x58: {  	s29 =	sadd.s32 $0x100, s28;
	[sflag:s16] =	ssyncadd.s32 $0xFFFFC000  }
0x59: {  	[tilespmem:s18], [sflag:$0x1] =	stream.indirect.gather [hbm4b:s4+s19], $0x80, s29, s19, $0xb8;
	[tilespmem:$0x1F000] =	vst v63  }
0x5a: {  	_ =	swait.ge [sflag:s22], $0x4000  }
0x5b: {  	[sflag:s22] =	ssyncset.done $0x0  }
.Ltmp1:
0x5c: {  	s29 =	sadd.s32 $0x1880, s28;
	[sflag:s22] =	ssyncadd.s32 $0xFFFFC000;
	(pc) =	sbr.rel @p0 .LBB2_4-.Ltmp1, $4  }
0x5d: {  	[spmem:s2] =	stream.indirect.scatter.add.f32 [tilespmem:s20], [sflag:$0x3], $0x80, s29, s19, $0xb8;
	[tilespmem:$0x1F000] =	vst v63  }
0x5e: {  	_ =	swait.ge [sflag:s16], $0x4000  }
0x5f: {  	[sflag:s16] =	ssyncset.done $0x0  }
0x60: {  	s28 =	sadd.s32 $0x180, s28;
	[sflag:s16] =	ssyncadd.s32 $0xFFFFC000  }
0x61: {  	[tilespmem:s20], [sflag:$0x2] =	stream.indirect.gather [hbm4b:s4+s19], $0x80, s28, s19, $0xb8;
	[tilespmem:$0x1F000] =	vst v63  }
0x62: {  	_ =	swait.ge [sflag:s21], $0x4000  }
0x63: {  	[sflag:s21] =	ssyncset.done $0x0  }
0x64: {  	[sflag:s21] =	ssyncadd.s32 $0xFFFFC000  }
0x65: {  	[spmem:s2] =	stream.indirect.scatter.add.f32 [tilespmem:s18], [sflag:$0x3], $0x80, s23, s19, $0xb8;
	[tilespmem:$0x1F000] =	vst v63  }
0x66: {  	_ =	swait.ge [sflag:s16], $0x4000  }
0x67: {  	[sflag:s16] =	ssyncset.done $0x0  }
0x68: {  	[sflag:s16] =	ssyncadd.s32 $0xFFFFC000  }
0x69: {  	_ =	swait.ge [sflag:s22], $0x4000  }
0x6a: {  	[sflag:s22] =	ssyncset.done $0x0  }
0x6b: {  	[sflag:s22] =	ssyncadd.s32 $0xFFFFC000  }
0x6c: {  	[spmem:s2] =	stream.indirect.scatter.add.f32 [tilespmem:s20], [sflag:$0x3], $0x80, s24, s19, $0xb8;
	[tilespmem:$0x1F000] =	vst v63  }
0x6d: {  	_ =	swait.ge [sflag:s16], $0x4000  }
0x6e: {  	[sflag:s16] =	ssyncset.done $0x0  }
0x6f: {  	s26 =	sshll.u32 s0, $0x6;
	[sflag:s16] =	ssyncadd.s32 $0xFFFFC000  }
0x70: {  	s28 =	sshrl.u32 s8, $0x3;
	s26 =	sor.u32 $0x1C03, s26;
	[bflag:$0x0] =	sbarrier.arrive $0xFFFF  }
0x71: {  	[hbm:s9], [sflag:s26] =	dma.local [spmem:s28], $0x2800  }
0x72: {  	_ =	swait.ge [sflag:s16], $0x2800  }
0x73: {  	[sflag:s16] =	ssyncset.done $0x0  }
0x74: {  	s29 =	simm.s32 $0x0;
	s30 =	simm.s32 $0x200;
	[sflag:s16] =	ssyncadd.s32 $0xFFFFD800  }
.LBB2_6:
0x75: {  	p0 =	sne.s32 s30, $0xFE00;
	[tilespmem:s29+$0x3070] =	vst v0  }
0x76: {  	[tilespmem:s29+$0x3000] =	vst v0  }
0x77: {  	[tilespmem:s29+$0x3010] =	vst v0  }
.Ltmp2:
0x78: {  	[tilespmem:s29+$0x3020] =	vst v0;
	(pc) =	sbr.rel @p0 .LBB2_6-.Ltmp2, $4  }
0x79: {  	[tilespmem:s29+$0x3030] =	vst v0  }
0x7a: {  	[tilespmem:s29+$0x3040] =	vst v0  }
0x7b: {  	[tilespmem:s29+$0x3050] =	vst v0  }
0x7c: {  	[tilespmem:s29+$0x3060] =	vst v0;
	s29 =	sshra.s32 s30, $0x2;
	s30 =	sadd.s32 $0x200, s30  }
0x7d: {  	[tilespmem:s29+$0x3070] =	vst v0  }
0x7e: {  	[tilespmem:s29+$0x3000] =	vst v0  }
0x7f: {  	[tilespmem:s29+$0x3010] =	vst v0  }
0x80: {  	[tilespmem:s29+$0x3020] =	vst v0  }
0x81: {  	[tilespmem:s29+$0x3030] =	vst v0  }
0x82: {  	[tilespmem:s29+$0x3040] =	vst v0  }
0x83: {  	[tilespmem:s29+$0x3050] =	vst v0  }
0x84: {  	[tilespmem:s29+$0x3060] =	vst v0  }
0x85: {  	[spmem:s8] =	stream.linear.scatter [tilespmem:s18], [sflag:$0x3], $0x4000, $0x38;
	[tilespmem:$0x1F000] =	vst v63  }
0x86: {  	_ =	swait.ge [sflag:s16], $0x4000  }
0x87: {  	[sflag:s16] =	ssyncset.done $0x0  }
0x88: {  	[sflag:s16] =	ssyncadd.s32 $0xFFFFC000  }
0x89: {  	[spmem:s12] =	stream.linear.scatter [tilespmem:s18], [sflag:$0x3], $0x4000, $0x38;
	[tilespmem:$0x1F000] =	vst v63  }
0x8a: {  	_ =	swait.ge [sflag:s16], $0x4000  }
0x8b: {  	[sflag:s16] =	ssyncset.done $0x0  }
0x8c: {  	[sflag:s16] =	ssyncadd.s32 $0xFFFFC000  }
0x8d: {  	[spmem:s13] =	stream.linear.scatter [tilespmem:s18], [sflag:$0x3], $0x4000, $0x38;
	[tilespmem:$0x1F000] =	vst v63  }
0x8e: {  	_ =	swait.ge [sflag:s16], $0x4000  }
0x8f: {  	[sflag:s16] =	ssyncset.done $0x0  }
0x90: {  	[sflag:s16] =	ssyncadd.s32 $0xFFFFC000  }
0x91: {  	[spmem:s14] =	stream.linear.scatter [tilespmem:s18], [sflag:$0x3], $0x4000, $0x38;
	[tilespmem:$0x1F000] =	vst v63  }
0x92: {  	_ =	swait.ge [sflag:s16], $0x4000  }
0x93: {  	[sflag:s16] =	ssyncset.done $0x0  }
0x94: {  	[sflag:s16] =	ssyncadd.s32 $0xFFFFC000  }
0x95: {  	[spmem:s15] =	stream.linear.scatter [tilespmem:s18], [sflag:$0x3], $0x4000, $0x38;
	[tilespmem:$0x1F000] =	vst v63  }
0x96: {  	_ =	swait.ge [sflag:s16], $0x4000  }
0x97: {  	[sflag:s16] =	ssyncset.done $0x0  }
0x98: {  	[sflag:s16] =	ssyncadd.s32 $0xFFFFC000  }
0x99: {  	s29 =	simm.s32 $0x0;
	[bflag:$0x0] =	sbarrier.arrive $0xFFFF  }
0x9a: {  	[tilespmem:s18], [sflag:$0x1] =	stream.indirect.gather [hbm4b:s5+s19], $0x80, s29, s19, $0xb8;
	[tilespmem:$0x1F000] =	vst v63  }
0x9b: {  	_ = 	snop  }
0x9c: {  	[tilespmem:s20], [sflag:$0x2] =	stream.indirect.gather [hbm4b:s5+s19], $0x80, s19, s19, $0xb8;
	[tilespmem:$0x1F000] =	vst v63  }
0x9d: {  	_ =	swait.ge [sflag:s21], $0x4000  }
0x9e: {  	[sflag:s21] =	ssyncset.done $0x0  }
0x9f: {  	s29 =	simm.s32 $0x1800;
	[sflag:s21] =	ssyncadd.s32 $0xFFFFC000  }
0xa0: {  	[spmem:s2] =	stream.indirect.scatter.add.f32 [tilespmem:s18], [sflag:$0x3], $0x80, s29, s19, $0xb8;
	[tilespmem:$0x1F000] =	vst v63  }
0xa1: {  	_ =	swait.ge [sflag:s16], $0x4000  }
0xa2: {  	[sflag:s16] =	ssyncset.done $0x0  }
0xa3: {  	s29 =	simm.s32 $0x100;
	[sflag:s16] =	ssyncadd.s32 $0xFFFFC000  }
0xa4: {  	[tilespmem:s18], [sflag:$0x1] =	stream.indirect.gather [hbm4b:s5+s19], $0x80, s29, s19, $0xb8;
	[tilespmem:$0x1F000] =	vst v63  }
0xa5: {  	_ =	swait.ge [sflag:s22], $0x4000  }
0xa6: {  	[sflag:s22] =	ssyncset.done $0x0  }
0xa7: {  	s29 =	simm.s32 $0x1880;
	[sflag:s22] =	ssyncadd.s32 $0xFFFFC000  }
0xa8: {  	[spmem:s2] =	stream.indirect.scatter.add.f32 [tilespmem:s20], [sflag:$0x3], $0x80, s29, s19, $0xb8;
	[tilespmem:$0x1F000] =	vst v63  }
0xa9: {  	_ =	swait.ge [sflag:s16], $0x4000  }
0xaa: {  	[sflag:s16] =	ssyncset.done $0x0  }
0xab: {  	s30 =	simm.s32 $0x180;
	s29 =	simm.s32 $0x400;
	[sflag:s16] =	ssyncadd.s32 $0xFFFFC000  }
.LBB2_8:
0xac: {  	[tilespmem:s20], [sflag:$0x2] =	stream.indirect.gather [hbm4b:s5+s19], $0x80, s30, s19, $0xb8;
	[tilespmem:$0x1F000] =	vst v63  }
0xad: {  	s30 =	smov.u32 s29  }
0xae: {  	p0 =	sne.s32 s29, $0x4C00;
	s29 =	sadd.s32 $0x400, s29;
	_ =	swait.ge [sflag:s21], $0x4000  }
0xaf: {  	s30 =	sshra.s32 s30, $0x2;
	[sflag:s21] =	ssyncset.done $0x0  }
0xb0: {  	s31 =	sadd.s32 $0x1800, s30;
	[sflag:s21] =	ssyncadd.s32 $0xFFFFC000  }
0xb1: {  	[spmem:s2] =	stream.indirect.scatter.add.f32 [tilespmem:s18], [sflag:$0x3], $0x80, s31, s19, $0xb8;
	[tilespmem:$0x1F000] =	vst v63  }
0xb2: {  	_ =	swait.ge [sflag:s16], $0x4000  }
0xb3: {  	[sflag:s16] =	ssyncset.done $0x0  }
0xb4: {  	s31 =	sadd.s32 $0x100, s30;
	[sflag:s16] =	ssyncadd.s32 $0xFFFFC000  }
0xb5: {  	[tilespmem:s18], [sflag:$0x1] =	stream.indirect.gather [hbm4b:s5+s19], $0x80, s31, s19, $0xb8;
	[tilespmem:$0x1F000] =	vst v63  }
0xb6: {  	_ =	swait.ge [sflag:s22], $0x4000  }
0xb7: {  	[sflag:s22] =	ssyncset.done $0x0  }
.Ltmp3:
0xb8: {  	s31 =	sadd.s32 $0x1880, s30;
	[sflag:s22] =	ssyncadd.s32 $0xFFFFC000;
	(pc) =	sbr.rel @p0 .LBB2_8-.Ltmp3, $4  }
0xb9: {  	[spmem:s2] =	stream.indirect.scatter.add.f32 [tilespmem:s20], [sflag:$0x3], $0x80, s31, s19, $0xb8;
	[tilespmem:$0x1F000] =	vst v63  }
0xba: {  	_ =	swait.ge [sflag:s16], $0x4000  }
0xbb: {  	[sflag:s16] =	ssyncset.done $0x0  }
0xbc: {  	s30 =	sadd.s32 $0x180, s30;
	[sflag:s16] =	ssyncadd.s32 $0xFFFFC000  }
0xbd: {  	[tilespmem:s20], [sflag:$0x2] =	stream.indirect.gather [hbm4b:s5+s19], $0x80, s30, s19, $0xb8;
	[tilespmem:$0x1F000] =	vst v63  }
0xbe: {  	_ =	swait.ge [sflag:s21], $0x4000  }
0xbf: {  	[sflag:s21] =	ssyncset.done $0x0  }
0xc0: {  	[sflag:s21] =	ssyncadd.s32 $0xFFFFC000  }
0xc1: {  	[spmem:s2] =	stream.indirect.scatter.add.f32 [tilespmem:s18], [sflag:$0x3], $0x80, s23, s19, $0xb8;
	[tilespmem:$0x1F000] =	vst v63  }
0xc2: {  	_ =	swait.ge [sflag:s16], $0x4000  }
0xc3: {  	[sflag:s16] =	ssyncset.done $0x0  }
0xc4: {  	[sflag:s16] =	ssyncadd.s32 $0xFFFFC000  }
0xc5: {  	_ =	swait.ge [sflag:s22], $0x4000  }
0xc6: {  	[sflag:s22] =	ssyncset.done $0x0  }
0xc7: {  	[sflag:s22] =	ssyncadd.s32 $0xFFFFC000  }
0xc8: {  	[spmem:s2] =	stream.indirect.scatter.add.f32 [tilespmem:s20], [sflag:$0x3], $0x80, s24, s19, $0xb8;
	[tilespmem:$0x1F000] =	vst v63  }
0xc9: {  	_ =	swait.ge [sflag:s16], $0x4000  }
0xca: {  	s25 =	sadd.s32 $0x1, s25;
	[sflag:s16] =	ssyncset.done $0x0  }
0xcb: {  	p0 =	sne.s32 s25, s11;
	[sflag:s16] =	ssyncadd.s32 $0xFFFFC000  }
.Ltmp4:
0xcc: {  	[bflag:$0x0] =	sbarrier.arrive $0xFFFF;
	(pc) =	sbr.rel @p0 .LBB2_1-.Ltmp4, $4  }
0xcd: {  	[hbm:s10], [sflag:s26] =	dma.local [spmem:s28], $0x2800  }
0xce: {  	_ =	swait.ge [sflag:s16], $0x2800  }
0xcf: {  	[sflag:s16] =	ssyncset.done $0x0  }
0xd0: {  	[sflag:s16] =	ssyncadd.s32 $0xFFFFD800  }
0xd1: {  	_ =	sfence.sel $0x180000  }
0xd2: {  	[bflag:$0x0] =	sbarrier.arrive $0xFFFF  }
0xd3: {  	p0 =	sne.s32 s0, $0x0;
	_ =	strace $0x90000050  }
0xd4: {  	s0 =	sadd.s32 @!p0 $0x100000, s1;
	[bflag:$0x2] =	sbarrier.arrive $0xFFFF  }
0xd5: {  	[sflag:s0] =	ssyncadd.tile.s32 @!p0 $0x1;
	_ =	shalt  }
.Lfunc_end2:
_tile_overlayer_lowered:
.L_overlay_start_2:
0xd6: {  	(tag) =	ssettag $0x2  }
0xd7: {  	s0 =	rddreg [dreg:$0x0];
	s2 =	stileid.u32  }
0xd8: {  	s1 =	rddreg [dreg:$0x1];
	p0 =	sne.s32 s2, $0x0  }
0xd9: {  	s3 =	rddreg [dreg:$0x2];
	[bflag:$0x3] =	sbarrier.arrive $0xFFFF;
	s2 =	simm.s32 @!p0 $0x1C03  }
0xda: {  	[timem:s3], [sflag:s2] =	dma.local @!p0 [hbm:s0], s1  }
0xdb: {  	s0 =	simm.s32 @!p0 $0x3  }
0xdc: {  	_ =	swait.ge @!p0 [sflag:s0], s1  }
0xdd: {  	s1 =	ssub.s32 @!p0 $0x0, s1;
	[sflag:s0] =	ssyncset.done @!p0 $0x0  }
0xde: {  	[sflag:s0] =	ssyncadd.s32 @!p0 s1  }
0xdf: {  	[bflag:$0x3] =	sbarrier.arrive $0xFFFF  }
0xe0: {  	_ =	shalt  }

</sc_bundles>
